<compile_context>
chip_gen: v7x
topology: tpu7x:2x2x1
jax: 0.10.2.dev20260603
libtpu: 0.0.44.dev20260713+nightly
codegen_flags: <defaults>
</compile_context>

<pallas_src>
import functools

import jax
import jax.numpy as jnp
from jax import lax
from jax.experimental import pallas as pl
from jax.experimental.pallas import tpu as pltpu
from jax.experimental.pallas import tpu_sc as plsc

N_USER = 5000
N_ITEM = 5000
N = N_USER + N_ITEM
E_HALF = 160000
D = 128
NC = 2
NS = 16
CH = 128
E_SUB = E_HALF // NS
NBUF = 4
NCHUNK = NBUF * (-(-E_SUB // (CH * NBUF)))
E_SUB_PAD = NCHUNK * CH
E_PAD = NS * E_SUB_PAD
ACC_ROWS = 5120
DUMP = 5000
ZROWS = 320


def _spmm_sc(width, nbuf=NBUF):
  mesh = plsc.VectorSubcoreMesh(core_axis_name="c", subcore_axis_name="s")

  @functools.partial(
      pl.kernel,
      out_type=jax.ShapeDtypeStruct((N, width), jnp.float32),
      mesh=mesh,
      compiler_params=pltpu.CompilerParams(use_tc_tiling_on_sc=False),
      scratch_types=[
          pltpu.VMEM_SHARED((ACC_ROWS, width), jnp.float32),
          pltpu.VMEM((E_SUB_PAD,), jnp.int32),
          pltpu.VMEM((NCHUNK, CH), jnp.int32),
          [pltpu.VMEM((CH, width), jnp.float32)] * nbuf,
          [pltpu.SemaphoreType.DMA] * nbuf,
          [pltpu.SemaphoreType.DMA] * nbuf,
      ],
  )
  def spmm(table_hbm, src_hbm, dst_hbm, zeros_hbm, out_hbm,
           acc, sidx, didx, rows, gsems, ssems):
    c = lax.axis_index("c")
    s = lax.axis_index("s")
    pltpu.sync_copy(zeros_hbm, acc.at[pl.ds(s * ZROWS, ZROWS)])

    w = c * NS + s
    pltpu.sync_copy(src_hbm.at[pl.ds(w * E_SUB_PAD, E_SUB_PAD)], sidx)
    pltpu.sync_copy(dst_hbm.at[pl.ds(w * NCHUNK, NCHUNK)], didx)
    plsc.subcore_barrier()

    def gather(k, b):
      pltpu.async_copy(table_hbm.at[sidx.at[pl.ds(k * CH, CH)]],
                       rows[b], gsems[b])

    def wait_gather(b):
      pltpu.make_async_copy(table_hbm.at[sidx.at[pl.ds(0, CH)]],
                            rows[b], gsems[b]).wait()

    def wait_scatter(b):
      pltpu.make_async_copy(rows[b], acc.at[didx.at[0]], ssems[b]).wait()

    for b in range(nbuf):
      gather(b, b)

    def outer(g, _):
      for b in range(nbuf):
        k = g * nbuf + b
        wait_gather(b)
        pltpu.async_copy(rows[b], acc.at[didx.at[k]], ssems[b], add=True)

        @pl.when(k + nbuf < NCHUNK)
        def _():
          wait_scatter(b)
          gather(k + nbuf, b)
      return _

    lax.fori_loop(0, NCHUNK // nbuf, outer, None)
    for b in range(nbuf):
      wait_scatter(b)
    plsc.subcore_barrier()

    out_base = c * N_USER
    pltpu.sync_copy(acc.at[pl.ds(s * 312, 312)],
                    out_hbm.at[pl.ds(out_base + s * 312, 312)])

    @pl.when(s == NS - 1)
    def _():
      pltpu.sync_copy(acc.at[pl.ds(4992, 8)],
                      out_hbm.at[pl.ds(out_base + 4992, 8)])

  return spmm


_spmm128 = _spmm_sc(D)
_spmm144 = _spmm_sc(D + 16, nbuf=2)


@functools.partial(
    pl.kernel,
    out_type=jax.ShapeDtypeStruct((N, 16), jnp.float32),
    mesh=plsc.VectorSubcoreMesh(core_axis_name="c", subcore_axis_name="s"),
    compiler_params=pltpu.CompilerParams(use_tc_tiling_on_sc=False),
    scratch_types=[
        pltpu.VMEM_SHARED((ACC_ROWS, 16), jnp.float32),
        pltpu.VMEM((NCHUNK, CH), jnp.int32),
        pltpu.VMEM((CH, 16), jnp.float32),
        [pltpu.SemaphoreType.DMA] * NBUF,
    ],
)
def _degree(dst_hbm, zeros_hbm, out_hbm, acc, didx, ones, ssems):
  c = lax.axis_index("c")
  s = lax.axis_index("s")
  pltpu.sync_copy(zeros_hbm, acc.at[pl.ds(s * ZROWS, ZROWS)])
  w = c * NS + s
  pltpu.sync_copy(dst_hbm.at[pl.ds(w * NCHUNK, NCHUNK)], didx)
  for i in range(CH):
    ones[i] = jnp.ones((16,), jnp.float32)
  plsc.subcore_barrier()

  def wait_scatter(b):
    pltpu.make_async_copy(ones, acc.at[didx.at[0]], ssems[b]).wait()

  def outer(g, _):
    for b in range(NBUF):
      @pl.when(g > 0)
      def _():
        wait_scatter(b)
      pltpu.async_copy(ones, acc.at[didx.at[g * NBUF + b]], ssems[b],
                       add=True)
    return _

  lax.fori_loop(0, NCHUNK // NBUF, outer, None)
  for b in range(NBUF):
    wait_scatter(b)
  plsc.subcore_barrier()

  out_base = c * N_USER
  pltpu.sync_copy(acc.at[pl.ds(s * 312, 312)],
                  out_hbm.at[pl.ds(out_base + s * 312, 312)])

  @pl.when(s == NS - 1)
  def _():
    pltpu.sync_copy(acc.at[pl.ds(4992, 8)],
                    out_hbm.at[pl.ds(out_base + 4992, 8)])


_GB = 1024 // (NC * NS)


def _batch_gather(t0_hbm, t1_hbm, t2_hbm, t3_hbm, u_hbm, p_hbm, n_hbm,
                  uo_hbm, po_hbm, no_hbm, idx, rows, sem):
  c = lax.axis_index("c")
  s = lax.axis_index("s")
  w = s * NC + c
  base = w * _GB
  for src_idx, out in ((u_hbm, uo_hbm), (p_hbm, po_hbm), (n_hbm, no_hbm)):
    pltpu.sync_copy(src_idx.at[pl.ds(base, _GB)], idx)
    for t, table in enumerate((t0_hbm, t1_hbm, t2_hbm, t3_hbm)):
      pltpu.async_copy(table.at[idx], rows, sem).wait()
      pltpu.sync_copy(rows, out.at[pl.ds(base, _GB), pl.ds(t * D, D)])


_gather_call = functools.partial(
    pl.kernel,
    out_type=(jax.ShapeDtypeStruct((1024, 4 * D), jnp.float32),) * 3,
    mesh=plsc.VectorSubcoreMesh(core_axis_name="c", subcore_axis_name="s"),
    scratch_types=[
        pltpu.VMEM((_GB,), jnp.int32),
        pltpu.VMEM((_GB, D), jnp.float32),
        pltpu.SemaphoreType.DMA,
    ],
)(_batch_gather)


_BLK = 1000


def _dense_body(emb_ref, g_ref, cp1_ref, rd_ref, wg_ref, we_ref,
                out_ref, s_out_ref):
  e = emb_ref[...]
  rd = rd_ref[...]
  s_in = e * rd
  a = e * cp1_ref[...]
  b = s_in * g_ref[...]
  res = lax.dot_general(a, wg_ref[...], (((1,), (1,)), ((), ())),
                        preferred_element_type=jnp.float32)
  res += lax.dot_general(b, we_ref[...], (((1,), (1,)), ((), ())),
                         preferred_element_type=jnp.float32)
  res = jnp.where(res >= 0, res, 0.2 * res)
  nrm = jnp.maximum(jnp.sqrt(jnp.sum(res * res, axis=1, keepdims=True)), 1e-12)
  o = res / nrm
  out_ref[...] = o
  s_out_ref[...] = o * rd


def _dense_layer(emb, g, cp1, rd, Wg, We):
  row_spec = pl.BlockSpec((_BLK, D), lambda i: (i, 0))
  col_spec = pl.BlockSpec((_BLK, 1), lambda i: (i, 0))
  w_spec = pl.BlockSpec((D, D), lambda i: (0, 0))
  return pl.pallas_call(
      _dense_body,
      grid=(N // _BLK,),
      in_specs=[row_spec, row_spec, col_spec, col_spec, w_spec, w_spec],
      out_specs=(row_spec, row_spec),
      out_shape=(jax.ShapeDtypeStruct((N, D), jnp.float32),) * 2,
  )(emb, g, cp1, rd, Wg, We)


def _pad_edges(x, padval):
  x = x.reshape(NS, E_SUB)
  return jnp.pad(x, ((0, 0), (0, E_SUB_PAD - E_SUB)),
                 constant_values=padval).reshape(-1)


def kernel(user, pos_item, neg_item, edge_index, feature,
           W_gcn_0, W_enh_0, W_gcn_1, W_enh_1, W_gcn_2, W_enh_2):
  edge = edge_index.astype(jnp.int32)
  src_flat = jnp.concatenate([
      _pad_edges(edge[0, E_HALF:], 0),
      _pad_edges(edge[0, :E_HALF], 0)])
  dst_flat = jnp.concatenate([
      _pad_edges(edge[1, E_HALF:], DUMP),
      _pad_edges(edge[1, :E_HALF] - N_USER, DUMP)]).reshape(-1, CH)

  z16 = jnp.zeros((ZROWS, 16), jnp.float32)
  z128 = jnp.zeros((ZROWS, D), jnp.float32)
  z144 = jnp.zeros((ZROWS, D + 16), jnp.float32)

  deg16 = _degree(dst_flat, z16)
  rd16 = lax.rsqrt(jnp.maximum(deg16, 1.0))
  rd = rd16[:, :1]

  emb = feature
  s = feature * rd
  all_e = [feature]
  cp1 = None
  for layer, (Wg, We) in enumerate(((W_gcn_0, W_enh_0), (W_gcn_1, W_enh_1),
                                    (W_gcn_2, W_enh_2))):
    if layer == 0:
      g144 = _spmm144(jnp.concatenate([s, rd16], axis=1),
                      src_flat, dst_flat, z144)
      g = g144[:, :D]
      cp1 = 1.0 + g144[:, D:D + 1] * rd
    else:
      g = _spmm128(s, src_flat, dst_flat, z128)
    emb, s = _dense_layer(emb, g, cp1, rd, Wg, We)
    all_e.append(emb)

  return _gather_call(*all_e, user.astype(jnp.int32),
                      pos_item.astype(jnp.int32) + N_USER,
                      neg_item.astype(jnp.int32) + N_USER)

# --- scband reference (transcript-rebuilt; emitter-appended) ---
"""Pipeline reference for scband-ngcf-dgl-81398220194345 (READ-ONLY COPY).

The authoritative reference and input builder live on the scoring server;
editing this copy changes nothing except your own understanding.
"""

import jax, jax.numpy as jnp
import numpy as np

N_USER = 5000
N_ITEM = 5000
N = N_USER + N_ITEM
E_HALF = 160000
D = 128
L = 3
B = 1024


def _xavier(k, shape):
    bound = float(np.sqrt(6.0 / (shape[0] + shape[1])))
    return jax.random.uniform(k, shape, minval=-bound, maxval=bound, dtype=jnp.float32)


def setup_inputs(seed: int = 0) -> dict:
    key = jax.random.key(seed)
    ks = jax.random.split(key, 12)
    user = jax.random.randint(ks[0], (B,), 0, N_USER)
    pos_item = jax.random.randint(ks[1], (B,), 0, N_ITEM)
    neg_item = jax.random.randint(ks[2], (B,), 0, N_ITEM)
    # bipartite user->item edges, then bidirected (both directions)
    src_u = jax.random.randint(ks[3], (E_HALF,), 0, N_USER)
    dst_i = jax.random.randint(ks[4], (E_HALF,), N_USER, N)
    edge_src = jnp.concatenate([src_u, dst_i])
    edge_dst = jnp.concatenate([dst_i, src_u])
    edge_index = jnp.stack([edge_src, edge_dst])
    feature = _xavier(ks[5], (N, D))
    W_gcn_0 = _xavier(ks[6], (D, D))
    W_enh_0 = _xavier(ks[7], (D, D))
    W_gcn_1 = _xavier(ks[8], (D, D))
    W_enh_1 = _xavier(ks[9], (D, D))
    W_gcn_2 = _xavier(ks[10], (D, D))
    W_enh_2 = _xavier(ks[11], (D, D))
    return {"user": user, "pos_item": pos_item, "neg_item": neg_item,
            "edge_index": edge_index, "feature": feature,
            "W_gcn_0": W_gcn_0, "W_enh_0": W_enh_0,
            "W_gcn_1": W_gcn_1, "W_enh_1": W_enh_1,
            "W_gcn_2": W_gcn_2, "W_enh_2": W_enh_2}


def _ngcf_layer(emd, src, dst, deg, Wg, We):
    # m_1 = emd[dst] / (sqrt(deg[src]) * sqrt(deg[dst])); reduce-sum at dst
    norm = jnp.sqrt(deg[src]) * jnp.sqrt(deg[dst])  # [E, 1]
    m1 = emd[dst] / norm
    m2 = (emd[dst] * emd[src]) / norm
    r1 = jax.ops.segment_sum(m1, dst, num_segments=N)
    r2 = jax.ops.segment_sum(m2, dst, num_segments=N)
    # Linear(no bias): x @ W.T
    res = r1 @ Wg.T + r2 @ We.T + emd @ Wg.T
    res = jnp.where(res >= 0, res, 0.2 * res)  # LeakyReLU(0.2)
    nrm = jnp.maximum(jnp.linalg.norm(res, axis=1, keepdims=True), 1e-12)
    return res / nrm  # F.normalize(p=2, dim=1)


def reference(user, pos_item, neg_item, edge_index, feature,
              W_gcn_0, W_enh_0, W_gcn_1, W_enh_1, W_gcn_2, W_enh_2):
    src = edge_index[0]
    dst = edge_index[1]
    # out-degree per node (bidirected graph -> in == out)
    deg = jax.ops.segment_sum(jnp.ones((src.shape[0], 1), jnp.float32), src,
                              num_segments=N)
    deg = jnp.maximum(deg, 1.0)
    Ws = [(W_gcn_0, W_enh_0), (W_gcn_1, W_enh_1), (W_gcn_2, W_enh_2)]
    emb = feature
    all_e = [feature]
    for Wg, We in Ws:
        emb = _ngcf_layer(emb, src, dst, deg, Wg, We)
        all_e.append(emb)
    all_e = jnp.concatenate(all_e, axis=1)  # [N, D*(L+1)]
    user_emb = all_e[:N_USER][user]
    pos_emb = all_e[N_USER:][pos_item]
    neg_emb = all_e[N_USER:][neg_item]
    return (user_emb, pos_emb, neg_emb)

if __name__ == "__main__":
    import jax
    _d = setup_inputs()
    print(jax.jit(kernel)(*tuple(_d.values())))

</pallas_src>

<mosaic_0001>
#map = affine_map<(d0, d1) -> (0, 0)>
#map1 = affine_map<(d0, d1) -> (0)>
module attributes {stable_mosaic.version = 14 : i64} {
  func.func @spmm(%arg0: i32, %arg1: i32, %arg2: memref<10000x128xf32, #tpu.memory_space<hbm>>, %arg3: memref<327680xi32, #tpu.memory_space<hbm>>, %arg4: memref<2560x128xi32, #tpu.memory_space<hbm>>, %arg5: memref<320x128xf32, #tpu.memory_space<hbm>>, %arg6: memref<10000x128xf32, #tpu.memory_space<hbm>>, %arg7: memref<5120x128xf32, #tpu.memory_space<vmem_shared>>, %arg8: memref<10240xi32, #tpu.memory_space<vmem>>, %arg9: memref<80x128xi32, #tpu.memory_space<vmem>>, %arg10: memref<128x128xf32, #tpu.memory_space<vmem>>, %arg11: memref<128x128xf32, #tpu.memory_space<vmem>>, %arg12: memref<128x128xf32, #tpu.memory_space<vmem>>, %arg13: memref<128x128xf32, #tpu.memory_space<vmem>>, %arg14: memref<!tpu.dma_semaphore, #tpu.memory_space<semaphore_mem>>, %arg15: memref<!tpu.dma_semaphore, #tpu.memory_space<semaphore_mem>>, %arg16: memref<!tpu.dma_semaphore, #tpu.memory_space<semaphore_mem>>, %arg17: memref<!tpu.dma_semaphore, #tpu.memory_space<semaphore_mem>>, %arg18: memref<!tpu.dma_semaphore, #tpu.memory_space<semaphore_mem>>, %arg19: memref<!tpu.dma_semaphore, #tpu.memory_space<semaphore_mem>>, %arg20: memref<!tpu.dma_semaphore, #tpu.memory_space<semaphore_mem>>, %arg21: memref<!tpu.dma_semaphore, #tpu.memory_space<semaphore_mem>>) attributes {dimension_semantics = [#tpu.dimension_semantics<core_parallel>, #tpu.dimension_semantics<subcore_parallel>], iteration_bounds = array<i64: 2, 16>, scalar_prefetch = 0 : i64, scratch_operands = 15 : i64, tpu.core_type = #tpu.core_type<sc_vector_subcore>, window_params = [{transform_indices = #map}, {transform_indices = #map1}, {transform_indices = #map}, {transform_indices = #map}, {transform_indices = #map}]} {
    %mul3A = arith.constant 320 : i32
    %mul3A_0 = arith.muli %arg1, %mul3A : i32
    "tpu.region"() ({
      %run_scoped3A = tpu.sem_alloc : memref<!tpu.dma_semaphore, #tpu.memory_space<semaphore_mem>>
      %dma_start3A_67 = arith.constant 0 : i32
      %dma_start3A_68 = tpu.memref_slice %arg7[%mul3A_0, %dma_start3A_67] : memref<5120x128xf32, #tpu.memory_space<vmem_shared>> -> memref<320x128xf32, #tpu.memory_space<vmem_shared>>
      tpu.enqueue_dma source(%arg5 : memref<320x128xf32, #tpu.memory_space<hbm>>) target(%dma_start3A_68 : memref<320x128xf32, #tpu.memory_space<vmem_shared>>) target_semaphore(%run_scoped3A : memref<!tpu.dma_semaphore, #tpu.memory_space<semaphore_mem>>)
      %dma_wait3A_69 = arith.constant 0 : i32
      %dma_wait3A_70 = tpu.memref_slice %arg7[%mul3A_0, %dma_wait3A_69] : memref<5120x128xf32, #tpu.memory_space<vmem_shared>> -> memref<320x128xf32, #tpu.memory_space<vmem_shared>>
      tpu.wait_dma2 semaphore(%run_scoped3A : memref<!tpu.dma_semaphore, #tpu.memory_space<semaphore_mem>>) src(%arg5 : memref<320x128xf32, #tpu.memory_space<hbm>>) dst(%dma_wait3A_70 : memref<320x128xf32, #tpu.memory_space<vmem_shared>>)
      tpu.yield
    }) : () -> ()
    %mul3A_1 = arith.constant 16 : i32
    %mul3A_2 = arith.muli %arg0, %mul3A_1 : i32
    %add3A = arith.addi %mul3A_2, %arg1 : i32
    %mul3A_3 = arith.constant 10240 : i32
    %mul3A_4 = arith.muli %add3A, %mul3A_3 : i32
    "tpu.region"() ({
      %run_scoped3A = tpu.sem_alloc : memref<!tpu.dma_semaphore, #tpu.memory_space<semaphore_mem>>
      %dma_start3A_67 = tpu.memref_slice %arg3[%mul3A_4] : memref<327680xi32, #tpu.memory_space<hbm>> -> memref<10240xi32, #tpu.memory_space<hbm>>
      %dma_start3A_68 = tpu.memref_slice %arg3[%mul3A_4] : memref<327680xi32, #tpu.memory_space<hbm>> -> memref<10240xi32, #tpu.memory_space<hbm>>
      tpu.enqueue_dma source(%dma_start3A_68 : memref<10240xi32, #tpu.memory_space<hbm>>) target(%arg8 : memref<10240xi32, #tpu.memory_space<vmem>>) target_semaphore(%run_scoped3A : memref<!tpu.dma_semaphore, #tpu.memory_space<semaphore_mem>>)
      %dma_wait3A_69 = tpu.memref_slice %arg3[%mul3A_4] : memref<327680xi32, #tpu.memory_space<hbm>> -> memref<10240xi32, #tpu.memory_space<hbm>>
      %dma_wait3A_70 = tpu.memref_slice %arg3[%mul3A_4] : memref<327680xi32, #tpu.memory_space<hbm>> -> memref<10240xi32, #tpu.memory_space<hbm>>
      tpu.wait_dma2 semaphore(%run_scoped3A : memref<!tpu.dma_semaphore, #tpu.memory_space<semaphore_mem>>) src(%dma_wait3A_70 : memref<10240xi32, #tpu.memory_space<hbm>>) dst(%arg8 : memref<10240xi32, #tpu.memory_space<vmem>>)
      tpu.yield
    }) : () -> ()
    %mul3A_5 = arith.constant 80 : i32
    %mul3A_6 = arith.muli %add3A, %mul3A_5 : i32
    "tpu.region"() ({
      %run_scoped3A = tpu.sem_alloc : memref<!tpu.dma_semaphore, #tpu.memory_space<semaphore_mem>>
      %dma_start3A_67 = arith.constant 0 : i32
      %dma_start3A_68 = tpu.memref_slice %arg4[%mul3A_6, %dma_start3A_67] : memref<2560x128xi32, #tpu.memory_space<hbm>> -> memref<80x128xi32, #tpu.memory_space<hbm>>
      %dma_start3A_69 = arith.constant 0 : i32
      %dma_start3A_70 = tpu.memref_slice %arg4[%mul3A_6, %dma_start3A_69] : memref<2560x128xi32, #tpu.memory_space<hbm>> -> memref<80x128xi32, #tpu.memory_space<hbm>>
      tpu.enqueue_dma source(%dma_start3A_70 : memref<80x128xi32, #tpu.memory_space<hbm>>) target(%arg9 : memref<80x128xi32, #tpu.memory_space<vmem>>) target_semaphore(%run_scoped3A : memref<!tpu.dma_semaphore, #tpu.memory_space<semaphore_mem>>)
      %dma_wait3A_71 = arith.constant 0 : i32
      %dma_wait3A_72 = tpu.memref_slice %arg4[%mul3A_6, %dma_wait3A_71] : memref<2560x128xi32, #tpu.memory_space<hbm>> -> memref<80x128xi32, #tpu.memory_space<hbm>>
      %dma_wait3A_73 = arith.constant 0 : i32
      %dma_wait3A_74 = tpu.memref_slice %arg4[%mul3A_6, %dma_wait3A_73] : memref<2560x128xi32, #tpu.memory_space<hbm>> -> memref<80x128xi32, #tpu.memory_space<hbm>>
      tpu.wait_dma2 semaphore(%run_scoped3A : memref<!tpu.dma_semaphore, #tpu.memory_space<semaphore_mem>>) src(%dma_wait3A_74 : memref<80x128xi32, #tpu.memory_space<hbm>>) dst(%arg9 : memref<80x128xi32, #tpu.memory_space<vmem>>)
      tpu.yield
    }) : () -> ()
    %barrier3A = arith.constant 0 : index
    tpu.barrier barrier_id(%barrier3A)
    %dma_start3A = arith.constant 0 : i32
    %dma_start3A_7 = tpu.memref_slice %arg8[%dma_start3A] : memref<10240xi32, #tpu.memory_space<vmem>> -> memref<128xi32, #tpu.memory_space<vmem>>
    %dma_start3A_8 = arith.constant 0 : i32
    %dma_start3A_9 = arith.constant 0 : i32
    %dma_start3A_10 = tpu.memref_slice %arg2[%dma_start3A_8, %dma_start3A_9] : memref<10000x128xf32, #tpu.memory_space<hbm>> -> memref<10000x128xf32, #tpu.memory_space<hbm>>
    tpu.enqueue_indirect_dma source(%dma_start3A_10 : memref<10000x128xf32, #tpu.memory_space<hbm>>) target(%arg10 : memref<128x128xf32, #tpu.memory_space<vmem>>) offsets(%dma_start3A_7 : memref<128xi32, #tpu.memory_space<vmem>>) semaphore(%arg14 : memref<!tpu.dma_semaphore, #tpu.memory_space<semaphore_mem>>)
    %dma_start3A_11 = arith.constant 128 : i32
    %dma_start3A_12 = tpu.memref_slice %arg8[%dma_start3A_11] : memref<10240xi32, #tpu.memory_space<vmem>> -> memref<128xi32, #tpu.memory_space<vmem>>
    %dma_start3A_13 = arith.constant 0 : i32
    %dma_start3A_14 = arith.constant 0 : i32
    %dma_start3A_15 = tpu.memref_slice %arg2[%dma_start3A_13, %dma_start3A_14] : memref<10000x128xf32, #tpu.memory_space<hbm>> -> memref<10000x128xf32, #tpu.memory_space<hbm>>
    tpu.enqueue_indirect_dma source(%dma_start3A_15 : memref<10000x128xf32, #tpu.memory_space<hbm>>) target(%arg11 : memref<128x128xf32, #tpu.memory_space<vmem>>) offsets(%dma_start3A_12 : memref<128xi32, #tpu.memory_space<vmem>>) semaphore(%arg15 : memref<!tpu.dma_semaphore, #tpu.memory_space<semaphore_mem>>)
    %dma_start3A_16 = arith.constant 256 : i32
    %dma_start3A_17 = tpu.memref_slice %arg8[%dma_start3A_16] : memref<10240xi32, #tpu.memory_space<vmem>> -> memref<128xi32, #tpu.memory_space<vmem>>
    %dma_start3A_18 = arith.constant 0 : i32
    %dma_start3A_19 = arith.constant 0 : i32
    %dma_start3A_20 = tpu.memref_slice %arg2[%dma_start3A_18, %dma_start3A_19] : memref<10000x128xf32, #tpu.memory_space<hbm>> -> memref<10000x128xf32, #tpu.memory_space<hbm>>
    tpu.enqueue_indirect_dma source(%dma_start3A_20 : memref<10000x128xf32, #tpu.memory_space<hbm>>) target(%arg12 : memref<128x128xf32, #tpu.memory_space<vmem>>) offsets(%dma_start3A_17 : memref<128xi32, #tpu.memory_space<vmem>>) semaphore(%arg16 : memref<!tpu.dma_semaphore, #tpu.memory_space<semaphore_mem>>)
    %dma_start3A_21 = arith.constant 384 : i32
    %dma_start3A_22 = tpu.memref_slice %arg8[%dma_start3A_21] : memref<10240xi32, #tpu.memory_space<vmem>> -> memref<128xi32, #tpu.memory_space<vmem>>
    %dma_start3A_23 = arith.constant 0 : i32
    %dma_start3A_24 = arith.constant 0 : i32
    %dma_start3A_25 = tpu.memref_slice %arg2[%dma_start3A_23, %dma_start3A_24] : memref<10000x128xf32, #tpu.memory_space<hbm>> -> memref<10000x128xf32, #tpu.memory_space<hbm>>
    tpu.enqueue_indirect_dma source(%dma_start3A_25 : memref<10000x128xf32, #tpu.memory_space<hbm>>) target(%arg13 : memref<128x128xf32, #tpu.memory_space<vmem>>) offsets(%dma_start3A_22 : memref<128xi32, #tpu.memory_space<vmem>>) semaphore(%arg17 : memref<!tpu.dma_semaphore, #tpu.memory_space<semaphore_mem>>)
    %scan3A = arith.constant 0 : i32
    %scan3A_26 = arith.constant 20 : i32
    %scan3A_27 = arith.addi %scan3A, %scan3A_26 : i32
    %scan3A_28 = arith.constant 1 : i32
    scf.for %scan3A_67 = %scan3A to %scan3A_27 step %scan3A_28  : i32 {
      %mul3A_68 = arith.constant 4 : i32
      %mul3A_69 = arith.muli %scan3A_67, %mul3A_68 : i32
      %add3A_70 = arith.constant 0 : i32
      %add3A_71 = arith.addi %mul3A_69, %add3A_70 : i32
      %dma_wait3A_72 = arith.constant 0 : i32
      %dma_wait3A_73 = tpu.memref_slice %arg8[%dma_wait3A_72] : memref<10240xi32, #tpu.memory_space<vmem>> -> memref<128xi32, #tpu.memory_space<vmem>>
      %dma_wait3A_74 = arith.constant 0 : i32
      %dma_wait3A_75 = arith.constant 0 : i32
      %dma_wait3A_76 = tpu.memref_slice %arg2[%dma_wait3A_74, %dma_wait3A_75] : memref<10000x128xf32, #tpu.memory_space<hbm>> -> memref<10000x128xf32, #tpu.memory_space<hbm>>
      tpu.wait_indirect_dma semaphore(%arg14 : memref<!tpu.dma_semaphore, #tpu.memory_space<semaphore_mem>>) src(%dma_wait3A_76 : memref<10000x128xf32, #tpu.memory_space<hbm>>) dst(%arg10 : memref<128x128xf32, #tpu.memory_space<vmem>>)
      %dma_start3A_77 = arith.constant 0 : i32
      %dma_start3A_78 = tpu.memref_slice %arg9[%add3A_71, %dma_start3A_77] : memref<80x128xi32, #tpu.memory_space<vmem>> -> memref<1x128xi32, #tpu.memory_space<vmem>>
      %dma_start3A_79 = tpu.memref_squeeze %dma_start3A_78 : memref<1x128xi32, #tpu.memory_space<vmem>> -> memref<128xi32, #tpu.memory_space<vmem>>
      %dma_start3A_80 = arith.constant 0 : i32
      %dma_start3A_81 = arith.constant 0 : i32
      %dma_start3A_82 = tpu.memref_slice %arg7[%dma_start3A_80, %dma_start3A_81] : memref<5120x128xf32, #tpu.memory_space<vmem_shared>> -> memref<5120x128xf32, #tpu.memory_space<vmem_shared>>
      tpu.enqueue_indirect_dma source(%arg10 : memref<128x128xf32, #tpu.memory_space<vmem>>) target(%dma_start3A_82 : memref<5120x128xf32, #tpu.memory_space<vmem_shared>>) offsets(%dma_start3A_79 : memref<128xi32, #tpu.memory_space<vmem>>) semaphore(%arg18 : memref<!tpu.dma_semaphore, #tpu.memory_space<semaphore_mem>>) {add = true}
      %add3A_83 = arith.constant 4 : i32
      %add3A_84 = arith.addi %add3A_71, %add3A_83 : i32
      %lt3A = arith.constant 80 : i32
      %lt3A_85 = arith.cmpi slt, %add3A_84, %lt3A : i32
      %convert_element_type3A_86 = arith.extui %lt3A_85 : i1 to i32
      %cond3A_87 = arith.constant 0 : i32
      %cond3A_88 = arith.cmpi ne, %convert_element_type3A_86, %cond3A_87 : i32
      scf.if %cond3A_88 {
        %dma_wait3A_155 = arith.constant 0 : i32
        %dma_wait3A_156 = arith.constant 0 : i32
        %dma_wait3A_157 = tpu.memref_slice %arg9[%dma_wait3A_155, %dma_wait3A_156] : memref<80x128xi32, #tpu.memory_space<vmem>> -> memref<1x128xi32, #tpu.memory_space<vmem>>
        %dma_wait3A_158 = tpu.memref_squeeze %dma_wait3A_157 : memref<1x128xi32, #tpu.memory_space<vmem>> -> memref<128xi32, #tpu.memory_space<vmem>>
        %dma_wait3A_159 = arith.constant 0 : i32
        %dma_wait3A_160 = arith.constant 0 : i32
        %dma_wait3A_161 = tpu.memref_slice %arg7[%dma_wait3A_159, %dma_wait3A_160] : memref<5120x128xf32, #tpu.memory_space<vmem_shared>> -> memref<5120x128xf32, #tpu.memory_space<vmem_shared>>
        tpu.wait_indirect_dma semaphore(%arg18 : memref<!tpu.dma_semaphore, #tpu.memory_space<semaphore_mem>>) src(%arg10 : memref<128x128xf32, #tpu.memory_space<vmem>>) dst(%dma_wait3A_161 : memref<5120x128xf32, #tpu.memory_space<vmem_shared>>)
        %add3A_162 = arith.constant 4 : i32
        %add3A_163 = arith.addi %add3A_71, %add3A_162 : i32
        %mul3A_164 = arith.constant 128 : i32
        %mul3A_165 = arith.muli %add3A_163, %mul3A_164 : i32
        %dma_start3A_166 = tpu.memref_slice %arg8[%mul3A_165] : memref<10240xi32, #tpu.memory_space<vmem>> -> memref<128xi32, #tpu.memory_space<vmem>>
        %dma_start3A_167 = arith.constant 0 : i32
        %dma_start3A_168 = arith.constant 0 : i32
        %dma_start3A_169 = tpu.memref_slice %arg2[%dma_start3A_167, %dma_start3A_168] : memref<10000x128xf32, #tpu.memory_space<hbm>> -> memref<10000x128xf32, #tpu.memory_space<hbm>>
        tpu.enqueue_indirect_dma source(%dma_start3A_169 : memref<10000x128xf32, #tpu.memory_space<hbm>>) target(%arg10 : memref<128x128xf32, #tpu.memory_space<vmem>>) offsets(%dma_start3A_166 : memref<128xi32, #tpu.memory_space<vmem>>) semaphore(%arg14 : memref<!tpu.dma_semaphore, #tpu.memory_space<semaphore_mem>>)
      } else {
      }
      %mul3A_89 = arith.constant 4 : i32
      %mul3A_90 = arith.muli %scan3A_67, %mul3A_89 : i32
      %add3A_91 = arith.constant 1 : i32
      %add3A_92 = arith.addi %mul3A_90, %add3A_91 : i32
      %dma_wait3A_93 = arith.constant 0 : i32
      %dma_wait3A_94 = tpu.memref_slice %arg8[%dma_wait3A_93] : memref<10240xi32, #tpu.memory_space<vmem>> -> memref<128xi32, #tpu.memory_space<vmem>>
      %dma_wait3A_95 = arith.constant 0 : i32
      %dma_wait3A_96 = arith.constant 0 : i32
      %dma_wait3A_97 = tpu.memref_slice %arg2[%dma_wait3A_95, %dma_wait3A_96] : memref<10000x128xf32, #tpu.memory_space<hbm>> -> memref<10000x128xf32, #tpu.memory_space<hbm>>
      tpu.wait_indirect_dma semaphore(%arg15 : memref<!tpu.dma_semaphore, #tpu.memory_space<semaphore_mem>>) src(%dma_wait3A_97 : memref<10000x128xf32, #tpu.memory_space<hbm>>) dst(%arg11 : memref<128x128xf32, #tpu.memory_space<vmem>>)
      %dma_start3A_98 = arith.constant 0 : i32
      %dma_start3A_99 = tpu.memref_slice %arg9[%add3A_92, %dma_start3A_98] : memref<80x128xi32, #tpu.memory_space<vmem>> -> memref<1x128xi32, #tpu.memory_space<vmem>>
      %dma_start3A_100 = tpu.memref_squeeze %dma_start3A_99 : memref<1x128xi32, #tpu.memory_space<vmem>> -> memref<128xi32, #tpu.memory_space<vmem>>
      %dma_start3A_101 = arith.constant 0 : i32
      %dma_start3A_102 = arith.constant 0 : i32
      %dma_start3A_103 = tpu.memref_slice %arg7[%dma_start3A_101, %dma_start3A_102] : memref<5120x128xf32, #tpu.memory_space<vmem_shared>> -> memref<5120x128xf32, #tpu.memory_space<vmem_shared>>
      tpu.enqueue_indirect_dma source(%arg11 : memref<128x128xf32, #tpu.memory_space<vmem>>) target(%dma_start3A_103 : memref<5120x128xf32, #tpu.memory_space<vmem_shared>>) offsets(%dma_start3A_100 : memref<128xi32, #tpu.memory_space<vmem>>) semaphore(%arg19 : memref<!tpu.dma_semaphore, #tpu.memory_space<semaphore_mem>>) {add = true}
      %add3A_104 = arith.constant 4 : i32
      %add3A_105 = arith.addi %add3A_92, %add3A_104 : i32
      %lt3A_106 = arith.constant 80 : i32
      %lt3A_107 = arith.cmpi slt, %add3A_105, %lt3A_106 : i32
      %convert_element_type3A_108 = arith.extui %lt3A_107 : i1 to i32
      %cond3A_109 = arith.constant 0 : i32
      %cond3A_110 = arith.cmpi ne, %convert_element_type3A_108, %cond3A_109 : i32
      scf.if %cond3A_110 {
        %dma_wait3A_155 = arith.constant 0 : i32
        %dma_wait3A_156 = arith.constant 0 : i32
        %dma_wait3A_157 = tpu.memref_slice %arg9[%dma_wait3A_155, %dma_wait3A_156] : memref<80x128xi32, #tpu.memory_space<vmem>> -> memref<1x128xi32, #tpu.memory_space<vmem>>
        %dma_wait3A_158 = tpu.memref_squeeze %dma_wait3A_157 : memref<1x128xi32, #tpu.memory_space<vmem>> -> memref<128xi32, #tpu.memory_space<vmem>>
        %dma_wait3A_159 = arith.constant 0 : i32
        %dma_wait3A_160 = arith.constant 0 : i32
        %dma_wait3A_161 = tpu.memref_slice %arg7[%dma_wait3A_159, %dma_wait3A_160] : memref<5120x128xf32, #tpu.memory_space<vmem_shared>> -> memref<5120x128xf32, #tpu.memory_space<vmem_shared>>
        tpu.wait_indirect_dma semaphore(%arg19 : memref<!tpu.dma_semaphore, #tpu.memory_space<semaphore_mem>>) src(%arg11 : memref<128x128xf32, #tpu.memory_space<vmem>>) dst(%dma_wait3A_161 : memref<5120x128xf32, #tpu.memory_space<vmem_shared>>)
        %add3A_162 = arith.constant 4 : i32
        %add3A_163 = arith.addi %add3A_92, %add3A_162 : i32
        %mul3A_164 = arith.constant 128 : i32
        %mul3A_165 = arith.muli %add3A_163, %mul3A_164 : i32
        %dma_start3A_166 = tpu.memref_slice %arg8[%mul3A_165] : memref<10240xi32, #tpu.memory_space<vmem>> -> memref<128xi32, #tpu.memory_space<vmem>>
        %dma_start3A_167 = arith.constant 0 : i32
        %dma_start3A_168 = arith.constant 0 : i32
        %dma_start3A_169 = tpu.memref_slice %arg2[%dma_start3A_167, %dma_start3A_168] : memref<10000x128xf32, #tpu.memory_space<hbm>> -> memref<10000x128xf32, #tpu.memory_space<hbm>>
        tpu.enqueue_indirect_dma source(%dma_start3A_169 : memref<10000x128xf32, #tpu.memory_space<hbm>>) target(%arg11 : memref<128x128xf32, #tpu.memory_space<vmem>>) offsets(%dma_start3A_166 : memref<128xi32, #tpu.memory_space<vmem>>) semaphore(%arg15 : memref<!tpu.dma_semaphore, #tpu.memory_space<semaphore_mem>>)
      } else {
      }
      %mul3A_111 = arith.constant 4 : i32
      %mul3A_112 = arith.muli %scan3A_67, %mul3A_111 : i32
      %add3A_113 = arith.constant 2 : i32
      %add3A_114 = arith.addi %mul3A_112, %add3A_113 : i32
      %dma_wait3A_115 = arith.constant 0 : i32
      %dma_wait3A_116 = tpu.memref_slice %arg8[%dma_wait3A_115] : memref<10240xi32, #tpu.memory_space<vmem>> -> memref<128xi32, #tpu.memory_space<vmem>>
      %dma_wait3A_117 = arith.constant 0 : i32
      %dma_wait3A_118 = arith.constant 0 : i32
      %dma_wait3A_119 = tpu.memref_slice %arg2[%dma_wait3A_117, %dma_wait3A_118] : memref<10000x128xf32, #tpu.memory_space<hbm>> -> memref<10000x128xf32, #tpu.memory_space<hbm>>
      tpu.wait_indirect_dma semaphore(%arg16 : memref<!tpu.dma_semaphore, #tpu.memory_space<semaphore_mem>>) src(%dma_wait3A_119 : memref<10000x128xf32, #tpu.memory_space<hbm>>) dst(%arg12 : memref<128x128xf32, #tpu.memory_space<vmem>>)
      %dma_start3A_120 = arith.constant 0 : i32
      %dma_start3A_121 = tpu.memref_slice %arg9[%add3A_114, %dma_start3A_120] : memref<80x128xi32, #tpu.memory_space<vmem>> -> memref<1x128xi32, #tpu.memory_space<vmem>>
      %dma_start3A_122 = tpu.memref_squeeze %dma_start3A_121 : memref<1x128xi32, #tpu.memory_space<vmem>> -> memref<128xi32, #tpu.memory_space<vmem>>
      %dma_start3A_123 = arith.constant 0 : i32
      %dma_start3A_124 = arith.constant 0 : i32
      %dma_start3A_125 = tpu.memref_slice %arg7[%dma_start3A_123, %dma_start3A_124] : memref<5120x128xf32, #tpu.memory_space<vmem_shared>> -> memref<5120x128xf32, #tpu.memory_space<vmem_shared>>
      tpu.enqueue_indirect_dma source(%arg12 : memref<128x128xf32, #tpu.memory_space<vmem>>) target(%dma_start3A_125 : memref<5120x128xf32, #tpu.memory_space<vmem_shared>>) offsets(%dma_start3A_122 : memref<128xi32, #tpu.memory_space<vmem>>) semaphore(%arg20 : memref<!tpu.dma_semaphore, #tpu.memory_space<semaphore_mem>>) {add = true}
      %add3A_126 = arith.constant 4 : i32
      %add3A_127 = arith.addi %add3A_114, %add3A_126 : i32
      %lt3A_128 = arith.constant 80 : i32
      %lt3A_129 = arith.cmpi slt, %add3A_127, %lt3A_128 : i32
      %convert_element_type3A_130 = arith.extui %lt3A_129 : i1 to i32
      %cond3A_131 = arith.constant 0 : i32
      %cond3A_132 = arith.cmpi ne, %convert_element_type3A_130, %cond3A_131 : i32
      scf.if %cond3A_132 {
        %dma_wait3A_155 = arith.constant 0 : i32
        %dma_wait3A_156 = arith.constant 0 : i32
        %dma_wait3A_157 = tpu.memref_slice %arg9[%dma_wait3A_155, %dma_wait3A_156] : memref<80x128xi32, #tpu.memory_space<vmem>> -> memref<1x128xi32, #tpu.memory_space<vmem>>
        %dma_wait3A_158 = tpu.memref_squeeze %dma_wait3A_157 : memref<1x128xi32, #tpu.memory_space<vmem>> -> memref<128xi32, #tpu.memory_space<vmem>>
        %dma_wait3A_159 = arith.constant 0 : i32
        %dma_wait3A_160 = arith.constant 0 : i32
        %dma_wait3A_161 = tpu.memref_slice %arg7[%dma_wait3A_159, %dma_wait3A_160] : memref<5120x128xf32, #tpu.memory_space<vmem_shared>> -> memref<5120x128xf32, #tpu.memory_space<vmem_shared>>
        tpu.wait_indirect_dma semaphore(%arg20 : memref<!tpu.dma_semaphore, #tpu.memory_space<semaphore_mem>>) src(%arg12 : memref<128x128xf32, #tpu.memory_space<vmem>>) dst(%dma_wait3A_161 : memref<5120x128xf32, #tpu.memory_space<vmem_shared>>)
        %add3A_162 = arith.constant 4 : i32
        %add3A_163 = arith.addi %add3A_114, %add3A_162 : i32
        %mul3A_164 = arith.constant 128 : i32
        %mul3A_165 = arith.muli %add3A_163, %mul3A_164 : i32
        %dma_start3A_166 = tpu.memref_slice %arg8[%mul3A_165] : memref<10240xi32, #tpu.memory_space<vmem>> -> memref<128xi32, #tpu.memory_space<vmem>>
        %dma_start3A_167 = arith.constant 0 : i32
        %dma_start3A_168 = arith.constant 0 : i32
        %dma_start3A_169 = tpu.memref_slice %arg2[%dma_start3A_167, %dma_start3A_168] : memref<10000x128xf32, #tpu.memory_space<hbm>> -> memref<10000x128xf32, #tpu.memory_space<hbm>>
        tpu.enqueue_indirect_dma source(%dma_start3A_169 : memref<10000x128xf32, #tpu.memory_space<hbm>>) target(%arg12 : memref<128x128xf32, #tpu.memory_space<vmem>>) offsets(%dma_start3A_166 : memref<128xi32, #tpu.memory_space<vmem>>) semaphore(%arg16 : memref<!tpu.dma_semaphore, #tpu.memory_space<semaphore_mem>>)
      } else {
      }
      %mul3A_133 = arith.constant 4 : i32
      %mul3A_134 = arith.muli %scan3A_67, %mul3A_133 : i32
      %add3A_135 = arith.constant 3 : i32
      %add3A_136 = arith.addi %mul3A_134, %add3A_135 : i32
      %dma_wait3A_137 = arith.constant 0 : i32
      %dma_wait3A_138 = tpu.memref_slice %arg8[%dma_wait3A_137] : memref<10240xi32, #tpu.memory_space<vmem>> -> memref<128xi32, #tpu.memory_space<vmem>>
      %dma_wait3A_139 = arith.constant 0 : i32
      %dma_wait3A_140 = arith.constant 0 : i32
      %dma_wait3A_141 = tpu.memref_slice %arg2[%dma_wait3A_139, %dma_wait3A_140] : memref<10000x128xf32, #tpu.memory_space<hbm>> -> memref<10000x128xf32, #tpu.memory_space<hbm>>
      tpu.wait_indirect_dma semaphore(%arg17 : memref<!tpu.dma_semaphore, #tpu.memory_space<semaphore_mem>>) src(%dma_wait3A_141 : memref<10000x128xf32, #tpu.memory_space<hbm>>) dst(%arg13 : memref<128x128xf32, #tpu.memory_space<vmem>>)
      %dma_start3A_142 = arith.constant 0 : i32
      %dma_start3A_143 = tpu.memref_slice %arg9[%add3A_136, %dma_start3A_142] : memref<80x128xi32, #tpu.memory_space<vmem>> -> memref<1x128xi32, #tpu.memory_space<vmem>>
      %dma_start3A_144 = tpu.memref_squeeze %dma_start3A_143 : memref<1x128xi32, #tpu.memory_space<vmem>> -> memref<128xi32, #tpu.memory_space<vmem>>
      %dma_start3A_145 = arith.constant 0 : i32
      %dma_start3A_146 = arith.constant 0 : i32
      %dma_start3A_147 = tpu.memref_slice %arg7[%dma_start3A_145, %dma_start3A_146] : memref<5120x128xf32, #tpu.memory_space<vmem_shared>> -> memref<5120x128xf32, #tpu.memory_space<vmem_shared>>
      tpu.enqueue_indirect_dma source(%arg13 : memref<128x128xf32, #tpu.memory_space<vmem>>) target(%dma_start3A_147 : memref<5120x128xf32, #tpu.memory_space<vmem_shared>>) offsets(%dma_start3A_144 : memref<128xi32, #tpu.memory_space<vmem>>) semaphore(%arg21 : memref<!tpu.dma_semaphore, #tpu.memory_space<semaphore_mem>>) {add = true}
      %add3A_148 = arith.constant 4 : i32
      %add3A_149 = arith.addi %add3A_136, %add3A_148 : i32
      %lt3A_150 = arith.constant 80 : i32
      %lt3A_151 = arith.cmpi slt, %add3A_149, %lt3A_150 : i32
      %convert_element_type3A_152 = arith.extui %lt3A_151 : i1 to i32
      %cond3A_153 = arith.constant 0 : i32
      %cond3A_154 = arith.cmpi ne, %convert_element_type3A_152, %cond3A_153 : i32
      scf.if %cond3A_154 {
        %dma_wait3A_155 = arith.constant 0 : i32
        %dma_wait3A_156 = arith.constant 0 : i32
        %dma_wait3A_157 = tpu.memref_slice %arg9[%dma_wait3A_155, %dma_wait3A_156] : memref<80x128xi32, #tpu.memory_space<vmem>> -> memref<1x128xi32, #tpu.memory_space<vmem>>
        %dma_wait3A_158 = tpu.memref_squeeze %dma_wait3A_157 : memref<1x128xi32, #tpu.memory_space<vmem>> -> memref<128xi32, #tpu.memory_space<vmem>>
        %dma_wait3A_159 = arith.constant 0 : i32
        %dma_wait3A_160 = arith.constant 0 : i32
        %dma_wait3A_161 = tpu.memref_slice %arg7[%dma_wait3A_159, %dma_wait3A_160] : memref<5120x128xf32, #tpu.memory_space<vmem_shared>> -> memref<5120x128xf32, #tpu.memory_space<vmem_shared>>
        tpu.wait_indirect_dma semaphore(%arg21 : memref<!tpu.dma_semaphore, #tpu.memory_space<semaphore_mem>>) src(%arg13 : memref<128x128xf32, #tpu.memory_space<vmem>>) dst(%dma_wait3A_161 : memref<5120x128xf32, #tpu.memory_space<vmem_shared>>)
        %add3A_162 = arith.constant 4 : i32
        %add3A_163 = arith.addi %add3A_136, %add3A_162 : i32
        %mul3A_164 = arith.constant 128 : i32
        %mul3A_165 = arith.muli %add3A_163, %mul3A_164 : i32
        %dma_start3A_166 = tpu.memref_slice %arg8[%mul3A_165] : memref<10240xi32, #tpu.memory_space<vmem>> -> memref<128xi32, #tpu.memory_space<vmem>>
        %dma_start3A_167 = arith.constant 0 : i32
        %dma_start3A_168 = arith.constant 0 : i32
        %dma_start3A_169 = tpu.memref_slice %arg2[%dma_start3A_167, %dma_start3A_168] : memref<10000x128xf32, #tpu.memory_space<hbm>> -> memref<10000x128xf32, #tpu.memory_space<hbm>>
        tpu.enqueue_indirect_dma source(%dma_start3A_169 : memref<10000x128xf32, #tpu.memory_space<hbm>>) target(%arg13 : memref<128x128xf32, #tpu.memory_space<vmem>>) offsets(%dma_start3A_166 : memref<128xi32, #tpu.memory_space<vmem>>) semaphore(%arg17 : memref<!tpu.dma_semaphore, #tpu.memory_space<semaphore_mem>>)
      } else {
      }
    }
    %scan3A_29 = arith.constant 20 : i32
    %dma_wait3A = arith.constant 0 : i32
    %dma_wait3A_30 = arith.constant 0 : i32
    %dma_wait3A_31 = tpu.memref_slice %arg9[%dma_wait3A, %dma_wait3A_30] : memref<80x128xi32, #tpu.memory_space<vmem>> -> memref<1x128xi32, #tpu.memory_space<vmem>>
    %dma_wait3A_32 = tpu.memref_squeeze %dma_wait3A_31 : memref<1x128xi32, #tpu.memory_space<vmem>> -> memref<128xi32, #tpu.memory_space<vmem>>
    %dma_wait3A_33 = arith.constant 0 : i32
    %dma_wait3A_34 = arith.constant 0 : i32
    %dma_wait3A_35 = tpu.memref_slice %arg7[%dma_wait3A_33, %dma_wait3A_34] : memref<5120x128xf32, #tpu.memory_space<vmem_shared>> -> memref<5120x128xf32, #tpu.memory_space<vmem_shared>>
    tpu.wait_indirect_dma semaphore(%arg18 : memref<!tpu.dma_semaphore, #tpu.memory_space<semaphore_mem>>) src(%arg10 : memref<128x128xf32, #tpu.memory_space<vmem>>) dst(%dma_wait3A_35 : memref<5120x128xf32, #tpu.memory_space<vmem_shared>>)
    %dma_wait3A_36 = arith.constant 0 : i32
    %dma_wait3A_37 = arith.constant 0 : i32
    %dma_wait3A_38 = tpu.memref_slice %arg9[%dma_wait3A_36, %dma_wait3A_37] : memref<80x128xi32, #tpu.memory_space<vmem>> -> memref<1x128xi32, #tpu.memory_space<vmem>>
    %dma_wait3A_39 = tpu.memref_squeeze %dma_wait3A_38 : memref<1x128xi32, #tpu.memory_space<vmem>> -> memref<128xi32, #tpu.memory_space<vmem>>
    %dma_wait3A_40 = arith.constant 0 : i32
    %dma_wait3A_41 = arith.constant 0 : i32
    %dma_wait3A_42 = tpu.memref_slice %arg7[%dma_wait3A_40, %dma_wait3A_41] : memref<5120x128xf32, #tpu.memory_space<vmem_shared>> -> memref<5120x128xf32, #tpu.memory_space<vmem_shared>>
    tpu.wait_indirect_dma semaphore(%arg19 : memref<!tpu.dma_semaphore, #tpu.memory_space<semaphore_mem>>) src(%arg11 : memref<128x128xf32, #tpu.memory_space<vmem>>) dst(%dma_wait3A_42 : memref<5120x128xf32, #tpu.memory_space<vmem_shared>>)
    %dma_wait3A_43 = arith.constant 0 : i32
    %dma_wait3A_44 = arith.constant 0 : i32
    %dma_wait3A_45 = tpu.memref_slice %arg9[%dma_wait3A_43, %dma_wait3A_44] : memref<80x128xi32, #tpu.memory_space<vmem>> -> memref<1x128xi32, #tpu.memory_space<vmem>>
    %dma_wait3A_46 = tpu.memref_squeeze %dma_wait3A_45 : memref<1x128xi32, #tpu.memory_space<vmem>> -> memref<128xi32, #tpu.memory_space<vmem>>
    %dma_wait3A_47 = arith.constant 0 : i32
    %dma_wait3A_48 = arith.constant 0 : i32
    %dma_wait3A_49 = tpu.memref_slice %arg7[%dma_wait3A_47, %dma_wait3A_48] : memref<5120x128xf32, #tpu.memory_space<vmem_shared>> -> memref<5120x128xf32, #tpu.memory_space<vmem_shared>>
    tpu.wait_indirect_dma semaphore(%arg20 : memref<!tpu.dma_semaphore, #tpu.memory_space<semaphore_mem>>) src(%arg12 : memref<128x128xf32, #tpu.memory_space<vmem>>) dst(%dma_wait3A_49 : memref<5120x128xf32, #tpu.memory_space<vmem_shared>>)
    %dma_wait3A_50 = arith.constant 0 : i32
    %dma_wait3A_51 = arith.constant 0 : i32
    %dma_wait3A_52 = tpu.memref_slice %arg9[%dma_wait3A_50, %dma_wait3A_51] : memref<80x128xi32, #tpu.memory_space<vmem>> -> memref<1x128xi32, #tpu.memory_space<vmem>>
    %dma_wait3A_53 = tpu.memref_squeeze %dma_wait3A_52 : memref<1x128xi32, #tpu.memory_space<vmem>> -> memref<128xi32, #tpu.memory_space<vmem>>
    %dma_wait3A_54 = arith.constant 0 : i32
    %dma_wait3A_55 = arith.constant 0 : i32
    %dma_wait3A_56 = tpu.memref_slice %arg7[%dma_wait3A_54, %dma_wait3A_55] : memref<5120x128xf32, #tpu.memory_space<vmem_shared>> -> memref<5120x128xf32, #tpu.memory_space<vmem_shared>>
    tpu.wait_indirect_dma semaphore(%arg21 : memref<!tpu.dma_semaphore, #tpu.memory_space<semaphore_mem>>) src(%arg13 : memref<128x128xf32, #tpu.memory_space<vmem>>) dst(%dma_wait3A_56 : memref<5120x128xf32, #tpu.memory_space<vmem_shared>>)
    %barrier3A_57 = arith.constant 0 : index
    tpu.barrier barrier_id(%barrier3A_57)
    %mul3A_58 = arith.constant 5000 : i32
    %mul3A_59 = arith.muli %arg0, %mul3A_58 : i32
    %mul3A_60 = arith.constant 312 : i32
    %mul3A_61 = arith.muli %arg1, %mul3A_60 : i32
    %mul3A_62 = arith.constant 312 : i32
    %mul3A_63 = arith.muli %arg1, %mul3A_62 : i32
    %add3A_64 = arith.addi %mul3A_59, %mul3A_63 : i32
    "tpu.region"() ({
      %run_scoped3A = tpu.sem_alloc : memref<!tpu.dma_semaphore, #tpu.memory_space<semaphore_mem>>
      %dma_start3A_67 = arith.constant 0 : i32
      %dma_start3A_68 = tpu.memref_slice %arg6[%add3A_64, %dma_start3A_67] : memref<10000x128xf32, #tpu.memory_space<hbm>> -> memref<312x128xf32, #tpu.memory_space<hbm>>
      %dma_start3A_69 = arith.constant 0 : i32
      %dma_start3A_70 = tpu.memref_slice %arg7[%mul3A_61, %dma_start3A_69] : memref<5120x128xf32, #tpu.memory_space<vmem_shared>> -> memref<312x128xf32, #tpu.memory_space<vmem_shared>>
      tpu.enqueue_dma source(%dma_start3A_70 : memref<312x128xf32, #tpu.memory_space<vmem_shared>>) target(%dma_start3A_68 : memref<312x128xf32, #tpu.memory_space<hbm>>) target_semaphore(%run_scoped3A : memref<!tpu.dma_semaphore, #tpu.memory_space<semaphore_mem>>)
      %dma_wait3A_71 = arith.constant 0 : i32
      %dma_wait3A_72 = tpu.memref_slice %arg6[%add3A_64, %dma_wait3A_71] : memref<10000x128xf32, #tpu.memory_space<hbm>> -> memref<312x128xf32, #tpu.memory_space<hbm>>
      %dma_wait3A_73 = arith.constant 0 : i32
      %dma_wait3A_74 = tpu.memref_slice %arg7[%mul3A_61, %dma_wait3A_73] : memref<5120x128xf32, #tpu.memory_space<vmem_shared>> -> memref<312x128xf32, #tpu.memory_space<vmem_shared>>
      tpu.wait_dma2 semaphore(%run_scoped3A : memref<!tpu.dma_semaphore, #tpu.memory_space<semaphore_mem>>) src(%dma_wait3A_74 : memref<312x128xf32, #tpu.memory_space<vmem_shared>>) dst(%dma_wait3A_72 : memref<312x128xf32, #tpu.memory_space<hbm>>)
      tpu.yield
    }) : () -> ()
    %eq3A = arith.constant 15 : i32
    %eq3A_65 = arith.cmpi eq, %arg1, %eq3A : i32
    %convert_element_type3A = arith.extui %eq3A_65 : i1 to i32
    %cond3A = arith.constant 0 : i32
    %cond3A_66 = arith.cmpi ne, %convert_element_type3A, %cond3A : i32
    scf.if %cond3A_66 {
      %add3A_67 = arith.constant 4992 : i32
      %add3A_68 = arith.addi %mul3A_59, %add3A_67 : i32
      "tpu.region"() ({
        %run_scoped3A = tpu.sem_alloc : memref<!tpu.dma_semaphore, #tpu.memory_space<semaphore_mem>>
        %dma_start3A_69 = arith.constant 0 : i32
        %dma_start3A_70 = tpu.memref_slice %arg6[%add3A_68, %dma_start3A_69] : memref<10000x128xf32, #tpu.memory_space<hbm>> -> memref<8x128xf32, #tpu.memory_space<hbm>>
        %dma_start3A_71 = arith.constant 4992 : i32
        %dma_start3A_72 = arith.constant 0 : i32
        %dma_start3A_73 = tpu.memref_slice %arg7[%dma_start3A_71, %dma_start3A_72] : memref<5120x128xf32, #tpu.memory_space<vmem_shared>> -> memref<8x128xf32, #tpu.memory_space<vmem_shared>>
        tpu.enqueue_dma source(%dma_start3A_73 : memref<8x128xf32, #tpu.memory_space<vmem_shared>>) target(%dma_start3A_70 : memref<8x128xf32, #tpu.memory_space<hbm>>) target_semaphore(%run_scoped3A : memref<!tpu.dma_semaphore, #tpu.memory_space<semaphore_mem>>)
        %dma_wait3A_74 = arith.constant 0 : i32
        %dma_wait3A_75 = tpu.memref_slice %arg6[%add3A_68, %dma_wait3A_74] : memref<10000x128xf32, #tpu.memory_space<hbm>> -> memref<8x128xf32, #tpu.memory_space<hbm>>
        %dma_wait3A_76 = arith.constant 4992 : i32
        %dma_wait3A_77 = arith.constant 0 : i32
        %dma_wait3A_78 = tpu.memref_slice %arg7[%dma_wait3A_76, %dma_wait3A_77] : memref<5120x128xf32, #tpu.memory_space<vmem_shared>> -> memref<8x128xf32, #tpu.memory_space<vmem_shared>>
        tpu.wait_dma2 semaphore(%run_scoped3A : memref<!tpu.dma_semaphore, #tpu.memory_space<semaphore_mem>>) src(%dma_wait3A_78 : memref<8x128xf32, #tpu.memory_space<vmem_shared>>) dst(%dma_wait3A_75 : memref<8x128xf32, #tpu.memory_space<hbm>>)
        tpu.yield
      }) : () -> ()
    } else {
    }
    return
  }
}

#map = affine_map<(d0, d1) -> (0, 0)>
module attributes {stable_mosaic.version = 14 : i64} {
  func.func @_degree(%arg0: i32, %arg1: i32, %arg2: memref<2560x128xi32, #tpu.memory_space<hbm>>, %arg3: memref<320x16xf32, #tpu.memory_space<hbm>>, %arg4: memref<10000x16xf32, #tpu.memory_space<hbm>>, %arg5: memref<5120x16xf32, #tpu.memory_space<vmem_shared>>, %arg6: memref<80x128xi32, #tpu.memory_space<vmem>>, %arg7: memref<128x16xf32, #tpu.memory_space<vmem>>, %arg8: memref<!tpu.dma_semaphore, #tpu.memory_space<semaphore_mem>>, %arg9: memref<!tpu.dma_semaphore, #tpu.memory_space<semaphore_mem>>, %arg10: memref<!tpu.dma_semaphore, #tpu.memory_space<semaphore_mem>>, %arg11: memref<!tpu.dma_semaphore, #tpu.memory_space<semaphore_mem>>) attributes {dimension_semantics = [#tpu.dimension_semantics<core_parallel>, #tpu.dimension_semantics<subcore_parallel>], iteration_bounds = array<i64: 2, 16>, scalar_prefetch = 0 : i64, scratch_operands = 7 : i64, tpu.core_type = #tpu.core_type<sc_vector_subcore>, window_params = [{transform_indices = #map}, {transform_indices = #map}, {transform_indices = #map}]} {
    %mul3A = arith.constant 320 : i32
    %mul3A_0 = arith.muli %arg1, %mul3A : i32
    "tpu.region"() ({
      %run_scoped3A = tpu.sem_alloc : memref<!tpu.dma_semaphore, #tpu.memory_space<semaphore_mem>>
      %dma_start3A = arith.constant 0 : i32
      %dma_start3A_1068 = tpu.memref_slice %arg5[%mul3A_0, %dma_start3A] : memref<5120x16xf32, #tpu.memory_space<vmem_shared>> -> memref<320x16xf32, #tpu.memory_space<vmem_shared>>
      tpu.enqueue_dma source(%arg3 : memref<320x16xf32, #tpu.memory_space<hbm>>) target(%dma_start3A_1068 : memref<320x16xf32, #tpu.memory_space<vmem_shared>>) target_semaphore(%run_scoped3A : memref<!tpu.dma_semaphore, #tpu.memory_space<semaphore_mem>>)
      %dma_wait3A_1069 = arith.constant 0 : i32
      %dma_wait3A_1070 = tpu.memref_slice %arg5[%mul3A_0, %dma_wait3A_1069] : memref<5120x16xf32, #tpu.memory_space<vmem_shared>> -> memref<320x16xf32, #tpu.memory_space<vmem_shared>>
      tpu.wait_dma2 semaphore(%run_scoped3A : memref<!tpu.dma_semaphore, #tpu.memory_space<semaphore_mem>>) src(%arg3 : memref<320x16xf32, #tpu.memory_space<hbm>>) dst(%dma_wait3A_1070 : memref<320x16xf32, #tpu.memory_space<vmem_shared>>)
      tpu.yield
    }) : () -> ()
    %mul3A_1 = arith.constant 16 : i32
    %mul3A_2 = arith.muli %arg0, %mul3A_1 : i32
    %add3A = arith.addi %mul3A_2, %arg1 : i32
    %mul3A_3 = arith.constant 80 : i32
    %mul3A_4 = arith.muli %add3A, %mul3A_3 : i32
    "tpu.region"() ({
      %run_scoped3A = tpu.sem_alloc : memref<!tpu.dma_semaphore, #tpu.memory_space<semaphore_mem>>
      %dma_start3A = arith.constant 0 : i32
      %dma_start3A_1068 = tpu.memref_slice %arg2[%mul3A_4, %dma_start3A] : memref<2560x128xi32, #tpu.memory_space<hbm>> -> memref<80x128xi32, #tpu.memory_space<hbm>>
      %dma_start3A_1069 = arith.constant 0 : i32
      %dma_start3A_1070 = tpu.memref_slice %arg2[%mul3A_4, %dma_start3A_1069] : memref<2560x128xi32, #tpu.memory_space<hbm>> -> memref<80x128xi32, #tpu.memory_space<hbm>>
      tpu.enqueue_dma source(%dma_start3A_1070 : memref<80x128xi32, #tpu.memory_space<hbm>>) target(%arg6 : memref<80x128xi32, #tpu.memory_space<vmem>>) target_semaphore(%run_scoped3A : memref<!tpu.dma_semaphore, #tpu.memory_space<semaphore_mem>>)
      %dma_wait3A_1071 = arith.constant 0 : i32
      %dma_wait3A_1072 = tpu.memref_slice %arg2[%mul3A_4, %dma_wait3A_1071] : memref<2560x128xi32, #tpu.memory_space<hbm>> -> memref<80x128xi32, #tpu.memory_space<hbm>>
      %dma_wait3A_1073 = arith.constant 0 : i32
      %dma_wait3A_1074 = tpu.memref_slice %arg2[%mul3A_4, %dma_wait3A_1073] : memref<2560x128xi32, #tpu.memory_space<hbm>> -> memref<80x128xi32, #tpu.memory_space<hbm>>
      tpu.wait_dma2 semaphore(%run_scoped3A : memref<!tpu.dma_semaphore, #tpu.memory_space<semaphore_mem>>) src(%dma_wait3A_1074 : memref<80x128xi32, #tpu.memory_space<hbm>>) dst(%arg6 : memref<80x128xi32, #tpu.memory_space<vmem>>)
      tpu.yield
    }) : () -> ()
    %broadcast_in_dim3A = arith.constant 1.000000e+00 : f32
    %broadcast_in_dim3A_5 = vector.broadcast %broadcast_in_dim3A : f32 to vector<16xf32>
    %swap3A = arith.constant 0 : i32
    %swap3A_6 = arith.index_cast %swap3A : i32 to index
    %swap3A_7 = arith.constant 0 : index
    %swap3A_8 = tpu.vector_load %arg7[%swap3A_6, %swap3A_7] {strides = array<i32>} : memref<128x16xf32, #tpu.memory_space<vmem>>, vector<1x16xf32>,
    %swap3A_9 = vector.shape_cast %swap3A_8 : vector<1x16xf32> to vector<16xf32>
    %swap3A_10 = vector.shape_cast %broadcast_in_dim3A_5 : vector<16xf32> to vector<1x16xf32>
    tpu.vector_store %arg7[%swap3A_6, %swap3A_7], %swap3A_10 {strides = array<i32>} : memref<128x16xf32, #tpu.memory_space<vmem>>, vector<1x16xf32>,
    %broadcast_in_dim3A_11 = arith.constant 1.000000e+00 : f32
    %broadcast_in_dim3A_12 = vector.broadcast %broadcast_in_dim3A_11 : f32 to vector<16xf32>
    %swap3A_13 = arith.constant 1 : i32
    %swap3A_14 = arith.index_cast %swap3A_13 : i32 to index
    %swap3A_15 = arith.constant 0 : index
    %swap3A_16 = tpu.vector_load %arg7[%swap3A_14, %swap3A_15] {strides = array<i32>} : memref<128x16xf32, #tpu.memory_space<vmem>>, vector<1x16xf32>,
    %swap3A_17 = vector.shape_cast %swap3A_16 : vector<1x16xf32> to vector<16xf32>
    %swap3A_18 = vector.shape_cast %broadcast_in_dim3A_12 : vector<16xf32> to vector<1x16xf32>
    tpu.vector_store %arg7[%swap3A_14, %swap3A_15], %swap3A_18 {strides = array<i32>} : memref<128x16xf32, #tpu.memory_space<vmem>>, vector<1x16xf32>,
    %broadcast_in_dim3A_19 = arith.constant 1.000000e+00 : f32
    %broadcast_in_dim3A_20 = vector.broadcast %broadcast_in_dim3A_19 : f32 to vector<16xf32>
    %swap3A_21 = arith.constant 2 : i32
    %swap3A_22 = arith.index_cast %swap3A_21 : i32 to index
    %swap3A_23 = arith.constant 0 : index
    %swap3A_24 = tpu.vector_load %arg7[%swap3A_22, %swap3A_23] {strides = array<i32>} : memref<128x16xf32, #tpu.memory_space<vmem>>, vector<1x16xf32>,
    %swap3A_25 = vector.shape_cast %swap3A_24 : vector<1x16xf32> to vector<16xf32>
    %swap3A_26 = vector.shape_cast %broadcast_in_dim3A_20 : vector<16xf32> to vector<1x16xf32>
    tpu.vector_store %arg7[%swap3A_22, %swap3A_23], %swap3A_26 {strides = array<i32>} : memref<128x16xf32, #tpu.memory_space<vmem>>, vector<1x16xf32>,
    %broadcast_in_dim3A_27 = arith.constant 1.000000e+00 : f32
    %broadcast_in_dim3A_28 = vector.broadcast %broadcast_in_dim3A_27 : f32 to vector<16xf32>
    %swap3A_29 = arith.constant 3 : i32
    %swap3A_30 = arith.index_cast %swap3A_29 : i32 to index
    %swap3A_31 = arith.constant 0 : index
    %swap3A_32 = tpu.vector_load %arg7[%swap3A_30, %swap3A_31] {strides = array<i32>} : memref<128x16xf32, #tpu.memory_space<vmem>>, vector<1x16xf32>,
    %swap3A_33 = vector.shape_cast %swap3A_32 : vector<1x16xf32> to vector<16xf32>
    %swap3A_34 = vector.shape_cast %broadcast_in_dim3A_28 : vector<16xf32> to vector<1x16xf32>
    tpu.vector_store %arg7[%swap3A_30, %swap3A_31], %swap3A_34 {strides = array<i32>} : memref<128x16xf32, #tpu.memory_space<vmem>>, vector<1x16xf32>,
    %broadcast_in_dim3A_35 = arith.constant 1.000000e+00 : f32
    %broadcast_in_dim3A_36 = vector.broadcast %broadcast_in_dim3A_35 : f32 to vector<16xf32>
    %swap3A_37 = arith.constant 4 : i32
    %swap3A_38 = arith.index_cast %swap3A_37 : i32 to index
    %swap3A_39 = arith.constant 0 : index
    %swap3A_40 = tpu.vector_load %arg7[%swap3A_38, %swap3A_39] {strides = array<i32>} : memref<128x16xf32, #tpu.memory_space<vmem>>, vector<1x16xf32>,
    %swap3A_41 = vector.shape_cast %swap3A_40 : vector<1x16xf32> to vector<16xf32>
    %swap3A_42 = vector.shape_cast %broadcast_in_dim3A_36 : vector<16xf32> to vector<1x16xf32>
    tpu.vector_store %arg7[%swap3A_38, %swap3A_39], %swap3A_42 {strides = array<i32>} : memref<128x16xf32, #tpu.memory_space<vmem>>, vector<1x16xf32>,
    %broadcast_in_dim3A_43 = arith.constant 1.000000e+00 : f32
    %broadcast_in_dim3A_44 = vector.broadcast %broadcast_in_dim3A_43 : f32 to vector<16xf32>
    %swap3A_45 = arith.constant 5 : i32
    %swap3A_46 = arith.index_cast %swap3A_45 : i32 to index
    %swap3A_47 = arith.constant 0 : index
    %swap3A_48 = tpu.vector_load %arg7[%swap3A_46, %swap3A_47] {strides = array<i32>} : memref<128x16xf32, #tpu.memory_space<vmem>>, vector<1x16xf32>,
    %swap3A_49 = vector.shape_cast %swap3A_48 : vector<1x16xf32> to vector<16xf32>
    %swap3A_50 = vector.shape_cast %broadcast_in_dim3A_44 : vector<16xf32> to vector<1x16xf32>
    tpu.vector_store %arg7[%swap3A_46, %swap3A_47], %swap3A_50 {strides = array<i32>} : memref<128x16xf32, #tpu.memory_space<vmem>>, vector<1x16xf32>,
    %broadcast_in_dim3A_51 = arith.constant 1.000000e+00 : f32
    %broadcast_in_dim3A_52 = vector.broadcast %broadcast_in_dim3A_51 : f32 to vector<16xf32>
    %swap3A_53 = arith.constant 6 : i32
    %swap3A_54 = arith.index_cast %swap3A_53 : i32 to index
    %swap3A_55 = arith.constant 0 : index
    %swap3A_56 = tpu.vector_load %arg7[%swap3A_54, %swap3A_55] {strides = array<i32>} : memref<128x16xf32, #tpu.memory_space<vmem>>, vector<1x16xf32>,
    %swap3A_57 = vector.shape_cast %swap3A_56 : vector<1x16xf32> to vector<16xf32>
    %swap3A_58 = vector.shape_cast %broadcast_in_dim3A_52 : vector<16xf32> to vector<1x16xf32>
    tpu.vector_store %arg7[%swap3A_54, %swap3A_55], %swap3A_58 {strides = array<i32>} : memref<128x16xf32, #tpu.memory_space<vmem>>, vector<1x16xf32>,
    %broadcast_in_dim3A_59 = arith.constant 1.000000e+00 : f32
    %broadcast_in_dim3A_60 = vector.broadcast %broadcast_in_dim3A_59 : f32 to vector<16xf32>
    %swap3A_61 = arith.constant 7 : i32
    %swap3A_62 = arith.index_cast %swap3A_61 : i32 to index
    %swap3A_63 = arith.constant 0 : index
    %swap3A_64 = tpu.vector_load %arg7[%swap3A_62, %swap3A_63] {strides = array<i32>} : memref<128x16xf32, #tpu.memory_space<vmem>>, vector<1x16xf32>,
    %swap3A_65 = vector.shape_cast %swap3A_64 : vector<1x16xf32> to vector<16xf32>
    %swap3A_66 = vector.shape_cast %broadcast_in_dim3A_60 : vector<16xf32> to vector<1x16xf32>
    tpu.vector_store %arg7[%swap3A_62, %swap3A_63], %swap3A_66 {strides = array<i32>} : memref<128x16xf32, #tpu.memory_space<vmem>>, vector<1x16xf32>,
    %broadcast_in_dim3A_67 = arith.constant 1.000000e+00 : f32
    %broadcast_in_dim3A_68 = vector.broadcast %broadcast_in_dim3A_67 : f32 to vector<16xf32>
    %swap3A_69 = arith.constant 8 : i32
    %swap3A_70 = arith.index_cast %swap3A_69 : i32 to index
    %swap3A_71 = arith.constant 0 : index
    %swap3A_72 = tpu.vector_load %arg7[%swap3A_70, %swap3A_71] {strides = array<i32>} : memref<128x16xf32, #tpu.memory_space<vmem>>, vector<1x16xf32>,
    %swap3A_73 = vector.shape_cast %swap3A_72 : vector<1x16xf32> to vector<16xf32>
    %swap3A_74 = vector.shape_cast %broadcast_in_dim3A_68 : vector<16xf32> to vector<1x16xf32>
    tpu.vector_store %arg7[%swap3A_70, %swap3A_71], %swap3A_74 {strides = array<i32>} : memref<128x16xf32, #tpu.memory_space<vmem>>, vector<1x16xf32>,
    %broadcast_in_dim3A_75 = arith.constant 1.000000e+00 : f32
    %broadcast_in_dim3A_76 = vector.broadcast %broadcast_in_dim3A_75 : f32 to vector<16xf32>
    %swap3A_77 = arith.constant 9 : i32
    %swap3A_78 = arith.index_cast %swap3A_77 : i32 to index
    %swap3A_79 = arith.constant 0 : index
    %swap3A_80 = tpu.vector_load %arg7[%swap3A_78, %swap3A_79] {strides = array<i32>} : memref<128x16xf32, #tpu.memory_space<vmem>>, vector<1x16xf32>,
    %swap3A_81 = vector.shape_cast %swap3A_80 : vector<1x16xf32> to vector<16xf32>
    %swap3A_82 = vector.shape_cast %broadcast_in_dim3A_76 : vector<16xf32> to vector<1x16xf32>
    tpu.vector_store %arg7[%swap3A_78, %swap3A_79], %swap3A_82 {strides = array<i32>} : memref<128x16xf32, #tpu.memory_space<vmem>>, vector<1x16xf32>,
    %broadcast_in_dim3A_83 = arith.constant 1.000000e+00 : f32
    %broadcast_in_dim3A_84 = vector.broadcast %broadcast_in_dim3A_83 : f32 to vector<16xf32>
    %swap3A_85 = arith.constant 10 : i32
    %swap3A_86 = arith.index_cast %swap3A_85 : i32 to index
    %swap3A_87 = arith.constant 0 : index
    %swap3A_88 = tpu.vector_load %arg7[%swap3A_86, %swap3A_87] {strides = array<i32>} : memref<128x16xf32, #tpu.memory_space<vmem>>, vector<1x16xf32>,
    %swap3A_89 = vector.shape_cast %swap3A_88 : vector<1x16xf32> to vector<16xf32>
    %swap3A_90 = vector.shape_cast %broadcast_in_dim3A_84 : vector<16xf32> to vector<1x16xf32>
    tpu.vector_store %arg7[%swap3A_86, %swap3A_87], %swap3A_90 {strides = array<i32>} : memref<128x16xf32, #tpu.memory_space<vmem>>, vector<1x16xf32>,
    %broadcast_in_dim3A_91 = arith.constant 1.000000e+00 : f32
    %broadcast_in_dim3A_92 = vector.broadcast %broadcast_in_dim3A_91 : f32 to vector<16xf32>
    %swap3A_93 = arith.constant 11 : i32
    %swap3A_94 = arith.index_cast %swap3A_93 : i32 to index
    %swap3A_95 = arith.constant 0 : index
    %swap3A_96 = tpu.vector_load %arg7[%swap3A_94, %swap3A_95] {strides = array<i32>} : memref<128x16xf32, #tpu.memory_space<vmem>>, vector<1x16xf32>,
    %swap3A_97 = vector.shape_cast %swap3A_96 : vector<1x16xf32> to vector<16xf32>
    %swap3A_98 = vector.shape_cast %broadcast_in_dim3A_92 : vector<16xf32> to vector<1x16xf32>
    tpu.vector_store %arg7[%swap3A_94, %swap3A_95], %swap3A_98 {strides = array<i32>} : memref<128x16xf32, #tpu.memory_space<vmem>>, vector<1x16xf32>,
    %broadcast_in_dim3A_99 = arith.constant 1.000000e+00 : f32
    %broadcast_in_dim3A_100 = vector.broadcast %broadcast_in_dim3A_99 : f32 to vector<16xf32>
    %swap3A_101 = arith.constant 12 : i32
    %swap3A_102 = arith.index_cast %swap3A_101 : i32 to index
    %swap3A_103 = arith.constant 0 : index
    %swap3A_104 = tpu.vector_load %arg7[%swap3A_102, %swap3A_103] {strides = array<i32>} : memref<128x16xf32, #tpu.memory_space<vmem>>, vector<1x16xf32>,
    %swap3A_105 = vector.shape_cast %swap3A_104 : vector<1x16xf32> to vector<16xf32>
    %swap3A_106 = vector.shape_cast %broadcast_in_dim3A_100 : vector<16xf32> to vector<1x16xf32>
    tpu.vector_store %arg7[%swap3A_102, %swap3A_103], %swap3A_106 {strides = array<i32>} : memref<128x16xf32, #tpu.memory_space<vmem>>, vector<1x16xf32>,
    %broadcast_in_dim3A_107 = arith.constant 1.000000e+00 : f32
    %broadcast_in_dim3A_108 = vector.broadcast %broadcast_in_dim3A_107 : f32 to vector<16xf32>
    %swap3A_109 = arith.constant 13 : i32
    %swap3A_110 = arith.index_cast %swap3A_109 : i32 to index
    %swap3A_111 = arith.constant 0 : index
    %swap3A_112 = tpu.vector_load %arg7[%swap3A_110, %swap3A_111] {strides = array<i32>} : memref<128x16xf32, #tpu.memory_space<vmem>>, vector<1x16xf32>,
    %swap3A_113 = vector.shape_cast %swap3A_112 : vector<1x16xf32> to vector<16xf32>
    %swap3A_114 = vector.shape_cast %broadcast_in_dim3A_108 : vector<16xf32> to vector<1x16xf32>
    tpu.vector_store %arg7[%swap3A_110, %swap3A_111], %swap3A_114 {strides = array<i32>} : memref<128x16xf32, #tpu.memory_space<vmem>>, vector<1x16xf32>,
    %broadcast_in_dim3A_115 = arith.constant 1.000000e+00 : f32
    %broadcast_in_dim3A_116 = vector.broadcast %broadcast_in_dim3A_115 : f32 to vector<16xf32>
    %swap3A_117 = arith.constant 14 : i32
    %swap3A_118 = arith.index_cast %swap3A_117 : i32 to index
    %swap3A_119 = arith.constant 0 : index
    %swap3A_120 = tpu.vector_load %arg7[%swap3A_118, %swap3A_119] {strides = array<i32>} : memref<128x16xf32, #tpu.memory_space<vmem>>, vector<1x16xf32>,
    %swap3A_121 = vector.shape_cast %swap3A_120 : vector<1x16xf32> to vector<16xf32>
    %swap3A_122 = vector.shape_cast %broadcast_in_dim3A_116 : vector<16xf32> to vector<1x16xf32>
    tpu.vector_store %arg7[%swap3A_118, %swap3A_119], %swap3A_122 {strides = array<i32>} : memref<128x16xf32, #tpu.memory_space<vmem>>, vector<1x16xf32>,
    %broadcast_in_dim3A_123 = arith.constant 1.000000e+00 : f32
    %broadcast_in_dim3A_124 = vector.broadcast %broadcast_in_dim3A_123 : f32 to vector<16xf32>
    %swap3A_125 = arith.constant 15 : i32
    %swap3A_126 = arith.index_cast %swap3A_125 : i32 to index
    %swap3A_127 = arith.constant 0 : index
    %swap3A_128 = tpu.vector_load %arg7[%swap3A_126, %swap3A_127] {strides = array<i32>} : memref<128x16xf32, #tpu.memory_space<vmem>>, vector<1x16xf32>,
    %swap3A_129 = vector.shape_cast %swap3A_128 : vector<1x16xf32> to vector<16xf32>
    %swap3A_130 = vector.shape_cast %broadcast_in_dim3A_124 : vector<16xf32> to vector<1x16xf32>
    tpu.vector_store %arg7[%swap3A_126, %swap3A_127], %swap3A_130 {strides = array<i32>} : memref<128x16xf32, #tpu.memory_space<vmem>>, vector<1x16xf32>,
    %broadcast_in_dim3A_131 = arith.constant 1.000000e+00 : f32
    %broadcast_in_dim3A_132 = vector.broadcast %broadcast_in_dim3A_131 : f32 to vector<16xf32>
    %swap3A_133 = arith.constant 16 : i32
    %swap3A_134 = arith.index_cast %swap3A_133 : i32 to index
    %swap3A_135 = arith.constant 0 : index
    %swap3A_136 = tpu.vector_load %arg7[%swap3A_134, %swap3A_135] {strides = array<i32>} : memref<128x16xf32, #tpu.memory_space<vmem>>, vector<1x16xf32>,
    %swap3A_137 = vector.shape_cast %swap3A_136 : vector<1x16xf32> to vector<16xf32>
    %swap3A_138 = vector.shape_cast %broadcast_in_dim3A_132 : vector<16xf32> to vector<1x16xf32>
    tpu.vector_store %arg7[%swap3A_134, %swap3A_135], %swap3A_138 {strides = array<i32>} : memref<128x16xf32, #tpu.memory_space<vmem>>, vector<1x16xf32>,
    %broadcast_in_dim3A_139 = arith.constant 1.000000e+00 : f32
    %broadcast_in_dim3A_140 = vector.broadcast %broadcast_in_dim3A_139 : f32 to vector<16xf32>
    %swap3A_141 = arith.constant 17 : i32
    %swap3A_142 = arith.index_cast %swap3A_141 : i32 to index
    %swap3A_143 = arith.constant 0 : index
    %swap3A_144 = tpu.vector_load %arg7[%swap3A_142, %swap3A_143] {strides = array<i32>} : memref<128x16xf32, #tpu.memory_space<vmem>>, vector<1x16xf32>,
    %swap3A_145 = vector.shape_cast %swap3A_144 : vector<1x16xf32> to vector<16xf32>
    %swap3A_146 = vector.shape_cast %broadcast_in_dim3A_140 : vector<16xf32> to vector<1x16xf32>
    tpu.vector_store %arg7[%swap3A_142, %swap3A_143], %swap3A_146 {strides = array<i32>} : memref<128x16xf32, #tpu.memory_space<vmem>>, vector<1x16xf32>,
    %broadcast_in_dim3A_147 = arith.constant 1.000000e+00 : f32
    %broadcast_in_dim3A_148 = vector.broadcast %broadcast_in_dim3A_147 : f32 to vector<16xf32>
    %swap3A_149 = arith.constant 18 : i32
    %swap3A_150 = arith.index_cast %swap3A_149 : i32 to index
    %swap3A_151 = arith.constant 0 : index
    %swap3A_152 = tpu.vector_load %arg7[%swap3A_150, %swap3A_151] {strides = array<i32>} : memref<128x16xf32, #tpu.memory_space<vmem>>, vector<1x16xf32>,
    %swap3A_153 = vector.shape_cast %swap3A_152 : vector<1x16xf32> to vector<16xf32>
    %swap3A_154 = vector.shape_cast %broadcast_in_dim3A_148 : vector<16xf32> to vector<1x16xf32>
    tpu.vector_store %arg7[%swap3A_150, %swap3A_151], %swap3A_154 {strides = array<i32>} : memref<128x16xf32, #tpu.memory_space<vmem>>, vector<1x16xf32>,
    %broadcast_in_dim3A_155 = arith.constant 1.000000e+00 : f32
    %broadcast_in_dim3A_156 = vector.broadcast %broadcast_in_dim3A_155 : f32 to vector<16xf32>
    %swap3A_157 = arith.constant 19 : i32
    %swap3A_158 = arith.index_cast %swap3A_157 : i32 to index
    %swap3A_159 = arith.constant 0 : index
    %swap3A_160 = tpu.vector_load %arg7[%swap3A_158, %swap3A_159] {strides = array<i32>} : memref<128x16xf32, #tpu.memory_space<vmem>>, vector<1x16xf32>,
    %swap3A_161 = vector.shape_cast %swap3A_160 : vector<1x16xf32> to vector<16xf32>
    %swap3A_162 = vector.shape_cast %broadcast_in_dim3A_156 : vector<16xf32> to vector<1x16xf32>
    tpu.vector_store %arg7[%swap3A_158, %swap3A_159], %swap3A_162 {strides = array<i32>} : memref<128x16xf32, #tpu.memory_space<vmem>>, vector<1x16xf32>,
    %broadcast_in_dim3A_163 = arith.constant 1.000000e+00 : f32
    %broadcast_in_dim3A_164 = vector.broadcast %broadcast_in_dim3A_163 : f32 to vector<16xf32>
    %swap3A_165 = arith.constant 20 : i32
    %swap3A_166 = arith.index_cast %swap3A_165 : i32 to index
    %swap3A_167 = arith.constant 0 : index
    %swap3A_168 = tpu.vector_load %arg7[%swap3A_166, %swap3A_167] {strides = array<i32>} : memref<128x16xf32, #tpu.memory_space<vmem>>, vector<1x16xf32>,
    %swap3A_169 = vector.shape_cast %swap3A_168 : vector<1x16xf32> to vector<16xf32>
    %swap3A_170 = vector.shape_cast %broadcast_in_dim3A_164 : vector<16xf32> to vector<1x16xf32>
    tpu.vector_store %arg7[%swap3A_166, %swap3A_167], %swap3A_170 {strides = array<i32>} : memref<128x16xf32, #tpu.memory_space<vmem>>, vector<1x16xf32>,
    %broadcast_in_dim3A_171 = arith.constant 1.000000e+00 : f32
    %broadcast_in_dim3A_172 = vector.broadcast %broadcast_in_dim3A_171 : f32 to vector<16xf32>
    %swap3A_173 = arith.constant 21 : i32
    %swap3A_174 = arith.index_cast %swap3A_173 : i32 to index
    %swap3A_175 = arith.constant 0 : index
    %swap3A_176 = tpu.vector_load %arg7[%swap3A_174, %swap3A_175] {strides = array<i32>} : memref<128x16xf32, #tpu.memory_space<vmem>>, vector<1x16xf32>,
    %swap3A_177 = vector.shape_cast %swap3A_176 : vector<1x16xf32> to vector<16xf32>
    %swap3A_178 = vector.shape_cast %broadcast_in_dim3A_172 : vector<16xf32> to vector<1x16xf32>
    tpu.vector_store %arg7[%swap3A_174, %swap3A_175], %swap3A_178 {strides = array<i32>} : memref<128x16xf32, #tpu.memory_space<vmem>>, vector<1x16xf32>,
    %broadcast_in_dim3A_179 = arith.constant 1.000000e+00 : f32
    %broadcast_in_dim3A_180 = vector.broadcast %broadcast_in_dim3A_179 : f32 to vector<16xf32>
    %swap3A_181 = arith.constant 22 : i32
    %swap3A_182 = arith.index_cast %swap3A_181 : i32 to index
    %swap3A_183 = arith.constant 0 : index
    %swap3A_184 = tpu.vector_load %arg7[%swap3A_182, %swap3A_183] {strides = array<i32>} : memref<128x16xf32, #tpu.memory_space<vmem>>, vector<1x16xf32>,
    %swap3A_185 = vector.shape_cast %swap3A_184 : vector<1x16xf32> to vector<16xf32>
    %swap3A_186 = vector.shape_cast %broadcast_in_dim3A_180 : vector<16xf32> to vector<1x16xf32>
    tpu.vector_store %arg7[%swap3A_182, %swap3A_183], %swap3A_186 {strides = array<i32>} : memref<128x16xf32, #tpu.memory_space<vmem>>, vector<1x16xf32>,
    %broadcast_in_dim3A_187 = arith.constant 1.000000e+00 : f32
    %broadcast_in_dim3A_188 = vector.broadcast %broadcast_in_dim3A_187 : f32 to vector<16xf32>
    %swap3A_189 = arith.constant 23 : i32
    %swap3A_190 = arith.index_cast %swap3A_189 : i32 to index
    %swap3A_191 = arith.constant 0 : index
    %swap3A_192 = tpu.vector_load %arg7[%swap3A_190, %swap3A_191] {strides = array<i32>} : memref<128x16xf32, #tpu.memory_space<vmem>>, vector<1x16xf32>,
    %swap3A_193 = vector.shape_cast %swap3A_192 : vector<1x16xf32> to vector<16xf32>
    %swap3A_194 = vector.shape_cast %broadcast_in_dim3A_188 : vector<16xf32> to vector<1x16xf32>
    tpu.vector_store %arg7[%swap3A_190, %swap3A_191], %swap3A_194 {strides = array<i32>} : memref<128x16xf32, #tpu.memory_space<vmem>>, vector<1x16xf32>,
    %broadcast_in_dim3A_195 = arith.constant 1.000000e+00 : f32
    %broadcast_in_dim3A_196 = vector.broadcast %broadcast_in_dim3A_195 : f32 to vector<16xf32>
    %swap3A_197 = arith.constant 24 : i32
    %swap3A_198 = arith.index_cast %swap3A_197 : i32 to index
    %swap3A_199 = arith.constant 0 : index
    %swap3A_200 = tpu.vector_load %arg7[%swap3A_198, %swap3A_199] {strides = array<i32>} : memref<128x16xf32, #tpu.memory_space<vmem>>, vector<1x16xf32>,
    %swap3A_201 = vector.shape_cast %swap3A_200 : vector<1x16xf32> to vector<16xf32>
    %swap3A_202 = vector.shape_cast %broadcast_in_dim3A_196 : vector<16xf32> to vector<1x16xf32>
    tpu.vector_store %arg7[%swap3A_198, %swap3A_199], %swap3A_202 {strides = array<i32>} : memref<128x16xf32, #tpu.memory_space<vmem>>, vector<1x16xf32>,
    %broadcast_in_dim3A_203 = arith.constant 1.000000e+00 : f32
    %broadcast_in_dim3A_204 = vector.broadcast %broadcast_in_dim3A_203 : f32 to vector<16xf32>
    %swap3A_205 = arith.constant 25 : i32
    %swap3A_206 = arith.index_cast %swap3A_205 : i32 to index
    %swap3A_207 = arith.constant 0 : index
    %swap3A_208 = tpu.vector_load %arg7[%swap3A_206, %swap3A_207] {strides = array<i32>} : memref<128x16xf32, #tpu.memory_space<vmem>>, vector<1x16xf32>,
    %swap3A_209 = vector.shape_cast %swap3A_208 : vector<1x16xf32> to vector<16xf32>
    %swap3A_210 = vector.shape_cast %broadcast_in_dim3A_204 : vector<16xf32> to vector<1x16xf32>
    tpu.vector_store %arg7[%swap3A_206, %swap3A_207], %swap3A_210 {strides = array<i32>} : memref<128x16xf32, #tpu.memory_space<vmem>>, vector<1x16xf32>,
    %broadcast_in_dim3A_211 = arith.constant 1.000000e+00 : f32
    %broadcast_in_dim3A_212 = vector.broadcast %broadcast_in_dim3A_211 : f32 to vector<16xf32>
    %swap3A_213 = arith.constant 26 : i32
    %swap3A_214 = arith.index_cast %swap3A_213 : i32 to index
    %swap3A_215 = arith.constant 0 : index
    %swap3A_216 = tpu.vector_load %arg7[%swap3A_214, %swap3A_215] {strides = array<i32>} : memref<128x16xf32, #tpu.memory_space<vmem>>, vector<1x16xf32>,
    %swap3A_217 = vector.shape_cast %swap3A_216 : vector<1x16xf32> to vector<16xf32>
    %swap3A_218 = vector.shape_cast %broadcast_in_dim3A_212 : vector<16xf32> to vector<1x16xf32>
    tpu.vector_store %arg7[%swap3A_214, %swap3A_215], %swap3A_218 {strides = array<i32>} : memref<128x16xf32, #tpu.memory_space<vmem>>, vector<1x16xf32>,
    %broadcast_in_dim3A_219 = arith.constant 1.000000e+00 : f32
    %broadcast_in_dim3A_220 = vector.broadcast %broadcast_in_dim3A_219 : f32 to vector<16xf32>
    %swap3A_221 = arith.constant 27 : i32
    %swap3A_222 = arith.index_cast %swap3A_221 : i32 to index
    %swap3A_223 = arith.constant 0 : index
    %swap3A_224 = tpu.vector_load %arg7[%swap3A_222, %swap3A_223] {strides = array<i32>} : memref<128x16xf32, #tpu.memory_space<vmem>>, vector<1x16xf32>,
    %swap3A_225 = vector.shape_cast %swap3A_224 : vector<1x16xf32> to vector<16xf32>
    %swap3A_226 = vector.shape_cast %broadcast_in_dim3A_220 : vector<16xf32> to vector<1x16xf32>
    tpu.vector_store %arg7[%swap3A_222, %swap3A_223], %swap3A_226 {strides = array<i32>} : memref<128x16xf32, #tpu.memory_space<vmem>>, vector<1x16xf32>,
    %broadcast_in_dim3A_227 = arith.constant 1.000000e+00 : f32
    %broadcast_in_dim3A_228 = vector.broadcast %broadcast_in_dim3A_227 : f32 to vector<16xf32>
    %swap3A_229 = arith.constant 28 : i32
    %swap3A_230 = arith.index_cast %swap3A_229 : i32 to index
    %swap3A_231 = arith.constant 0 : index
    %swap3A_232 = tpu.vector_load %arg7[%swap3A_230, %swap3A_231] {strides = array<i32>} : memref<128x16xf32, #tpu.memory_space<vmem>>, vector<1x16xf32>,
    %swap3A_233 = vector.shape_cast %swap3A_232 : vector<1x16xf32> to vector<16xf32>
    %swap3A_234 = vector.shape_cast %broadcast_in_dim3A_228 : vector<16xf32> to vector<1x16xf32>
    tpu.vector_store %arg7[%swap3A_230, %swap3A_231], %swap3A_234 {strides = array<i32>} : memref<128x16xf32, #tpu.memory_space<vmem>>, vector<1x16xf32>,
    %broadcast_in_dim3A_235 = arith.constant 1.000000e+00 : f32
    %broadcast_in_dim3A_236 = vector.broadcast %broadcast_in_dim3A_235 : f32 to vector<16xf32>
    %swap3A_237 = arith.constant 29 : i32
    %swap3A_238 = arith.index_cast %swap3A_237 : i32 to index
    %swap3A_239 = arith.constant 0 : index
    %swap3A_240 = tpu.vector_load %arg7[%swap3A_238, %swap3A_239] {strides = array<i32>} : memref<128x16xf32, #tpu.memory_space<vmem>>, vector<1x16xf32>,
    %swap3A_241 = vector.shape_cast %swap3A_240 : vector<1x16xf32> to vector<16xf32>
    %swap3A_242 = vector.shape_cast %broadcast_in_dim3A_236 : vector<16xf32> to vector<1x16xf32>
    tpu.vector_store %arg7[%swap3A_238, %swap3A_239], %swap3A_242 {strides = array<i32>} : memref<128x16xf32, #tpu.memory_space<vmem>>, vector<1x16xf32>,
    %broadcast_in_dim3A_243 = arith.constant 1.000000e+00 : f32
    %broadcast_in_dim3A_244 = vector.broadcast %broadcast_in_dim3A_243 : f32 to vector<16xf32>
    %swap3A_245 = arith.constant 30 : i32
    %swap3A_246 = arith.index_cast %swap3A_245 : i32 to index
    %swap3A_247 = arith.constant 0 : index
    %swap3A_248 = tpu.vector_load %arg7[%swap3A_246, %swap3A_247] {strides = array<i32>} : memref<128x16xf32, #tpu.memory_space<vmem>>, vector<1x16xf32>,
    %swap3A_249 = vector.shape_cast %swap3A_248 : vector<1x16xf32> to vector<16xf32>
    %swap3A_250 = vector.shape_cast %broadcast_in_dim3A_244 : vector<16xf32> to vector<1x16xf32>
    tpu.vector_store %arg7[%swap3A_246, %swap3A_247], %swap3A_250 {strides = array<i32>} : memref<128x16xf32, #tpu.memory_space<vmem>>, vector<1x16xf32>,
    %broadcast_in_dim3A_251 = arith.constant 1.000000e+00 : f32
    %broadcast_in_dim3A_252 = vector.broadcast %broadcast_in_dim3A_251 : f32 to vector<16xf32>
    %swap3A_253 = arith.constant 31 : i32
    %swap3A_254 = arith.index_cast %swap3A_253 : i32 to index
    %swap3A_255 = arith.constant 0 : index
    %swap3A_256 = tpu.vector_load %arg7[%swap3A_254, %swap3A_255] {strides = array<i32>} : memref<128x16xf32, #tpu.memory_space<vmem>>, vector<1x16xf32>,
    %swap3A_257 = vector.shape_cast %swap3A_256 : vector<1x16xf32> to vector<16xf32>
    %swap3A_258 = vector.shape_cast %broadcast_in_dim3A_252 : vector<16xf32> to vector<1x16xf32>
    tpu.vector_store %arg7[%swap3A_254, %swap3A_255], %swap3A_258 {strides = array<i32>} : memref<128x16xf32, #tpu.memory_space<vmem>>, vector<1x16xf32>,
    %broadcast_in_dim3A_259 = arith.constant 1.000000e+00 : f32
    %broadcast_in_dim3A_260 = vector.broadcast %broadcast_in_dim3A_259 : f32 to vector<16xf32>
    %swap3A_261 = arith.constant 32 : i32
    %swap3A_262 = arith.index_cast %swap3A_261 : i32 to index
    %swap3A_263 = arith.constant 0 : index
    %swap3A_264 = tpu.vector_load %arg7[%swap3A_262, %swap3A_263] {strides = array<i32>} : memref<128x16xf32, #tpu.memory_space<vmem>>, vector<1x16xf32>,
    %swap3A_265 = vector.shape_cast %swap3A_264 : vector<1x16xf32> to vector<16xf32>
    %swap3A_266 = vector.shape_cast %broadcast_in_dim3A_260 : vector<16xf32> to vector<1x16xf32>
    tpu.vector_store %arg7[%swap3A_262, %swap3A_263], %swap3A_266 {strides = array<i32>} : memref<128x16xf32, #tpu.memory_space<vmem>>, vector<1x16xf32>,
    %broadcast_in_dim3A_267 = arith.constant 1.000000e+00 : f32
    %broadcast_in_dim3A_268 = vector.broadcast %broadcast_in_dim3A_267 : f32 to vector<16xf32>
    %swap3A_269 = arith.constant 33 : i32
    %swap3A_270 = arith.index_cast %swap3A_269 : i32 to index
    %swap3A_271 = arith.constant 0 : index
    %swap3A_272 = tpu.vector_load %arg7[%swap3A_270, %swap3A_271] {strides = array<i32>} : memref<128x16xf32, #tpu.memory_space<vmem>>, vector<1x16xf32>,
    %swap3A_273 = vector.shape_cast %swap3A_272 : vector<1x16xf32> to vector<16xf32>
    %swap3A_274 = vector.shape_cast %broadcast_in_dim3A_268 : vector<16xf32> to vector<1x16xf32>
    tpu.vector_store %arg7[%swap3A_270, %swap3A_271], %swap3A_274 {strides = array<i32>} : memref<128x16xf32, #tpu.memory_space<vmem>>, vector<1x16xf32>,
    %broadcast_in_dim3A_275 = arith.constant 1.000000e+00 : f32
    %broadcast_in_dim3A_276 = vector.broadcast %broadcast_in_dim3A_275 : f32 to vector<16xf32>
    %swap3A_277 = arith.constant 34 : i32
    %swap3A_278 = arith.index_cast %swap3A_277 : i32 to index
    %swap3A_279 = arith.constant 0 : index
    %swap3A_280 = tpu.vector_load %arg7[%swap3A_278, %swap3A_279] {strides = array<i32>} : memref<128x16xf32, #tpu.memory_space<vmem>>, vector<1x16xf32>,
    %swap3A_281 = vector.shape_cast %swap3A_280 : vector<1x16xf32> to vector<16xf32>
    %swap3A_282 = vector.shape_cast %broadcast_in_dim3A_276 : vector<16xf32> to vector<1x16xf32>
    tpu.vector_store %arg7[%swap3A_278, %swap3A_279], %swap3A_282 {strides = array<i32>} : memref<128x16xf32, #tpu.memory_space<vmem>>, vector<1x16xf32>,
    %broadcast_in_dim3A_283 = arith.constant 1.000000e+00 : f32
    %broadcast_in_dim3A_284 = vector.broadcast %broadcast_in_dim3A_283 : f32 to vector<16xf32>
    %swap3A_285 = arith.constant 35 : i32
    %swap3A_286 = arith.index_cast %swap3A_285 : i32 to index
    %swap3A_287 = arith.constant 0 : index
    %swap3A_288 = tpu.vector_load %arg7[%swap3A_286, %swap3A_287] {strides = array<i32>} : memref<128x16xf32, #tpu.memory_space<vmem>>, vector<1x16xf32>,
    %swap3A_289 = vector.shape_cast %swap3A_288 : vector<1x16xf32> to vector<16xf32>
    %swap3A_290 = vector.shape_cast %broadcast_in_dim3A_284 : vector<16xf32> to vector<1x16xf32>
    tpu.vector_store %arg7[%swap3A_286, %swap3A_287], %swap3A_290 {strides = array<i32>} : memref<128x16xf32, #tpu.memory_space<vmem>>, vector<1x16xf32>,
    %broadcast_in_dim3A_291 = arith.constant 1.000000e+00 : f32
    %broadcast_in_dim3A_292 = vector.broadcast %broadcast_in_dim3A_291 : f32 to vector<16xf32>
    %swap3A_293 = arith.constant 36 : i32
    %swap3A_294 = arith.index_cast %swap3A_293 : i32 to index
    %swap3A_295 = arith.constant 0 : index
    %swap3A_296 = tpu.vector_load %arg7[%swap3A_294, %swap3A_295] {strides = array<i32>} : memref<128x16xf32, #tpu.memory_space<vmem>>, vector<1x16xf32>,
    %swap3A_297 = vector.shape_cast %swap3A_296 : vector<1x16xf32> to vector<16xf32>
    %swap3A_298 = vector.shape_cast %broadcast_in_dim3A_292 : vector<16xf32> to vector<1x16xf32>
    tpu.vector_store %arg7[%swap3A_294, %swap3A_295], %swap3A_298 {strides = array<i32>} : memref<128x16xf32, #tpu.memory_space<vmem>>, vector<1x16xf32>,
    %broadcast_in_dim3A_299 = arith.constant 1.000000e+00 : f32
    %broadcast_in_dim3A_300 = vector.broadcast %broadcast_in_dim3A_299 : f32 to vector<16xf32>
    %swap3A_301 = arith.constant 37 : i32
    %swap3A_302 = arith.index_cast %swap3A_301 : i32 to index
    %swap3A_303 = arith.constant 0 : index
    %swap3A_304 = tpu.vector_load %arg7[%swap3A_302, %swap3A_303] {strides = array<i32>} : memref<128x16xf32, #tpu.memory_space<vmem>>, vector<1x16xf32>,
    %swap3A_305 = vector.shape_cast %swap3A_304 : vector<1x16xf32> to vector<16xf32>
    %swap3A_306 = vector.shape_cast %broadcast_in_dim3A_300 : vector<16xf32> to vector<1x16xf32>
    tpu.vector_store %arg7[%swap3A_302, %swap3A_303], %swap3A_306 {strides = array<i32>} : memref<128x16xf32, #tpu.memory_space<vmem>>, vector<1x16xf32>,
    %broadcast_in_dim3A_307 = arith.constant 1.000000e+00 : f32
    %broadcast_in_dim3A_308 = vector.broadcast %broadcast_in_dim3A_307 : f32 to vector<16xf32>
    %swap3A_309 = arith.constant 38 : i32
    %swap3A_310 = arith.index_cast %swap3A_309 : i32 to index
    %swap3A_311 = arith.constant 0 : index
    %swap3A_312 = tpu.vector_load %arg7[%swap3A_310, %swap3A_311] {strides = array<i32>} : memref<128x16xf32, #tpu.memory_space<vmem>>, vector<1x16xf32>,
    %swap3A_313 = vector.shape_cast %swap3A_312 : vector<1x16xf32> to vector<16xf32>
    %swap3A_314 = vector.shape_cast %broadcast_in_dim3A_308 : vector<16xf32> to vector<1x16xf32>
    tpu.vector_store %arg7[%swap3A_310, %swap3A_311], %swap3A_314 {strides = array<i32>} : memref<128x16xf32, #tpu.memory_space<vmem>>, vector<1x16xf32>,
    %broadcast_in_dim3A_315 = arith.constant 1.000000e+00 : f32
    %broadcast_in_dim3A_316 = vector.broadcast %broadcast_in_dim3A_315 : f32 to vector<16xf32>
    %swap3A_317 = arith.constant 39 : i32
    %swap3A_318 = arith.index_cast %swap3A_317 : i32 to index
    %swap3A_319 = arith.constant 0 : index
    %swap3A_320 = tpu.vector_load %arg7[%swap3A_318, %swap3A_319] {strides = array<i32>} : memref<128x16xf32, #tpu.memory_space<vmem>>, vector<1x16xf32>,
    %swap3A_321 = vector.shape_cast %swap3A_320 : vector<1x16xf32> to vector<16xf32>
    %swap3A_322 = vector.shape_cast %broadcast_in_dim3A_316 : vector<16xf32> to vector<1x16xf32>
    tpu.vector_store %arg7[%swap3A_318, %swap3A_319], %swap3A_322 {strides = array<i32>} : memref<128x16xf32, #tpu.memory_space<vmem>>, vector<1x16xf32>,
    %broadcast_in_dim3A_323 = arith.constant 1.000000e+00 : f32
    %broadcast_in_dim3A_324 = vector.broadcast %broadcast_in_dim3A_323 : f32 to vector<16xf32>
    %swap3A_325 = arith.constant 40 : i32
    %swap3A_326 = arith.index_cast %swap3A_325 : i32 to index
    %swap3A_327 = arith.constant 0 : index
    %swap3A_328 = tpu.vector_load %arg7[%swap3A_326, %swap3A_327] {strides = array<i32>} : memref<128x16xf32, #tpu.memory_space<vmem>>, vector<1x16xf32>,
    %swap3A_329 = vector.shape_cast %swap3A_328 : vector<1x16xf32> to vector<16xf32>
    %swap3A_330 = vector.shape_cast %broadcast_in_dim3A_324 : vector<16xf32> to vector<1x16xf32>
    tpu.vector_store %arg7[%swap3A_326, %swap3A_327], %swap3A_330 {strides = array<i32>} : memref<128x16xf32, #tpu.memory_space<vmem>>, vector<1x16xf32>,
    %broadcast_in_dim3A_331 = arith.constant 1.000000e+00 : f32
    %broadcast_in_dim3A_332 = vector.broadcast %broadcast_in_dim3A_331 : f32 to vector<16xf32>
    %swap3A_333 = arith.constant 41 : i32
    %swap3A_334 = arith.index_cast %swap3A_333 : i32 to index
    %swap3A_335 = arith.constant 0 : index
    %swap3A_336 = tpu.vector_load %arg7[%swap3A_334, %swap3A_335] {strides = array<i32>} : memref<128x16xf32, #tpu.memory_space<vmem>>, vector<1x16xf32>,
    %swap3A_337 = vector.shape_cast %swap3A_336 : vector<1x16xf32> to vector<16xf32>
    %swap3A_338 = vector.shape_cast %broadcast_in_dim3A_332 : vector<16xf32> to vector<1x16xf32>
    tpu.vector_store %arg7[%swap3A_334, %swap3A_335], %swap3A_338 {strides = array<i32>} : memref<128x16xf32, #tpu.memory_space<vmem>>, vector<1x16xf32>,
    %broadcast_in_dim3A_339 = arith.constant 1.000000e+00 : f32
    %broadcast_in_dim3A_340 = vector.broadcast %broadcast_in_dim3A_339 : f32 to vector<16xf32>
    %swap3A_341 = arith.constant 42 : i32
    %swap3A_342 = arith.index_cast %swap3A_341 : i32 to index
    %swap3A_343 = arith.constant 0 : index
    %swap3A_344 = tpu.vector_load %arg7[%swap3A_342, %swap3A_343] {strides = array<i32>} : memref<128x16xf32, #tpu.memory_space<vmem>>, vector<1x16xf32>,
    %swap3A_345 = vector.shape_cast %swap3A_344 : vector<1x16xf32> to vector<16xf32>
    %swap3A_346 = vector.shape_cast %broadcast_in_dim3A_340 : vector<16xf32> to vector<1x16xf32>
    tpu.vector_store %arg7[%swap3A_342, %swap3A_343], %swap3A_346 {strides = array<i32>} : memref<128x16xf32, #tpu.memory_space<vmem>>, vector<1x16xf32>,
    %broadcast_in_dim3A_347 = arith.constant 1.000000e+00 : f32
    %broadcast_in_dim3A_348 = vector.broadcast %broadcast_in_dim3A_347 : f32 to vector<16xf32>
    %swap3A_349 = arith.constant 43 : i32
    %swap3A_350 = arith.index_cast %swap3A_349 : i32 to index
    %swap3A_351 = arith.constant 0 : index
    %swap3A_352 = tpu.vector_load %arg7[%swap3A_350, %swap3A_351] {strides = array<i32>} : memref<128x16xf32, #tpu.memory_space<vmem>>, vector<1x16xf32>,
    %swap3A_353 = vector.shape_cast %swap3A_352 : vector<1x16xf32> to vector<16xf32>
    %swap3A_354 = vector.shape_cast %broadcast_in_dim3A_348 : vector<16xf32> to vector<1x16xf32>
    tpu.vector_store %arg7[%swap3A_350, %swap3A_351], %swap3A_354 {strides = array<i32>} : memref<128x16xf32, #tpu.memory_space<vmem>>, vector<1x16xf32>,
    %broadcast_in_dim3A_355 = arith.constant 1.000000e+00 : f32
    %broadcast_in_dim3A_356 = vector.broadcast %broadcast_in_dim3A_355 : f32 to vector<16xf32>
    %swap3A_357 = arith.constant 44 : i32
    %swap3A_358 = arith.index_cast %swap3A_357 : i32 to index
    %swap3A_359 = arith.constant 0 : index
    %swap3A_360 = tpu.vector_load %arg7[%swap3A_358, %swap3A_359] {strides = array<i32>} : memref<128x16xf32, #tpu.memory_space<vmem>>, vector<1x16xf32>,
    %swap3A_361 = vector.shape_cast %swap3A_360 : vector<1x16xf32> to vector<16xf32>
    %swap3A_362 = vector.shape_cast %broadcast_in_dim3A_356 : vector<16xf32> to vector<1x16xf32>
    tpu.vector_store %arg7[%swap3A_358, %swap3A_359], %swap3A_362 {strides = array<i32>} : memref<128x16xf32, #tpu.memory_space<vmem>>, vector<1x16xf32>,
    %broadcast_in_dim3A_363 = arith.constant 1.000000e+00 : f32
    %broadcast_in_dim3A_364 = vector.broadcast %broadcast_in_dim3A_363 : f32 to vector<16xf32>
    %swap3A_365 = arith.constant 45 : i32
    %swap3A_366 = arith.index_cast %swap3A_365 : i32 to index
    %swap3A_367 = arith.constant 0 : index
    %swap3A_368 = tpu.vector_load %arg7[%swap3A_366, %swap3A_367] {strides = array<i32>} : memref<128x16xf32, #tpu.memory_space<vmem>>, vector<1x16xf32>,
    %swap3A_369 = vector.shape_cast %swap3A_368 : vector<1x16xf32> to vector<16xf32>
    %swap3A_370 = vector.shape_cast %broadcast_in_dim3A_364 : vector<16xf32> to vector<1x16xf32>
    tpu.vector_store %arg7[%swap3A_366, %swap3A_367], %swap3A_370 {strides = array<i32>} : memref<128x16xf32, #tpu.memory_space<vmem>>, vector<1x16xf32>,
    %broadcast_in_dim3A_371 = arith.constant 1.000000e+00 : f32
    %broadcast_in_dim3A_372 = vector.broadcast %broadcast_in_dim3A_371 : f32 to vector<16xf32>
    %swap3A_373 = arith.constant 46 : i32
    %swap3A_374 = arith.index_cast %swap3A_373 : i32 to index
    %swap3A_375 = arith.constant 0 : index
    %swap3A_376 = tpu.vector_load %arg7[%swap3A_374, %swap3A_375] {strides = array<i32>} : memref<128x16xf32, #tpu.memory_space<vmem>>, vector<1x16xf32>,
    %swap3A_377 = vector.shape_cast %swap3A_376 : vector<1x16xf32> to vector<16xf32>
    %swap3A_378 = vector.shape_cast %broadcast_in_dim3A_372 : vector<16xf32> to vector<1x16xf32>
    tpu.vector_store %arg7[%swap3A_374, %swap3A_375], %swap3A_378 {strides = array<i32>} : memref<128x16xf32, #tpu.memory_space<vmem>>, vector<1x16xf32>,
    %broadcast_in_dim3A_379 = arith.constant 1.000000e+00 : f32
    %broadcast_in_dim3A_380 = vector.broadcast %broadcast_in_dim3A_379 : f32 to vector<16xf32>
    %swap3A_381 = arith.constant 47 : i32
    %swap3A_382 = arith.index_cast %swap3A_381 : i32 to index
    %swap3A_383 = arith.constant 0 : index
    %swap3A_384 = tpu.vector_load %arg7[%swap3A_382, %swap3A_383] {strides = array<i32>} : memref<128x16xf32, #tpu.memory_space<vmem>>, vector<1x16xf32>,
    %swap3A_385 = vector.shape_cast %swap3A_384 : vector<1x16xf32> to vector<16xf32>
    %swap3A_386 = vector.shape_cast %broadcast_in_dim3A_380 : vector<16xf32> to vector<1x16xf32>
    tpu.vector_store %arg7[%swap3A_382, %swap3A_383], %swap3A_386 {strides = array<i32>} : memref<128x16xf32, #tpu.memory_space<vmem>>, vector<1x16xf32>,
    %broadcast_in_dim3A_387 = arith.constant 1.000000e+00 : f32
    %broadcast_in_dim3A_388 = vector.broadcast %broadcast_in_dim3A_387 : f32 to vector<16xf32>
    %swap3A_389 = arith.constant 48 : i32
    %swap3A_390 = arith.index_cast %swap3A_389 : i32 to index
    %swap3A_391 = arith.constant 0 : index
    %swap3A_392 = tpu.vector_load %arg7[%swap3A_390, %swap3A_391] {strides = array<i32>} : memref<128x16xf32, #tpu.memory_space<vmem>>, vector<1x16xf32>,
    %swap3A_393 = vector.shape_cast %swap3A_392 : vector<1x16xf32> to vector<16xf32>
    %swap3A_394 = vector.shape_cast %broadcast_in_dim3A_388 : vector<16xf32> to vector<1x16xf32>
    tpu.vector_store %arg7[%swap3A_390, %swap3A_391], %swap3A_394 {strides = array<i32>} : memref<128x16xf32, #tpu.memory_space<vmem>>, vector<1x16xf32>,
    %broadcast_in_dim3A_395 = arith.constant 1.000000e+00 : f32
    %broadcast_in_dim3A_396 = vector.broadcast %broadcast_in_dim3A_395 : f32 to vector<16xf32>
    %swap3A_397 = arith.constant 49 : i32
    %swap3A_398 = arith.index_cast %swap3A_397 : i32 to index
    %swap3A_399 = arith.constant 0 : index
    %swap3A_400 = tpu.vector_load %arg7[%swap3A_398, %swap3A_399] {strides = array<i32>} : memref<128x16xf32, #tpu.memory_space<vmem>>, vector<1x16xf32>,
    %swap3A_401 = vector.shape_cast %swap3A_400 : vector<1x16xf32> to vector<16xf32>
    %swap3A_402 = vector.shape_cast %broadcast_in_dim3A_396 : vector<16xf32> to vector<1x16xf32>
    tpu.vector_store %arg7[%swap3A_398, %swap3A_399], %swap3A_402 {strides = array<i32>} : memref<128x16xf32, #tpu.memory_space<vmem>>, vector<1x16xf32>,
    %broadcast_in_dim3A_403 = arith.constant 1.000000e+00 : f32
    %broadcast_in_dim3A_404 = vector.broadcast %broadcast_in_dim3A_403 : f32 to vector<16xf32>
    %swap3A_405 = arith.constant 50 : i32
    %swap3A_406 = arith.index_cast %swap3A_405 : i32 to index
    %swap3A_407 = arith.constant 0 : index
    %swap3A_408 = tpu.vector_load %arg7[%swap3A_406, %swap3A_407] {strides = array<i32>} : memref<128x16xf32, #tpu.memory_space<vmem>>, vector<1x16xf32>,
    %swap3A_409 = vector.shape_cast %swap3A_408 : vector<1x16xf32> to vector<16xf32>
    %swap3A_410 = vector.shape_cast %broadcast_in_dim3A_404 : vector<16xf32> to vector<1x16xf32>
    tpu.vector_store %arg7[%swap3A_406, %swap3A_407], %swap3A_410 {strides = array<i32>} : memref<128x16xf32, #tpu.memory_space<vmem>>, vector<1x16xf32>,
    %broadcast_in_dim3A_411 = arith.constant 1.000000e+00 : f32
    %broadcast_in_dim3A_412 = vector.broadcast %broadcast_in_dim3A_411 : f32 to vector<16xf32>
    %swap3A_413 = arith.constant 51 : i32
    %swap3A_414 = arith.index_cast %swap3A_413 : i32 to index
    %swap3A_415 = arith.constant 0 : index
    %swap3A_416 = tpu.vector_load %arg7[%swap3A_414, %swap3A_415] {strides = array<i32>} : memref<128x16xf32, #tpu.memory_space<vmem>>, vector<1x16xf32>,
    %swap3A_417 = vector.shape_cast %swap3A_416 : vector<1x16xf32> to vector<16xf32>
    %swap3A_418 = vector.shape_cast %broadcast_in_dim3A_412 : vector<16xf32> to vector<1x16xf32>
    tpu.vector_store %arg7[%swap3A_414, %swap3A_415], %swap3A_418 {strides = array<i32>} : memref<128x16xf32, #tpu.memory_space<vmem>>, vector<1x16xf32>,
    %broadcast_in_dim3A_419 = arith.constant 1.000000e+00 : f32
    %broadcast_in_dim3A_420 = vector.broadcast %broadcast_in_dim3A_419 : f32 to vector<16xf32>
    %swap3A_421 = arith.constant 52 : i32
    %swap3A_422 = arith.index_cast %swap3A_421 : i32 to index
    %swap3A_423 = arith.constant 0 : index
    %swap3A_424 = tpu.vector_load %arg7[%swap3A_422, %swap3A_423] {strides = array<i32>} : memref<128x16xf32, #tpu.memory_space<vmem>>, vector<1x16xf32>,
    %swap3A_425 = vector.shape_cast %swap3A_424 : vector<1x16xf32> to vector<16xf32>
    %swap3A_426 = vector.shape_cast %broadcast_in_dim3A_420 : vector<16xf32> to vector<1x16xf32>
    tpu.vector_store %arg7[%swap3A_422, %swap3A_423], %swap3A_426 {strides = array<i32>} : memref<128x16xf32, #tpu.memory_space<vmem>>, vector<1x16xf32>,
    %broadcast_in_dim3A_427 = arith.constant 1.000000e+00 : f32
    %broadcast_in_dim3A_428 = vector.broadcast %broadcast_in_dim3A_427 : f32 to vector<16xf32>
    %swap3A_429 = arith.constant 53 : i32
    %swap3A_430 = arith.index_cast %swap3A_429 : i32 to index
    %swap3A_431 = arith.constant 0 : index
    %swap3A_432 = tpu.vector_load %arg7[%swap3A_430, %swap3A_431] {strides = array<i32>} : memref<128x16xf32, #tpu.memory_space<vmem>>, vector<1x16xf32>,
    %swap3A_433 = vector.shape_cast %swap3A_432 : vector<1x16xf32> to vector<16xf32>
    %swap3A_434 = vector.shape_cast %broadcast_in_dim3A_428 : vector<16xf32> to vector<1x16xf32>
    tpu.vector_store %arg7[%swap3A_430, %swap3A_431], %swap3A_434 {strides = array<i32>} : memref<128x16xf32, #tpu.memory_space<vmem>>, vector<1x16xf32>,
    %broadcast_in_dim3A_435 = arith.constant 1.000000e+00 : f32
    %broadcast_in_dim3A_436 = vector.broadcast %broadcast_in_dim3A_435 : f32 to vector<16xf32>
    %swap3A_437 = arith.constant 54 : i32
    %swap3A_438 = arith.index_cast %swap3A_437 : i32 to index
    %swap3A_439 = arith.constant 0 : index
    %swap3A_440 = tpu.vector_load %arg7[%swap3A_438, %swap3A_439] {strides = array<i32>} : memref<128x16xf32, #tpu.memory_space<vmem>>, vector<1x16xf32>,
    %swap3A_441 = vector.shape_cast %swap3A_440 : vector<1x16xf32> to vector<16xf32>
    %swap3A_442 = vector.shape_cast %broadcast_in_dim3A_436 : vector<16xf32> to vector<1x16xf32>
    tpu.vector_store %arg7[%swap3A_438, %swap3A_439], %swap3A_442 {strides = array<i32>} : memref<128x16xf32, #tpu.memory_space<vmem>>, vector<1x16xf32>,
    %broadcast_in_dim3A_443 = arith.constant 1.000000e+00 : f32
    %broadcast_in_dim3A_444 = vector.broadcast %broadcast_in_dim3A_443 : f32 to vector<16xf32>
    %swap3A_445 = arith.constant 55 : i32
    %swap3A_446 = arith.index_cast %swap3A_445 : i32 to index
    %swap3A_447 = arith.constant 0 : index
    %swap3A_448 = tpu.vector_load %arg7[%swap3A_446, %swap3A_447] {strides = array<i32>} : memref<128x16xf32, #tpu.memory_space<vmem>>, vector<1x16xf32>,
    %swap3A_449 = vector.shape_cast %swap3A_448 : vector<1x16xf32> to vector<16xf32>
    %swap3A_450 = vector.shape_cast %broadcast_in_dim3A_444 : vector<16xf32> to vector<1x16xf32>
    tpu.vector_store %arg7[%swap3A_446, %swap3A_447], %swap3A_450 {strides = array<i32>} : memref<128x16xf32, #tpu.memory_space<vmem>>, vector<1x16xf32>,
    %broadcast_in_dim3A_451 = arith.constant 1.000000e+00 : f32
    %broadcast_in_dim3A_452 = vector.broadcast %broadcast_in_dim3A_451 : f32 to vector<16xf32>
    %swap3A_453 = arith.constant 56 : i32
    %swap3A_454 = arith.index_cast %swap3A_453 : i32 to index
    %swap3A_455 = arith.constant 0 : index
    %swap3A_456 = tpu.vector_load %arg7[%swap3A_454, %swap3A_455] {strides = array<i32>} : memref<128x16xf32, #tpu.memory_space<vmem>>, vector<1x16xf32>,
    %swap3A_457 = vector.shape_cast %swap3A_456 : vector<1x16xf32> to vector<16xf32>
    %swap3A_458 = vector.shape_cast %broadcast_in_dim3A_452 : vector<16xf32> to vector<1x16xf32>
    tpu.vector_store %arg7[%swap3A_454, %swap3A_455], %swap3A_458 {strides = array<i32>} : memref<128x16xf32, #tpu.memory_space<vmem>>, vector<1x16xf32>,
    %broadcast_in_dim3A_459 = arith.constant 1.000000e+00 : f32
    %broadcast_in_dim3A_460 = vector.broadcast %broadcast_in_dim3A_459 : f32 to vector<16xf32>
    %swap3A_461 = arith.constant 57 : i32
    %swap3A_462 = arith.index_cast %swap3A_461 : i32 to index
    %swap3A_463 = arith.constant 0 : index
    %swap3A_464 = tpu.vector_load %arg7[%swap3A_462, %swap3A_463] {strides = array<i32>} : memref<128x16xf32, #tpu.memory_space<vmem>>, vector<1x16xf32>,
    %swap3A_465 = vector.shape_cast %swap3A_464 : vector<1x16xf32> to vector<16xf32>
    %swap3A_466 = vector.shape_cast %broadcast_in_dim3A_460 : vector<16xf32> to vector<1x16xf32>
    tpu.vector_store %arg7[%swap3A_462, %swap3A_463], %swap3A_466 {strides = array<i32>} : memref<128x16xf32, #tpu.memory_space<vmem>>, vector<1x16xf32>,
    %broadcast_in_dim3A_467 = arith.constant 1.000000e+00 : f32
    %broadcast_in_dim3A_468 = vector.broadcast %broadcast_in_dim3A_467 : f32 to vector<16xf32>
    %swap3A_469 = arith.constant 58 : i32
    %swap3A_470 = arith.index_cast %swap3A_469 : i32 to index
    %swap3A_471 = arith.constant 0 : index
    %swap3A_472 = tpu.vector_load %arg7[%swap3A_470, %swap3A_471] {strides = array<i32>} : memref<128x16xf32, #tpu.memory_space<vmem>>, vector<1x16xf32>,
    %swap3A_473 = vector.shape_cast %swap3A_472 : vector<1x16xf32> to vector<16xf32>
    %swap3A_474 = vector.shape_cast %broadcast_in_dim3A_468 : vector<16xf32> to vector<1x16xf32>
    tpu.vector_store %arg7[%swap3A_470, %swap3A_471], %swap3A_474 {strides = array<i32>} : memref<128x16xf32, #tpu.memory_space<vmem>>, vector<1x16xf32>,
    %broadcast_in_dim3A_475 = arith.constant 1.000000e+00 : f32
    %broadcast_in_dim3A_476 = vector.broadcast %broadcast_in_dim3A_475 : f32 to vector<16xf32>
    %swap3A_477 = arith.constant 59 : i32
    %swap3A_478 = arith.index_cast %swap3A_477 : i32 to index
    %swap3A_479 = arith.constant 0 : index
    %swap3A_480 = tpu.vector_load %arg7[%swap3A_478, %swap3A_479] {strides = array<i32>} : memref<128x16xf32, #tpu.memory_space<vmem>>, vector<1x16xf32>,
    %swap3A_481 = vector.shape_cast %swap3A_480 : vector<1x16xf32> to vector<16xf32>
    %swap3A_482 = vector.shape_cast %broadcast_in_dim3A_476 : vector<16xf32> to vector<1x16xf32>
    tpu.vector_store %arg7[%swap3A_478, %swap3A_479], %swap3A_482 {strides = array<i32>} : memref<128x16xf32, #tpu.memory_space<vmem>>, vector<1x16xf32>,
    %broadcast_in_dim3A_483 = arith.constant 1.000000e+00 : f32
    %broadcast_in_dim3A_484 = vector.broadcast %broadcast_in_dim3A_483 : f32 to vector<16xf32>
    %swap3A_485 = arith.constant 60 : i32
    %swap3A_486 = arith.index_cast %swap3A_485 : i32 to index
    %swap3A_487 = arith.constant 0 : index
    %swap3A_488 = tpu.vector_load %arg7[%swap3A_486, %swap3A_487] {strides = array<i32>} : memref<128x16xf32, #tpu.memory_space<vmem>>, vector<1x16xf32>,
    %swap3A_489 = vector.shape_cast %swap3A_488 : vector<1x16xf32> to vector<16xf32>
    %swap3A_490 = vector.shape_cast %broadcast_in_dim3A_484 : vector<16xf32> to vector<1x16xf32>
    tpu.vector_store %arg7[%swap3A_486, %swap3A_487], %swap3A_490 {strides = array<i32>} : memref<128x16xf32, #tpu.memory_space<vmem>>, vector<1x16xf32>,
    %broadcast_in_dim3A_491 = arith.constant 1.000000e+00 : f32
    %broadcast_in_dim3A_492 = vector.broadcast %broadcast_in_dim3A_491 : f32 to vector<16xf32>
    %swap3A_493 = arith.constant 61 : i32
    %swap3A_494 = arith.index_cast %swap3A_493 : i32 to index
    %swap3A_495 = arith.constant 0 : index
    %swap3A_496 = tpu.vector_load %arg7[%swap3A_494, %swap3A_495] {strides = array<i32>} : memref<128x16xf32, #tpu.memory_space<vmem>>, vector<1x16xf32>,
    %swap3A_497 = vector.shape_cast %swap3A_496 : vector<1x16xf32> to vector<16xf32>
    %swap3A_498 = vector.shape_cast %broadcast_in_dim3A_492 : vector<16xf32> to vector<1x16xf32>
    tpu.vector_store %arg7[%swap3A_494, %swap3A_495], %swap3A_498 {strides = array<i32>} : memref<128x16xf32, #tpu.memory_space<vmem>>, vector<1x16xf32>,
    %broadcast_in_dim3A_499 = arith.constant 1.000000e+00 : f32
    %broadcast_in_dim3A_500 = vector.broadcast %broadcast_in_dim3A_499 : f32 to vector<16xf32>
    %swap3A_501 = arith.constant 62 : i32
    %swap3A_502 = arith.index_cast %swap3A_501 : i32 to index
    %swap3A_503 = arith.constant 0 : index
    %swap3A_504 = tpu.vector_load %arg7[%swap3A_502, %swap3A_503] {strides = array<i32>} : memref<128x16xf32, #tpu.memory_space<vmem>>, vector<1x16xf32>,
    %swap3A_505 = vector.shape_cast %swap3A_504 : vector<1x16xf32> to vector<16xf32>
    %swap3A_506 = vector.shape_cast %broadcast_in_dim3A_500 : vector<16xf32> to vector<1x16xf32>
    tpu.vector_store %arg7[%swap3A_502, %swap3A_503], %swap3A_506 {strides = array<i32>} : memref<128x16xf32, #tpu.memory_space<vmem>>, vector<1x16xf32>,
    %broadcast_in_dim3A_507 = arith.constant 1.000000e+00 : f32
    %broadcast_in_dim3A_508 = vector.broadcast %broadcast_in_dim3A_507 : f32 to vector<16xf32>
    %swap3A_509 = arith.constant 63 : i32
    %swap3A_510 = arith.index_cast %swap3A_509 : i32 to index
    %swap3A_511 = arith.constant 0 : index
    %swap3A_512 = tpu.vector_load %arg7[%swap3A_510, %swap3A_511] {strides = array<i32>} : memref<128x16xf32, #tpu.memory_space<vmem>>, vector<1x16xf32>,
    %swap3A_513 = vector.shape_cast %swap3A_512 : vector<1x16xf32> to vector<16xf32>
    %swap3A_514 = vector.shape_cast %broadcast_in_dim3A_508 : vector<16xf32> to vector<1x16xf32>
    tpu.vector_store %arg7[%swap3A_510, %swap3A_511], %swap3A_514 {strides = array<i32>} : memref<128x16xf32, #tpu.memory_space<vmem>>, vector<1x16xf32>,
    %broadcast_in_dim3A_515 = arith.constant 1.000000e+00 : f32
    %broadcast_in_dim3A_516 = vector.broadcast %broadcast_in_dim3A_515 : f32 to vector<16xf32>
    %swap3A_517 = arith.constant 64 : i32
    %swap3A_518 = arith.index_cast %swap3A_517 : i32 to index
    %swap3A_519 = arith.constant 0 : index
    %swap3A_520 = tpu.vector_load %arg7[%swap3A_518, %swap3A_519] {strides = array<i32>} : memref<128x16xf32, #tpu.memory_space<vmem>>, vector<1x16xf32>,
    %swap3A_521 = vector.shape_cast %swap3A_520 : vector<1x16xf32> to vector<16xf32>
    %swap3A_522 = vector.shape_cast %broadcast_in_dim3A_516 : vector<16xf32> to vector<1x16xf32>
    tpu.vector_store %arg7[%swap3A_518, %swap3A_519], %swap3A_522 {strides = array<i32>} : memref<128x16xf32, #tpu.memory_space<vmem>>, vector<1x16xf32>,
    %broadcast_in_dim3A_523 = arith.constant 1.000000e+00 : f32
    %broadcast_in_dim3A_524 = vector.broadcast %broadcast_in_dim3A_523 : f32 to vector<16xf32>
    %swap3A_525 = arith.constant 65 : i32
    %swap3A_526 = arith.index_cast %swap3A_525 : i32 to index
    %swap3A_527 = arith.constant 0 : index
    %swap3A_528 = tpu.vector_load %arg7[%swap3A_526, %swap3A_527] {strides = array<i32>} : memref<128x16xf32, #tpu.memory_space<vmem>>, vector<1x16xf32>,
    %swap3A_529 = vector.shape_cast %swap3A_528 : vector<1x16xf32> to vector<16xf32>
    %swap3A_530 = vector.shape_cast %broadcast_in_dim3A_524 : vector<16xf32> to vector<1x16xf32>
    tpu.vector_store %arg7[%swap3A_526, %swap3A_527], %swap3A_530 {strides = array<i32>} : memref<128x16xf32, #tpu.memory_space<vmem>>, vector<1x16xf32>,
    %broadcast_in_dim3A_531 = arith.constant 1.000000e+00 : f32
    %broadcast_in_dim3A_532 = vector.broadcast %broadcast_in_dim3A_531 : f32 to vector<16xf32>
    %swap3A_533 = arith.constant 66 : i32
    %swap3A_534 = arith.index_cast %swap3A_533 : i32 to index
    %swap3A_535 = arith.constant 0 : index
    %swap3A_536 = tpu.vector_load %arg7[%swap3A_534, %swap3A_535] {strides = array<i32>} : memref<128x16xf32, #tpu.memory_space<vmem>>, vector<1x16xf32>,
    %swap3A_537 = vector.shape_cast %swap3A_536 : vector<1x16xf32> to vector<16xf32>
    %swap3A_538 = vector.shape_cast %broadcast_in_dim3A_532 : vector<16xf32> to vector<1x16xf32>
    tpu.vector_store %arg7[%swap3A_534, %swap3A_535], %swap3A_538 {strides = array<i32>} : memref<128x16xf32, #tpu.memory_space<vmem>>, vector<1x16xf32>,
    %broadcast_in_dim3A_539 = arith.constant 1.000000e+00 : f32
    %broadcast_in_dim3A_540 = vector.broadcast %broadcast_in_dim3A_539 : f32 to vector<16xf32>
    %swap3A_541 = arith.constant 67 : i32
    %swap3A_542 = arith.index_cast %swap3A_541 : i32 to index
    %swap3A_543 = arith.constant 0 : index
    %swap3A_544 = tpu.vector_load %arg7[%swap3A_542, %swap3A_543] {strides = array<i32>} : memref<128x16xf32, #tpu.memory_space<vmem>>, vector<1x16xf32>,
    %swap3A_545 = vector.shape_cast %swap3A_544 : vector<1x16xf32> to vector<16xf32>
    %swap3A_546 = vector.shape_cast %broadcast_in_dim3A_540 : vector<16xf32> to vector<1x16xf32>
    tpu.vector_store %arg7[%swap3A_542, %swap3A_543], %swap3A_546 {strides = array<i32>} : memref<128x16xf32, #tpu.memory_space<vmem>>, vector<1x16xf32>,
    %broadcast_in_dim3A_547 = arith.constant 1.000000e+00 : f32
    %broadcast_in_dim3A_548 = vector.broadcast %broadcast_in_dim3A_547 : f32 to vector<16xf32>
    %swap3A_549 = arith.constant 68 : i32
    %swap3A_550 = arith.index_cast %swap3A_549 : i32 to index
    %swap3A_551 = arith.constant 0 : index
    %swap3A_552 = tpu.vector_load %arg7[%swap3A_550, %swap3A_551] {strides = array<i32>} : memref<128x16xf32, #tpu.memory_space<vmem>>, vector<1x16xf32>,
    %swap3A_553 = vector.shape_cast %swap3A_552 : vector<1x16xf32> to vector<16xf32>
    %swap3A_554 = vector.shape_cast %broadcast_in_dim3A_548 : vector<16xf32> to vector<1x16xf32>
    tpu.vector_store %arg7[%swap3A_550, %swap3A_551], %swap3A_554 {strides = array<i32>} : memref<128x16xf32, #tpu.memory_space<vmem>>, vector<1x16xf32>,
    %broadcast_in_dim3A_555 = arith.constant 1.000000e+00 : f32
    %broadcast_in_dim3A_556 = vector.broadcast %broadcast_in_dim3A_555 : f32 to vector<16xf32>
    %swap3A_557 = arith.constant 69 : i32
    %swap3A_558 = arith.index_cast %swap3A_557 : i32 to index
    %swap3A_559 = arith.constant 0 : index
    %swap3A_560 = tpu.vector_load %arg7[%swap3A_558, %swap3A_559] {strides = array<i32>} : memref<128x16xf32, #tpu.memory_space<vmem>>, vector<1x16xf32>,
    %swap3A_561 = vector.shape_cast %swap3A_560 : vector<1x16xf32> to vector<16xf32>
    %swap3A_562 = vector.shape_cast %broadcast_in_dim3A_556 : vector<16xf32> to vector<1x16xf32>
    tpu.vector_store %arg7[%swap3A_558, %swap3A_559], %swap3A_562 {strides = array<i32>} : memref<128x16xf32, #tpu.memory_space<vmem>>, vector<1x16xf32>,
    %broadcast_in_dim3A_563 = arith.constant 1.000000e+00 : f32
    %broadcast_in_dim3A_564 = vector.broadcast %broadcast_in_dim3A_563 : f32 to vector<16xf32>
    %swap3A_565 = arith.constant 70 : i32
    %swap3A_566 = arith.index_cast %swap3A_565 : i32 to index
    %swap3A_567 = arith.constant 0 : index
    %swap3A_568 = tpu.vector_load %arg7[%swap3A_566, %swap3A_567] {strides = array<i32>} : memref<128x16xf32, #tpu.memory_space<vmem>>, vector<1x16xf32>,
    %swap3A_569 = vector.shape_cast %swap3A_568 : vector<1x16xf32> to vector<16xf32>
    %swap3A_570 = vector.shape_cast %broadcast_in_dim3A_564 : vector<16xf32> to vector<1x16xf32>
    tpu.vector_store %arg7[%swap3A_566, %swap3A_567], %swap3A_570 {strides = array<i32>} : memref<128x16xf32, #tpu.memory_space<vmem>>, vector<1x16xf32>,
    %broadcast_in_dim3A_571 = arith.constant 1.000000e+00 : f32
    %broadcast_in_dim3A_572 = vector.broadcast %broadcast_in_dim3A_571 : f32 to vector<16xf32>
    %swap3A_573 = arith.constant 71 : i32
    %swap3A_574 = arith.index_cast %swap3A_573 : i32 to index
    %swap3A_575 = arith.constant 0 : index
    %swap3A_576 = tpu.vector_load %arg7[%swap3A_574, %swap3A_575] {strides = array<i32>} : memref<128x16xf32, #tpu.memory_space<vmem>>, vector<1x16xf32>,
    %swap3A_577 = vector.shape_cast %swap3A_576 : vector<1x16xf32> to vector<16xf32>
    %swap3A_578 = vector.shape_cast %broadcast_in_dim3A_572 : vector<16xf32> to vector<1x16xf32>
    tpu.vector_store %arg7[%swap3A_574, %swap3A_575], %swap3A_578 {strides = array<i32>} : memref<128x16xf32, #tpu.memory_space<vmem>>, vector<1x16xf32>,
    %broadcast_in_dim3A_579 = arith.constant 1.000000e+00 : f32
    %broadcast_in_dim3A_580 = vector.broadcast %broadcast_in_dim3A_579 : f32 to vector<16xf32>
    %swap3A_581 = arith.constant 72 : i32
    %swap3A_582 = arith.index_cast %swap3A_581 : i32 to index
    %swap3A_583 = arith.constant 0 : index
    %swap3A_584 = tpu.vector_load %arg7[%swap3A_582, %swap3A_583] {strides = array<i32>} : memref<128x16xf32, #tpu.memory_space<vmem>>, vector<1x16xf32>,
    %swap3A_585 = vector.shape_cast %swap3A_584 : vector<1x16xf32> to vector<16xf32>
    %swap3A_586 = vector.shape_cast %broadcast_in_dim3A_580 : vector<16xf32> to vector<1x16xf32>
    tpu.vector_store %arg7[%swap3A_582, %swap3A_583], %swap3A_586 {strides = array<i32>} : memref<128x16xf32, #tpu.memory_space<vmem>>, vector<1x16xf32>,
    %broadcast_in_dim3A_587 = arith.constant 1.000000e+00 : f32
    %broadcast_in_dim3A_588 = vector.broadcast %broadcast_in_dim3A_587 : f32 to vector<16xf32>
    %swap3A_589 = arith.constant 73 : i32
    %swap3A_590 = arith.index_cast %swap3A_589 : i32 to index
    %swap3A_591 = arith.constant 0 : index
    %swap3A_592 = tpu.vector_load %arg7[%swap3A_590, %swap3A_591] {strides = array<i32>} : memref<128x16xf32, #tpu.memory_space<vmem>>, vector<1x16xf32>,
    %swap3A_593 = vector.shape_cast %swap3A_592 : vector<1x16xf32> to vector<16xf32>
    %swap3A_594 = vector.shape_cast %broadcast_in_dim3A_588 : vector<16xf32> to vector<1x16xf32>
    tpu.vector_store %arg7[%swap3A_590, %swap3A_591], %swap3A_594 {strides = array<i32>} : memref<128x16xf32, #tpu.memory_space<vmem>>, vector<1x16xf32>,
    %broadcast_in_dim3A_595 = arith.constant 1.000000e+00 : f32
    %broadcast_in_dim3A_596 = vector.broadcast %broadcast_in_dim3A_595 : f32 to vector<16xf32>
    %swap3A_597 = arith.constant 74 : i32
    %swap3A_598 = arith.index_cast %swap3A_597 : i32 to index
    %swap3A_599 = arith.constant 0 : index
    %swap3A_600 = tpu.vector_load %arg7[%swap3A_598, %swap3A_599] {strides = array<i32>} : memref<128x16xf32, #tpu.memory_space<vmem>>, vector<1x16xf32>,
    %swap3A_601 = vector.shape_cast %swap3A_600 : vector<1x16xf32> to vector<16xf32>
    %swap3A_602 = vector.shape_cast %broadcast_in_dim3A_596 : vector<16xf32> to vector<1x16xf32>
    tpu.vector_store %arg7[%swap3A_598, %swap3A_599], %swap3A_602 {strides = array<i32>} : memref<128x16xf32, #tpu.memory_space<vmem>>, vector<1x16xf32>,
    %broadcast_in_dim3A_603 = arith.constant 1.000000e+00 : f32
    %broadcast_in_dim3A_604 = vector.broadcast %broadcast_in_dim3A_603 : f32 to vector<16xf32>
    %swap3A_605 = arith.constant 75 : i32
    %swap3A_606 = arith.index_cast %swap3A_605 : i32 to index
    %swap3A_607 = arith.constant 0 : index
    %swap3A_608 = tpu.vector_load %arg7[%swap3A_606, %swap3A_607] {strides = array<i32>} : memref<128x16xf32, #tpu.memory_space<vmem>>, vector<1x16xf32>,
    %swap3A_609 = vector.shape_cast %swap3A_608 : vector<1x16xf32> to vector<16xf32>
    %swap3A_610 = vector.shape_cast %broadcast_in_dim3A_604 : vector<16xf32> to vector<1x16xf32>
    tpu.vector_store %arg7[%swap3A_606, %swap3A_607], %swap3A_610 {strides = array<i32>} : memref<128x16xf32, #tpu.memory_space<vmem>>, vector<1x16xf32>,
    %broadcast_in_dim3A_611 = arith.constant 1.000000e+00 : f32
    %broadcast_in_dim3A_612 = vector.broadcast %broadcast_in_dim3A_611 : f32 to vector<16xf32>
    %swap3A_613 = arith.constant 76 : i32
    %swap3A_614 = arith.index_cast %swap3A_613 : i32 to index
    %swap3A_615 = arith.constant 0 : index
    %swap3A_616 = tpu.vector_load %arg7[%swap3A_614, %swap3A_615] {strides = array<i32>} : memref<128x16xf32, #tpu.memory_space<vmem>>, vector<1x16xf32>,
    %swap3A_617 = vector.shape_cast %swap3A_616 : vector<1x16xf32> to vector<16xf32>
    %swap3A_618 = vector.shape_cast %broadcast_in_dim3A_612 : vector<16xf32> to vector<1x16xf32>
    tpu.vector_store %arg7[%swap3A_614, %swap3A_615], %swap3A_618 {strides = array<i32>} : memref<128x16xf32, #tpu.memory_space<vmem>>, vector<1x16xf32>,
    %broadcast_in_dim3A_619 = arith.constant 1.000000e+00 : f32
    %broadcast_in_dim3A_620 = vector.broadcast %broadcast_in_dim3A_619 : f32 to vector<16xf32>
    %swap3A_621 = arith.constant 77 : i32
    %swap3A_622 = arith.index_cast %swap3A_621 : i32 to index
    %swap3A_623 = arith.constant 0 : index
    %swap3A_624 = tpu.vector_load %arg7[%swap3A_622, %swap3A_623] {strides = array<i32>} : memref<128x16xf32, #tpu.memory_space<vmem>>, vector<1x16xf32>,
    %swap3A_625 = vector.shape_cast %swap3A_624 : vector<1x16xf32> to vector<16xf32>
    %swap3A_626 = vector.shape_cast %broadcast_in_dim3A_620 : vector<16xf32> to vector<1x16xf32>
    tpu.vector_store %arg7[%swap3A_622, %swap3A_623], %swap3A_626 {strides = array<i32>} : memref<128x16xf32, #tpu.memory_space<vmem>>, vector<1x16xf32>,
    %broadcast_in_dim3A_627 = arith.constant 1.000000e+00 : f32
    %broadcast_in_dim3A_628 = vector.broadcast %broadcast_in_dim3A_627 : f32 to vector<16xf32>
    %swap3A_629 = arith.constant 78 : i32
    %swap3A_630 = arith.index_cast %swap3A_629 : i32 to index
    %swap3A_631 = arith.constant 0 : index
    %swap3A_632 = tpu.vector_load %arg7[%swap3A_630, %swap3A_631] {strides = array<i32>} : memref<128x16xf32, #tpu.memory_space<vmem>>, vector<1x16xf32>,
    %swap3A_633 = vector.shape_cast %swap3A_632 : vector<1x16xf32> to vector<16xf32>
    %swap3A_634 = vector.shape_cast %broadcast_in_dim3A_628 : vector<16xf32> to vector<1x16xf32>
    tpu.vector_store %arg7[%swap3A_630, %swap3A_631], %swap3A_634 {strides = array<i32>} : memref<128x16xf32, #tpu.memory_space<vmem>>, vector<1x16xf32>,
    %broadcast_in_dim3A_635 = arith.constant 1.000000e+00 : f32
    %broadcast_in_dim3A_636 = vector.broadcast %broadcast_in_dim3A_635 : f32 to vector<16xf32>
    %swap3A_637 = arith.constant 79 : i32
    %swap3A_638 = arith.index_cast %swap3A_637 : i32 to index
    %swap3A_639 = arith.constant 0 : index
    %swap3A_640 = tpu.vector_load %arg7[%swap3A_638, %swap3A_639] {strides = array<i32>} : memref<128x16xf32, #tpu.memory_space<vmem>>, vector<1x16xf32>,
    %swap3A_641 = vector.shape_cast %swap3A_640 : vector<1x16xf32> to vector<16xf32>
    %swap3A_642 = vector.shape_cast %broadcast_in_dim3A_636 : vector<16xf32> to vector<1x16xf32>
    tpu.vector_store %arg7[%swap3A_638, %swap3A_639], %swap3A_642 {strides = array<i32>} : memref<128x16xf32, #tpu.memory_space<vmem>>, vector<1x16xf32>,
    %broadcast_in_dim3A_643 = arith.constant 1.000000e+00 : f32
    %broadcast_in_dim3A_644 = vector.broadcast %broadcast_in_dim3A_643 : f32 to vector<16xf32>
    %swap3A_645 = arith.constant 80 : i32
    %swap3A_646 = arith.index_cast %swap3A_645 : i32 to index
    %swap3A_647 = arith.constant 0 : index
    %swap3A_648 = tpu.vector_load %arg7[%swap3A_646, %swap3A_647] {strides = array<i32>} : memref<128x16xf32, #tpu.memory_space<vmem>>, vector<1x16xf32>,
    %swap3A_649 = vector.shape_cast %swap3A_648 : vector<1x16xf32> to vector<16xf32>
    %swap3A_650 = vector.shape_cast %broadcast_in_dim3A_644 : vector<16xf32> to vector<1x16xf32>
    tpu.vector_store %arg7[%swap3A_646, %swap3A_647], %swap3A_650 {strides = array<i32>} : memref<128x16xf32, #tpu.memory_space<vmem>>, vector<1x16xf32>,
    %broadcast_in_dim3A_651 = arith.constant 1.000000e+00 : f32
    %broadcast_in_dim3A_652 = vector.broadcast %broadcast_in_dim3A_651 : f32 to vector<16xf32>
    %swap3A_653 = arith.constant 81 : i32
    %swap3A_654 = arith.index_cast %swap3A_653 : i32 to index
    %swap3A_655 = arith.constant 0 : index
    %swap3A_656 = tpu.vector_load %arg7[%swap3A_654, %swap3A_655] {strides = array<i32>} : memref<128x16xf32, #tpu.memory_space<vmem>>, vector<1x16xf32>,
    %swap3A_657 = vector.shape_cast %swap3A_656 : vector<1x16xf32> to vector<16xf32>
    %swap3A_658 = vector.shape_cast %broadcast_in_dim3A_652 : vector<16xf32> to vector<1x16xf32>
    tpu.vector_store %arg7[%swap3A_654, %swap3A_655], %swap3A_658 {strides = array<i32>} : memref<128x16xf32, #tpu.memory_space<vmem>>, vector<1x16xf32>,
    %broadcast_in_dim3A_659 = arith.constant 1.000000e+00 : f32
    %broadcast_in_dim3A_660 = vector.broadcast %broadcast_in_dim3A_659 : f32 to vector<16xf32>
    %swap3A_661 = arith.constant 82 : i32
    %swap3A_662 = arith.index_cast %swap3A_661 : i32 to index
    %swap3A_663 = arith.constant 0 : index
    %swap3A_664 = tpu.vector_load %arg7[%swap3A_662, %swap3A_663] {strides = array<i32>} : memref<128x16xf32, #tpu.memory_space<vmem>>, vector<1x16xf32>,
    %swap3A_665 = vector.shape_cast %swap3A_664 : vector<1x16xf32> to vector<16xf32>
    %swap3A_666 = vector.shape_cast %broadcast_in_dim3A_660 : vector<16xf32> to vector<1x16xf32>
    tpu.vector_store %arg7[%swap3A_662, %swap3A_663], %swap3A_666 {strides = array<i32>} : memref<128x16xf32, #tpu.memory_space<vmem>>, vector<1x16xf32>,
    %broadcast_in_dim3A_667 = arith.constant 1.000000e+00 : f32
    %broadcast_in_dim3A_668 = vector.broadcast %broadcast_in_dim3A_667 : f32 to vector<16xf32>
    %swap3A_669 = arith.constant 83 : i32
    %swap3A_670 = arith.index_cast %swap3A_669 : i32 to index
    %swap3A_671 = arith.constant 0 : index
    %swap3A_672 = tpu.vector_load %arg7[%swap3A_670, %swap3A_671] {strides = array<i32>} : memref<128x16xf32, #tpu.memory_space<vmem>>, vector<1x16xf32>,
    %swap3A_673 = vector.shape_cast %swap3A_672 : vector<1x16xf32> to vector<16xf32>
    %swap3A_674 = vector.shape_cast %broadcast_in_dim3A_668 : vector<16xf32> to vector<1x16xf32>
    tpu.vector_store %arg7[%swap3A_670, %swap3A_671], %swap3A_674 {strides = array<i32>} : memref<128x16xf32, #tpu.memory_space<vmem>>, vector<1x16xf32>,
    %broadcast_in_dim3A_675 = arith.constant 1.000000e+00 : f32
    %broadcast_in_dim3A_676 = vector.broadcast %broadcast_in_dim3A_675 : f32 to vector<16xf32>
    %swap3A_677 = arith.constant 84 : i32
    %swap3A_678 = arith.index_cast %swap3A_677 : i32 to index
    %swap3A_679 = arith.constant 0 : index
    %swap3A_680 = tpu.vector_load %arg7[%swap3A_678, %swap3A_679] {strides = array<i32>} : memref<128x16xf32, #tpu.memory_space<vmem>>, vector<1x16xf32>,
    %swap3A_681 = vector.shape_cast %swap3A_680 : vector<1x16xf32> to vector<16xf32>
    %swap3A_682 = vector.shape_cast %broadcast_in_dim3A_676 : vector<16xf32> to vector<1x16xf32>
    tpu.vector_store %arg7[%swap3A_678, %swap3A_679], %swap3A_682 {strides = array<i32>} : memref<128x16xf32, #tpu.memory_space<vmem>>, vector<1x16xf32>,
    %broadcast_in_dim3A_683 = arith.constant 1.000000e+00 : f32
    %broadcast_in_dim3A_684 = vector.broadcast %broadcast_in_dim3A_683 : f32 to vector<16xf32>
    %swap3A_685 = arith.constant 85 : i32
    %swap3A_686 = arith.index_cast %swap3A_685 : i32 to index
    %swap3A_687 = arith.constant 0 : index
    %swap3A_688 = tpu.vector_load %arg7[%swap3A_686, %swap3A_687] {strides = array<i32>} : memref<128x16xf32, #tpu.memory_space<vmem>>, vector<1x16xf32>,
    %swap3A_689 = vector.shape_cast %swap3A_688 : vector<1x16xf32> to vector<16xf32>
    %swap3A_690 = vector.shape_cast %broadcast_in_dim3A_684 : vector<16xf32> to vector<1x16xf32>
    tpu.vector_store %arg7[%swap3A_686, %swap3A_687], %swap3A_690 {strides = array<i32>} : memref<128x16xf32, #tpu.memory_space<vmem>>, vector<1x16xf32>,
    %broadcast_in_dim3A_691 = arith.constant 1.000000e+00 : f32
    %broadcast_in_dim3A_692 = vector.broadcast %broadcast_in_dim3A_691 : f32 to vector<16xf32>
    %swap3A_693 = arith.constant 86 : i32
    %swap3A_694 = arith.index_cast %swap3A_693 : i32 to index
    %swap3A_695 = arith.constant 0 : index
    %swap3A_696 = tpu.vector_load %arg7[%swap3A_694, %swap3A_695] {strides = array<i32>} : memref<128x16xf32, #tpu.memory_space<vmem>>, vector<1x16xf32>,
    %swap3A_697 = vector.shape_cast %swap3A_696 : vector<1x16xf32> to vector<16xf32>
    %swap3A_698 = vector.shape_cast %broadcast_in_dim3A_692 : vector<16xf32> to vector<1x16xf32>
    tpu.vector_store %arg7[%swap3A_694, %swap3A_695], %swap3A_698 {strides = array<i32>} : memref<128x16xf32, #tpu.memory_space<vmem>>, vector<1x16xf32>,
    %broadcast_in_dim3A_699 = arith.constant 1.000000e+00 : f32
    %broadcast_in_dim3A_700 = vector.broadcast %broadcast_in_dim3A_699 : f32 to vector<16xf32>
    %swap3A_701 = arith.constant 87 : i32
    %swap3A_702 = arith.index_cast %swap3A_701 : i32 to index
    %swap3A_703 = arith.constant 0 : index
    %swap3A_704 = tpu.vector_load %arg7[%swap3A_702, %swap3A_703] {strides = array<i32>} : memref<128x16xf32, #tpu.memory_space<vmem>>, vector<1x16xf32>,
    %swap3A_705 = vector.shape_cast %swap3A_704 : vector<1x16xf32> to vector<16xf32>
    %swap3A_706 = vector.shape_cast %broadcast_in_dim3A_700 : vector<16xf32> to vector<1x16xf32>
    tpu.vector_store %arg7[%swap3A_702, %swap3A_703], %swap3A_706 {strides = array<i32>} : memref<128x16xf32, #tpu.memory_space<vmem>>, vector<1x16xf32>,
    %broadcast_in_dim3A_707 = arith.constant 1.000000e+00 : f32
    %broadcast_in_dim3A_708 = vector.broadcast %broadcast_in_dim3A_707 : f32 to vector<16xf32>
    %swap3A_709 = arith.constant 88 : i32
    %swap3A_710 = arith.index_cast %swap3A_709 : i32 to index
    %swap3A_711 = arith.constant 0 : index
    %swap3A_712 = tpu.vector_load %arg7[%swap3A_710, %swap3A_711] {strides = array<i32>} : memref<128x16xf32, #tpu.memory_space<vmem>>, vector<1x16xf32>,
    %swap3A_713 = vector.shape_cast %swap3A_712 : vector<1x16xf32> to vector<16xf32>
    %swap3A_714 = vector.shape_cast %broadcast_in_dim3A_708 : vector<16xf32> to vector<1x16xf32>
    tpu.vector_store %arg7[%swap3A_710, %swap3A_711], %swap3A_714 {strides = array<i32>} : memref<128x16xf32, #tpu.memory_space<vmem>>, vector<1x16xf32>,
    %broadcast_in_dim3A_715 = arith.constant 1.000000e+00 : f32
    %broadcast_in_dim3A_716 = vector.broadcast %broadcast_in_dim3A_715 : f32 to vector<16xf32>
    %swap3A_717 = arith.constant 89 : i32
    %swap3A_718 = arith.index_cast %swap3A_717 : i32 to index
    %swap3A_719 = arith.constant 0 : index
    %swap3A_720 = tpu.vector_load %arg7[%swap3A_718, %swap3A_719] {strides = array<i32>} : memref<128x16xf32, #tpu.memory_space<vmem>>, vector<1x16xf32>,
    %swap3A_721 = vector.shape_cast %swap3A_720 : vector<1x16xf32> to vector<16xf32>
    %swap3A_722 = vector.shape_cast %broadcast_in_dim3A_716 : vector<16xf32> to vector<1x16xf32>
    tpu.vector_store %arg7[%swap3A_718, %swap3A_719], %swap3A_722 {strides = array<i32>} : memref<128x16xf32, #tpu.memory_space<vmem>>, vector<1x16xf32>,
    %broadcast_in_dim3A_723 = arith.constant 1.000000e+00 : f32
    %broadcast_in_dim3A_724 = vector.broadcast %broadcast_in_dim3A_723 : f32 to vector<16xf32>
    %swap3A_725 = arith.constant 90 : i32
    %swap3A_726 = arith.index_cast %swap3A_725 : i32 to index
    %swap3A_727 = arith.constant 0 : index
    %swap3A_728 = tpu.vector_load %arg7[%swap3A_726, %swap3A_727] {strides = array<i32>} : memref<128x16xf32, #tpu.memory_space<vmem>>, vector<1x16xf32>,
    %swap3A_729 = vector.shape_cast %swap3A_728 : vector<1x16xf32> to vector<16xf32>
    %swap3A_730 = vector.shape_cast %broadcast_in_dim3A_724 : vector<16xf32> to vector<1x16xf32>
    tpu.vector_store %arg7[%swap3A_726, %swap3A_727], %swap3A_730 {strides = array<i32>} : memref<128x16xf32, #tpu.memory_space<vmem>>, vector<1x16xf32>,
    %broadcast_in_dim3A_731 = arith.constant 1.000000e+00 : f32
    %broadcast_in_dim3A_732 = vector.broadcast %broadcast_in_dim3A_731 : f32 to vector<16xf32>
    %swap3A_733 = arith.constant 91 : i32
    %swap3A_734 = arith.index_cast %swap3A_733 : i32 to index
    %swap3A_735 = arith.constant 0 : index
    %swap3A_736 = tpu.vector_load %arg7[%swap3A_734, %swap3A_735] {strides = array<i32>} : memref<128x16xf32, #tpu.memory_space<vmem>>, vector<1x16xf32>,
    %swap3A_737 = vector.shape_cast %swap3A_736 : vector<1x16xf32> to vector<16xf32>
    %swap3A_738 = vector.shape_cast %broadcast_in_dim3A_732 : vector<16xf32> to vector<1x16xf32>
    tpu.vector_store %arg7[%swap3A_734, %swap3A_735], %swap3A_738 {strides = array<i32>} : memref<128x16xf32, #tpu.memory_space<vmem>>, vector<1x16xf32>,
    %broadcast_in_dim3A_739 = arith.constant 1.000000e+00 : f32
    %broadcast_in_dim3A_740 = vector.broadcast %broadcast_in_dim3A_739 : f32 to vector<16xf32>
    %swap3A_741 = arith.constant 92 : i32
    %swap3A_742 = arith.index_cast %swap3A_741 : i32 to index
    %swap3A_743 = arith.constant 0 : index
    %swap3A_744 = tpu.vector_load %arg7[%swap3A_742, %swap3A_743] {strides = array<i32>} : memref<128x16xf32, #tpu.memory_space<vmem>>, vector<1x16xf32>,
    %swap3A_745 = vector.shape_cast %swap3A_744 : vector<1x16xf32> to vector<16xf32>
    %swap3A_746 = vector.shape_cast %broadcast_in_dim3A_740 : vector<16xf32> to vector<1x16xf32>
    tpu.vector_store %arg7[%swap3A_742, %swap3A_743], %swap3A_746 {strides = array<i32>} : memref<128x16xf32, #tpu.memory_space<vmem>>, vector<1x16xf32>,
    %broadcast_in_dim3A_747 = arith.constant 1.000000e+00 : f32
    %broadcast_in_dim3A_748 = vector.broadcast %broadcast_in_dim3A_747 : f32 to vector<16xf32>
    %swap3A_749 = arith.constant 93 : i32
    %swap3A_750 = arith.index_cast %swap3A_749 : i32 to index
    %swap3A_751 = arith.constant 0 : index
    %swap3A_752 = tpu.vector_load %arg7[%swap3A_750, %swap3A_751] {strides = array<i32>} : memref<128x16xf32, #tpu.memory_space<vmem>>, vector<1x16xf32>,
    %swap3A_753 = vector.shape_cast %swap3A_752 : vector<1x16xf32> to vector<16xf32>
    %swap3A_754 = vector.shape_cast %broadcast_in_dim3A_748 : vector<16xf32> to vector<1x16xf32>
    tpu.vector_store %arg7[%swap3A_750, %swap3A_751], %swap3A_754 {strides = array<i32>} : memref<128x16xf32, #tpu.memory_space<vmem>>, vector<1x16xf32>,
    %broadcast_in_dim3A_755 = arith.constant 1.000000e+00 : f32
    %broadcast_in_dim3A_756 = vector.broadcast %broadcast_in_dim3A_755 : f32 to vector<16xf32>
    %swap3A_757 = arith.constant 94 : i32
    %swap3A_758 = arith.index_cast %swap3A_757 : i32 to index
    %swap3A_759 = arith.constant 0 : index
    %swap3A_760 = tpu.vector_load %arg7[%swap3A_758, %swap3A_759] {strides = array<i32>} : memref<128x16xf32, #tpu.memory_space<vmem>>, vector<1x16xf32>,
    %swap3A_761 = vector.shape_cast %swap3A_760 : vector<1x16xf32> to vector<16xf32>
    %swap3A_762 = vector.shape_cast %broadcast_in_dim3A_756 : vector<16xf32> to vector<1x16xf32>
    tpu.vector_store %arg7[%swap3A_758, %swap3A_759], %swap3A_762 {strides = array<i32>} : memref<128x16xf32, #tpu.memory_space<vmem>>, vector<1x16xf32>,
    %broadcast_in_dim3A_763 = arith.constant 1.000000e+00 : f32
    %broadcast_in_dim3A_764 = vector.broadcast %broadcast_in_dim3A_763 : f32 to vector<16xf32>
    %swap3A_765 = arith.constant 95 : i32
    %swap3A_766 = arith.index_cast %swap3A_765 : i32 to index
    %swap3A_767 = arith.constant 0 : index
    %swap3A_768 = tpu.vector_load %arg7[%swap3A_766, %swap3A_767] {strides = array<i32>} : memref<128x16xf32, #tpu.memory_space<vmem>>, vector<1x16xf32>,
    %swap3A_769 = vector.shape_cast %swap3A_768 : vector<1x16xf32> to vector<16xf32>
    %swap3A_770 = vector.shape_cast %broadcast_in_dim3A_764 : vector<16xf32> to vector<1x16xf32>
    tpu.vector_store %arg7[%swap3A_766, %swap3A_767], %swap3A_770 {strides = array<i32>} : memref<128x16xf32, #tpu.memory_space<vmem>>, vector<1x16xf32>,
    %broadcast_in_dim3A_771 = arith.constant 1.000000e+00 : f32
    %broadcast_in_dim3A_772 = vector.broadcast %broadcast_in_dim3A_771 : f32 to vector<16xf32>
    %swap3A_773 = arith.constant 96 : i32
    %swap3A_774 = arith.index_cast %swap3A_773 : i32 to index
    %swap3A_775 = arith.constant 0 : index
    %swap3A_776 = tpu.vector_load %arg7[%swap3A_774, %swap3A_775] {strides = array<i32>} : memref<128x16xf32, #tpu.memory_space<vmem>>, vector<1x16xf32>,
    %swap3A_777 = vector.shape_cast %swap3A_776 : vector<1x16xf32> to vector<16xf32>
    %swap3A_778 = vector.shape_cast %broadcast_in_dim3A_772 : vector<16xf32> to vector<1x16xf32>
    tpu.vector_store %arg7[%swap3A_774, %swap3A_775], %swap3A_778 {strides = array<i32>} : memref<128x16xf32, #tpu.memory_space<vmem>>, vector<1x16xf32>,
    %broadcast_in_dim3A_779 = arith.constant 1.000000e+00 : f32
    %broadcast_in_dim3A_780 = vector.broadcast %broadcast_in_dim3A_779 : f32 to vector<16xf32>
    %swap3A_781 = arith.constant 97 : i32
    %swap3A_782 = arith.index_cast %swap3A_781 : i32 to index
    %swap3A_783 = arith.constant 0 : index
    %swap3A_784 = tpu.vector_load %arg7[%swap3A_782, %swap3A_783] {strides = array<i32>} : memref<128x16xf32, #tpu.memory_space<vmem>>, vector<1x16xf32>,
    %swap3A_785 = vector.shape_cast %swap3A_784 : vector<1x16xf32> to vector<16xf32>
    %swap3A_786 = vector.shape_cast %broadcast_in_dim3A_780 : vector<16xf32> to vector<1x16xf32>
    tpu.vector_store %arg7[%swap3A_782, %swap3A_783], %swap3A_786 {strides = array<i32>} : memref<128x16xf32, #tpu.memory_space<vmem>>, vector<1x16xf32>,
    %broadcast_in_dim3A_787 = arith.constant 1.000000e+00 : f32
    %broadcast_in_dim3A_788 = vector.broadcast %broadcast_in_dim3A_787 : f32 to vector<16xf32>
    %swap3A_789 = arith.constant 98 : i32
    %swap3A_790 = arith.index_cast %swap3A_789 : i32 to index
    %swap3A_791 = arith.constant 0 : index
    %swap3A_792 = tpu.vector_load %arg7[%swap3A_790, %swap3A_791] {strides = array<i32>} : memref<128x16xf32, #tpu.memory_space<vmem>>, vector<1x16xf32>,
    %swap3A_793 = vector.shape_cast %swap3A_792 : vector<1x16xf32> to vector<16xf32>
    %swap3A_794 = vector.shape_cast %broadcast_in_dim3A_788 : vector<16xf32> to vector<1x16xf32>
    tpu.vector_store %arg7[%swap3A_790, %swap3A_791], %swap3A_794 {strides = array<i32>} : memref<128x16xf32, #tpu.memory_space<vmem>>, vector<1x16xf32>,
    %broadcast_in_dim3A_795 = arith.constant 1.000000e+00 : f32
    %broadcast_in_dim3A_796 = vector.broadcast %broadcast_in_dim3A_795 : f32 to vector<16xf32>
    %swap3A_797 = arith.constant 99 : i32
    %swap3A_798 = arith.index_cast %swap3A_797 : i32 to index
    %swap3A_799 = arith.constant 0 : index
    %swap3A_800 = tpu.vector_load %arg7[%swap3A_798, %swap3A_799] {strides = array<i32>} : memref<128x16xf32, #tpu.memory_space<vmem>>, vector<1x16xf32>,
    %swap3A_801 = vector.shape_cast %swap3A_800 : vector<1x16xf32> to vector<16xf32>
    %swap3A_802 = vector.shape_cast %broadcast_in_dim3A_796 : vector<16xf32> to vector<1x16xf32>
    tpu.vector_store %arg7[%swap3A_798, %swap3A_799], %swap3A_802 {strides = array<i32>} : memref<128x16xf32, #tpu.memory_space<vmem>>, vector<1x16xf32>,
    %broadcast_in_dim3A_803 = arith.constant 1.000000e+00 : f32
    %broadcast_in_dim3A_804 = vector.broadcast %broadcast_in_dim3A_803 : f32 to vector<16xf32>
    %swap3A_805 = arith.constant 100 : i32
    %swap3A_806 = arith.index_cast %swap3A_805 : i32 to index
    %swap3A_807 = arith.constant 0 : index
    %swap3A_808 = tpu.vector_load %arg7[%swap3A_806, %swap3A_807] {strides = array<i32>} : memref<128x16xf32, #tpu.memory_space<vmem>>, vector<1x16xf32>,
    %swap3A_809 = vector.shape_cast %swap3A_808 : vector<1x16xf32> to vector<16xf32>
    %swap3A_810 = vector.shape_cast %broadcast_in_dim3A_804 : vector<16xf32> to vector<1x16xf32>
    tpu.vector_store %arg7[%swap3A_806, %swap3A_807], %swap3A_810 {strides = array<i32>} : memref<128x16xf32, #tpu.memory_space<vmem>>, vector<1x16xf32>,
    %broadcast_in_dim3A_811 = arith.constant 1.000000e+00 : f32
    %broadcast_in_dim3A_812 = vector.broadcast %broadcast_in_dim3A_811 : f32 to vector<16xf32>
    %swap3A_813 = arith.constant 101 : i32
    %swap3A_814 = arith.index_cast %swap3A_813 : i32 to index
    %swap3A_815 = arith.constant 0 : index
    %swap3A_816 = tpu.vector_load %arg7[%swap3A_814, %swap3A_815] {strides = array<i32>} : memref<128x16xf32, #tpu.memory_space<vmem>>, vector<1x16xf32>,
    %swap3A_817 = vector.shape_cast %swap3A_816 : vector<1x16xf32> to vector<16xf32>
    %swap3A_818 = vector.shape_cast %broadcast_in_dim3A_812 : vector<16xf32> to vector<1x16xf32>
    tpu.vector_store %arg7[%swap3A_814, %swap3A_815], %swap3A_818 {strides = array<i32>} : memref<128x16xf32, #tpu.memory_space<vmem>>, vector<1x16xf32>,
    %broadcast_in_dim3A_819 = arith.constant 1.000000e+00 : f32
    %broadcast_in_dim3A_820 = vector.broadcast %broadcast_in_dim3A_819 : f32 to vector<16xf32>
    %swap3A_821 = arith.constant 102 : i32
    %swap3A_822 = arith.index_cast %swap3A_821 : i32 to index
    %swap3A_823 = arith.constant 0 : index
    %swap3A_824 = tpu.vector_load %arg7[%swap3A_822, %swap3A_823] {strides = array<i32>} : memref<128x16xf32, #tpu.memory_space<vmem>>, vector<1x16xf32>,
    %swap3A_825 = vector.shape_cast %swap3A_824 : vector<1x16xf32> to vector<16xf32>
    %swap3A_826 = vector.shape_cast %broadcast_in_dim3A_820 : vector<16xf32> to vector<1x16xf32>
    tpu.vector_store %arg7[%swap3A_822, %swap3A_823], %swap3A_826 {strides = array<i32>} : memref<128x16xf32, #tpu.memory_space<vmem>>, vector<1x16xf32>,
    %broadcast_in_dim3A_827 = arith.constant 1.000000e+00 : f32
    %broadcast_in_dim3A_828 = vector.broadcast %broadcast_in_dim3A_827 : f32 to vector<16xf32>
    %swap3A_829 = arith.constant 103 : i32
    %swap3A_830 = arith.index_cast %swap3A_829 : i32 to index
    %swap3A_831 = arith.constant 0 : index
    %swap3A_832 = tpu.vector_load %arg7[%swap3A_830, %swap3A_831] {strides = array<i32>} : memref<128x16xf32, #tpu.memory_space<vmem>>, vector<1x16xf32>,
    %swap3A_833 = vector.shape_cast %swap3A_832 : vector<1x16xf32> to vector<16xf32>
    %swap3A_834 = vector.shape_cast %broadcast_in_dim3A_828 : vector<16xf32> to vector<1x16xf32>
    tpu.vector_store %arg7[%swap3A_830, %swap3A_831], %swap3A_834 {strides = array<i32>} : memref<128x16xf32, #tpu.memory_space<vmem>>, vector<1x16xf32>,
    %broadcast_in_dim3A_835 = arith.constant 1.000000e+00 : f32
    %broadcast_in_dim3A_836 = vector.broadcast %broadcast_in_dim3A_835 : f32 to vector<16xf32>
    %swap3A_837 = arith.constant 104 : i32
    %swap3A_838 = arith.index_cast %swap3A_837 : i32 to index
    %swap3A_839 = arith.constant 0 : index
    %swap3A_840 = tpu.vector_load %arg7[%swap3A_838, %swap3A_839] {strides = array<i32>} : memref<128x16xf32, #tpu.memory_space<vmem>>, vector<1x16xf32>,
    %swap3A_841 = vector.shape_cast %swap3A_840 : vector<1x16xf32> to vector<16xf32>
    %swap3A_842 = vector.shape_cast %broadcast_in_dim3A_836 : vector<16xf32> to vector<1x16xf32>
    tpu.vector_store %arg7[%swap3A_838, %swap3A_839], %swap3A_842 {strides = array<i32>} : memref<128x16xf32, #tpu.memory_space<vmem>>, vector<1x16xf32>,
    %broadcast_in_dim3A_843 = arith.constant 1.000000e+00 : f32
    %broadcast_in_dim3A_844 = vector.broadcast %broadcast_in_dim3A_843 : f32 to vector<16xf32>
    %swap3A_845 = arith.constant 105 : i32
    %swap3A_846 = arith.index_cast %swap3A_845 : i32 to index
    %swap3A_847 = arith.constant 0 : index
    %swap3A_848 = tpu.vector_load %arg7[%swap3A_846, %swap3A_847] {strides = array<i32>} : memref<128x16xf32, #tpu.memory_space<vmem>>, vector<1x16xf32>,
    %swap3A_849 = vector.shape_cast %swap3A_848 : vector<1x16xf32> to vector<16xf32>
    %swap3A_850 = vector.shape_cast %broadcast_in_dim3A_844 : vector<16xf32> to vector<1x16xf32>
    tpu.vector_store %arg7[%swap3A_846, %swap3A_847], %swap3A_850 {strides = array<i32>} : memref<128x16xf32, #tpu.memory_space<vmem>>, vector<1x16xf32>,
    %broadcast_in_dim3A_851 = arith.constant 1.000000e+00 : f32
    %broadcast_in_dim3A_852 = vector.broadcast %broadcast_in_dim3A_851 : f32 to vector<16xf32>
    %swap3A_853 = arith.constant 106 : i32
    %swap3A_854 = arith.index_cast %swap3A_853 : i32 to index
    %swap3A_855 = arith.constant 0 : index
    %swap3A_856 = tpu.vector_load %arg7[%swap3A_854, %swap3A_855] {strides = array<i32>} : memref<128x16xf32, #tpu.memory_space<vmem>>, vector<1x16xf32>,
    %swap3A_857 = vector.shape_cast %swap3A_856 : vector<1x16xf32> to vector<16xf32>
    %swap3A_858 = vector.shape_cast %broadcast_in_dim3A_852 : vector<16xf32> to vector<1x16xf32>
    tpu.vector_store %arg7[%swap3A_854, %swap3A_855], %swap3A_858 {strides = array<i32>} : memref<128x16xf32, #tpu.memory_space<vmem>>, vector<1x16xf32>,
    %broadcast_in_dim3A_859 = arith.constant 1.000000e+00 : f32
    %broadcast_in_dim3A_860 = vector.broadcast %broadcast_in_dim3A_859 : f32 to vector<16xf32>
    %swap3A_861 = arith.constant 107 : i32
    %swap3A_862 = arith.index_cast %swap3A_861 : i32 to index
    %swap3A_863 = arith.constant 0 : index
    %swap3A_864 = tpu.vector_load %arg7[%swap3A_862, %swap3A_863] {strides = array<i32>} : memref<128x16xf32, #tpu.memory_space<vmem>>, vector<1x16xf32>,
    %swap3A_865 = vector.shape_cast %swap3A_864 : vector<1x16xf32> to vector<16xf32>
    %swap3A_866 = vector.shape_cast %broadcast_in_dim3A_860 : vector<16xf32> to vector<1x16xf32>
    tpu.vector_store %arg7[%swap3A_862, %swap3A_863], %swap3A_866 {strides = array<i32>} : memref<128x16xf32, #tpu.memory_space<vmem>>, vector<1x16xf32>,
    %broadcast_in_dim3A_867 = arith.constant 1.000000e+00 : f32
    %broadcast_in_dim3A_868 = vector.broadcast %broadcast_in_dim3A_867 : f32 to vector<16xf32>
    %swap3A_869 = arith.constant 108 : i32
    %swap3A_870 = arith.index_cast %swap3A_869 : i32 to index
    %swap3A_871 = arith.constant 0 : index
    %swap3A_872 = tpu.vector_load %arg7[%swap3A_870, %swap3A_871] {strides = array<i32>} : memref<128x16xf32, #tpu.memory_space<vmem>>, vector<1x16xf32>,
    %swap3A_873 = vector.shape_cast %swap3A_872 : vector<1x16xf32> to vector<16xf32>
    %swap3A_874 = vector.shape_cast %broadcast_in_dim3A_868 : vector<16xf32> to vector<1x16xf32>
    tpu.vector_store %arg7[%swap3A_870, %swap3A_871], %swap3A_874 {strides = array<i32>} : memref<128x16xf32, #tpu.memory_space<vmem>>, vector<1x16xf32>,
    %broadcast_in_dim3A_875 = arith.constant 1.000000e+00 : f32
    %broadcast_in_dim3A_876 = vector.broadcast %broadcast_in_dim3A_875 : f32 to vector<16xf32>
    %swap3A_877 = arith.constant 109 : i32
    %swap3A_878 = arith.index_cast %swap3A_877 : i32 to index
    %swap3A_879 = arith.constant 0 : index
    %swap3A_880 = tpu.vector_load %arg7[%swap3A_878, %swap3A_879] {strides = array<i32>} : memref<128x16xf32, #tpu.memory_space<vmem>>, vector<1x16xf32>,
    %swap3A_881 = vector.shape_cast %swap3A_880 : vector<1x16xf32> to vector<16xf32>
    %swap3A_882 = vector.shape_cast %broadcast_in_dim3A_876 : vector<16xf32> to vector<1x16xf32>
    tpu.vector_store %arg7[%swap3A_878, %swap3A_879], %swap3A_882 {strides = array<i32>} : memref<128x16xf32, #tpu.memory_space<vmem>>, vector<1x16xf32>,
    %broadcast_in_dim3A_883 = arith.constant 1.000000e+00 : f32
    %broadcast_in_dim3A_884 = vector.broadcast %broadcast_in_dim3A_883 : f32 to vector<16xf32>
    %swap3A_885 = arith.constant 110 : i32
    %swap3A_886 = arith.index_cast %swap3A_885 : i32 to index
    %swap3A_887 = arith.constant 0 : index
    %swap3A_888 = tpu.vector_load %arg7[%swap3A_886, %swap3A_887] {strides = array<i32>} : memref<128x16xf32, #tpu.memory_space<vmem>>, vector<1x16xf32>,
    %swap3A_889 = vector.shape_cast %swap3A_888 : vector<1x16xf32> to vector<16xf32>
    %swap3A_890 = vector.shape_cast %broadcast_in_dim3A_884 : vector<16xf32> to vector<1x16xf32>
    tpu.vector_store %arg7[%swap3A_886, %swap3A_887], %swap3A_890 {strides = array<i32>} : memref<128x16xf32, #tpu.memory_space<vmem>>, vector<1x16xf32>,
    %broadcast_in_dim3A_891 = arith.constant 1.000000e+00 : f32
    %broadcast_in_dim3A_892 = vector.broadcast %broadcast_in_dim3A_891 : f32 to vector<16xf32>
    %swap3A_893 = arith.constant 111 : i32
    %swap3A_894 = arith.index_cast %swap3A_893 : i32 to index
    %swap3A_895 = arith.constant 0 : index
    %swap3A_896 = tpu.vector_load %arg7[%swap3A_894, %swap3A_895] {strides = array<i32>} : memref<128x16xf32, #tpu.memory_space<vmem>>, vector<1x16xf32>,
    %swap3A_897 = vector.shape_cast %swap3A_896 : vector<1x16xf32> to vector<16xf32>
    %swap3A_898 = vector.shape_cast %broadcast_in_dim3A_892 : vector<16xf32> to vector<1x16xf32>
    tpu.vector_store %arg7[%swap3A_894, %swap3A_895], %swap3A_898 {strides = array<i32>} : memref<128x16xf32, #tpu.memory_space<vmem>>, vector<1x16xf32>,
    %broadcast_in_dim3A_899 = arith.constant 1.000000e+00 : f32
    %broadcast_in_dim3A_900 = vector.broadcast %broadcast_in_dim3A_899 : f32 to vector<16xf32>
    %swap3A_901 = arith.constant 112 : i32
    %swap3A_902 = arith.index_cast %swap3A_901 : i32 to index
    %swap3A_903 = arith.constant 0 : index
    %swap3A_904 = tpu.vector_load %arg7[%swap3A_902, %swap3A_903] {strides = array<i32>} : memref<128x16xf32, #tpu.memory_space<vmem>>, vector<1x16xf32>,
    %swap3A_905 = vector.shape_cast %swap3A_904 : vector<1x16xf32> to vector<16xf32>
    %swap3A_906 = vector.shape_cast %broadcast_in_dim3A_900 : vector<16xf32> to vector<1x16xf32>
    tpu.vector_store %arg7[%swap3A_902, %swap3A_903], %swap3A_906 {strides = array<i32>} : memref<128x16xf32, #tpu.memory_space<vmem>>, vector<1x16xf32>,
    %broadcast_in_dim3A_907 = arith.constant 1.000000e+00 : f32
    %broadcast_in_dim3A_908 = vector.broadcast %broadcast_in_dim3A_907 : f32 to vector<16xf32>
    %swap3A_909 = arith.constant 113 : i32
    %swap3A_910 = arith.index_cast %swap3A_909 : i32 to index
    %swap3A_911 = arith.constant 0 : index
    %swap3A_912 = tpu.vector_load %arg7[%swap3A_910, %swap3A_911] {strides = array<i32>} : memref<128x16xf32, #tpu.memory_space<vmem>>, vector<1x16xf32>,
    %swap3A_913 = vector.shape_cast %swap3A_912 : vector<1x16xf32> to vector<16xf32>
    %swap3A_914 = vector.shape_cast %broadcast_in_dim3A_908 : vector<16xf32> to vector<1x16xf32>
    tpu.vector_store %arg7[%swap3A_910, %swap3A_911], %swap3A_914 {strides = array<i32>} : memref<128x16xf32, #tpu.memory_space<vmem>>, vector<1x16xf32>,
    %broadcast_in_dim3A_915 = arith.constant 1.000000e+00 : f32
    %broadcast_in_dim3A_916 = vector.broadcast %broadcast_in_dim3A_915 : f32 to vector<16xf32>
    %swap3A_917 = arith.constant 114 : i32
    %swap3A_918 = arith.index_cast %swap3A_917 : i32 to index
    %swap3A_919 = arith.constant 0 : index
    %swap3A_920 = tpu.vector_load %arg7[%swap3A_918, %swap3A_919] {strides = array<i32>} : memref<128x16xf32, #tpu.memory_space<vmem>>, vector<1x16xf32>,
    %swap3A_921 = vector.shape_cast %swap3A_920 : vector<1x16xf32> to vector<16xf32>
    %swap3A_922 = vector.shape_cast %broadcast_in_dim3A_916 : vector<16xf32> to vector<1x16xf32>
    tpu.vector_store %arg7[%swap3A_918, %swap3A_919], %swap3A_922 {strides = array<i32>} : memref<128x16xf32, #tpu.memory_space<vmem>>, vector<1x16xf32>,
    %broadcast_in_dim3A_923 = arith.constant 1.000000e+00 : f32
    %broadcast_in_dim3A_924 = vector.broadcast %broadcast_in_dim3A_923 : f32 to vector<16xf32>
    %swap3A_925 = arith.constant 115 : i32
    %swap3A_926 = arith.index_cast %swap3A_925 : i32 to index
    %swap3A_927 = arith.constant 0 : index
    %swap3A_928 = tpu.vector_load %arg7[%swap3A_926, %swap3A_927] {strides = array<i32>} : memref<128x16xf32, #tpu.memory_space<vmem>>, vector<1x16xf32>,
    %swap3A_929 = vector.shape_cast %swap3A_928 : vector<1x16xf32> to vector<16xf32>
    %swap3A_930 = vector.shape_cast %broadcast_in_dim3A_924 : vector<16xf32> to vector<1x16xf32>
    tpu.vector_store %arg7[%swap3A_926, %swap3A_927], %swap3A_930 {strides = array<i32>} : memref<128x16xf32, #tpu.memory_space<vmem>>, vector<1x16xf32>,
    %broadcast_in_dim3A_931 = arith.constant 1.000000e+00 : f32
    %broadcast_in_dim3A_932 = vector.broadcast %broadcast_in_dim3A_931 : f32 to vector<16xf32>
    %swap3A_933 = arith.constant 116 : i32
    %swap3A_934 = arith.index_cast %swap3A_933 : i32 to index
    %swap3A_935 = arith.constant 0 : index
    %swap3A_936 = tpu.vector_load %arg7[%swap3A_934, %swap3A_935] {strides = array<i32>} : memref<128x16xf32, #tpu.memory_space<vmem>>, vector<1x16xf32>,
    %swap3A_937 = vector.shape_cast %swap3A_936 : vector<1x16xf32> to vector<16xf32>
    %swap3A_938 = vector.shape_cast %broadcast_in_dim3A_932 : vector<16xf32> to vector<1x16xf32>
    tpu.vector_store %arg7[%swap3A_934, %swap3A_935], %swap3A_938 {strides = array<i32>} : memref<128x16xf32, #tpu.memory_space<vmem>>, vector<1x16xf32>,
    %broadcast_in_dim3A_939 = arith.constant 1.000000e+00 : f32
    %broadcast_in_dim3A_940 = vector.broadcast %broadcast_in_dim3A_939 : f32 to vector<16xf32>
    %swap3A_941 = arith.constant 117 : i32
    %swap3A_942 = arith.index_cast %swap3A_941 : i32 to index
    %swap3A_943 = arith.constant 0 : index
    %swap3A_944 = tpu.vector_load %arg7[%swap3A_942, %swap3A_943] {strides = array<i32>} : memref<128x16xf32, #tpu.memory_space<vmem>>, vector<1x16xf32>,
    %swap3A_945 = vector.shape_cast %swap3A_944 : vector<1x16xf32> to vector<16xf32>
    %swap3A_946 = vector.shape_cast %broadcast_in_dim3A_940 : vector<16xf32> to vector<1x16xf32>
    tpu.vector_store %arg7[%swap3A_942, %swap3A_943], %swap3A_946 {strides = array<i32>} : memref<128x16xf32, #tpu.memory_space<vmem>>, vector<1x16xf32>,
    %broadcast_in_dim3A_947 = arith.constant 1.000000e+00 : f32
    %broadcast_in_dim3A_948 = vector.broadcast %broadcast_in_dim3A_947 : f32 to vector<16xf32>
    %swap3A_949 = arith.constant 118 : i32
    %swap3A_950 = arith.index_cast %swap3A_949 : i32 to index
    %swap3A_951 = arith.constant 0 : index
    %swap3A_952 = tpu.vector_load %arg7[%swap3A_950, %swap3A_951] {strides = array<i32>} : memref<128x16xf32, #tpu.memory_space<vmem>>, vector<1x16xf32>,
    %swap3A_953 = vector.shape_cast %swap3A_952 : vector<1x16xf32> to vector<16xf32>
    %swap3A_954 = vector.shape_cast %broadcast_in_dim3A_948 : vector<16xf32> to vector<1x16xf32>
    tpu.vector_store %arg7[%swap3A_950, %swap3A_951], %swap3A_954 {strides = array<i32>} : memref<128x16xf32, #tpu.memory_space<vmem>>, vector<1x16xf32>,
    %broadcast_in_dim3A_955 = arith.constant 1.000000e+00 : f32
    %broadcast_in_dim3A_956 = vector.broadcast %broadcast_in_dim3A_955 : f32 to vector<16xf32>
    %swap3A_957 = arith.constant 119 : i32
    %swap3A_958 = arith.index_cast %swap3A_957 : i32 to index
    %swap3A_959 = arith.constant 0 : index
    %swap3A_960 = tpu.vector_load %arg7[%swap3A_958, %swap3A_959] {strides = array<i32>} : memref<128x16xf32, #tpu.memory_space<vmem>>, vector<1x16xf32>,
    %swap3A_961 = vector.shape_cast %swap3A_960 : vector<1x16xf32> to vector<16xf32>
    %swap3A_962 = vector.shape_cast %broadcast_in_dim3A_956 : vector<16xf32> to vector<1x16xf32>
    tpu.vector_store %arg7[%swap3A_958, %swap3A_959], %swap3A_962 {strides = array<i32>} : memref<128x16xf32, #tpu.memory_space<vmem>>, vector<1x16xf32>,
    %broadcast_in_dim3A_963 = arith.constant 1.000000e+00 : f32
    %broadcast_in_dim3A_964 = vector.broadcast %broadcast_in_dim3A_963 : f32 to vector<16xf32>
    %swap3A_965 = arith.constant 120 : i32
    %swap3A_966 = arith.index_cast %swap3A_965 : i32 to index
    %swap3A_967 = arith.constant 0 : index
    %swap3A_968 = tpu.vector_load %arg7[%swap3A_966, %swap3A_967] {strides = array<i32>} : memref<128x16xf32, #tpu.memory_space<vmem>>, vector<1x16xf32>,
    %swap3A_969 = vector.shape_cast %swap3A_968 : vector<1x16xf32> to vector<16xf32>
    %swap3A_970 = vector.shape_cast %broadcast_in_dim3A_964 : vector<16xf32> to vector<1x16xf32>
    tpu.vector_store %arg7[%swap3A_966, %swap3A_967], %swap3A_970 {strides = array<i32>} : memref<128x16xf32, #tpu.memory_space<vmem>>, vector<1x16xf32>,
    %broadcast_in_dim3A_971 = arith.constant 1.000000e+00 : f32
    %broadcast_in_dim3A_972 = vector.broadcast %broadcast_in_dim3A_971 : f32 to vector<16xf32>
    %swap3A_973 = arith.constant 121 : i32
    %swap3A_974 = arith.index_cast %swap3A_973 : i32 to index
    %swap3A_975 = arith.constant 0 : index
    %swap3A_976 = tpu.vector_load %arg7[%swap3A_974, %swap3A_975] {strides = array<i32>} : memref<128x16xf32, #tpu.memory_space<vmem>>, vector<1x16xf32>,
    %swap3A_977 = vector.shape_cast %swap3A_976 : vector<1x16xf32> to vector<16xf32>
    %swap3A_978 = vector.shape_cast %broadcast_in_dim3A_972 : vector<16xf32> to vector<1x16xf32>
    tpu.vector_store %arg7[%swap3A_974, %swap3A_975], %swap3A_978 {strides = array<i32>} : memref<128x16xf32, #tpu.memory_space<vmem>>, vector<1x16xf32>,
    %broadcast_in_dim3A_979 = arith.constant 1.000000e+00 : f32
    %broadcast_in_dim3A_980 = vector.broadcast %broadcast_in_dim3A_979 : f32 to vector<16xf32>
    %swap3A_981 = arith.constant 122 : i32
    %swap3A_982 = arith.index_cast %swap3A_981 : i32 to index
    %swap3A_983 = arith.constant 0 : index
    %swap3A_984 = tpu.vector_load %arg7[%swap3A_982, %swap3A_983] {strides = array<i32>} : memref<128x16xf32, #tpu.memory_space<vmem>>, vector<1x16xf32>,
    %swap3A_985 = vector.shape_cast %swap3A_984 : vector<1x16xf32> to vector<16xf32>
    %swap3A_986 = vector.shape_cast %broadcast_in_dim3A_980 : vector<16xf32> to vector<1x16xf32>
    tpu.vector_store %arg7[%swap3A_982, %swap3A_983], %swap3A_986 {strides = array<i32>} : memref<128x16xf32, #tpu.memory_space<vmem>>, vector<1x16xf32>,
    %broadcast_in_dim3A_987 = arith.constant 1.000000e+00 : f32
    %broadcast_in_dim3A_988 = vector.broadcast %broadcast_in_dim3A_987 : f32 to vector<16xf32>
    %swap3A_989 = arith.constant 123 : i32
    %swap3A_990 = arith.index_cast %swap3A_989 : i32 to index
    %swap3A_991 = arith.constant 0 : index
    %swap3A_992 = tpu.vector_load %arg7[%swap3A_990, %swap3A_991] {strides = array<i32>} : memref<128x16xf32, #tpu.memory_space<vmem>>, vector<1x16xf32>,
    %swap3A_993 = vector.shape_cast %swap3A_992 : vector<1x16xf32> to vector<16xf32>
    %swap3A_994 = vector.shape_cast %broadcast_in_dim3A_988 : vector<16xf32> to vector<1x16xf32>
    tpu.vector_store %arg7[%swap3A_990, %swap3A_991], %swap3A_994 {strides = array<i32>} : memref<128x16xf32, #tpu.memory_space<vmem>>, vector<1x16xf32>,
    %broadcast_in_dim3A_995 = arith.constant 1.000000e+00 : f32
    %broadcast_in_dim3A_996 = vector.broadcast %broadcast_in_dim3A_995 : f32 to vector<16xf32>
    %swap3A_997 = arith.constant 124 : i32
    %swap3A_998 = arith.index_cast %swap3A_997 : i32 to index
    %swap3A_999 = arith.constant 0 : index
    %swap3A_1000 = tpu.vector_load %arg7[%swap3A_998, %swap3A_999] {strides = array<i32>} : memref<128x16xf32, #tpu.memory_space<vmem>>, vector<1x16xf32>,
    %swap3A_1001 = vector.shape_cast %swap3A_1000 : vector<1x16xf32> to vector<16xf32>
    %swap3A_1002 = vector.shape_cast %broadcast_in_dim3A_996 : vector<16xf32> to vector<1x16xf32>
    tpu.vector_store %arg7[%swap3A_998, %swap3A_999], %swap3A_1002 {strides = array<i32>} : memref<128x16xf32, #tpu.memory_space<vmem>>, vector<1x16xf32>,
    %broadcast_in_dim3A_1003 = arith.constant 1.000000e+00 : f32
    %broadcast_in_dim3A_1004 = vector.broadcast %broadcast_in_dim3A_1003 : f32 to vector<16xf32>
    %swap3A_1005 = arith.constant 125 : i32
    %swap3A_1006 = arith.index_cast %swap3A_1005 : i32 to index
    %swap3A_1007 = arith.constant 0 : index
    %swap3A_1008 = tpu.vector_load %arg7[%swap3A_1006, %swap3A_1007] {strides = array<i32>} : memref<128x16xf32, #tpu.memory_space<vmem>>, vector<1x16xf32>,
    %swap3A_1009 = vector.shape_cast %swap3A_1008 : vector<1x16xf32> to vector<16xf32>
    %swap3A_1010 = vector.shape_cast %broadcast_in_dim3A_1004 : vector<16xf32> to vector<1x16xf32>
    tpu.vector_store %arg7[%swap3A_1006, %swap3A_1007], %swap3A_1010 {strides = array<i32>} : memref<128x16xf32, #tpu.memory_space<vmem>>, vector<1x16xf32>,
    %broadcast_in_dim3A_1011 = arith.constant 1.000000e+00 : f32
    %broadcast_in_dim3A_1012 = vector.broadcast %broadcast_in_dim3A_1011 : f32 to vector<16xf32>
    %swap3A_1013 = arith.constant 126 : i32
    %swap3A_1014 = arith.index_cast %swap3A_1013 : i32 to index
    %swap3A_1015 = arith.constant 0 : index
    %swap3A_1016 = tpu.vector_load %arg7[%swap3A_1014, %swap3A_1015] {strides = array<i32>} : memref<128x16xf32, #tpu.memory_space<vmem>>, vector<1x16xf32>,
    %swap3A_1017 = vector.shape_cast %swap3A_1016 : vector<1x16xf32> to vector<16xf32>
    %swap3A_1018 = vector.shape_cast %broadcast_in_dim3A_1012 : vector<16xf32> to vector<1x16xf32>
    tpu.vector_store %arg7[%swap3A_1014, %swap3A_1015], %swap3A_1018 {strides = array<i32>} : memref<128x16xf32, #tpu.memory_space<vmem>>, vector<1x16xf32>,
    %broadcast_in_dim3A_1019 = arith.constant 1.000000e+00 : f32
    %broadcast_in_dim3A_1020 = vector.broadcast %broadcast_in_dim3A_1019 : f32 to vector<16xf32>
    %swap3A_1021 = arith.constant 127 : i32
    %swap3A_1022 = arith.index_cast %swap3A_1021 : i32 to index
    %swap3A_1023 = arith.constant 0 : index
    %swap3A_1024 = tpu.vector_load %arg7[%swap3A_1022, %swap3A_1023] {strides = array<i32>} : memref<128x16xf32, #tpu.memory_space<vmem>>, vector<1x16xf32>,
    %swap3A_1025 = vector.shape_cast %swap3A_1024 : vector<1x16xf32> to vector<16xf32>
    %swap3A_1026 = vector.shape_cast %broadcast_in_dim3A_1020 : vector<16xf32> to vector<1x16xf32>
    tpu.vector_store %arg7[%swap3A_1022, %swap3A_1023], %swap3A_1026 {strides = array<i32>} : memref<128x16xf32, #tpu.memory_space<vmem>>, vector<1x16xf32>,
    %barrier3A = arith.constant 0 : index
    tpu.barrier barrier_id(%barrier3A)
    %scan3A = arith.constant 0 : i32
    %scan3A_1027 = arith.constant 20 : i32
    %scan3A_1028 = arith.addi %scan3A, %scan3A_1027 : i32
    %scan3A_1029 = arith.constant 1 : i32
    scf.for %scan3A_1068 = %scan3A to %scan3A_1028 step %scan3A_1029  : i32 {
      %gt3A = arith.constant 0 : i32
      %gt3A_1069 = arith.cmpi sgt, %scan3A_1068, %gt3A : i32
      %convert_element_type3A_1070 = arith.extui %gt3A_1069 : i1 to i32
      %cond3A_1071 = arith.constant 0 : i32
      %cond3A_1072 = arith.cmpi ne, %convert_element_type3A_1070, %cond3A_1071 : i32
      scf.if %cond3A_1072 {
        %dma_wait3A_1127 = arith.constant 0 : i32
        %dma_wait3A_1128 = arith.constant 0 : i32
        %dma_wait3A_1129 = tpu.memref_slice %arg6[%dma_wait3A_1127, %dma_wait3A_1128] : memref<80x128xi32, #tpu.memory_space<vmem>> -> memref<1x128xi32, #tpu.memory_space<vmem>>
        %dma_wait3A_1130 = tpu.memref_squeeze %dma_wait3A_1129 : memref<1x128xi32, #tpu.memory_space<vmem>> -> memref<128xi32, #tpu.memory_space<vmem>>
        %dma_wait3A_1131 = arith.constant 0 : i32
        %dma_wait3A_1132 = arith.constant 0 : i32
        %dma_wait3A_1133 = tpu.memref_slice %arg5[%dma_wait3A_1131, %dma_wait3A_1132] : memref<5120x16xf32, #tpu.memory_space<vmem_shared>> -> memref<5120x16xf32, #tpu.memory_space<vmem_shared>>
        tpu.wait_indirect_dma semaphore(%arg8 : memref<!tpu.dma_semaphore, #tpu.memory_space<semaphore_mem>>) src(%arg7 : memref<128x16xf32, #tpu.memory_space<vmem>>) dst(%dma_wait3A_1133 : memref<5120x16xf32, #tpu.memory_space<vmem_shared>>)
      } else {
      }
      %mul3A_1073 = arith.constant 4 : i32
      %mul3A_1074 = arith.muli %scan3A_1068, %mul3A_1073 : i32
      %add3A_1075 = arith.constant 0 : i32
      %add3A_1076 = arith.addi %mul3A_1074, %add3A_1075 : i32
      %dma_start3A = arith.constant 0 : i32
      %dma_start3A_1077 = tpu.memref_slice %arg6[%add3A_1076, %dma_start3A] : memref<80x128xi32, #tpu.memory_space<vmem>> -> memref<1x128xi32, #tpu.memory_space<vmem>>
      %dma_start3A_1078 = tpu.memref_squeeze %dma_start3A_1077 : memref<1x128xi32, #tpu.memory_space<vmem>> -> memref<128xi32, #tpu.memory_space<vmem>>
      %dma_start3A_1079 = arith.constant 0 : i32
      %dma_start3A_1080 = arith.constant 0 : i32
      %dma_start3A_1081 = tpu.memref_slice %arg5[%dma_start3A_1079, %dma_start3A_1080] : memref<5120x16xf32, #tpu.memory_space<vmem_shared>> -> memref<5120x16xf32, #tpu.memory_space<vmem_shared>>
      tpu.enqueue_indirect_dma source(%arg7 : memref<128x16xf32, #tpu.memory_space<vmem>>) target(%dma_start3A_1081 : memref<5120x16xf32, #tpu.memory_space<vmem_shared>>) offsets(%dma_start3A_1078 : memref<128xi32, #tpu.memory_space<vmem>>) semaphore(%arg8 : memref<!tpu.dma_semaphore, #tpu.memory_space<semaphore_mem>>) {add = true}
      %gt3A_1082 = arith.constant 0 : i32
      %gt3A_1083 = arith.cmpi sgt, %scan3A_1068, %gt3A_1082 : i32
      %convert_element_type3A_1084 = arith.extui %gt3A_1083 : i1 to i32
      %cond3A_1085 = arith.constant 0 : i32
      %cond3A_1086 = arith.cmpi ne, %convert_element_type3A_1084, %cond3A_1085 : i32
      scf.if %cond3A_1086 {
        %dma_wait3A_1127 = arith.constant 0 : i32
        %dma_wait3A_1128 = arith.constant 0 : i32
        %dma_wait3A_1129 = tpu.memref_slice %arg6[%dma_wait3A_1127, %dma_wait3A_1128] : memref<80x128xi32, #tpu.memory_space<vmem>> -> memref<1x128xi32, #tpu.memory_space<vmem>>
        %dma_wait3A_1130 = tpu.memref_squeeze %dma_wait3A_1129 : memref<1x128xi32, #tpu.memory_space<vmem>> -> memref<128xi32, #tpu.memory_space<vmem>>
        %dma_wait3A_1131 = arith.constant 0 : i32
        %dma_wait3A_1132 = arith.constant 0 : i32
        %dma_wait3A_1133 = tpu.memref_slice %arg5[%dma_wait3A_1131, %dma_wait3A_1132] : memref<5120x16xf32, #tpu.memory_space<vmem_shared>> -> memref<5120x16xf32, #tpu.memory_space<vmem_shared>>
        tpu.wait_indirect_dma semaphore(%arg9 : memref<!tpu.dma_semaphore, #tpu.memory_space<semaphore_mem>>) src(%arg7 : memref<128x16xf32, #tpu.memory_space<vmem>>) dst(%dma_wait3A_1133 : memref<5120x16xf32, #tpu.memory_space<vmem_shared>>)
      } else {
      }
      %mul3A_1087 = arith.constant 4 : i32
      %mul3A_1088 = arith.muli %scan3A_1068, %mul3A_1087 : i32
      %add3A_1089 = arith.constant 1 : i32
      %add3A_1090 = arith.addi %mul3A_1088, %add3A_1089 : i32
      %dma_start3A_1091 = arith.constant 0 : i32
      %dma_start3A_1092 = tpu.memref_slice %arg6[%add3A_1090, %dma_start3A_1091] : memref<80x128xi32, #tpu.memory_space<vmem>> -> memref<1x128xi32, #tpu.memory_space<vmem>>
      %dma_start3A_1093 = tpu.memref_squeeze %dma_start3A_1092 : memref<1x128xi32, #tpu.memory_space<vmem>> -> memref<128xi32, #tpu.memory_space<vmem>>
      %dma_start3A_1094 = arith.constant 0 : i32
      %dma_start3A_1095 = arith.constant 0 : i32
      %dma_start3A_1096 = tpu.memref_slice %arg5[%dma_start3A_1094, %dma_start3A_1095] : memref<5120x16xf32, #tpu.memory_space<vmem_shared>> -> memref<5120x16xf32, #tpu.memory_space<vmem_shared>>
      tpu.enqueue_indirect_dma source(%arg7 : memref<128x16xf32, #tpu.memory_space<vmem>>) target(%dma_start3A_1096 : memref<5120x16xf32, #tpu.memory_space<vmem_shared>>) offsets(%dma_start3A_1093 : memref<128xi32, #tpu.memory_space<vmem>>) semaphore(%arg9 : memref<!tpu.dma_semaphore, #tpu.memory_space<semaphore_mem>>) {add = true}
      %gt3A_1097 = arith.constant 0 : i32
      %gt3A_1098 = arith.cmpi sgt, %scan3A_1068, %gt3A_1097 : i32
      %convert_element_type3A_1099 = arith.extui %gt3A_1098 : i1 to i32
      %cond3A_1100 = arith.constant 0 : i32
      %cond3A_1101 = arith.cmpi ne, %convert_element_type3A_1099, %cond3A_1100 : i32
      scf.if %cond3A_1101 {
        %dma_wait3A_1127 = arith.constant 0 : i32
        %dma_wait3A_1128 = arith.constant 0 : i32
        %dma_wait3A_1129 = tpu.memref_slice %arg6[%dma_wait3A_1127, %dma_wait3A_1128] : memref<80x128xi32, #tpu.memory_space<vmem>> -> memref<1x128xi32, #tpu.memory_space<vmem>>
        %dma_wait3A_1130 = tpu.memref_squeeze %dma_wait3A_1129 : memref<1x128xi32, #tpu.memory_space<vmem>> -> memref<128xi32, #tpu.memory_space<vmem>>
        %dma_wait3A_1131 = arith.constant 0 : i32
        %dma_wait3A_1132 = arith.constant 0 : i32
        %dma_wait3A_1133 = tpu.memref_slice %arg5[%dma_wait3A_1131, %dma_wait3A_1132] : memref<5120x16xf32, #tpu.memory_space<vmem_shared>> -> memref<5120x16xf32, #tpu.memory_space<vmem_shared>>
        tpu.wait_indirect_dma semaphore(%arg10 : memref<!tpu.dma_semaphore, #tpu.memory_space<semaphore_mem>>) src(%arg7 : memref<128x16xf32, #tpu.memory_space<vmem>>) dst(%dma_wait3A_1133 : memref<5120x16xf32, #tpu.memory_space<vmem_shared>>)
      } else {
      }
      %mul3A_1102 = arith.constant 4 : i32
      %mul3A_1103 = arith.muli %scan3A_1068, %mul3A_1102 : i32
      %add3A_1104 = arith.constant 2 : i32
      %add3A_1105 = arith.addi %mul3A_1103, %add3A_1104 : i32
      %dma_start3A_1106 = arith.constant 0 : i32
      %dma_start3A_1107 = tpu.memref_slice %arg6[%add3A_1105, %dma_start3A_1106] : memref<80x128xi32, #tpu.memory_space<vmem>> -> memref<1x128xi32, #tpu.memory_space<vmem>>
      %dma_start3A_1108 = tpu.memref_squeeze %dma_start3A_1107 : memref<1x128xi32, #tpu.memory_space<vmem>> -> memref<128xi32, #tpu.memory_space<vmem>>
      %dma_start3A_1109 = arith.constant 0 : i32
      %dma_start3A_1110 = arith.constant 0 : i32
      %dma_start3A_1111 = tpu.memref_slice %arg5[%dma_start3A_1109, %dma_start3A_1110] : memref<5120x16xf32, #tpu.memory_space<vmem_shared>> -> memref<5120x16xf32, #tpu.memory_space<vmem_shared>>
      tpu.enqueue_indirect_dma source(%arg7 : memref<128x16xf32, #tpu.memory_space<vmem>>) target(%dma_start3A_1111 : memref<5120x16xf32, #tpu.memory_space<vmem_shared>>) offsets(%dma_start3A_1108 : memref<128xi32, #tpu.memory_space<vmem>>) semaphore(%arg10 : memref<!tpu.dma_semaphore, #tpu.memory_space<semaphore_mem>>) {add = true}
      %gt3A_1112 = arith.constant 0 : i32
      %gt3A_1113 = arith.cmpi sgt, %scan3A_1068, %gt3A_1112 : i32
      %convert_element_type3A_1114 = arith.extui %gt3A_1113 : i1 to i32
      %cond3A_1115 = arith.constant 0 : i32
      %cond3A_1116 = arith.cmpi ne, %convert_element_type3A_1114, %cond3A_1115 : i32
      scf.if %cond3A_1116 {
        %dma_wait3A_1127 = arith.constant 0 : i32
        %dma_wait3A_1128 = arith.constant 0 : i32
        %dma_wait3A_1129 = tpu.memref_slice %arg6[%dma_wait3A_1127, %dma_wait3A_1128] : memref<80x128xi32, #tpu.memory_space<vmem>> -> memref<1x128xi32, #tpu.memory_space<vmem>>
        %dma_wait3A_1130 = tpu.memref_squeeze %dma_wait3A_1129 : memref<1x128xi32, #tpu.memory_space<vmem>> -> memref<128xi32, #tpu.memory_space<vmem>>
        %dma_wait3A_1131 = arith.constant 0 : i32
        %dma_wait3A_1132 = arith.constant 0 : i32
        %dma_wait3A_1133 = tpu.memref_slice %arg5[%dma_wait3A_1131, %dma_wait3A_1132] : memref<5120x16xf32, #tpu.memory_space<vmem_shared>> -> memref<5120x16xf32, #tpu.memory_space<vmem_shared>>
        tpu.wait_indirect_dma semaphore(%arg11 : memref<!tpu.dma_semaphore, #tpu.memory_space<semaphore_mem>>) src(%arg7 : memref<128x16xf32, #tpu.memory_space<vmem>>) dst(%dma_wait3A_1133 : memref<5120x16xf32, #tpu.memory_space<vmem_shared>>)
      } else {
      }
      %mul3A_1117 = arith.constant 4 : i32
      %mul3A_1118 = arith.muli %scan3A_1068, %mul3A_1117 : i32
      %add3A_1119 = arith.constant 3 : i32
      %add3A_1120 = arith.addi %mul3A_1118, %add3A_1119 : i32
      %dma_start3A_1121 = arith.constant 0 : i32
      %dma_start3A_1122 = tpu.memref_slice %arg6[%add3A_1120, %dma_start3A_1121] : memref<80x128xi32, #tpu.memory_space<vmem>> -> memref<1x128xi32, #tpu.memory_space<vmem>>
      %dma_start3A_1123 = tpu.memref_squeeze %dma_start3A_1122 : memref<1x128xi32, #tpu.memory_space<vmem>> -> memref<128xi32, #tpu.memory_space<vmem>>
      %dma_start3A_1124 = arith.constant 0 : i32
      %dma_start3A_1125 = arith.constant 0 : i32
      %dma_start3A_1126 = tpu.memref_slice %arg5[%dma_start3A_1124, %dma_start3A_1125] : memref<5120x16xf32, #tpu.memory_space<vmem_shared>> -> memref<5120x16xf32, #tpu.memory_space<vmem_shared>>
      tpu.enqueue_indirect_dma source(%arg7 : memref<128x16xf32, #tpu.memory_space<vmem>>) target(%dma_start3A_1126 : memref<5120x16xf32, #tpu.memory_space<vmem_shared>>) offsets(%dma_start3A_1123 : memref<128xi32, #tpu.memory_space<vmem>>) semaphore(%arg11 : memref<!tpu.dma_semaphore, #tpu.memory_space<semaphore_mem>>) {add = true}
    }
    %scan3A_1030 = arith.constant 20 : i32
    %dma_wait3A = arith.constant 0 : i32
    %dma_wait3A_1031 = arith.constant 0 : i32
    %dma_wait3A_1032 = tpu.memref_slice %arg6[%dma_wait3A, %dma_wait3A_1031] : memref<80x128xi32, #tpu.memory_space<vmem>> -> memref<1x128xi32, #tpu.memory_space<vmem>>
    %dma_wait3A_1033 = tpu.memref_squeeze %dma_wait3A_1032 : memref<1x128xi32, #tpu.memory_space<vmem>> -> memref<128xi32, #tpu.memory_space<vmem>>
    %dma_wait3A_1034 = arith.constant 0 : i32
    %dma_wait3A_1035 = arith.constant 0 : i32
    %dma_wait3A_1036 = tpu.memref_slice %arg5[%dma_wait3A_1034, %dma_wait3A_1035] : memref<5120x16xf32, #tpu.memory_space<vmem_shared>> -> memref<5120x16xf32, #tpu.memory_space<vmem_shared>>
    tpu.wait_indirect_dma semaphore(%arg8 : memref<!tpu.dma_semaphore, #tpu.memory_space<semaphore_mem>>) src(%arg7 : memref<128x16xf32, #tpu.memory_space<vmem>>) dst(%dma_wait3A_1036 : memref<5120x16xf32, #tpu.memory_space<vmem_shared>>)
    %dma_wait3A_1037 = arith.constant 0 : i32
    %dma_wait3A_1038 = arith.constant 0 : i32
    %dma_wait3A_1039 = tpu.memref_slice %arg6[%dma_wait3A_1037, %dma_wait3A_1038] : memref<80x128xi32, #tpu.memory_space<vmem>> -> memref<1x128xi32, #tpu.memory_space<vmem>>
    %dma_wait3A_1040 = tpu.memref_squeeze %dma_wait3A_1039 : memref<1x128xi32, #tpu.memory_space<vmem>> -> memref<128xi32, #tpu.memory_space<vmem>>
    %dma_wait3A_1041 = arith.constant 0 : i32
    %dma_wait3A_1042 = arith.constant 0 : i32
    %dma_wait3A_1043 = tpu.memref_slice %arg5[%dma_wait3A_1041, %dma_wait3A_1042] : memref<5120x16xf32, #tpu.memory_space<vmem_shared>> -> memref<5120x16xf32, #tpu.memory_space<vmem_shared>>
    tpu.wait_indirect_dma semaphore(%arg9 : memref<!tpu.dma_semaphore, #tpu.memory_space<semaphore_mem>>) src(%arg7 : memref<128x16xf32, #tpu.memory_space<vmem>>) dst(%dma_wait3A_1043 : memref<5120x16xf32, #tpu.memory_space<vmem_shared>>)
    %dma_wait3A_1044 = arith.constant 0 : i32
    %dma_wait3A_1045 = arith.constant 0 : i32
    %dma_wait3A_1046 = tpu.memref_slice %arg6[%dma_wait3A_1044, %dma_wait3A_1045] : memref<80x128xi32, #tpu.memory_space<vmem>> -> memref<1x128xi32, #tpu.memory_space<vmem>>
    %dma_wait3A_1047 = tpu.memref_squeeze %dma_wait3A_1046 : memref<1x128xi32, #tpu.memory_space<vmem>> -> memref<128xi32, #tpu.memory_space<vmem>>
    %dma_wait3A_1048 = arith.constant 0 : i32
    %dma_wait3A_1049 = arith.constant 0 : i32
    %dma_wait3A_1050 = tpu.memref_slice %arg5[%dma_wait3A_1048, %dma_wait3A_1049] : memref<5120x16xf32, #tpu.memory_space<vmem_shared>> -> memref<5120x16xf32, #tpu.memory_space<vmem_shared>>
    tpu.wait_indirect_dma semaphore(%arg10 : memref<!tpu.dma_semaphore, #tpu.memory_space<semaphore_mem>>) src(%arg7 : memref<128x16xf32, #tpu.memory_space<vmem>>) dst(%dma_wait3A_1050 : memref<5120x16xf32, #tpu.memory_space<vmem_shared>>)
    %dma_wait3A_1051 = arith.constant 0 : i32
    %dma_wait3A_1052 = arith.constant 0 : i32
    %dma_wait3A_1053 = tpu.memref_slice %arg6[%dma_wait3A_1051, %dma_wait3A_1052] : memref<80x128xi32, #tpu.memory_space<vmem>> -> memref<1x128xi32, #tpu.memory_space<vmem>>
    %dma_wait3A_1054 = tpu.memref_squeeze %dma_wait3A_1053 : memref<1x128xi32, #tpu.memory_space<vmem>> -> memref<128xi32, #tpu.memory_space<vmem>>
    %dma_wait3A_1055 = arith.constant 0 : i32
    %dma_wait3A_1056 = arith.constant 0 : i32
    %dma_wait3A_1057 = tpu.memref_slice %arg5[%dma_wait3A_1055, %dma_wait3A_1056] : memref<5120x16xf32, #tpu.memory_space<vmem_shared>> -> memref<5120x16xf32, #tpu.memory_space<vmem_shared>>
    tpu.wait_indirect_dma semaphore(%arg11 : memref<!tpu.dma_semaphore, #tpu.memory_space<semaphore_mem>>) src(%arg7 : memref<128x16xf32, #tpu.memory_space<vmem>>) dst(%dma_wait3A_1057 : memref<5120x16xf32, #tpu.memory_space<vmem_shared>>)
    %barrier3A_1058 = arith.constant 0 : index
    tpu.barrier barrier_id(%barrier3A_1058)
    %mul3A_1059 = arith.constant 5000 : i32
    %mul3A_1060 = arith.muli %arg0, %mul3A_1059 : i32
    %mul3A_1061 = arith.constant 312 : i32
    %mul3A_1062 = arith.muli %arg1, %mul3A_1061 : i32
    %mul3A_1063 = arith.constant 312 : i32
    %mul3A_1064 = arith.muli %arg1, %mul3A_1063 : i32
    %add3A_1065 = arith.addi %mul3A_1060, %mul3A_1064 : i32
    "tpu.region"() ({
      %run_scoped3A = tpu.sem_alloc : memref<!tpu.dma_semaphore, #tpu.memory_space<semaphore_mem>>
      %dma_start3A = arith.constant 0 : i32
      %dma_start3A_1068 = tpu.memref_slice %arg4[%add3A_1065, %dma_start3A] : memref<10000x16xf32, #tpu.memory_space<hbm>> -> memref<312x16xf32, #tpu.memory_space<hbm>>
      %dma_start3A_1069 = arith.constant 0 : i32
      %dma_start3A_1070 = tpu.memref_slice %arg5[%mul3A_1062, %dma_start3A_1069] : memref<5120x16xf32, #tpu.memory_space<vmem_shared>> -> memref<312x16xf32, #tpu.memory_space<vmem_shared>>
      tpu.enqueue_dma source(%dma_start3A_1070 : memref<312x16xf32, #tpu.memory_space<vmem_shared>>) target(%dma_start3A_1068 : memref<312x16xf32, #tpu.memory_space<hbm>>) target_semaphore(%run_scoped3A : memref<!tpu.dma_semaphore, #tpu.memory_space<semaphore_mem>>)
      %dma_wait3A_1071 = arith.constant 0 : i32
      %dma_wait3A_1072 = tpu.memref_slice %arg4[%add3A_1065, %dma_wait3A_1071] : memref<10000x16xf32, #tpu.memory_space<hbm>> -> memref<312x16xf32, #tpu.memory_space<hbm>>
      %dma_wait3A_1073 = arith.constant 0 : i32
      %dma_wait3A_1074 = tpu.memref_slice %arg5[%mul3A_1062, %dma_wait3A_1073] : memref<5120x16xf32, #tpu.memory_space<vmem_shared>> -> memref<312x16xf32, #tpu.memory_space<vmem_shared>>
      tpu.wait_dma2 semaphore(%run_scoped3A : memref<!tpu.dma_semaphore, #tpu.memory_space<semaphore_mem>>) src(%dma_wait3A_1074 : memref<312x16xf32, #tpu.memory_space<vmem_shared>>) dst(%dma_wait3A_1072 : memref<312x16xf32, #tpu.memory_space<hbm>>)
      tpu.yield
    }) : () -> ()
    %eq3A = arith.constant 15 : i32
    %eq3A_1066 = arith.cmpi eq, %arg1, %eq3A : i32
    %convert_element_type3A = arith.extui %eq3A_1066 : i1 to i32
    %cond3A = arith.constant 0 : i32
    %cond3A_1067 = arith.cmpi ne, %convert_element_type3A, %cond3A : i32
    scf.if %cond3A_1067 {
      %add3A_1068 = arith.constant 4992 : i32
      %add3A_1069 = arith.addi %mul3A_1060, %add3A_1068 : i32
      "tpu.region"() ({
        %run_scoped3A = tpu.sem_alloc : memref<!tpu.dma_semaphore, #tpu.memory_space<semaphore_mem>>
        %dma_start3A = arith.constant 0 : i32
        %dma_start3A_1070 = tpu.memref_slice %arg4[%add3A_1069, %dma_start3A] : memref<10000x16xf32, #tpu.memory_space<hbm>> -> memref<8x16xf32, #tpu.memory_space<hbm>>
        %dma_start3A_1071 = arith.constant 4992 : i32
        %dma_start3A_1072 = arith.constant 0 : i32
        %dma_start3A_1073 = tpu.memref_slice %arg5[%dma_start3A_1071, %dma_start3A_1072] : memref<5120x16xf32, #tpu.memory_space<vmem_shared>> -> memref<8x16xf32, #tpu.memory_space<vmem_shared>>
        tpu.enqueue_dma source(%dma_start3A_1073 : memref<8x16xf32, #tpu.memory_space<vmem_shared>>) target(%dma_start3A_1070 : memref<8x16xf32, #tpu.memory_space<hbm>>) target_semaphore(%run_scoped3A : memref<!tpu.dma_semaphore, #tpu.memory_space<semaphore_mem>>)
        %dma_wait3A_1074 = arith.constant 0 : i32
        %dma_wait3A_1075 = tpu.memref_slice %arg4[%add3A_1069, %dma_wait3A_1074] : memref<10000x16xf32, #tpu.memory_space<hbm>> -> memref<8x16xf32, #tpu.memory_space<hbm>>
        %dma_wait3A_1076 = arith.constant 4992 : i32
        %dma_wait3A_1077 = arith.constant 0 : i32
        %dma_wait3A_1078 = tpu.memref_slice %arg5[%dma_wait3A_1076, %dma_wait3A_1077] : memref<5120x16xf32, #tpu.memory_space<vmem_shared>> -> memref<8x16xf32, #tpu.memory_space<vmem_shared>>
        tpu.wait_dma2 semaphore(%run_scoped3A : memref<!tpu.dma_semaphore, #tpu.memory_space<semaphore_mem>>) src(%dma_wait3A_1078 : memref<8x16xf32, #tpu.memory_space<vmem_shared>>) dst(%dma_wait3A_1075 : memref<8x16xf32, #tpu.memory_space<hbm>>)
        tpu.yield
      }) : () -> ()
    } else {
    }
    return
  }
}

#map = affine_map<(d0, d1) -> (0, 0)>
#map1 = affine_map<(d0, d1) -> (0)>
module attributes {stable_mosaic.version = 14 : i64} {
  func.func @spmm(%arg0: i32, %arg1: i32, %arg2: memref<10000x128xf32, #tpu.memory_space<hbm>>, %arg3: memref<327680xi32, #tpu.memory_space<hbm>>, %arg4: memref<2560x128xi32, #tpu.memory_space<hbm>>, %arg5: memref<320x128xf32, #tpu.memory_space<hbm>>, %arg6: memref<10000x128xf32, #tpu.memory_space<hbm>>, %arg7: memref<5120x128xf32, #tpu.memory_space<vmem_shared>>, %arg8: memref<10240xi32, #tpu.memory_space<vmem>>, %arg9: memref<80x128xi32, #tpu.memory_space<vmem>>, %arg10: memref<128x128xf32, #tpu.memory_space<vmem>>, %arg11: memref<128x128xf32, #tpu.memory_space<vmem>>, %arg12: memref<128x128xf32, #tpu.memory_space<vmem>>, %arg13: memref<128x128xf32, #tpu.memory_space<vmem>>, %arg14: memref<!tpu.dma_semaphore, #tpu.memory_space<semaphore_mem>>, %arg15: memref<!tpu.dma_semaphore, #tpu.memory_space<semaphore_mem>>, %arg16: memref<!tpu.dma_semaphore, #tpu.memory_space<semaphore_mem>>, %arg17: memref<!tpu.dma_semaphore, #tpu.memory_space<semaphore_mem>>, %arg18: memref<!tpu.dma_semaphore, #tpu.memory_space<semaphore_mem>>, %arg19: memref<!tpu.dma_semaphore, #tpu.memory_space<semaphore_mem>>, %arg20: memref<!tpu.dma_semaphore, #tpu.memory_space<semaphore_mem>>, %arg21: memref<!tpu.dma_semaphore, #tpu.memory_space<semaphore_mem>>) attributes {dimension_semantics = [#tpu.dimension_semantics<core_parallel>, #tpu.dimension_semantics<subcore_parallel>], iteration_bounds = array<i64: 2, 16>, scalar_prefetch = 0 : i64, scratch_operands = 15 : i64, tpu.core_type = #tpu.core_type<sc_vector_subcore>, window_params = [{transform_indices = #map}, {transform_indices = #map1}, {transform_indices = #map}, {transform_indices = #map}, {transform_indices = #map}]} {
    %mul3A = arith.constant 320 : i32
    %mul3A_0 = arith.muli %arg1, %mul3A : i32
    "tpu.region"() ({
      %run_scoped3A = tpu.sem_alloc : memref<!tpu.dma_semaphore, #tpu.memory_space<semaphore_mem>>
      %dma_start3A_67 = arith.constant 0 : i32
      %dma_start3A_68 = tpu.memref_slice %arg7[%mul3A_0, %dma_start3A_67] : memref<5120x128xf32, #tpu.memory_space<vmem_shared>> -> memref<320x128xf32, #tpu.memory_space<vmem_shared>>
      tpu.enqueue_dma source(%arg5 : memref<320x128xf32, #tpu.memory_space<hbm>>) target(%dma_start3A_68 : memref<320x128xf32, #tpu.memory_space<vmem_shared>>) target_semaphore(%run_scoped3A : memref<!tpu.dma_semaphore, #tpu.memory_space<semaphore_mem>>)
      %dma_wait3A_69 = arith.constant 0 : i32
      %dma_wait3A_70 = tpu.memref_slice %arg7[%mul3A_0, %dma_wait3A_69] : memref<5120x128xf32, #tpu.memory_space<vmem_shared>> -> memref<320x128xf32, #tpu.memory_space<vmem_shared>>
      tpu.wait_dma2 semaphore(%run_scoped3A : memref<!tpu.dma_semaphore, #tpu.memory_space<semaphore_mem>>) src(%arg5 : memref<320x128xf32, #tpu.memory_space<hbm>>) dst(%dma_wait3A_70 : memref<320x128xf32, #tpu.memory_space<vmem_shared>>)
      tpu.yield
    }) : () -> ()
    %mul3A_1 = arith.constant 16 : i32
    %mul3A_2 = arith.muli %arg0, %mul3A_1 : i32
    %add3A = arith.addi %mul3A_2, %arg1 : i32
    %mul3A_3 = arith.constant 10240 : i32
    %mul3A_4 = arith.muli %add3A, %mul3A_3 : i32
    "tpu.region"() ({
      %run_scoped3A = tpu.sem_alloc : memref<!tpu.dma_semaphore, #tpu.memory_space<semaphore_mem>>
      %dma_start3A_67 = tpu.memref_slice %arg3[%mul3A_4] : memref<327680xi32, #tpu.memory_space<hbm>> -> memref<10240xi32, #tpu.memory_space<hbm>>
      %dma_start3A_68 = tpu.memref_slice %arg3[%mul3A_4] : memref<327680xi32, #tpu.memory_space<hbm>> -> memref<10240xi32, #tpu.memory_space<hbm>>
      tpu.enqueue_dma source(%dma_start3A_68 : memref<10240xi32, #tpu.memory_space<hbm>>) target(%arg8 : memref<10240xi32, #tpu.memory_space<vmem>>) target_semaphore(%run_scoped3A : memref<!tpu.dma_semaphore, #tpu.memory_space<semaphore_mem>>)
      %dma_wait3A_69 = tpu.memref_slice %arg3[%mul3A_4] : memref<327680xi32, #tpu.memory_space<hbm>> -> memref<10240xi32, #tpu.memory_space<hbm>>
      %dma_wait3A_70 = tpu.memref_slice %arg3[%mul3A_4] : memref<327680xi32, #tpu.memory_space<hbm>> -> memref<10240xi32, #tpu.memory_space<hbm>>
      tpu.wait_dma2 semaphore(%run_scoped3A : memref<!tpu.dma_semaphore, #tpu.memory_space<semaphore_mem>>) src(%dma_wait3A_70 : memref<10240xi32, #tpu.memory_space<hbm>>) dst(%arg8 : memref<10240xi32, #tpu.memory_space<vmem>>)
      tpu.yield
    }) : () -> ()
    %mul3A_5 = arith.constant 80 : i32
    %mul3A_6 = arith.muli %add3A, %mul3A_5 : i32
    "tpu.region"() ({
      %run_scoped3A = tpu.sem_alloc : memref<!tpu.dma_semaphore, #tpu.memory_space<semaphore_mem>>
      %dma_start3A_67 = arith.constant 0 : i32
      %dma_start3A_68 = tpu.memref_slice %arg4[%mul3A_6, %dma_start3A_67] : memref<2560x128xi32, #tpu.memory_space<hbm>> -> memref<80x128xi32, #tpu.memory_space<hbm>>
      %dma_start3A_69 = arith.constant 0 : i32
      %dma_start3A_70 = tpu.memref_slice %arg4[%mul3A_6, %dma_start3A_69] : memref<2560x128xi32, #tpu.memory_space<hbm>> -> memref<80x128xi32, #tpu.memory_space<hbm>>
      tpu.enqueue_dma source(%dma_start3A_70 : memref<80x128xi32, #tpu.memory_space<hbm>>) target(%arg9 : memref<80x128xi32, #tpu.memory_space<vmem>>) target_semaphore(%run_scoped3A : memref<!tpu.dma_semaphore, #tpu.memory_space<semaphore_mem>>)
      %dma_wait3A_71 = arith.constant 0 : i32
      %dma_wait3A_72 = tpu.memref_slice %arg4[%mul3A_6, %dma_wait3A_71] : memref<2560x128xi32, #tpu.memory_space<hbm>> -> memref<80x128xi32, #tpu.memory_space<hbm>>
      %dma_wait3A_73 = arith.constant 0 : i32
      %dma_wait3A_74 = tpu.memref_slice %arg4[%mul3A_6, %dma_wait3A_73] : memref<2560x128xi32, #tpu.memory_space<hbm>> -> memref<80x128xi32, #tpu.memory_space<hbm>>
      tpu.wait_dma2 semaphore(%run_scoped3A : memref<!tpu.dma_semaphore, #tpu.memory_space<semaphore_mem>>) src(%dma_wait3A_74 : memref<80x128xi32, #tpu.memory_space<hbm>>) dst(%arg9 : memref<80x128xi32, #tpu.memory_space<vmem>>)
      tpu.yield
    }) : () -> ()
    %barrier3A = arith.constant 0 : index
    tpu.barrier barrier_id(%barrier3A)
    %dma_start3A = arith.constant 0 : i32
    %dma_start3A_7 = tpu.memref_slice %arg8[%dma_start3A] : memref<10240xi32, #tpu.memory_space<vmem>> -> memref<128xi32, #tpu.memory_space<vmem>>
    %dma_start3A_8 = arith.constant 0 : i32
    %dma_start3A_9 = arith.constant 0 : i32
    %dma_start3A_10 = tpu.memref_slice %arg2[%dma_start3A_8, %dma_start3A_9] : memref<10000x128xf32, #tpu.memory_space<hbm>> -> memref<10000x128xf32, #tpu.memory_space<hbm>>
    tpu.enqueue_indirect_dma source(%dma_start3A_10 : memref<10000x128xf32, #tpu.memory_space<hbm>>) target(%arg10 : memref<128x128xf32, #tpu.memory_space<vmem>>) offsets(%dma_start3A_7 : memref<128xi32, #tpu.memory_space<vmem>>) semaphore(%arg14 : memref<!tpu.dma_semaphore, #tpu.memory_space<semaphore_mem>>)
    %dma_start3A_11 = arith.constant 128 : i32
    %dma_start3A_12 = tpu.memref_slice %arg8[%dma_start3A_11] : memref<10240xi32, #tpu.memory_space<vmem>> -> memref<128xi32, #tpu.memory_space<vmem>>
    %dma_start3A_13 = arith.constant 0 : i32
    %dma_start3A_14 = arith.constant 0 : i32
    %dma_start3A_15 = tpu.memref_slice %arg2[%dma_start3A_13, %dma_start3A_14] : memref<10000x128xf32, #tpu.memory_space<hbm>> -> memref<10000x128xf32, #tpu.memory_space<hbm>>
    tpu.enqueue_indirect_dma source(%dma_start3A_15 : memref<10000x128xf32, #tpu.memory_space<hbm>>) target(%arg11 : memref<128x128xf32, #tpu.memory_space<vmem>>) offsets(%dma_start3A_12 : memref<128xi32, #tpu.memory_space<vmem>>) semaphore(%arg15 : memref<!tpu.dma_semaphore, #tpu.memory_space<semaphore_mem>>)
    %dma_start3A_16 = arith.constant 256 : i32
    %dma_start3A_17 = tpu.memref_slice %arg8[%dma_start3A_16] : memref<10240xi32, #tpu.memory_space<vmem>> -> memref<128xi32, #tpu.memory_space<vmem>>
    %dma_start3A_18 = arith.constant 0 : i32
    %dma_start3A_19 = arith.constant 0 : i32
    %dma_start3A_20 = tpu.memref_slice %arg2[%dma_start3A_18, %dma_start3A_19] : memref<10000x128xf32, #tpu.memory_space<hbm>> -> memref<10000x128xf32, #tpu.memory_space<hbm>>
    tpu.enqueue_indirect_dma source(%dma_start3A_20 : memref<10000x128xf32, #tpu.memory_space<hbm>>) target(%arg12 : memref<128x128xf32, #tpu.memory_space<vmem>>) offsets(%dma_start3A_17 : memref<128xi32, #tpu.memory_space<vmem>>) semaphore(%arg16 : memref<!tpu.dma_semaphore, #tpu.memory_space<semaphore_mem>>)
    %dma_start3A_21 = arith.constant 384 : i32
    %dma_start3A_22 = tpu.memref_slice %arg8[%dma_start3A_21] : memref<10240xi32, #tpu.memory_space<vmem>> -> memref<128xi32, #tpu.memory_space<vmem>>
    %dma_start3A_23 = arith.constant 0 : i32
    %dma_start3A_24 = arith.constant 0 : i32
    %dma_start3A_25 = tpu.memref_slice %arg2[%dma_start3A_23, %dma_start3A_24] : memref<10000x128xf32, #tpu.memory_space<hbm>> -> memref<10000x128xf32, #tpu.memory_space<hbm>>
    tpu.enqueue_indirect_dma source(%dma_start3A_25 : memref<10000x128xf32, #tpu.memory_space<hbm>>) target(%arg13 : memref<128x128xf32, #tpu.memory_space<vmem>>) offsets(%dma_start3A_22 : memref<128xi32, #tpu.memory_space<vmem>>) semaphore(%arg17 : memref<!tpu.dma_semaphore, #tpu.memory_space<semaphore_mem>>)
    %scan3A = arith.constant 0 : i32
    %scan3A_26 = arith.constant 20 : i32
    %scan3A_27 = arith.addi %scan3A, %scan3A_26 : i32
    %scan3A_28 = arith.constant 1 : i32
    scf.for %scan3A_67 = %scan3A to %scan3A_27 step %scan3A_28  : i32 {
      %mul3A_68 = arith.constant 4 : i32
      %mul3A_69 = arith.muli %scan3A_67, %mul3A_68 : i32
      %add3A_70 = arith.constant 0 : i32
      %add3A_71 = arith.addi %mul3A_69, %add3A_70 : i32
      %dma_wait3A_72 = arith.constant 0 : i32
      %dma_wait3A_73 = tpu.memref_slice %arg8[%dma_wait3A_72] : memref<10240xi32, #tpu.memory_space<vmem>> -> memref<128xi32, #tpu.memory_space<vmem>>
      %dma_wait3A_74 = arith.constant 0 : i32
      %dma_wait3A_75 = arith.constant 0 : i32
      %dma_wait3A_76 = tpu.memref_slice %arg2[%dma_wait3A_74, %dma_wait3A_75] : memref<10000x128xf32, #tpu.memory_space<hbm>> -> memref<10000x128xf32, #tpu.memory_space<hbm>>
      tpu.wait_indirect_dma semaphore(%arg14 : memref<!tpu.dma_semaphore, #tpu.memory_space<semaphore_mem>>) src(%dma_wait3A_76 : memref<10000x128xf32, #tpu.memory_space<hbm>>) dst(%arg10 : memref<128x128xf32, #tpu.memory_space<vmem>>)
      %dma_start3A_77 = arith.constant 0 : i32
      %dma_start3A_78 = tpu.memref_slice %arg9[%add3A_71, %dma_start3A_77] : memref<80x128xi32, #tpu.memory_space<vmem>> -> memref<1x128xi32, #tpu.memory_space<vmem>>
      %dma_start3A_79 = tpu.memref_squeeze %dma_start3A_78 : memref<1x128xi32, #tpu.memory_space<vmem>> -> memref<128xi32, #tpu.memory_space<vmem>>
      %dma_start3A_80 = arith.constant 0 : i32
      %dma_start3A_81 = arith.constant 0 : i32
      %dma_start3A_82 = tpu.memref_slice %arg7[%dma_start3A_80, %dma_start3A_81] : memref<5120x128xf32, #tpu.memory_space<vmem_shared>> -> memref<5120x128xf32, #tpu.memory_space<vmem_shared>>
      tpu.enqueue_indirect_dma source(%arg10 : memref<128x128xf32, #tpu.memory_space<vmem>>) target(%dma_start3A_82 : memref<5120x128xf32, #tpu.memory_space<vmem_shared>>) offsets(%dma_start3A_79 : memref<128xi32, #tpu.memory_space<vmem>>) semaphore(%arg18 : memref<!tpu.dma_semaphore, #tpu.memory_space<semaphore_mem>>) {add = true}
      %add3A_83 = arith.constant 4 : i32
      %add3A_84 = arith.addi %add3A_71, %add3A_83 : i32
      %lt3A = arith.constant 80 : i32
      %lt3A_85 = arith.cmpi slt, %add3A_84, %lt3A : i32
      %convert_element_type3A_86 = arith.extui %lt3A_85 : i1 to i32
      %cond3A_87 = arith.constant 0 : i32
      %cond3A_88 = arith.cmpi ne, %convert_element_type3A_86, %cond3A_87 : i32
      scf.if %cond3A_88 {
        %dma_wait3A_155 = arith.constant 0 : i32
        %dma_wait3A_156 = arith.constant 0 : i32
        %dma_wait3A_157 = tpu.memref_slice %arg9[%dma_wait3A_155, %dma_wait3A_156] : memref<80x128xi32, #tpu.memory_space<vmem>> -> memref<1x128xi32, #tpu.memory_space<vmem>>
        %dma_wait3A_158 = tpu.memref_squeeze %dma_wait3A_157 : memref<1x128xi32, #tpu.memory_space<vmem>> -> memref<128xi32, #tpu.memory_space<vmem>>
        %dma_wait3A_159 = arith.constant 0 : i32
        %dma_wait3A_160 = arith.constant 0 : i32
        %dma_wait3A_161 = tpu.memref_slice %arg7[%dma_wait3A_159, %dma_wait3A_160] : memref<5120x128xf32, #tpu.memory_space<vmem_shared>> -> memref<5120x128xf32, #tpu.memory_space<vmem_shared>>
        tpu.wait_indirect_dma semaphore(%arg18 : memref<!tpu.dma_semaphore, #tpu.memory_space<semaphore_mem>>) src(%arg10 : memref<128x128xf32, #tpu.memory_space<vmem>>) dst(%dma_wait3A_161 : memref<5120x128xf32, #tpu.memory_space<vmem_shared>>)
        %add3A_162 = arith.constant 4 : i32
        %add3A_163 = arith.addi %add3A_71, %add3A_162 : i32
        %mul3A_164 = arith.constant 128 : i32
        %mul3A_165 = arith.muli %add3A_163, %mul3A_164 : i32
        %dma_start3A_166 = tpu.memref_slice %arg8[%mul3A_165] : memref<10240xi32, #tpu.memory_space<vmem>> -> memref<128xi32, #tpu.memory_space<vmem>>
        %dma_start3A_167 = arith.constant 0 : i32
        %dma_start3A_168 = arith.constant 0 : i32
        %dma_start3A_169 = tpu.memref_slice %arg2[%dma_start3A_167, %dma_start3A_168] : memref<10000x128xf32, #tpu.memory_space<hbm>> -> memref<10000x128xf32, #tpu.memory_space<hbm>>
        tpu.enqueue_indirect_dma source(%dma_start3A_169 : memref<10000x128xf32, #tpu.memory_space<hbm>>) target(%arg10 : memref<128x128xf32, #tpu.memory_space<vmem>>) offsets(%dma_start3A_166 : memref<128xi32, #tpu.memory_space<vmem>>) semaphore(%arg14 : memref<!tpu.dma_semaphore, #tpu.memory_space<semaphore_mem>>)
      } else {
      }
      %mul3A_89 = arith.constant 4 : i32
      %mul3A_90 = arith.muli %scan3A_67, %mul3A_89 : i32
      %add3A_91 = arith.constant 1 : i32
      %add3A_92 = arith.addi %mul3A_90, %add3A_91 : i32
      %dma_wait3A_93 = arith.constant 0 : i32
      %dma_wait3A_94 = tpu.memref_slice %arg8[%dma_wait3A_93] : memref<10240xi32, #tpu.memory_space<vmem>> -> memref<128xi32, #tpu.memory_space<vmem>>
      %dma_wait3A_95 = arith.constant 0 : i32
      %dma_wait3A_96 = arith.constant 0 : i32
      %dma_wait3A_97 = tpu.memref_slice %arg2[%dma_wait3A_95, %dma_wait3A_96] : memref<10000x128xf32, #tpu.memory_space<hbm>> -> memref<10000x128xf32, #tpu.memory_space<hbm>>
      tpu.wait_indirect_dma semaphore(%arg15 : memref<!tpu.dma_semaphore, #tpu.memory_space<semaphore_mem>>) src(%dma_wait3A_97 : memref<10000x128xf32, #tpu.memory_space<hbm>>) dst(%arg11 : memref<128x128xf32, #tpu.memory_space<vmem>>)
      %dma_start3A_98 = arith.constant 0 : i32
      %dma_start3A_99 = tpu.memref_slice %arg9[%add3A_92, %dma_start3A_98] : memref<80x128xi32, #tpu.memory_space<vmem>> -> memref<1x128xi32, #tpu.memory_space<vmem>>
      %dma_start3A_100 = tpu.memref_squeeze %dma_start3A_99 : memref<1x128xi32, #tpu.memory_space<vmem>> -> memref<128xi32, #tpu.memory_space<vmem>>
      %dma_start3A_101 = arith.constant 0 : i32
      %dma_start3A_102 = arith.constant 0 : i32
      %dma_start3A_103 = tpu.memref_slice %arg7[%dma_start3A_101, %dma_start3A_102] : memref<5120x128xf32, #tpu.memory_space<vmem_shared>> -> memref<5120x128xf32, #tpu.memory_space<vmem_shared>>
      tpu.enqueue_indirect_dma source(%arg11 : memref<128x128xf32, #tpu.memory_space<vmem>>) target(%dma_start3A_103 : memref<5120x128xf32, #tpu.memory_space<vmem_shared>>) offsets(%dma_start3A_100 : memref<128xi32, #tpu.memory_space<vmem>>) semaphore(%arg19 : memref<!tpu.dma_semaphore, #tpu.memory_space<semaphore_mem>>) {add = true}
      %add3A_104 = arith.constant 4 : i32
      %add3A_105 = arith.addi %add3A_92, %add3A_104 : i32
      %lt3A_106 = arith.constant 80 : i32
      %lt3A_107 = arith.cmpi slt, %add3A_105, %lt3A_106 : i32
      %convert_element_type3A_108 = arith.extui %lt3A_107 : i1 to i32
      %cond3A_109 = arith.constant 0 : i32
      %cond3A_110 = arith.cmpi ne, %convert_element_type3A_108, %cond3A_109 : i32
      scf.if %cond3A_110 {
        %dma_wait3A_155 = arith.constant 0 : i32
        %dma_wait3A_156 = arith.constant 0 : i32
        %dma_wait3A_157 = tpu.memref_slice %arg9[%dma_wait3A_155, %dma_wait3A_156] : memref<80x128xi32, #tpu.memory_space<vmem>> -> memref<1x128xi32, #tpu.memory_space<vmem>>
        %dma_wait3A_158 = tpu.memref_squeeze %dma_wait3A_157 : memref<1x128xi32, #tpu.memory_space<vmem>> -> memref<128xi32, #tpu.memory_space<vmem>>
        %dma_wait3A_159 = arith.constant 0 : i32
        %dma_wait3A_160 = arith.constant 0 : i32
        %dma_wait3A_161 = tpu.memref_slice %arg7[%dma_wait3A_159, %dma_wait3A_160] : memref<5120x128xf32, #tpu.memory_space<vmem_shared>> -> memref<5120x128xf32, #tpu.memory_space<vmem_shared>>
        tpu.wait_indirect_dma semaphore(%arg19 : memref<!tpu.dma_semaphore, #tpu.memory_space<semaphore_mem>>) src(%arg11 : memref<128x128xf32, #tpu.memory_space<vmem>>) dst(%dma_wait3A_161 : memref<5120x128xf32, #tpu.memory_space<vmem_shared>>)
        %add3A_162 = arith.constant 4 : i32
        %add3A_163 = arith.addi %add3A_92, %add3A_162 : i32
        %mul3A_164 = arith.constant 128 : i32
        %mul3A_165 = arith.muli %add3A_163, %mul3A_164 : i32
        %dma_start3A_166 = tpu.memref_slice %arg8[%mul3A_165] : memref<10240xi32, #tpu.memory_space<vmem>> -> memref<128xi32, #tpu.memory_space<vmem>>
        %dma_start3A_167 = arith.constant 0 : i32
        %dma_start3A_168 = arith.constant 0 : i32
        %dma_start3A_169 = tpu.memref_slice %arg2[%dma_start3A_167, %dma_start3A_168] : memref<10000x128xf32, #tpu.memory_space<hbm>> -> memref<10000x128xf32, #tpu.memory_space<hbm>>
        tpu.enqueue_indirect_dma source(%dma_start3A_169 : memref<10000x128xf32, #tpu.memory_space<hbm>>) target(%arg11 : memref<128x128xf32, #tpu.memory_space<vmem>>) offsets(%dma_start3A_166 : memref<128xi32, #tpu.memory_space<vmem>>) semaphore(%arg15 : memref<!tpu.dma_semaphore, #tpu.memory_space<semaphore_mem>>)
      } else {
      }
      %mul3A_111 = arith.constant 4 : i32
      %mul3A_112 = arith.muli %scan3A_67, %mul3A_111 : i32
      %add3A_113 = arith.constant 2 : i32
      %add3A_114 = arith.addi %mul3A_112, %add3A_113 : i32
      %dma_wait3A_115 = arith.constant 0 : i32
      %dma_wait3A_116 = tpu.memref_slice %arg8[%dma_wait3A_115] : memref<10240xi32, #tpu.memory_space<vmem>> -> memref<128xi32, #tpu.memory_space<vmem>>
      %dma_wait3A_117 = arith.constant 0 : i32
      %dma_wait3A_118 = arith.constant 0 : i32
      %dma_wait3A_119 = tpu.memref_slice %arg2[%dma_wait3A_117, %dma_wait3A_118] : memref<10000x128xf32, #tpu.memory_space<hbm>> -> memref<10000x128xf32, #tpu.memory_space<hbm>>
      tpu.wait_indirect_dma semaphore(%arg16 : memref<!tpu.dma_semaphore, #tpu.memory_space<semaphore_mem>>) src(%dma_wait3A_119 : memref<10000x128xf32, #tpu.memory_space<hbm>>) dst(%arg12 : memref<128x128xf32, #tpu.memory_space<vmem>>)
      %dma_start3A_120 = arith.constant 0 : i32
      %dma_start3A_121 = tpu.memref_slice %arg9[%add3A_114, %dma_start3A_120] : memref<80x128xi32, #tpu.memory_space<vmem>> -> memref<1x128xi32, #tpu.memory_space<vmem>>
      %dma_start3A_122 = tpu.memref_squeeze %dma_start3A_121 : memref<1x128xi32, #tpu.memory_space<vmem>> -> memref<128xi32, #tpu.memory_space<vmem>>
      %dma_start3A_123 = arith.constant 0 : i32
      %dma_start3A_124 = arith.constant 0 : i32
      %dma_start3A_125 = tpu.memref_slice %arg7[%dma_start3A_123, %dma_start3A_124] : memref<5120x128xf32, #tpu.memory_space<vmem_shared>> -> memref<5120x128xf32, #tpu.memory_space<vmem_shared>>
      tpu.enqueue_indirect_dma source(%arg12 : memref<128x128xf32, #tpu.memory_space<vmem>>) target(%dma_start3A_125 : memref<5120x128xf32, #tpu.memory_space<vmem_shared>>) offsets(%dma_start3A_122 : memref<128xi32, #tpu.memory_space<vmem>>) semaphore(%arg20 : memref<!tpu.dma_semaphore, #tpu.memory_space<semaphore_mem>>) {add = true}
      %add3A_126 = arith.constant 4 : i32
      %add3A_127 = arith.addi %add3A_114, %add3A_126 : i32
      %lt3A_128 = arith.constant 80 : i32
      %lt3A_129 = arith.cmpi slt, %add3A_127, %lt3A_128 : i32
      %convert_element_type3A_130 = arith.extui %lt3A_129 : i1 to i32
      %cond3A_131 = arith.constant 0 : i32
      %cond3A_132 = arith.cmpi ne, %convert_element_type3A_130, %cond3A_131 : i32
      scf.if %cond3A_132 {
        %dma_wait3A_155 = arith.constant 0 : i32
        %dma_wait3A_156 = arith.constant 0 : i32
        %dma_wait3A_157 = tpu.memref_slice %arg9[%dma_wait3A_155, %dma_wait3A_156] : memref<80x128xi32, #tpu.memory_space<vmem>> -> memref<1x128xi32, #tpu.memory_space<vmem>>
        %dma_wait3A_158 = tpu.memref_squeeze %dma_wait3A_157 : memref<1x128xi32, #tpu.memory_space<vmem>> -> memref<128xi32, #tpu.memory_space<vmem>>
        %dma_wait3A_159 = arith.constant 0 : i32
        %dma_wait3A_160 = arith.constant 0 : i32
        %dma_wait3A_161 = tpu.memref_slice %arg7[%dma_wait3A_159, %dma_wait3A_160] : memref<5120x128xf32, #tpu.memory_space<vmem_shared>> -> memref<5120x128xf32, #tpu.memory_space<vmem_shared>>
        tpu.wait_indirect_dma semaphore(%arg20 : memref<!tpu.dma_semaphore, #tpu.memory_space<semaphore_mem>>) src(%arg12 : memref<128x128xf32, #tpu.memory_space<vmem>>) dst(%dma_wait3A_161 : memref<5120x128xf32, #tpu.memory_space<vmem_shared>>)
        %add3A_162 = arith.constant 4 : i32
        %add3A_163 = arith.addi %add3A_114, %add3A_162 : i32
        %mul3A_164 = arith.constant 128 : i32
        %mul3A_165 = arith.muli %add3A_163, %mul3A_164 : i32
        %dma_start3A_166 = tpu.memref_slice %arg8[%mul3A_165] : memref<10240xi32, #tpu.memory_space<vmem>> -> memref<128xi32, #tpu.memory_space<vmem>>
        %dma_start3A_167 = arith.constant 0 : i32
        %dma_start3A_168 = arith.constant 0 : i32
        %dma_start3A_169 = tpu.memref_slice %arg2[%dma_start3A_167, %dma_start3A_168] : memref<10000x128xf32, #tpu.memory_space<hbm>> -> memref<10000x128xf32, #tpu.memory_space<hbm>>
        tpu.enqueue_indirect_dma source(%dma_start3A_169 : memref<10000x128xf32, #tpu.memory_space<hbm>>) target(%arg12 : memref<128x128xf32, #tpu.memory_space<vmem>>) offsets(%dma_start3A_166 : memref<128xi32, #tpu.memory_space<vmem>>) semaphore(%arg16 : memref<!tpu.dma_semaphore, #tpu.memory_space<semaphore_mem>>)
      } else {
      }
      %mul3A_133 = arith.constant 4 : i32
      %mul3A_134 = arith.muli %scan3A_67, %mul3A_133 : i32
      %add3A_135 = arith.constant 3 : i32
      %add3A_136 = arith.addi %mul3A_134, %add3A_135 : i32
      %dma_wait3A_137 = arith.constant 0 : i32
      %dma_wait3A_138 = tpu.memref_slice %arg8[%dma_wait3A_137] : memref<10240xi32, #tpu.memory_space<vmem>> -> memref<128xi32, #tpu.memory_space<vmem>>
      %dma_wait3A_139 = arith.constant 0 : i32
      %dma_wait3A_140 = arith.constant 0 : i32
      %dma_wait3A_141 = tpu.memref_slice %arg2[%dma_wait3A_139, %dma_wait3A_140] : memref<10000x128xf32, #tpu.memory_space<hbm>> -> memref<10000x128xf32, #tpu.memory_space<hbm>>
      tpu.wait_indirect_dma semaphore(%arg17 : memref<!tpu.dma_semaphore, #tpu.memory_space<semaphore_mem>>) src(%dma_wait3A_141 : memref<10000x128xf32, #tpu.memory_space<hbm>>) dst(%arg13 : memref<128x128xf32, #tpu.memory_space<vmem>>)
      %dma_start3A_142 = arith.constant 0 : i32
      %dma_start3A_143 = tpu.memref_slice %arg9[%add3A_136, %dma_start3A_142] : memref<80x128xi32, #tpu.memory_space<vmem>> -> memref<1x128xi32, #tpu.memory_space<vmem>>
      %dma_start3A_144 = tpu.memref_squeeze %dma_start3A_143 : memref<1x128xi32, #tpu.memory_space<vmem>> -> memref<128xi32, #tpu.memory_space<vmem>>
      %dma_start3A_145 = arith.constant 0 : i32
      %dma_start3A_146 = arith.constant 0 : i32
      %dma_start3A_147 = tpu.memref_slice %arg7[%dma_start3A_145, %dma_start3A_146] : memref<5120x128xf32, #tpu.memory_space<vmem_shared>> -> memref<5120x128xf32, #tpu.memory_space<vmem_shared>>
      tpu.enqueue_indirect_dma source(%arg13 : memref<128x128xf32, #tpu.memory_space<vmem>>) target(%dma_start3A_147 : memref<5120x128xf32, #tpu.memory_space<vmem_shared>>) offsets(%dma_start3A_144 : memref<128xi32, #tpu.memory_space<vmem>>) semaphore(%arg21 : memref<!tpu.dma_semaphore, #tpu.memory_space<semaphore_mem>>) {add = true}
      %add3A_148 = arith.constant 4 : i32
      %add3A_149 = arith.addi %add3A_136, %add3A_148 : i32
      %lt3A_150 = arith.constant 80 : i32
      %lt3A_151 = arith.cmpi slt, %add3A_149, %lt3A_150 : i32
      %convert_element_type3A_152 = arith.extui %lt3A_151 : i1 to i32
      %cond3A_153 = arith.constant 0 : i32
      %cond3A_154 = arith.cmpi ne, %convert_element_type3A_152, %cond3A_153 : i32
      scf.if %cond3A_154 {
        %dma_wait3A_155 = arith.constant 0 : i32
        %dma_wait3A_156 = arith.constant 0 : i32
        %dma_wait3A_157 = tpu.memref_slice %arg9[%dma_wait3A_155, %dma_wait3A_156] : memref<80x128xi32, #tpu.memory_space<vmem>> -> memref<1x128xi32, #tpu.memory_space<vmem>>
        %dma_wait3A_158 = tpu.memref_squeeze %dma_wait3A_157 : memref<1x128xi32, #tpu.memory_space<vmem>> -> memref<128xi32, #tpu.memory_space<vmem>>
        %dma_wait3A_159 = arith.constant 0 : i32
        %dma_wait3A_160 = arith.constant 0 : i32
        %dma_wait3A_161 = tpu.memref_slice %arg7[%dma_wait3A_159, %dma_wait3A_160] : memref<5120x128xf32, #tpu.memory_space<vmem_shared>> -> memref<5120x128xf32, #tpu.memory_space<vmem_shared>>
        tpu.wait_indirect_dma semaphore(%arg21 : memref<!tpu.dma_semaphore, #tpu.memory_space<semaphore_mem>>) src(%arg13 : memref<128x128xf32, #tpu.memory_space<vmem>>) dst(%dma_wait3A_161 : memref<5120x128xf32, #tpu.memory_space<vmem_shared>>)
        %add3A_162 = arith.constant 4 : i32
        %add3A_163 = arith.addi %add3A_136, %add3A_162 : i32
        %mul3A_164 = arith.constant 128 : i32
        %mul3A_165 = arith.muli %add3A_163, %mul3A_164 : i32
        %dma_start3A_166 = tpu.memref_slice %arg8[%mul3A_165] : memref<10240xi32, #tpu.memory_space<vmem>> -> memref<128xi32, #tpu.memory_space<vmem>>
        %dma_start3A_167 = arith.constant 0 : i32
        %dma_start3A_168 = arith.constant 0 : i32
        %dma_start3A_169 = tpu.memref_slice %arg2[%dma_start3A_167, %dma_start3A_168] : memref<10000x128xf32, #tpu.memory_space<hbm>> -> memref<10000x128xf32, #tpu.memory_space<hbm>>
        tpu.enqueue_indirect_dma source(%dma_start3A_169 : memref<10000x128xf32, #tpu.memory_space<hbm>>) target(%arg13 : memref<128x128xf32, #tpu.memory_space<vmem>>) offsets(%dma_start3A_166 : memref<128xi32, #tpu.memory_space<vmem>>) semaphore(%arg17 : memref<!tpu.dma_semaphore, #tpu.memory_space<semaphore_mem>>)
      } else {
      }
    }
    %scan3A_29 = arith.constant 20 : i32
    %dma_wait3A = arith.constant 0 : i32
    %dma_wait3A_30 = arith.constant 0 : i32
    %dma_wait3A_31 = tpu.memref_slice %arg9[%dma_wait3A, %dma_wait3A_30] : memref<80x128xi32, #tpu.memory_space<vmem>> -> memref<1x128xi32, #tpu.memory_space<vmem>>
    %dma_wait3A_32 = tpu.memref_squeeze %dma_wait3A_31 : memref<1x128xi32, #tpu.memory_space<vmem>> -> memref<128xi32, #tpu.memory_space<vmem>>
    %dma_wait3A_33 = arith.constant 0 : i32
    %dma_wait3A_34 = arith.constant 0 : i32
    %dma_wait3A_35 = tpu.memref_slice %arg7[%dma_wait3A_33, %dma_wait3A_34] : memref<5120x128xf32, #tpu.memory_space<vmem_shared>> -> memref<5120x128xf32, #tpu.memory_space<vmem_shared>>
    tpu.wait_indirect_dma semaphore(%arg18 : memref<!tpu.dma_semaphore, #tpu.memory_space<semaphore_mem>>) src(%arg10 : memref<128x128xf32, #tpu.memory_space<vmem>>) dst(%dma_wait3A_35 : memref<5120x128xf32, #tpu.memory_space<vmem_shared>>)
    %dma_wait3A_36 = arith.constant 0 : i32
    %dma_wait3A_37 = arith.constant 0 : i32
    %dma_wait3A_38 = tpu.memref_slice %arg9[%dma_wait3A_36, %dma_wait3A_37] : memref<80x128xi32, #tpu.memory_space<vmem>> -> memref<1x128xi32, #tpu.memory_space<vmem>>
    %dma_wait3A_39 = tpu.memref_squeeze %dma_wait3A_38 : memref<1x128xi32, #tpu.memory_space<vmem>> -> memref<128xi32, #tpu.memory_space<vmem>>
    %dma_wait3A_40 = arith.constant 0 : i32
    %dma_wait3A_41 = arith.constant 0 : i32
    %dma_wait3A_42 = tpu.memref_slice %arg7[%dma_wait3A_40, %dma_wait3A_41] : memref<5120x128xf32, #tpu.memory_space<vmem_shared>> -> memref<5120x128xf32, #tpu.memory_space<vmem_shared>>
    tpu.wait_indirect_dma semaphore(%arg19 : memref<!tpu.dma_semaphore, #tpu.memory_space<semaphore_mem>>) src(%arg11 : memref<128x128xf32, #tpu.memory_space<vmem>>) dst(%dma_wait3A_42 : memref<5120x128xf32, #tpu.memory_space<vmem_shared>>)
    %dma_wait3A_43 = arith.constant 0 : i32
    %dma_wait3A_44 = arith.constant 0 : i32
    %dma_wait3A_45 = tpu.memref_slice %arg9[%dma_wait3A_43, %dma_wait3A_44] : memref<80x128xi32, #tpu.memory_space<vmem>> -> memref<1x128xi32, #tpu.memory_space<vmem>>
    %dma_wait3A_46 = tpu.memref_squeeze %dma_wait3A_45 : memref<1x128xi32, #tpu.memory_space<vmem>> -> memref<128xi32, #tpu.memory_space<vmem>>
    %dma_wait3A_47 = arith.constant 0 : i32
    %dma_wait3A_48 = arith.constant 0 : i32
    %dma_wait3A_49 = tpu.memref_slice %arg7[%dma_wait3A_47, %dma_wait3A_48] : memref<5120x128xf32, #tpu.memory_space<vmem_shared>> -> memref<5120x128xf32, #tpu.memory_space<vmem_shared>>
    tpu.wait_indirect_dma semaphore(%arg20 : memref<!tpu.dma_semaphore, #tpu.memory_space<semaphore_mem>>) src(%arg12 : memref<128x128xf32, #tpu.memory_space<vmem>>) dst(%dma_wait3A_49 : memref<5120x128xf32, #tpu.memory_space<vmem_shared>>)
    %dma_wait3A_50 = arith.constant 0 : i32
    %dma_wait3A_51 = arith.constant 0 : i32
    %dma_wait3A_52 = tpu.memref_slice %arg9[%dma_wait3A_50, %dma_wait3A_51] : memref<80x128xi32, #tpu.memory_space<vmem>> -> memref<1x128xi32, #tpu.memory_space<vmem>>
    %dma_wait3A_53 = tpu.memref_squeeze %dma_wait3A_52 : memref<1x128xi32, #tpu.memory_space<vmem>> -> memref<128xi32, #tpu.memory_space<vmem>>
    %dma_wait3A_54 = arith.constant 0 : i32
    %dma_wait3A_55 = arith.constant 0 : i32
    %dma_wait3A_56 = tpu.memref_slice %arg7[%dma_wait3A_54, %dma_wait3A_55] : memref<5120x128xf32, #tpu.memory_space<vmem_shared>> -> memref<5120x128xf32, #tpu.memory_space<vmem_shared>>
    tpu.wait_indirect_dma semaphore(%arg21 : memref<!tpu.dma_semaphore, #tpu.memory_space<semaphore_mem>>) src(%arg13 : memref<128x128xf32, #tpu.memory_space<vmem>>) dst(%dma_wait3A_56 : memref<5120x128xf32, #tpu.memory_space<vmem_shared>>)
    %barrier3A_57 = arith.constant 0 : index
    tpu.barrier barrier_id(%barrier3A_57)
    %mul3A_58 = arith.constant 5000 : i32
    %mul3A_59 = arith.muli %arg0, %mul3A_58 : i32
    %mul3A_60 = arith.constant 312 : i32
    %mul3A_61 = arith.muli %arg1, %mul3A_60 : i32
    %mul3A_62 = arith.constant 312 : i32
    %mul3A_63 = arith.muli %arg1, %mul3A_62 : i32
    %add3A_64 = arith.addi %mul3A_59, %mul3A_63 : i32
    "tpu.region"() ({
      %run_scoped3A = tpu.sem_alloc : memref<!tpu.dma_semaphore, #tpu.memory_space<semaphore_mem>>
      %dma_start3A_67 = arith.constant 0 : i32
      %dma_start3A_68 = tpu.memref_slice %arg6[%add3A_64, %dma_start3A_67] : memref<10000x128xf32, #tpu.memory_space<hbm>> -> memref<312x128xf32, #tpu.memory_space<hbm>>
      %dma_start3A_69 = arith.constant 0 : i32
      %dma_start3A_70 = tpu.memref_slice %arg7[%mul3A_61, %dma_start3A_69] : memref<5120x128xf32, #tpu.memory_space<vmem_shared>> -> memref<312x128xf32, #tpu.memory_space<vmem_shared>>
      tpu.enqueue_dma source(%dma_start3A_70 : memref<312x128xf32, #tpu.memory_space<vmem_shared>>) target(%dma_start3A_68 : memref<312x128xf32, #tpu.memory_space<hbm>>) target_semaphore(%run_scoped3A : memref<!tpu.dma_semaphore, #tpu.memory_space<semaphore_mem>>)
      %dma_wait3A_71 = arith.constant 0 : i32
      %dma_wait3A_72 = tpu.memref_slice %arg6[%add3A_64, %dma_wait3A_71] : memref<10000x128xf32, #tpu.memory_space<hbm>> -> memref<312x128xf32, #tpu.memory_space<hbm>>
      %dma_wait3A_73 = arith.constant 0 : i32
      %dma_wait3A_74 = tpu.memref_slice %arg7[%mul3A_61, %dma_wait3A_73] : memref<5120x128xf32, #tpu.memory_space<vmem_shared>> -> memref<312x128xf32, #tpu.memory_space<vmem_shared>>
      tpu.wait_dma2 semaphore(%run_scoped3A : memref<!tpu.dma_semaphore, #tpu.memory_space<semaphore_mem>>) src(%dma_wait3A_74 : memref<312x128xf32, #tpu.memory_space<vmem_shared>>) dst(%dma_wait3A_72 : memref<312x128xf32, #tpu.memory_space<hbm>>)
      tpu.yield
    }) : () -> ()
    %eq3A = arith.constant 15 : i32
    %eq3A_65 = arith.cmpi eq, %arg1, %eq3A : i32
    %convert_element_type3A = arith.extui %eq3A_65 : i1 to i32
    %cond3A = arith.constant 0 : i32
    %cond3A_66 = arith.cmpi ne, %convert_element_type3A, %cond3A : i32
    scf.if %cond3A_66 {
      %add3A_67 = arith.constant 4992 : i32
      %add3A_68 = arith.addi %mul3A_59, %add3A_67 : i32
      "tpu.region"() ({
        %run_scoped3A = tpu.sem_alloc : memref<!tpu.dma_semaphore, #tpu.memory_space<semaphore_mem>>
        %dma_start3A_69 = arith.constant 0 : i32
        %dma_start3A_70 = tpu.memref_slice %arg6[%add3A_68, %dma_start3A_69] : memref<10000x128xf32, #tpu.memory_space<hbm>> -> memref<8x128xf32, #tpu.memory_space<hbm>>
        %dma_start3A_71 = arith.constant 4992 : i32
        %dma_start3A_72 = arith.constant 0 : i32
        %dma_start3A_73 = tpu.memref_slice %arg7[%dma_start3A_71, %dma_start3A_72] : memref<5120x128xf32, #tpu.memory_space<vmem_shared>> -> memref<8x128xf32, #tpu.memory_space<vmem_shared>>
        tpu.enqueue_dma source(%dma_start3A_73 : memref<8x128xf32, #tpu.memory_space<vmem_shared>>) target(%dma_start3A_70 : memref<8x128xf32, #tpu.memory_space<hbm>>) target_semaphore(%run_scoped3A : memref<!tpu.dma_semaphore, #tpu.memory_space<semaphore_mem>>)
        %dma_wait3A_74 = arith.constant 0 : i32
        %dma_wait3A_75 = tpu.memref_slice %arg6[%add3A_68, %dma_wait3A_74] : memref<10000x128xf32, #tpu.memory_space<hbm>> -> memref<8x128xf32, #tpu.memory_space<hbm>>
        %dma_wait3A_76 = arith.constant 4992 : i32
        %dma_wait3A_77 = arith.constant 0 : i32
        %dma_wait3A_78 = tpu.memref_slice %arg7[%dma_wait3A_76, %dma_wait3A_77] : memref<5120x128xf32, #tpu.memory_space<vmem_shared>> -> memref<8x128xf32, #tpu.memory_space<vmem_shared>>
        tpu.wait_dma2 semaphore(%run_scoped3A : memref<!tpu.dma_semaphore, #tpu.memory_space<semaphore_mem>>) src(%dma_wait3A_78 : memref<8x128xf32, #tpu.memory_space<vmem_shared>>) dst(%dma_wait3A_75 : memref<8x128xf32, #tpu.memory_space<hbm>>)
        tpu.yield
      }) : () -> ()
    } else {
    }
    return
  }
}

#map = affine_map<(d0, d1) -> (0, 0)>
#map1 = affine_map<(d0, d1) -> (0)>
module attributes {stable_mosaic.version = 14 : i64} {
  func.func @spmm(%arg0: i32, %arg1: i32, %arg2: memref<10000x144xf32, #tpu.memory_space<hbm>>, %arg3: memref<327680xi32, #tpu.memory_space<hbm>>, %arg4: memref<2560x128xi32, #tpu.memory_space<hbm>>, %arg5: memref<320x144xf32, #tpu.memory_space<hbm>>, %arg6: memref<10000x144xf32, #tpu.memory_space<hbm>>, %arg7: memref<5120x144xf32, #tpu.memory_space<vmem_shared>>, %arg8: memref<10240xi32, #tpu.memory_space<vmem>>, %arg9: memref<80x128xi32, #tpu.memory_space<vmem>>, %arg10: memref<128x144xf32, #tpu.memory_space<vmem>>, %arg11: memref<128x144xf32, #tpu.memory_space<vmem>>, %arg12: memref<!tpu.dma_semaphore, #tpu.memory_space<semaphore_mem>>, %arg13: memref<!tpu.dma_semaphore, #tpu.memory_space<semaphore_mem>>, %arg14: memref<!tpu.dma_semaphore, #tpu.memory_space<semaphore_mem>>, %arg15: memref<!tpu.dma_semaphore, #tpu.memory_space<semaphore_mem>>) attributes {dimension_semantics = [#tpu.dimension_semantics<core_parallel>, #tpu.dimension_semantics<subcore_parallel>], iteration_bounds = array<i64: 2, 16>, scalar_prefetch = 0 : i64, scratch_operands = 9 : i64, tpu.core_type = #tpu.core_type<sc_vector_subcore>, window_params = [{transform_indices = #map}, {transform_indices = #map1}, {transform_indices = #map}, {transform_indices = #map}, {transform_indices = #map}]} {
    %mul3A = arith.constant 320 : i32
    %mul3A_0 = arith.muli %arg1, %mul3A : i32
    "tpu.region"() ({
      %run_scoped3A = tpu.sem_alloc : memref<!tpu.dma_semaphore, #tpu.memory_space<semaphore_mem>>
      %dma_start3A_43 = arith.constant 0 : i32
      %dma_start3A_44 = tpu.memref_slice %arg7[%mul3A_0, %dma_start3A_43] : memref<5120x144xf32, #tpu.memory_space<vmem_shared>> -> memref<320x144xf32, #tpu.memory_space<vmem_shared>>
      tpu.enqueue_dma source(%arg5 : memref<320x144xf32, #tpu.memory_space<hbm>>) target(%dma_start3A_44 : memref<320x144xf32, #tpu.memory_space<vmem_shared>>) target_semaphore(%run_scoped3A : memref<!tpu.dma_semaphore, #tpu.memory_space<semaphore_mem>>)
      %dma_wait3A_45 = arith.constant 0 : i32
      %dma_wait3A_46 = tpu.memref_slice %arg7[%mul3A_0, %dma_wait3A_45] : memref<5120x144xf32, #tpu.memory_space<vmem_shared>> -> memref<320x144xf32, #tpu.memory_space<vmem_shared>>
      tpu.wait_dma2 semaphore(%run_scoped3A : memref<!tpu.dma_semaphore, #tpu.memory_space<semaphore_mem>>) src(%arg5 : memref<320x144xf32, #tpu.memory_space<hbm>>) dst(%dma_wait3A_46 : memref<320x144xf32, #tpu.memory_space<vmem_shared>>)
      tpu.yield
    }) : () -> ()
    %mul3A_1 = arith.constant 16 : i32
    %mul3A_2 = arith.muli %arg0, %mul3A_1 : i32
    %add3A = arith.addi %mul3A_2, %arg1 : i32
    %mul3A_3 = arith.constant 10240 : i32
    %mul3A_4 = arith.muli %add3A, %mul3A_3 : i32
    "tpu.region"() ({
      %run_scoped3A = tpu.sem_alloc : memref<!tpu.dma_semaphore, #tpu.memory_space<semaphore_mem>>
      %dma_start3A_43 = tpu.memref_slice %arg3[%mul3A_4] : memref<327680xi32, #tpu.memory_space<hbm>> -> memref<10240xi32, #tpu.memory_space<hbm>>
      %dma_start3A_44 = tpu.memref_slice %arg3[%mul3A_4] : memref<327680xi32, #tpu.memory_space<hbm>> -> memref<10240xi32, #tpu.memory_space<hbm>>
      tpu.enqueue_dma source(%dma_start3A_44 : memref<10240xi32, #tpu.memory_space<hbm>>) target(%arg8 : memref<10240xi32, #tpu.memory_space<vmem>>) target_semaphore(%run_scoped3A : memref<!tpu.dma_semaphore, #tpu.memory_space<semaphore_mem>>)
      %dma_wait3A_45 = tpu.memref_slice %arg3[%mul3A_4] : memref<327680xi32, #tpu.memory_space<hbm>> -> memref<10240xi32, #tpu.memory_space<hbm>>
      %dma_wait3A_46 = tpu.memref_slice %arg3[%mul3A_4] : memref<327680xi32, #tpu.memory_space<hbm>> -> memref<10240xi32, #tpu.memory_space<hbm>>
      tpu.wait_dma2 semaphore(%run_scoped3A : memref<!tpu.dma_semaphore, #tpu.memory_space<semaphore_mem>>) src(%dma_wait3A_46 : memref<10240xi32, #tpu.memory_space<hbm>>) dst(%arg8 : memref<10240xi32, #tpu.memory_space<vmem>>)
      tpu.yield
    }) : () -> ()
    %mul3A_5 = arith.constant 80 : i32
    %mul3A_6 = arith.muli %add3A, %mul3A_5 : i32
    "tpu.region"() ({
      %run_scoped3A = tpu.sem_alloc : memref<!tpu.dma_semaphore, #tpu.memory_space<semaphore_mem>>
      %dma_start3A_43 = arith.constant 0 : i32
      %dma_start3A_44 = tpu.memref_slice %arg4[%mul3A_6, %dma_start3A_43] : memref<2560x128xi32, #tpu.memory_space<hbm>> -> memref<80x128xi32, #tpu.memory_space<hbm>>
      %dma_start3A_45 = arith.constant 0 : i32
      %dma_start3A_46 = tpu.memref_slice %arg4[%mul3A_6, %dma_start3A_45] : memref<2560x128xi32, #tpu.memory_space<hbm>> -> memref<80x128xi32, #tpu.memory_space<hbm>>
      tpu.enqueue_dma source(%dma_start3A_46 : memref<80x128xi32, #tpu.memory_space<hbm>>) target(%arg9 : memref<80x128xi32, #tpu.memory_space<vmem>>) target_semaphore(%run_scoped3A : memref<!tpu.dma_semaphore, #tpu.memory_space<semaphore_mem>>)
      %dma_wait3A_47 = arith.constant 0 : i32
      %dma_wait3A_48 = tpu.memref_slice %arg4[%mul3A_6, %dma_wait3A_47] : memref<2560x128xi32, #tpu.memory_space<hbm>> -> memref<80x128xi32, #tpu.memory_space<hbm>>
      %dma_wait3A_49 = arith.constant 0 : i32
      %dma_wait3A_50 = tpu.memref_slice %arg4[%mul3A_6, %dma_wait3A_49] : memref<2560x128xi32, #tpu.memory_space<hbm>> -> memref<80x128xi32, #tpu.memory_space<hbm>>
      tpu.wait_dma2 semaphore(%run_scoped3A : memref<!tpu.dma_semaphore, #tpu.memory_space<semaphore_mem>>) src(%dma_wait3A_50 : memref<80x128xi32, #tpu.memory_space<hbm>>) dst(%arg9 : memref<80x128xi32, #tpu.memory_space<vmem>>)
      tpu.yield
    }) : () -> ()
    %barrier3A = arith.constant 0 : index
    tpu.barrier barrier_id(%barrier3A)
    %dma_start3A = arith.constant 0 : i32
    %dma_start3A_7 = tpu.memref_slice %arg8[%dma_start3A] : memref<10240xi32, #tpu.memory_space<vmem>> -> memref<128xi32, #tpu.memory_space<vmem>>
    %dma_start3A_8 = arith.constant 0 : i32
    %dma_start3A_9 = arith.constant 0 : i32
    %dma_start3A_10 = tpu.memref_slice %arg2[%dma_start3A_8, %dma_start3A_9] : memref<10000x144xf32, #tpu.memory_space<hbm>> -> memref<10000x144xf32, #tpu.memory_space<hbm>>
    tpu.enqueue_indirect_dma source(%dma_start3A_10 : memref<10000x144xf32, #tpu.memory_space<hbm>>) target(%arg10 : memref<128x144xf32, #tpu.memory_space<vmem>>) offsets(%dma_start3A_7 : memref<128xi32, #tpu.memory_space<vmem>>) semaphore(%arg12 : memref<!tpu.dma_semaphore, #tpu.memory_space<semaphore_mem>>)
    %dma_start3A_11 = arith.constant 128 : i32
    %dma_start3A_12 = tpu.memref_slice %arg8[%dma_start3A_11] : memref<10240xi32, #tpu.memory_space<vmem>> -> memref<128xi32, #tpu.memory_space<vmem>>
    %dma_start3A_13 = arith.constant 0 : i32
    %dma_start3A_14 = arith.constant 0 : i32
    %dma_start3A_15 = tpu.memref_slice %arg2[%dma_start3A_13, %dma_start3A_14] : memref<10000x144xf32, #tpu.memory_space<hbm>> -> memref<10000x144xf32, #tpu.memory_space<hbm>>
    tpu.enqueue_indirect_dma source(%dma_start3A_15 : memref<10000x144xf32, #tpu.memory_space<hbm>>) target(%arg11 : memref<128x144xf32, #tpu.memory_space<vmem>>) offsets(%dma_start3A_12 : memref<128xi32, #tpu.memory_space<vmem>>) semaphore(%arg13 : memref<!tpu.dma_semaphore, #tpu.memory_space<semaphore_mem>>)
    %scan3A = arith.constant 0 : i32
    %scan3A_16 = arith.constant 40 : i32
    %scan3A_17 = arith.addi %scan3A, %scan3A_16 : i32
    %scan3A_18 = arith.constant 1 : i32
    scf.for %scan3A_43 = %scan3A to %scan3A_17 step %scan3A_18  : i32 {
      %mul3A_44 = arith.constant 2 : i32
      %mul3A_45 = arith.muli %scan3A_43, %mul3A_44 : i32
      %add3A_46 = arith.constant 0 : i32
      %add3A_47 = arith.addi %mul3A_45, %add3A_46 : i32
      %dma_wait3A_48 = arith.constant 0 : i32
      %dma_wait3A_49 = tpu.memref_slice %arg8[%dma_wait3A_48] : memref<10240xi32, #tpu.memory_space<vmem>> -> memref<128xi32, #tpu.memory_space<vmem>>
      %dma_wait3A_50 = arith.constant 0 : i32
      %dma_wait3A_51 = arith.constant 0 : i32
      %dma_wait3A_52 = tpu.memref_slice %arg2[%dma_wait3A_50, %dma_wait3A_51] : memref<10000x144xf32, #tpu.memory_space<hbm>> -> memref<10000x144xf32, #tpu.memory_space<hbm>>
      tpu.wait_indirect_dma semaphore(%arg12 : memref<!tpu.dma_semaphore, #tpu.memory_space<semaphore_mem>>) src(%dma_wait3A_52 : memref<10000x144xf32, #tpu.memory_space<hbm>>) dst(%arg10 : memref<128x144xf32, #tpu.memory_space<vmem>>)
      %dma_start3A_53 = arith.constant 0 : i32
      %dma_start3A_54 = tpu.memref_slice %arg9[%add3A_47, %dma_start3A_53] : memref<80x128xi32, #tpu.memory_space<vmem>> -> memref<1x128xi32, #tpu.memory_space<vmem>>
      %dma_start3A_55 = tpu.memref_squeeze %dma_start3A_54 : memref<1x128xi32, #tpu.memory_space<vmem>> -> memref<128xi32, #tpu.memory_space<vmem>>
      %dma_start3A_56 = arith.constant 0 : i32
      %dma_start3A_57 = arith.constant 0 : i32
      %dma_start3A_58 = tpu.memref_slice %arg7[%dma_start3A_56, %dma_start3A_57] : memref<5120x144xf32, #tpu.memory_space<vmem_shared>> -> memref<5120x144xf32, #tpu.memory_space<vmem_shared>>
      tpu.enqueue_indirect_dma source(%arg10 : memref<128x144xf32, #tpu.memory_space<vmem>>) target(%dma_start3A_58 : memref<5120x144xf32, #tpu.memory_space<vmem_shared>>) offsets(%dma_start3A_55 : memref<128xi32, #tpu.memory_space<vmem>>) semaphore(%arg14 : memref<!tpu.dma_semaphore, #tpu.memory_space<semaphore_mem>>) {add = true}
      %add3A_59 = arith.constant 2 : i32
      %add3A_60 = arith.addi %add3A_47, %add3A_59 : i32
      %lt3A = arith.constant 80 : i32
      %lt3A_61 = arith.cmpi slt, %add3A_60, %lt3A : i32
      %convert_element_type3A_62 = arith.extui %lt3A_61 : i1 to i32
      %cond3A_63 = arith.constant 0 : i32
      %cond3A_64 = arith.cmpi ne, %convert_element_type3A_62, %cond3A_63 : i32
      scf.if %cond3A_64 {
        %dma_wait3A_87 = arith.constant 0 : i32
        %dma_wait3A_88 = arith.constant 0 : i32
        %dma_wait3A_89 = tpu.memref_slice %arg9[%dma_wait3A_87, %dma_wait3A_88] : memref<80x128xi32, #tpu.memory_space<vmem>> -> memref<1x128xi32, #tpu.memory_space<vmem>>
        %dma_wait3A_90 = tpu.memref_squeeze %dma_wait3A_89 : memref<1x128xi32, #tpu.memory_space<vmem>> -> memref<128xi32, #tpu.memory_space<vmem>>
        %dma_wait3A_91 = arith.constant 0 : i32
        %dma_wait3A_92 = arith.constant 0 : i32
        %dma_wait3A_93 = tpu.memref_slice %arg7[%dma_wait3A_91, %dma_wait3A_92] : memref<5120x144xf32, #tpu.memory_space<vmem_shared>> -> memref<5120x144xf32, #tpu.memory_space<vmem_shared>>
        tpu.wait_indirect_dma semaphore(%arg14 : memref<!tpu.dma_semaphore, #tpu.memory_space<semaphore_mem>>) src(%arg10 : memref<128x144xf32, #tpu.memory_space<vmem>>) dst(%dma_wait3A_93 : memref<5120x144xf32, #tpu.memory_space<vmem_shared>>)
        %add3A_94 = arith.constant 2 : i32
        %add3A_95 = arith.addi %add3A_47, %add3A_94 : i32
        %mul3A_96 = arith.constant 128 : i32
        %mul3A_97 = arith.muli %add3A_95, %mul3A_96 : i32
        %dma_start3A_98 = tpu.memref_slice %arg8[%mul3A_97] : memref<10240xi32, #tpu.memory_space<vmem>> -> memref<128xi32, #tpu.memory_space<vmem>>
        %dma_start3A_99 = arith.constant 0 : i32
        %dma_start3A_100 = arith.constant 0 : i32
        %dma_start3A_101 = tpu.memref_slice %arg2[%dma_start3A_99, %dma_start3A_100] : memref<10000x144xf32, #tpu.memory_space<hbm>> -> memref<10000x144xf32, #tpu.memory_space<hbm>>
        tpu.enqueue_indirect_dma source(%dma_start3A_101 : memref<10000x144xf32, #tpu.memory_space<hbm>>) target(%arg10 : memref<128x144xf32, #tpu.memory_space<vmem>>) offsets(%dma_start3A_98 : memref<128xi32, #tpu.memory_space<vmem>>) semaphore(%arg12 : memref<!tpu.dma_semaphore, #tpu.memory_space<semaphore_mem>>)
      } else {
      }
      %mul3A_65 = arith.constant 2 : i32
      %mul3A_66 = arith.muli %scan3A_43, %mul3A_65 : i32
      %add3A_67 = arith.constant 1 : i32
      %add3A_68 = arith.addi %mul3A_66, %add3A_67 : i32
      %dma_wait3A_69 = arith.constant 0 : i32
      %dma_wait3A_70 = tpu.memref_slice %arg8[%dma_wait3A_69] : memref<10240xi32, #tpu.memory_space<vmem>> -> memref<128xi32, #tpu.memory_space<vmem>>
      %dma_wait3A_71 = arith.constant 0 : i32
      %dma_wait3A_72 = arith.constant 0 : i32
      %dma_wait3A_73 = tpu.memref_slice %arg2[%dma_wait3A_71, %dma_wait3A_72] : memref<10000x144xf32, #tpu.memory_space<hbm>> -> memref<10000x144xf32, #tpu.memory_space<hbm>>
      tpu.wait_indirect_dma semaphore(%arg13 : memref<!tpu.dma_semaphore, #tpu.memory_space<semaphore_mem>>) src(%dma_wait3A_73 : memref<10000x144xf32, #tpu.memory_space<hbm>>) dst(%arg11 : memref<128x144xf32, #tpu.memory_space<vmem>>)
      %dma_start3A_74 = arith.constant 0 : i32
      %dma_start3A_75 = tpu.memref_slice %arg9[%add3A_68, %dma_start3A_74] : memref<80x128xi32, #tpu.memory_space<vmem>> -> memref<1x128xi32, #tpu.memory_space<vmem>>
      %dma_start3A_76 = tpu.memref_squeeze %dma_start3A_75 : memref<1x128xi32, #tpu.memory_space<vmem>> -> memref<128xi32, #tpu.memory_space<vmem>>
      %dma_start3A_77 = arith.constant 0 : i32
      %dma_start3A_78 = arith.constant 0 : i32
      %dma_start3A_79 = tpu.memref_slice %arg7[%dma_start3A_77, %dma_start3A_78] : memref<5120x144xf32, #tpu.memory_space<vmem_shared>> -> memref<5120x144xf32, #tpu.memory_space<vmem_shared>>
      tpu.enqueue_indirect_dma source(%arg11 : memref<128x144xf32, #tpu.memory_space<vmem>>) target(%dma_start3A_79 : memref<5120x144xf32, #tpu.memory_space<vmem_shared>>) offsets(%dma_start3A_76 : memref<128xi32, #tpu.memory_space<vmem>>) semaphore(%arg15 : memref<!tpu.dma_semaphore, #tpu.memory_space<semaphore_mem>>) {add = true}
      %add3A_80 = arith.constant 2 : i32
      %add3A_81 = arith.addi %add3A_68, %add3A_80 : i32
      %lt3A_82 = arith.constant 80 : i32
      %lt3A_83 = arith.cmpi slt, %add3A_81, %lt3A_82 : i32
      %convert_element_type3A_84 = arith.extui %lt3A_83 : i1 to i32
      %cond3A_85 = arith.constant 0 : i32
      %cond3A_86 = arith.cmpi ne, %convert_element_type3A_84, %cond3A_85 : i32
      scf.if %cond3A_86 {
        %dma_wait3A_87 = arith.constant 0 : i32
        %dma_wait3A_88 = arith.constant 0 : i32
        %dma_wait3A_89 = tpu.memref_slice %arg9[%dma_wait3A_87, %dma_wait3A_88] : memref<80x128xi32, #tpu.memory_space<vmem>> -> memref<1x128xi32, #tpu.memory_space<vmem>>
        %dma_wait3A_90 = tpu.memref_squeeze %dma_wait3A_89 : memref<1x128xi32, #tpu.memory_space<vmem>> -> memref<128xi32, #tpu.memory_space<vmem>>
        %dma_wait3A_91 = arith.constant 0 : i32
        %dma_wait3A_92 = arith.constant 0 : i32
        %dma_wait3A_93 = tpu.memref_slice %arg7[%dma_wait3A_91, %dma_wait3A_92] : memref<5120x144xf32, #tpu.memory_space<vmem_shared>> -> memref<5120x144xf32, #tpu.memory_space<vmem_shared>>
        tpu.wait_indirect_dma semaphore(%arg15 : memref<!tpu.dma_semaphore, #tpu.memory_space<semaphore_mem>>) src(%arg11 : memref<128x144xf32, #tpu.memory_space<vmem>>) dst(%dma_wait3A_93 : memref<5120x144xf32, #tpu.memory_space<vmem_shared>>)
        %add3A_94 = arith.constant 2 : i32
        %add3A_95 = arith.addi %add3A_68, %add3A_94 : i32
        %mul3A_96 = arith.constant 128 : i32
        %mul3A_97 = arith.muli %add3A_95, %mul3A_96 : i32
        %dma_start3A_98 = tpu.memref_slice %arg8[%mul3A_97] : memref<10240xi32, #tpu.memory_space<vmem>> -> memref<128xi32, #tpu.memory_space<vmem>>
        %dma_start3A_99 = arith.constant 0 : i32
        %dma_start3A_100 = arith.constant 0 : i32
        %dma_start3A_101 = tpu.memref_slice %arg2[%dma_start3A_99, %dma_start3A_100] : memref<10000x144xf32, #tpu.memory_space<hbm>> -> memref<10000x144xf32, #tpu.memory_space<hbm>>
        tpu.enqueue_indirect_dma source(%dma_start3A_101 : memref<10000x144xf32, #tpu.memory_space<hbm>>) target(%arg11 : memref<128x144xf32, #tpu.memory_space<vmem>>) offsets(%dma_start3A_98 : memref<128xi32, #tpu.memory_space<vmem>>) semaphore(%arg13 : memref<!tpu.dma_semaphore, #tpu.memory_space<semaphore_mem>>)
      } else {
      }
    }
    %scan3A_19 = arith.constant 40 : i32
    %dma_wait3A = arith.constant 0 : i32
    %dma_wait3A_20 = arith.constant 0 : i32
    %dma_wait3A_21 = tpu.memref_slice %arg9[%dma_wait3A, %dma_wait3A_20] : memref<80x128xi32, #tpu.memory_space<vmem>> -> memref<1x128xi32, #tpu.memory_space<vmem>>
    %dma_wait3A_22 = tpu.memref_squeeze %dma_wait3A_21 : memref<1x128xi32, #tpu.memory_space<vmem>> -> memref<128xi32, #tpu.memory_space<vmem>>
    %dma_wait3A_23 = arith.constant 0 : i32
    %dma_wait3A_24 = arith.constant 0 : i32
    %dma_wait3A_25 = tpu.memref_slice %arg7[%dma_wait3A_23, %dma_wait3A_24] : memref<5120x144xf32, #tpu.memory_space<vmem_shared>> -> memref<5120x144xf32, #tpu.memory_space<vmem_shared>>
    tpu.wait_indirect_dma semaphore(%arg14 : memref<!tpu.dma_semaphore, #tpu.memory_space<semaphore_mem>>) src(%arg10 : memref<128x144xf32, #tpu.memory_space<vmem>>) dst(%dma_wait3A_25 : memref<5120x144xf32, #tpu.memory_space<vmem_shared>>)
    %dma_wait3A_26 = arith.constant 0 : i32
    %dma_wait3A_27 = arith.constant 0 : i32
    %dma_wait3A_28 = tpu.memref_slice %arg9[%dma_wait3A_26, %dma_wait3A_27] : memref<80x128xi32, #tpu.memory_space<vmem>> -> memref<1x128xi32, #tpu.memory_space<vmem>>
    %dma_wait3A_29 = tpu.memref_squeeze %dma_wait3A_28 : memref<1x128xi32, #tpu.memory_space<vmem>> -> memref<128xi32, #tpu.memory_space<vmem>>
    %dma_wait3A_30 = arith.constant 0 : i32
    %dma_wait3A_31 = arith.constant 0 : i32
    %dma_wait3A_32 = tpu.memref_slice %arg7[%dma_wait3A_30, %dma_wait3A_31] : memref<5120x144xf32, #tpu.memory_space<vmem_shared>> -> memref<5120x144xf32, #tpu.memory_space<vmem_shared>>
    tpu.wait_indirect_dma semaphore(%arg15 : memref<!tpu.dma_semaphore, #tpu.memory_space<semaphore_mem>>) src(%arg11 : memref<128x144xf32, #tpu.memory_space<vmem>>) dst(%dma_wait3A_32 : memref<5120x144xf32, #tpu.memory_space<vmem_shared>>)
    %barrier3A_33 = arith.constant 0 : index
    tpu.barrier barrier_id(%barrier3A_33)
    %mul3A_34 = arith.constant 5000 : i32
    %mul3A_35 = arith.muli %arg0, %mul3A_34 : i32
    %mul3A_36 = arith.constant 312 : i32
    %mul3A_37 = arith.muli %arg1, %mul3A_36 : i32
    %mul3A_38 = arith.constant 312 : i32
    %mul3A_39 = arith.muli %arg1, %mul3A_38 : i32
    %add3A_40 = arith.addi %mul3A_35, %mul3A_39 : i32
    "tpu.region"() ({
      %run_scoped3A = tpu.sem_alloc : memref<!tpu.dma_semaphore, #tpu.memory_space<semaphore_mem>>
      %dma_start3A_43 = arith.constant 0 : i32
      %dma_start3A_44 = tpu.memref_slice %arg6[%add3A_40, %dma_start3A_43] : memref<10000x144xf32, #tpu.memory_space<hbm>> -> memref<312x144xf32, #tpu.memory_space<hbm>>
      %dma_start3A_45 = arith.constant 0 : i32
      %dma_start3A_46 = tpu.memref_slice %arg7[%mul3A_37, %dma_start3A_45] : memref<5120x144xf32, #tpu.memory_space<vmem_shared>> -> memref<312x144xf32, #tpu.memory_space<vmem_shared>>
      tpu.enqueue_dma source(%dma_start3A_46 : memref<312x144xf32, #tpu.memory_space<vmem_shared>>) target(%dma_start3A_44 : memref<312x144xf32, #tpu.memory_space<hbm>>) target_semaphore(%run_scoped3A : memref<!tpu.dma_semaphore, #tpu.memory_space<semaphore_mem>>)
      %dma_wait3A_47 = arith.constant 0 : i32
      %dma_wait3A_48 = tpu.memref_slice %arg6[%add3A_40, %dma_wait3A_47] : memref<10000x144xf32, #tpu.memory_space<hbm>> -> memref<312x144xf32, #tpu.memory_space<hbm>>
      %dma_wait3A_49 = arith.constant 0 : i32
      %dma_wait3A_50 = tpu.memref_slice %arg7[%mul3A_37, %dma_wait3A_49] : memref<5120x144xf32, #tpu.memory_space<vmem_shared>> -> memref<312x144xf32, #tpu.memory_space<vmem_shared>>
      tpu.wait_dma2 semaphore(%run_scoped3A : memref<!tpu.dma_semaphore, #tpu.memory_space<semaphore_mem>>) src(%dma_wait3A_50 : memref<312x144xf32, #tpu.memory_space<vmem_shared>>) dst(%dma_wait3A_48 : memref<312x144xf32, #tpu.memory_space<hbm>>)
      tpu.yield
    }) : () -> ()
    %eq3A = arith.constant 15 : i32
    %eq3A_41 = arith.cmpi eq, %arg1, %eq3A : i32
    %convert_element_type3A = arith.extui %eq3A_41 : i1 to i32
    %cond3A = arith.constant 0 : i32
    %cond3A_42 = arith.cmpi ne, %convert_element_type3A, %cond3A : i32
    scf.if %cond3A_42 {
      %add3A_43 = arith.constant 4992 : i32
      %add3A_44 = arith.addi %mul3A_35, %add3A_43 : i32
      "tpu.region"() ({
        %run_scoped3A = tpu.sem_alloc : memref<!tpu.dma_semaphore, #tpu.memory_space<semaphore_mem>>
        %dma_start3A_45 = arith.constant 0 : i32
        %dma_start3A_46 = tpu.memref_slice %arg6[%add3A_44, %dma_start3A_45] : memref<10000x144xf32, #tpu.memory_space<hbm>> -> memref<8x144xf32, #tpu.memory_space<hbm>>
        %dma_start3A_47 = arith.constant 4992 : i32
        %dma_start3A_48 = arith.constant 0 : i32
        %dma_start3A_49 = tpu.memref_slice %arg7[%dma_start3A_47, %dma_start3A_48] : memref<5120x144xf32, #tpu.memory_space<vmem_shared>> -> memref<8x144xf32, #tpu.memory_space<vmem_shared>>
        tpu.enqueue_dma source(%dma_start3A_49 : memref<8x144xf32, #tpu.memory_space<vmem_shared>>) target(%dma_start3A_46 : memref<8x144xf32, #tpu.memory_space<hbm>>) target_semaphore(%run_scoped3A : memref<!tpu.dma_semaphore, #tpu.memory_space<semaphore_mem>>)
        %dma_wait3A_50 = arith.constant 0 : i32
        %dma_wait3A_51 = tpu.memref_slice %arg6[%add3A_44, %dma_wait3A_50] : memref<10000x144xf32, #tpu.memory_space<hbm>> -> memref<8x144xf32, #tpu.memory_space<hbm>>
        %dma_wait3A_52 = arith.constant 4992 : i32
        %dma_wait3A_53 = arith.constant 0 : i32
        %dma_wait3A_54 = tpu.memref_slice %arg7[%dma_wait3A_52, %dma_wait3A_53] : memref<5120x144xf32, #tpu.memory_space<vmem_shared>> -> memref<8x144xf32, #tpu.memory_space<vmem_shared>>
        tpu.wait_dma2 semaphore(%run_scoped3A : memref<!tpu.dma_semaphore, #tpu.memory_space<semaphore_mem>>) src(%dma_wait3A_54 : memref<8x144xf32, #tpu.memory_space<vmem_shared>>) dst(%dma_wait3A_51 : memref<8x144xf32, #tpu.memory_space<hbm>>)
        tpu.yield
      }) : () -> ()
    } else {
    }
    return
  }
}

#map = affine_map<(d0, d1) -> (0, 0)>
#map1 = affine_map<(d0, d1) -> (0)>
module attributes {stable_mosaic.version = 14 : i64} {
  func.func @_batch_gather(%arg0: i32, %arg1: i32, %arg2: memref<10000x128xf32, #tpu.memory_space<hbm>>, %arg3: memref<10000x128xf32, #tpu.memory_space<hbm>>, %arg4: memref<10000x128xf32, #tpu.memory_space<hbm>>, %arg5: memref<10000x128xf32, #tpu.memory_space<hbm>>, %arg6: memref<1024xi32, #tpu.memory_space<hbm>>, %arg7: memref<1024xi32, #tpu.memory_space<hbm>>, %arg8: memref<1024xi32, #tpu.memory_space<hbm>>, %arg9: memref<1024x512xf32, #tpu.memory_space<hbm>>, %arg10: memref<1024x512xf32, #tpu.memory_space<hbm>>, %arg11: memref<1024x512xf32, #tpu.memory_space<hbm>>, %arg12: memref<32xi32, #tpu.memory_space<vmem>>, %arg13: memref<32x128xf32, #tpu.memory_space<vmem>>, %arg14: memref<!tpu.dma_semaphore, #tpu.memory_space<semaphore_mem>>) attributes {dimension_semantics = [#tpu.dimension_semantics<core_parallel>, #tpu.dimension_semantics<subcore_parallel>], iteration_bounds = array<i64: 2, 16>, scalar_prefetch = 0 : i64, scratch_operands = 3 : i64, tpu.core_type = #tpu.core_type<sc_vector_subcore>, window_params = [{transform_indices = #map}, {transform_indices = #map}, {transform_indices = #map}, {transform_indices = #map}, {transform_indices = #map1}, {transform_indices = #map1}, {transform_indices = #map1}, {transform_indices = #map}, {transform_indices = #map}, {transform_indices = #map}]} {
    %mul3A = arith.constant 2 : i32
    %mul3A_0 = arith.muli %arg1, %mul3A : i32
    %add3A = arith.addi %mul3A_0, %arg0 : i32
    %mul3A_1 = arith.constant 32 : i32
    %mul3A_2 = arith.muli %add3A, %mul3A_1 : i32
    "tpu.region"() ({
      %run_scoped3A = tpu.sem_alloc : memref<!tpu.dma_semaphore, #tpu.memory_space<semaphore_mem>>
      %dma_start3A_73 = tpu.memref_slice %arg6[%mul3A_2] : memref<1024xi32, #tpu.memory_space<hbm>> -> memref<32xi32, #tpu.memory_space<hbm>>
      %dma_start3A_74 = tpu.memref_slice %arg6[%mul3A_2] : memref<1024xi32, #tpu.memory_space<hbm>> -> memref<32xi32, #tpu.memory_space<hbm>>
      tpu.enqueue_dma source(%dma_start3A_74 : memref<32xi32, #tpu.memory_space<hbm>>) target(%arg12 : memref<32xi32, #tpu.memory_space<vmem>>) target_semaphore(%run_scoped3A : memref<!tpu.dma_semaphore, #tpu.memory_space<semaphore_mem>>)
      %dma_wait3A_75 = tpu.memref_slice %arg6[%mul3A_2] : memref<1024xi32, #tpu.memory_space<hbm>> -> memref<32xi32, #tpu.memory_space<hbm>>
      %dma_wait3A_76 = tpu.memref_slice %arg6[%mul3A_2] : memref<1024xi32, #tpu.memory_space<hbm>> -> memref<32xi32, #tpu.memory_space<hbm>>
      tpu.wait_dma2 semaphore(%run_scoped3A : memref<!tpu.dma_semaphore, #tpu.memory_space<semaphore_mem>>) src(%dma_wait3A_76 : memref<32xi32, #tpu.memory_space<hbm>>) dst(%arg12 : memref<32xi32, #tpu.memory_space<vmem>>)
      tpu.yield
    }) : () -> ()
    %dma_start3A = arith.constant 0 : i32
    %dma_start3A_3 = arith.constant 0 : i32
    %dma_start3A_4 = tpu.memref_slice %arg2[%dma_start3A, %dma_start3A_3] : memref<10000x128xf32, #tpu.memory_space<hbm>> -> memref<10000x128xf32, #tpu.memory_space<hbm>>
    tpu.enqueue_indirect_dma source(%dma_start3A_4 : memref<10000x128xf32, #tpu.memory_space<hbm>>) target(%arg13 : memref<32x128xf32, #tpu.memory_space<vmem>>) offsets(%arg12 : memref<32xi32, #tpu.memory_space<vmem>>) semaphore(%arg14 : memref<!tpu.dma_semaphore, #tpu.memory_space<semaphore_mem>>)
    %dma_wait3A = arith.constant 0 : i32
    %dma_wait3A_5 = arith.constant 0 : i32
    %dma_wait3A_6 = tpu.memref_slice %arg2[%dma_wait3A, %dma_wait3A_5] : memref<10000x128xf32, #tpu.memory_space<hbm>> -> memref<10000x128xf32, #tpu.memory_space<hbm>>
    tpu.wait_indirect_dma semaphore(%arg14 : memref<!tpu.dma_semaphore, #tpu.memory_space<semaphore_mem>>) src(%dma_wait3A_6 : memref<10000x128xf32, #tpu.memory_space<hbm>>) dst(%arg13 : memref<32x128xf32, #tpu.memory_space<vmem>>)
    "tpu.region"() ({
      %run_scoped3A = tpu.sem_alloc : memref<!tpu.dma_semaphore, #tpu.memory_space<semaphore_mem>>
      %dma_start3A_73 = arith.constant 0 : i32
      %dma_start3A_74 = tpu.memref_slice %arg9[%mul3A_2, %dma_start3A_73] : memref<1024x512xf32, #tpu.memory_space<hbm>> -> memref<32x128xf32, #tpu.memory_space<hbm>>
      %dma_start3A_75 = arith.constant 0 : i32
      %dma_start3A_76 = tpu.memref_slice %arg9[%mul3A_2, %dma_start3A_75] : memref<1024x512xf32, #tpu.memory_space<hbm>> -> memref<32x128xf32, #tpu.memory_space<hbm>>
      tpu.enqueue_dma source(%arg13 : memref<32x128xf32, #tpu.memory_space<vmem>>) target(%dma_start3A_76 : memref<32x128xf32, #tpu.memory_space<hbm>>) target_semaphore(%run_scoped3A : memref<!tpu.dma_semaphore, #tpu.memory_space<semaphore_mem>>)
      %dma_wait3A_77 = arith.constant 0 : i32
      %dma_wait3A_78 = tpu.memref_slice %arg9[%mul3A_2, %dma_wait3A_77] : memref<1024x512xf32, #tpu.memory_space<hbm>> -> memref<32x128xf32, #tpu.memory_space<hbm>>
      %dma_wait3A_79 = arith.constant 0 : i32
      %dma_wait3A_80 = tpu.memref_slice %arg9[%mul3A_2, %dma_wait3A_79] : memref<1024x512xf32, #tpu.memory_space<hbm>> -> memref<32x128xf32, #tpu.memory_space<hbm>>
      tpu.wait_dma2 semaphore(%run_scoped3A : memref<!tpu.dma_semaphore, #tpu.memory_space<semaphore_mem>>) src(%arg13 : memref<32x128xf32, #tpu.memory_space<vmem>>) dst(%dma_wait3A_80 : memref<32x128xf32, #tpu.memory_space<hbm>>)
      tpu.yield
    }) : () -> ()
    %dma_start3A_7 = arith.constant 0 : i32
    %dma_start3A_8 = arith.constant 0 : i32
    %dma_start3A_9 = tpu.memref_slice %arg3[%dma_start3A_7, %dma_start3A_8] : memref<10000x128xf32, #tpu.memory_space<hbm>> -> memref<10000x128xf32, #tpu.memory_space<hbm>>
    tpu.enqueue_indirect_dma source(%dma_start3A_9 : memref<10000x128xf32, #tpu.memory_space<hbm>>) target(%arg13 : memref<32x128xf32, #tpu.memory_space<vmem>>) offsets(%arg12 : memref<32xi32, #tpu.memory_space<vmem>>) semaphore(%arg14 : memref<!tpu.dma_semaphore, #tpu.memory_space<semaphore_mem>>)
    %dma_wait3A_10 = arith.constant 0 : i32
    %dma_wait3A_11 = arith.constant 0 : i32
    %dma_wait3A_12 = tpu.memref_slice %arg3[%dma_wait3A_10, %dma_wait3A_11] : memref<10000x128xf32, #tpu.memory_space<hbm>> -> memref<10000x128xf32, #tpu.memory_space<hbm>>
    tpu.wait_indirect_dma semaphore(%arg14 : memref<!tpu.dma_semaphore, #tpu.memory_space<semaphore_mem>>) src(%dma_wait3A_12 : memref<10000x128xf32, #tpu.memory_space<hbm>>) dst(%arg13 : memref<32x128xf32, #tpu.memory_space<vmem>>)
    "tpu.region"() ({
      %run_scoped3A = tpu.sem_alloc : memref<!tpu.dma_semaphore, #tpu.memory_space<semaphore_mem>>
      %dma_start3A_73 = arith.constant 128 : i32
      %dma_start3A_74 = tpu.memref_slice %arg9[%mul3A_2, %dma_start3A_73] : memref<1024x512xf32, #tpu.memory_space<hbm>> -> memref<32x128xf32, #tpu.memory_space<hbm>>
      %dma_start3A_75 = arith.constant 128 : i32
      %dma_start3A_76 = tpu.memref_slice %arg9[%mul3A_2, %dma_start3A_75] : memref<1024x512xf32, #tpu.memory_space<hbm>> -> memref<32x128xf32, #tpu.memory_space<hbm>>
      tpu.enqueue_dma source(%arg13 : memref<32x128xf32, #tpu.memory_space<vmem>>) target(%dma_start3A_76 : memref<32x128xf32, #tpu.memory_space<hbm>>) target_semaphore(%run_scoped3A : memref<!tpu.dma_semaphore, #tpu.memory_space<semaphore_mem>>)
      %dma_wait3A_77 = arith.constant 128 : i32
      %dma_wait3A_78 = tpu.memref_slice %arg9[%mul3A_2, %dma_wait3A_77] : memref<1024x512xf32, #tpu.memory_space<hbm>> -> memref<32x128xf32, #tpu.memory_space<hbm>>
      %dma_wait3A_79 = arith.constant 128 : i32
      %dma_wait3A_80 = tpu.memref_slice %arg9[%mul3A_2, %dma_wait3A_79] : memref<1024x512xf32, #tpu.memory_space<hbm>> -> memref<32x128xf32, #tpu.memory_space<hbm>>
      tpu.wait_dma2 semaphore(%run_scoped3A : memref<!tpu.dma_semaphore, #tpu.memory_space<semaphore_mem>>) src(%arg13 : memref<32x128xf32, #tpu.memory_space<vmem>>) dst(%dma_wait3A_80 : memref<32x128xf32, #tpu.memory_space<hbm>>)
      tpu.yield
    }) : () -> ()
    %dma_start3A_13 = arith.constant 0 : i32
    %dma_start3A_14 = arith.constant 0 : i32
    %dma_start3A_15 = tpu.memref_slice %arg4[%dma_start3A_13, %dma_start3A_14] : memref<10000x128xf32, #tpu.memory_space<hbm>> -> memref<10000x128xf32, #tpu.memory_space<hbm>>
    tpu.enqueue_indirect_dma source(%dma_start3A_15 : memref<10000x128xf32, #tpu.memory_space<hbm>>) target(%arg13 : memref<32x128xf32, #tpu.memory_space<vmem>>) offsets(%arg12 : memref<32xi32, #tpu.memory_space<vmem>>) semaphore(%arg14 : memref<!tpu.dma_semaphore, #tpu.memory_space<semaphore_mem>>)
    %dma_wait3A_16 = arith.constant 0 : i32
    %dma_wait3A_17 = arith.constant 0 : i32
    %dma_wait3A_18 = tpu.memref_slice %arg4[%dma_wait3A_16, %dma_wait3A_17] : memref<10000x128xf32, #tpu.memory_space<hbm>> -> memref<10000x128xf32, #tpu.memory_space<hbm>>
    tpu.wait_indirect_dma semaphore(%arg14 : memref<!tpu.dma_semaphore, #tpu.memory_space<semaphore_mem>>) src(%dma_wait3A_18 : memref<10000x128xf32, #tpu.memory_space<hbm>>) dst(%arg13 : memref<32x128xf32, #tpu.memory_space<vmem>>)
    "tpu.region"() ({
      %run_scoped3A = tpu.sem_alloc : memref<!tpu.dma_semaphore, #tpu.memory_space<semaphore_mem>>
      %dma_start3A_73 = arith.constant 256 : i32
      %dma_start3A_74 = tpu.memref_slice %arg9[%mul3A_2, %dma_start3A_73] : memref<1024x512xf32, #tpu.memory_space<hbm>> -> memref<32x128xf32, #tpu.memory_space<hbm>>
      %dma_start3A_75 = arith.constant 256 : i32
      %dma_start3A_76 = tpu.memref_slice %arg9[%mul3A_2, %dma_start3A_75] : memref<1024x512xf32, #tpu.memory_space<hbm>> -> memref<32x128xf32, #tpu.memory_space<hbm>>
      tpu.enqueue_dma source(%arg13 : memref<32x128xf32, #tpu.memory_space<vmem>>) target(%dma_start3A_76 : memref<32x128xf32, #tpu.memory_space<hbm>>) target_semaphore(%run_scoped3A : memref<!tpu.dma_semaphore, #tpu.memory_space<semaphore_mem>>)
      %dma_wait3A_77 = arith.constant 256 : i32
      %dma_wait3A_78 = tpu.memref_slice %arg9[%mul3A_2, %dma_wait3A_77] : memref<1024x512xf32, #tpu.memory_space<hbm>> -> memref<32x128xf32, #tpu.memory_space<hbm>>
      %dma_wait3A_79 = arith.constant 256 : i32
      %dma_wait3A_80 = tpu.memref_slice %arg9[%mul3A_2, %dma_wait3A_79] : memref<1024x512xf32, #tpu.memory_space<hbm>> -> memref<32x128xf32, #tpu.memory_space<hbm>>
      tpu.wait_dma2 semaphore(%run_scoped3A : memref<!tpu.dma_semaphore, #tpu.memory_space<semaphore_mem>>) src(%arg13 : memref<32x128xf32, #tpu.memory_space<vmem>>) dst(%dma_wait3A_80 : memref<32x128xf32, #tpu.memory_space<hbm>>)
      tpu.yield
    }) : () -> ()
    %dma_start3A_19 = arith.constant 0 : i32
    %dma_start3A_20 = arith.constant 0 : i32
    %dma_start3A_21 = tpu.memref_slice %arg5[%dma_start3A_19, %dma_start3A_20] : memref<10000x128xf32, #tpu.memory_space<hbm>> -> memref<10000x128xf32, #tpu.memory_space<hbm>>
    tpu.enqueue_indirect_dma source(%dma_start3A_21 : memref<10000x128xf32, #tpu.memory_space<hbm>>) target(%arg13 : memref<32x128xf32, #tpu.memory_space<vmem>>) offsets(%arg12 : memref<32xi32, #tpu.memory_space<vmem>>) semaphore(%arg14 : memref<!tpu.dma_semaphore, #tpu.memory_space<semaphore_mem>>)
    %dma_wait3A_22 = arith.constant 0 : i32
    %dma_wait3A_23 = arith.constant 0 : i32
    %dma_wait3A_24 = tpu.memref_slice %arg5[%dma_wait3A_22, %dma_wait3A_23] : memref<10000x128xf32, #tpu.memory_space<hbm>> -> memref<10000x128xf32, #tpu.memory_space<hbm>>
    tpu.wait_indirect_dma semaphore(%arg14 : memref<!tpu.dma_semaphore, #tpu.memory_space<semaphore_mem>>) src(%dma_wait3A_24 : memref<10000x128xf32, #tpu.memory_space<hbm>>) dst(%arg13 : memref<32x128xf32, #tpu.memory_space<vmem>>)
    "tpu.region"() ({
      %run_scoped3A = tpu.sem_alloc : memref<!tpu.dma_semaphore, #tpu.memory_space<semaphore_mem>>
      %dma_start3A_73 = arith.constant 384 : i32
      %dma_start3A_74 = tpu.memref_slice %arg9[%mul3A_2, %dma_start3A_73] : memref<1024x512xf32, #tpu.memory_space<hbm>> -> memref<32x128xf32, #tpu.memory_space<hbm>>
      %dma_start3A_75 = arith.constant 384 : i32
      %dma_start3A_76 = tpu.memref_slice %arg9[%mul3A_2, %dma_start3A_75] : memref<1024x512xf32, #tpu.memory_space<hbm>> -> memref<32x128xf32, #tpu.memory_space<hbm>>
      tpu.enqueue_dma source(%arg13 : memref<32x128xf32, #tpu.memory_space<vmem>>) target(%dma_start3A_76 : memref<32x128xf32, #tpu.memory_space<hbm>>) target_semaphore(%run_scoped3A : memref<!tpu.dma_semaphore, #tpu.memory_space<semaphore_mem>>)
      %dma_wait3A_77 = arith.constant 384 : i32
      %dma_wait3A_78 = tpu.memref_slice %arg9[%mul3A_2, %dma_wait3A_77] : memref<1024x512xf32, #tpu.memory_space<hbm>> -> memref<32x128xf32, #tpu.memory_space<hbm>>
      %dma_wait3A_79 = arith.constant 384 : i32
      %dma_wait3A_80 = tpu.memref_slice %arg9[%mul3A_2, %dma_wait3A_79] : memref<1024x512xf32, #tpu.memory_space<hbm>> -> memref<32x128xf32, #tpu.memory_space<hbm>>
      tpu.wait_dma2 semaphore(%run_scoped3A : memref<!tpu.dma_semaphore, #tpu.memory_space<semaphore_mem>>) src(%arg13 : memref<32x128xf32, #tpu.memory_space<vmem>>) dst(%dma_wait3A_80 : memref<32x128xf32, #tpu.memory_space<hbm>>)
      tpu.yield
    }) : () -> ()
    "tpu.region"() ({
      %run_scoped3A = tpu.sem_alloc : memref<!tpu.dma_semaphore, #tpu.memory_space<semaphore_mem>>
      %dma_start3A_73 = tpu.memref_slice %arg7[%mul3A_2] : memref<1024xi32, #tpu.memory_space<hbm>> -> memref<32xi32, #tpu.memory_space<hbm>>
      %dma_start3A_74 = tpu.memref_slice %arg7[%mul3A_2] : memref<1024xi32, #tpu.memory_space<hbm>> -> memref<32xi32, #tpu.memory_space<hbm>>
      tpu.enqueue_dma source(%dma_start3A_74 : memref<32xi32, #tpu.memory_space<hbm>>) target(%arg12 : memref<32xi32, #tpu.memory_space<vmem>>) target_semaphore(%run_scoped3A : memref<!tpu.dma_semaphore, #tpu.memory_space<semaphore_mem>>)
      %dma_wait3A_75 = tpu.memref_slice %arg7[%mul3A_2] : memref<1024xi32, #tpu.memory_space<hbm>> -> memref<32xi32, #tpu.memory_space<hbm>>
      %dma_wait3A_76 = tpu.memref_slice %arg7[%mul3A_2] : memref<1024xi32, #tpu.memory_space<hbm>> -> memref<32xi32, #tpu.memory_space<hbm>>
      tpu.wait_dma2 semaphore(%run_scoped3A : memref<!tpu.dma_semaphore, #tpu.memory_space<semaphore_mem>>) src(%dma_wait3A_76 : memref<32xi32, #tpu.memory_space<hbm>>) dst(%arg12 : memref<32xi32, #tpu.memory_space<vmem>>)
      tpu.yield
    }) : () -> ()
    %dma_start3A_25 = arith.constant 0 : i32
    %dma_start3A_26 = arith.constant 0 : i32
    %dma_start3A_27 = tpu.memref_slice %arg2[%dma_start3A_25, %dma_start3A_26] : memref<10000x128xf32, #tpu.memory_space<hbm>> -> memref<10000x128xf32, #tpu.memory_space<hbm>>
    tpu.enqueue_indirect_dma source(%dma_start3A_27 : memref<10000x128xf32, #tpu.memory_space<hbm>>) target(%arg13 : memref<32x128xf32, #tpu.memory_space<vmem>>) offsets(%arg12 : memref<32xi32, #tpu.memory_space<vmem>>) semaphore(%arg14 : memref<!tpu.dma_semaphore, #tpu.memory_space<semaphore_mem>>)
    %dma_wait3A_28 = arith.constant 0 : i32
    %dma_wait3A_29 = arith.constant 0 : i32
    %dma_wait3A_30 = tpu.memref_slice %arg2[%dma_wait3A_28, %dma_wait3A_29] : memref<10000x128xf32, #tpu.memory_space<hbm>> -> memref<10000x128xf32, #tpu.memory_space<hbm>>
    tpu.wait_indirect_dma semaphore(%arg14 : memref<!tpu.dma_semaphore, #tpu.memory_space<semaphore_mem>>) src(%dma_wait3A_30 : memref<10000x128xf32, #tpu.memory_space<hbm>>) dst(%arg13 : memref<32x128xf32, #tpu.memory_space<vmem>>)
    "tpu.region"() ({
      %run_scoped3A = tpu.sem_alloc : memref<!tpu.dma_semaphore, #tpu.memory_space<semaphore_mem>>
      %dma_start3A_73 = arith.constant 0 : i32
      %dma_start3A_74 = tpu.memref_slice %arg10[%mul3A_2, %dma_start3A_73] : memref<1024x512xf32, #tpu.memory_space<hbm>> -> memref<32x128xf32, #tpu.memory_space<hbm>>
      %dma_start3A_75 = arith.constant 0 : i32
      %dma_start3A_76 = tpu.memref_slice %arg10[%mul3A_2, %dma_start3A_75] : memref<1024x512xf32, #tpu.memory_space<hbm>> -> memref<32x128xf32, #tpu.memory_space<hbm>>
      tpu.enqueue_dma source(%arg13 : memref<32x128xf32, #tpu.memory_space<vmem>>) target(%dma_start3A_76 : memref<32x128xf32, #tpu.memory_space<hbm>>) target_semaphore(%run_scoped3A : memref<!tpu.dma_semaphore, #tpu.memory_space<semaphore_mem>>)
      %dma_wait3A_77 = arith.constant 0 : i32
      %dma_wait3A_78 = tpu.memref_slice %arg10[%mul3A_2, %dma_wait3A_77] : memref<1024x512xf32, #tpu.memory_space<hbm>> -> memref<32x128xf32, #tpu.memory_space<hbm>>
      %dma_wait3A_79 = arith.constant 0 : i32
      %dma_wait3A_80 = tpu.memref_slice %arg10[%mul3A_2, %dma_wait3A_79] : memref<1024x512xf32, #tpu.memory_space<hbm>> -> memref<32x128xf32, #tpu.memory_space<hbm>>
      tpu.wait_dma2 semaphore(%run_scoped3A : memref<!tpu.dma_semaphore, #tpu.memory_space<semaphore_mem>>) src(%arg13 : memref<32x128xf32, #tpu.memory_space<vmem>>) dst(%dma_wait3A_80 : memref<32x128xf32, #tpu.memory_space<hbm>>)
      tpu.yield
    }) : () -> ()
    %dma_start3A_31 = arith.constant 0 : i32
    %dma_start3A_32 = arith.constant 0 : i32
    %dma_start3A_33 = tpu.memref_slice %arg3[%dma_start3A_31, %dma_start3A_32] : memref<10000x128xf32, #tpu.memory_space<hbm>> -> memref<10000x128xf32, #tpu.memory_space<hbm>>
    tpu.enqueue_indirect_dma source(%dma_start3A_33 : memref<10000x128xf32, #tpu.memory_space<hbm>>) target(%arg13 : memref<32x128xf32, #tpu.memory_space<vmem>>) offsets(%arg12 : memref<32xi32, #tpu.memory_space<vmem>>) semaphore(%arg14 : memref<!tpu.dma_semaphore, #tpu.memory_space<semaphore_mem>>)
    %dma_wait3A_34 = arith.constant 0 : i32
    %dma_wait3A_35 = arith.constant 0 : i32
    %dma_wait3A_36 = tpu.memref_slice %arg3[%dma_wait3A_34, %dma_wait3A_35] : memref<10000x128xf32, #tpu.memory_space<hbm>> -> memref<10000x128xf32, #tpu.memory_space<hbm>>
    tpu.wait_indirect_dma semaphore(%arg14 : memref<!tpu.dma_semaphore, #tpu.memory_space<semaphore_mem>>) src(%dma_wait3A_36 : memref<10000x128xf32, #tpu.memory_space<hbm>>) dst(%arg13 : memref<32x128xf32, #tpu.memory_space<vmem>>)
    "tpu.region"() ({
      %run_scoped3A = tpu.sem_alloc : memref<!tpu.dma_semaphore, #tpu.memory_space<semaphore_mem>>
      %dma_start3A_73 = arith.constant 128 : i32
      %dma_start3A_74 = tpu.memref_slice %arg10[%mul3A_2, %dma_start3A_73] : memref<1024x512xf32, #tpu.memory_space<hbm>> -> memref<32x128xf32, #tpu.memory_space<hbm>>
      %dma_start3A_75 = arith.constant 128 : i32
      %dma_start3A_76 = tpu.memref_slice %arg10[%mul3A_2, %dma_start3A_75] : memref<1024x512xf32, #tpu.memory_space<hbm>> -> memref<32x128xf32, #tpu.memory_space<hbm>>
      tpu.enqueue_dma source(%arg13 : memref<32x128xf32, #tpu.memory_space<vmem>>) target(%dma_start3A_76 : memref<32x128xf32, #tpu.memory_space<hbm>>) target_semaphore(%run_scoped3A : memref<!tpu.dma_semaphore, #tpu.memory_space<semaphore_mem>>)
      %dma_wait3A_77 = arith.constant 128 : i32
      %dma_wait3A_78 = tpu.memref_slice %arg10[%mul3A_2, %dma_wait3A_77] : memref<1024x512xf32, #tpu.memory_space<hbm>> -> memref<32x128xf32, #tpu.memory_space<hbm>>
      %dma_wait3A_79 = arith.constant 128 : i32
      %dma_wait3A_80 = tpu.memref_slice %arg10[%mul3A_2, %dma_wait3A_79] : memref<1024x512xf32, #tpu.memory_space<hbm>> -> memref<32x128xf32, #tpu.memory_space<hbm>>
      tpu.wait_dma2 semaphore(%run_scoped3A : memref<!tpu.dma_semaphore, #tpu.memory_space<semaphore_mem>>) src(%arg13 : memref<32x128xf32, #tpu.memory_space<vmem>>) dst(%dma_wait3A_80 : memref<32x128xf32, #tpu.memory_space<hbm>>)
      tpu.yield
    }) : () -> ()
    %dma_start3A_37 = arith.constant 0 : i32
    %dma_start3A_38 = arith.constant 0 : i32
    %dma_start3A_39 = tpu.memref_slice %arg4[%dma_start3A_37, %dma_start3A_38] : memref<10000x128xf32, #tpu.memory_space<hbm>> -> memref<10000x128xf32, #tpu.memory_space<hbm>>
    tpu.enqueue_indirect_dma source(%dma_start3A_39 : memref<10000x128xf32, #tpu.memory_space<hbm>>) target(%arg13 : memref<32x128xf32, #tpu.memory_space<vmem>>) offsets(%arg12 : memref<32xi32, #tpu.memory_space<vmem>>) semaphore(%arg14 : memref<!tpu.dma_semaphore, #tpu.memory_space<semaphore_mem>>)
    %dma_wait3A_40 = arith.constant 0 : i32
    %dma_wait3A_41 = arith.constant 0 : i32
    %dma_wait3A_42 = tpu.memref_slice %arg4[%dma_wait3A_40, %dma_wait3A_41] : memref<10000x128xf32, #tpu.memory_space<hbm>> -> memref<10000x128xf32, #tpu.memory_space<hbm>>
    tpu.wait_indirect_dma semaphore(%arg14 : memref<!tpu.dma_semaphore, #tpu.memory_space<semaphore_mem>>) src(%dma_wait3A_42 : memref<10000x128xf32, #tpu.memory_space<hbm>>) dst(%arg13 : memref<32x128xf32, #tpu.memory_space<vmem>>)
    "tpu.region"() ({
      %run_scoped3A = tpu.sem_alloc : memref<!tpu.dma_semaphore, #tpu.memory_space<semaphore_mem>>
      %dma_start3A_73 = arith.constant 256 : i32
      %dma_start3A_74 = tpu.memref_slice %arg10[%mul3A_2, %dma_start3A_73] : memref<1024x512xf32, #tpu.memory_space<hbm>> -> memref<32x128xf32, #tpu.memory_space<hbm>>
      %dma_start3A_75 = arith.constant 256 : i32
      %dma_start3A_76 = tpu.memref_slice %arg10[%mul3A_2, %dma_start3A_75] : memref<1024x512xf32, #tpu.memory_space<hbm>> -> memref<32x128xf32, #tpu.memory_space<hbm>>
      tpu.enqueue_dma source(%arg13 : memref<32x128xf32, #tpu.memory_space<vmem>>) target(%dma_start3A_76 : memref<32x128xf32, #tpu.memory_space<hbm>>) target_semaphore(%run_scoped3A : memref<!tpu.dma_semaphore, #tpu.memory_space<semaphore_mem>>)
      %dma_wait3A_77 = arith.constant 256 : i32
      %dma_wait3A_78 = tpu.memref_slice %arg10[%mul3A_2, %dma_wait3A_77] : memref<1024x512xf32, #tpu.memory_space<hbm>> -> memref<32x128xf32, #tpu.memory_space<hbm>>
      %dma_wait3A_79 = arith.constant 256 : i32
      %dma_wait3A_80 = tpu.memref_slice %arg10[%mul3A_2, %dma_wait3A_79] : memref<1024x512xf32, #tpu.memory_space<hbm>> -> memref<32x128xf32, #tpu.memory_space<hbm>>
      tpu.wait_dma2 semaphore(%run_scoped3A : memref<!tpu.dma_semaphore, #tpu.memory_space<semaphore_mem>>) src(%arg13 : memref<32x128xf32, #tpu.memory_space<vmem>>) dst(%dma_wait3A_80 : memref<32x128xf32, #tpu.memory_space<hbm>>)
      tpu.yield
    }) : () -> ()
    %dma_start3A_43 = arith.constant 0 : i32
    %dma_start3A_44 = arith.constant 0 : i32
    %dma_start3A_45 = tpu.memref_slice %arg5[%dma_start3A_43, %dma_start3A_44] : memref<10000x128xf32, #tpu.memory_space<hbm>> -> memref<10000x128xf32, #tpu.memory_space<hbm>>
    tpu.enqueue_indirect_dma source(%dma_start3A_45 : memref<10000x128xf32, #tpu.memory_space<hbm>>) target(%arg13 : memref<32x128xf32, #tpu.memory_space<vmem>>) offsets(%arg12 : memref<32xi32, #tpu.memory_space<vmem>>) semaphore(%arg14 : memref<!tpu.dma_semaphore, #tpu.memory_space<semaphore_mem>>)
    %dma_wait3A_46 = arith.constant 0 : i32
    %dma_wait3A_47 = arith.constant 0 : i32
    %dma_wait3A_48 = tpu.memref_slice %arg5[%dma_wait3A_46, %dma_wait3A_47] : memref<10000x128xf32, #tpu.memory_space<hbm>> -> memref<10000x128xf32, #tpu.memory_space<hbm>>
    tpu.wait_indirect_dma semaphore(%arg14 : memref<!tpu.dma_semaphore, #tpu.memory_space<semaphore_mem>>) src(%dma_wait3A_48 : memref<10000x128xf32, #tpu.memory_space<hbm>>) dst(%arg13 : memref<32x128xf32, #tpu.memory_space<vmem>>)
    "tpu.region"() ({
      %run_scoped3A = tpu.sem_alloc : memref<!tpu.dma_semaphore, #tpu.memory_space<semaphore_mem>>
      %dma_start3A_73 = arith.constant 384 : i32
      %dma_start3A_74 = tpu.memref_slice %arg10[%mul3A_2, %dma_start3A_73] : memref<1024x512xf32, #tpu.memory_space<hbm>> -> memref<32x128xf32, #tpu.memory_space<hbm>>
      %dma_start3A_75 = arith.constant 384 : i32
      %dma_start3A_76 = tpu.memref_slice %arg10[%mul3A_2, %dma_start3A_75] : memref<1024x512xf32, #tpu.memory_space<hbm>> -> memref<32x128xf32, #tpu.memory_space<hbm>>
      tpu.enqueue_dma source(%arg13 : memref<32x128xf32, #tpu.memory_space<vmem>>) target(%dma_start3A_76 : memref<32x128xf32, #tpu.memory_space<hbm>>) target_semaphore(%run_scoped3A : memref<!tpu.dma_semaphore, #tpu.memory_space<semaphore_mem>>)
      %dma_wait3A_77 = arith.constant 384 : i32
      %dma_wait3A_78 = tpu.memref_slice %arg10[%mul3A_2, %dma_wait3A_77] : memref<1024x512xf32, #tpu.memory_space<hbm>> -> memref<32x128xf32, #tpu.memory_space<hbm>>
      %dma_wait3A_79 = arith.constant 384 : i32
      %dma_wait3A_80 = tpu.memref_slice %arg10[%mul3A_2, %dma_wait3A_79] : memref<1024x512xf32, #tpu.memory_space<hbm>> -> memref<32x128xf32, #tpu.memory_space<hbm>>
      tpu.wait_dma2 semaphore(%run_scoped3A : memref<!tpu.dma_semaphore, #tpu.memory_space<semaphore_mem>>) src(%arg13 : memref<32x128xf32, #tpu.memory_space<vmem>>) dst(%dma_wait3A_80 : memref<32x128xf32, #tpu.memory_space<hbm>>)
      tpu.yield
    }) : () -> ()
    "tpu.region"() ({
      %run_scoped3A = tpu.sem_alloc : memref<!tpu.dma_semaphore, #tpu.memory_space<semaphore_mem>>
      %dma_start3A_73 = tpu.memref_slice %arg8[%mul3A_2] : memref<1024xi32, #tpu.memory_space<hbm>> -> memref<32xi32, #tpu.memory_space<hbm>>
      %dma_start3A_74 = tpu.memref_slice %arg8[%mul3A_2] : memref<1024xi32, #tpu.memory_space<hbm>> -> memref<32xi32, #tpu.memory_space<hbm>>
      tpu.enqueue_dma source(%dma_start3A_74 : memref<32xi32, #tpu.memory_space<hbm>>) target(%arg12 : memref<32xi32, #tpu.memory_space<vmem>>) target_semaphore(%run_scoped3A : memref<!tpu.dma_semaphore, #tpu.memory_space<semaphore_mem>>)
      %dma_wait3A_75 = tpu.memref_slice %arg8[%mul3A_2] : memref<1024xi32, #tpu.memory_space<hbm>> -> memref<32xi32, #tpu.memory_space<hbm>>
      %dma_wait3A_76 = tpu.memref_slice %arg8[%mul3A_2] : memref<1024xi32, #tpu.memory_space<hbm>> -> memref<32xi32, #tpu.memory_space<hbm>>
      tpu.wait_dma2 semaphore(%run_scoped3A : memref<!tpu.dma_semaphore, #tpu.memory_space<semaphore_mem>>) src(%dma_wait3A_76 : memref<32xi32, #tpu.memory_space<hbm>>) dst(%arg12 : memref<32xi32, #tpu.memory_space<vmem>>)
      tpu.yield
    }) : () -> ()
    %dma_start3A_49 = arith.constant 0 : i32
    %dma_start3A_50 = arith.constant 0 : i32
    %dma_start3A_51 = tpu.memref_slice %arg2[%dma_start3A_49, %dma_start3A_50] : memref<10000x128xf32, #tpu.memory_space<hbm>> -> memref<10000x128xf32, #tpu.memory_space<hbm>>
    tpu.enqueue_indirect_dma source(%dma_start3A_51 : memref<10000x128xf32, #tpu.memory_space<hbm>>) target(%arg13 : memref<32x128xf32, #tpu.memory_space<vmem>>) offsets(%arg12 : memref<32xi32, #tpu.memory_space<vmem>>) semaphore(%arg14 : memref<!tpu.dma_semaphore, #tpu.memory_space<semaphore_mem>>)
    %dma_wait3A_52 = arith.constant 0 : i32
    %dma_wait3A_53 = arith.constant 0 : i32
    %dma_wait3A_54 = tpu.memref_slice %arg2[%dma_wait3A_52, %dma_wait3A_53] : memref<10000x128xf32, #tpu.memory_space<hbm>> -> memref<10000x128xf32, #tpu.memory_space<hbm>>
    tpu.wait_indirect_dma semaphore(%arg14 : memref<!tpu.dma_semaphore, #tpu.memory_space<semaphore_mem>>) src(%dma_wait3A_54 : memref<10000x128xf32, #tpu.memory_space<hbm>>) dst(%arg13 : memref<32x128xf32, #tpu.memory_space<vmem>>)
    "tpu.region"() ({
      %run_scoped3A = tpu.sem_alloc : memref<!tpu.dma_semaphore, #tpu.memory_space<semaphore_mem>>
      %dma_start3A_73 = arith.constant 0 : i32
      %dma_start3A_74 = tpu.memref_slice %arg11[%mul3A_2, %dma_start3A_73] : memref<1024x512xf32, #tpu.memory_space<hbm>> -> memref<32x128xf32, #tpu.memory_space<hbm>>
      %dma_start3A_75 = arith.constant 0 : i32
      %dma_start3A_76 = tpu.memref_slice %arg11[%mul3A_2, %dma_start3A_75] : memref<1024x512xf32, #tpu.memory_space<hbm>> -> memref<32x128xf32, #tpu.memory_space<hbm>>
      tpu.enqueue_dma source(%arg13 : memref<32x128xf32, #tpu.memory_space<vmem>>) target(%dma_start3A_76 : memref<32x128xf32, #tpu.memory_space<hbm>>) target_semaphore(%run_scoped3A : memref<!tpu.dma_semaphore, #tpu.memory_space<semaphore_mem>>)
      %dma_wait3A_77 = arith.constant 0 : i32
      %dma_wait3A_78 = tpu.memref_slice %arg11[%mul3A_2, %dma_wait3A_77] : memref<1024x512xf32, #tpu.memory_space<hbm>> -> memref<32x128xf32, #tpu.memory_space<hbm>>
      %dma_wait3A_79 = arith.constant 0 : i32
      %dma_wait3A_80 = tpu.memref_slice %arg11[%mul3A_2, %dma_wait3A_79] : memref<1024x512xf32, #tpu.memory_space<hbm>> -> memref<32x128xf32, #tpu.memory_space<hbm>>
      tpu.wait_dma2 semaphore(%run_scoped3A : memref<!tpu.dma_semaphore, #tpu.memory_space<semaphore_mem>>) src(%arg13 : memref<32x128xf32, #tpu.memory_space<vmem>>) dst(%dma_wait3A_80 : memref<32x128xf32, #tpu.memory_space<hbm>>)
      tpu.yield
    }) : () -> ()
    %dma_start3A_55 = arith.constant 0 : i32
    %dma_start3A_56 = arith.constant 0 : i32
    %dma_start3A_57 = tpu.memref_slice %arg3[%dma_start3A_55, %dma_start3A_56] : memref<10000x128xf32, #tpu.memory_space<hbm>> -> memref<10000x128xf32, #tpu.memory_space<hbm>>
    tpu.enqueue_indirect_dma source(%dma_start3A_57 : memref<10000x128xf32, #tpu.memory_space<hbm>>) target(%arg13 : memref<32x128xf32, #tpu.memory_space<vmem>>) offsets(%arg12 : memref<32xi32, #tpu.memory_space<vmem>>) semaphore(%arg14 : memref<!tpu.dma_semaphore, #tpu.memory_space<semaphore_mem>>)
    %dma_wait3A_58 = arith.constant 0 : i32
    %dma_wait3A_59 = arith.constant 0 : i32
    %dma_wait3A_60 = tpu.memref_slice %arg3[%dma_wait3A_58, %dma_wait3A_59] : memref<10000x128xf32, #tpu.memory_space<hbm>> -> memref<10000x128xf32, #tpu.memory_space<hbm>>
    tpu.wait_indirect_dma semaphore(%arg14 : memref<!tpu.dma_semaphore, #tpu.memory_space<semaphore_mem>>) src(%dma_wait3A_60 : memref<10000x128xf32, #tpu.memory_space<hbm>>) dst(%arg13 : memref<32x128xf32, #tpu.memory_space<vmem>>)
    "tpu.region"() ({
      %run_scoped3A = tpu.sem_alloc : memref<!tpu.dma_semaphore, #tpu.memory_space<semaphore_mem>>
      %dma_start3A_73 = arith.constant 128 : i32
      %dma_start3A_74 = tpu.memref_slice %arg11[%mul3A_2, %dma_start3A_73] : memref<1024x512xf32, #tpu.memory_space<hbm>> -> memref<32x128xf32, #tpu.memory_space<hbm>>
      %dma_start3A_75 = arith.constant 128 : i32
      %dma_start3A_76 = tpu.memref_slice %arg11[%mul3A_2, %dma_start3A_75] : memref<1024x512xf32, #tpu.memory_space<hbm>> -> memref<32x128xf32, #tpu.memory_space<hbm>>
      tpu.enqueue_dma source(%arg13 : memref<32x128xf32, #tpu.memory_space<vmem>>) target(%dma_start3A_76 : memref<32x128xf32, #tpu.memory_space<hbm>>) target_semaphore(%run_scoped3A : memref<!tpu.dma_semaphore, #tpu.memory_space<semaphore_mem>>)
      %dma_wait3A_77 = arith.constant 128 : i32
      %dma_wait3A_78 = tpu.memref_slice %arg11[%mul3A_2, %dma_wait3A_77] : memref<1024x512xf32, #tpu.memory_space<hbm>> -> memref<32x128xf32, #tpu.memory_space<hbm>>
      %dma_wait3A_79 = arith.constant 128 : i32
      %dma_wait3A_80 = tpu.memref_slice %arg11[%mul3A_2, %dma_wait3A_79] : memref<1024x512xf32, #tpu.memory_space<hbm>> -> memref<32x128xf32, #tpu.memory_space<hbm>>
      tpu.wait_dma2 semaphore(%run_scoped3A : memref<!tpu.dma_semaphore, #tpu.memory_space<semaphore_mem>>) src(%arg13 : memref<32x128xf32, #tpu.memory_space<vmem>>) dst(%dma_wait3A_80 : memref<32x128xf32, #tpu.memory_space<hbm>>)
      tpu.yield
    }) : () -> ()
    %dma_start3A_61 = arith.constant 0 : i32
    %dma_start3A_62 = arith.constant 0 : i32
    %dma_start3A_63 = tpu.memref_slice %arg4[%dma_start3A_61, %dma_start3A_62] : memref<10000x128xf32, #tpu.memory_space<hbm>> -> memref<10000x128xf32, #tpu.memory_space<hbm>>
    tpu.enqueue_indirect_dma source(%dma_start3A_63 : memref<10000x128xf32, #tpu.memory_space<hbm>>) target(%arg13 : memref<32x128xf32, #tpu.memory_space<vmem>>) offsets(%arg12 : memref<32xi32, #tpu.memory_space<vmem>>) semaphore(%arg14 : memref<!tpu.dma_semaphore, #tpu.memory_space<semaphore_mem>>)
    %dma_wait3A_64 = arith.constant 0 : i32
    %dma_wait3A_65 = arith.constant 0 : i32
    %dma_wait3A_66 = tpu.memref_slice %arg4[%dma_wait3A_64, %dma_wait3A_65] : memref<10000x128xf32, #tpu.memory_space<hbm>> -> memref<10000x128xf32, #tpu.memory_space<hbm>>
    tpu.wait_indirect_dma semaphore(%arg14 : memref<!tpu.dma_semaphore, #tpu.memory_space<semaphore_mem>>) src(%dma_wait3A_66 : memref<10000x128xf32, #tpu.memory_space<hbm>>) dst(%arg13 : memref<32x128xf32, #tpu.memory_space<vmem>>)
    "tpu.region"() ({
      %run_scoped3A = tpu.sem_alloc : memref<!tpu.dma_semaphore, #tpu.memory_space<semaphore_mem>>
      %dma_start3A_73 = arith.constant 256 : i32
      %dma_start3A_74 = tpu.memref_slice %arg11[%mul3A_2, %dma_start3A_73] : memref<1024x512xf32, #tpu.memory_space<hbm>> -> memref<32x128xf32, #tpu.memory_space<hbm>>
      %dma_start3A_75 = arith.constant 256 : i32
      %dma_start3A_76 = tpu.memref_slice %arg11[%mul3A_2, %dma_start3A_75] : memref<1024x512xf32, #tpu.memory_space<hbm>> -> memref<32x128xf32, #tpu.memory_space<hbm>>
      tpu.enqueue_dma source(%arg13 : memref<32x128xf32, #tpu.memory_space<vmem>>) target(%dma_start3A_76 : memref<32x128xf32, #tpu.memory_space<hbm>>) target_semaphore(%run_scoped3A : memref<!tpu.dma_semaphore, #tpu.memory_space<semaphore_mem>>)
      %dma_wait3A_77 = arith.constant 256 : i32
      %dma_wait3A_78 = tpu.memref_slice %arg11[%mul3A_2, %dma_wait3A_77] : memref<1024x512xf32, #tpu.memory_space<hbm>> -> memref<32x128xf32, #tpu.memory_space<hbm>>
      %dma_wait3A_79 = arith.constant 256 : i32
      %dma_wait3A_80 = tpu.memref_slice %arg11[%mul3A_2, %dma_wait3A_79] : memref<1024x512xf32, #tpu.memory_space<hbm>> -> memref<32x128xf32, #tpu.memory_space<hbm>>
      tpu.wait_dma2 semaphore(%run_scoped3A : memref<!tpu.dma_semaphore, #tpu.memory_space<semaphore_mem>>) src(%arg13 : memref<32x128xf32, #tpu.memory_space<vmem>>) dst(%dma_wait3A_80 : memref<32x128xf32, #tpu.memory_space<hbm>>)
      tpu.yield
    }) : () -> ()
    %dma_start3A_67 = arith.constant 0 : i32
    %dma_start3A_68 = arith.constant 0 : i32
    %dma_start3A_69 = tpu.memref_slice %arg5[%dma_start3A_67, %dma_start3A_68] : memref<10000x128xf32, #tpu.memory_space<hbm>> -> memref<10000x128xf32, #tpu.memory_space<hbm>>
    tpu.enqueue_indirect_dma source(%dma_start3A_69 : memref<10000x128xf32, #tpu.memory_space<hbm>>) target(%arg13 : memref<32x128xf32, #tpu.memory_space<vmem>>) offsets(%arg12 : memref<32xi32, #tpu.memory_space<vmem>>) semaphore(%arg14 : memref<!tpu.dma_semaphore, #tpu.memory_space<semaphore_mem>>)
    %dma_wait3A_70 = arith.constant 0 : i32
    %dma_wait3A_71 = arith.constant 0 : i32
    %dma_wait3A_72 = tpu.memref_slice %arg5[%dma_wait3A_70, %dma_wait3A_71] : memref<10000x128xf32, #tpu.memory_space<hbm>> -> memref<10000x128xf32, #tpu.memory_space<hbm>>
    tpu.wait_indirect_dma semaphore(%arg14 : memref<!tpu.dma_semaphore, #tpu.memory_space<semaphore_mem>>) src(%dma_wait3A_72 : memref<10000x128xf32, #tpu.memory_space<hbm>>) dst(%arg13 : memref<32x128xf32, #tpu.memory_space<vmem>>)
    "tpu.region"() ({
      %run_scoped3A = tpu.sem_alloc : memref<!tpu.dma_semaphore, #tpu.memory_space<semaphore_mem>>
      %dma_start3A_73 = arith.constant 384 : i32
      %dma_start3A_74 = tpu.memref_slice %arg11[%mul3A_2, %dma_start3A_73] : memref<1024x512xf32, #tpu.memory_space<hbm>> -> memref<32x128xf32, #tpu.memory_space<hbm>>
      %dma_start3A_75 = arith.constant 384 : i32
      %dma_start3A_76 = tpu.memref_slice %arg11[%mul3A_2, %dma_start3A_75] : memref<1024x512xf32, #tpu.memory_space<hbm>> -> memref<32x128xf32, #tpu.memory_space<hbm>>
      tpu.enqueue_dma source(%arg13 : memref<32x128xf32, #tpu.memory_space<vmem>>) target(%dma_start3A_76 : memref<32x128xf32, #tpu.memory_space<hbm>>) target_semaphore(%run_scoped3A : memref<!tpu.dma_semaphore, #tpu.memory_space<semaphore_mem>>)
      %dma_wait3A_77 = arith.constant 384 : i32
      %dma_wait3A_78 = tpu.memref_slice %arg11[%mul3A_2, %dma_wait3A_77] : memref<1024x512xf32, #tpu.memory_space<hbm>> -> memref<32x128xf32, #tpu.memory_space<hbm>>
      %dma_wait3A_79 = arith.constant 384 : i32
      %dma_wait3A_80 = tpu.memref_slice %arg11[%mul3A_2, %dma_wait3A_79] : memref<1024x512xf32, #tpu.memory_space<hbm>> -> memref<32x128xf32, #tpu.memory_space<hbm>>
      tpu.wait_dma2 semaphore(%run_scoped3A : memref<!tpu.dma_semaphore, #tpu.memory_space<semaphore_mem>>) src(%arg13 : memref<32x128xf32, #tpu.memory_space<vmem>>) dst(%dma_wait3A_80 : memref<32x128xf32, #tpu.memory_space<hbm>>)
      tpu.yield
    }) : () -> ()
    return
  }
}

module attributes {stable_mosaic.version = 14 : i64} {
  func.func @_dense_body(%arg0: i32, %arg1: memref<1000x128xf32, #tpu.memory_space<vmem>>, %arg2: memref<1000x128xf32, #tpu.memory_space<vmem>>, %arg3: memref<1000x1xf32, #tpu.memory_space<vmem>>, %arg4: memref<1000x1xf32, #tpu.memory_space<vmem>>, %arg5: memref<128x128xf32, #tpu.memory_space<vmem>>, %arg6: memref<128x128xf32, #tpu.memory_space<vmem>>, %arg7: memref<1000x128xf32, #tpu.memory_space<vmem>>, %arg8: memref<1000x128xf32, #tpu.memory_space<vmem>>) attributes {dimension_semantics = [#tpu.dimension_semantics<arbitrary>], iteration_bounds = array<i64: 10>, scalar_prefetch = 0 : i64, scratch_operands = 0 : i64, tpu.core_type = #tpu.core_type<tc>, window_params = [{transform_indices = @transform_0, window_bounds = array<i64: 1000, 128>}, {transform_indices = @transform_1, window_bounds = array<i64: 1000, 128>}, {transform_indices = @transform_2, window_bounds = array<i64: 1000, 1>}, {transform_indices = @transform_3, window_bounds = array<i64: 1000, 1>}, {pipeline_mode = #tpu.pipeline_mode<synchronous>, transform_indices = @transform_4, window_bounds = array<i64: 128, 128>}, {pipeline_mode = #tpu.pipeline_mode<synchronous>, transform_indices = @transform_5, window_bounds = array<i64: 128, 128>}, {transform_indices = @transform_6, window_bounds = array<i64: 1000, 128>}, {transform_indices = @transform_7, window_bounds = array<i64: 1000, 128>}]} {
    %get3A = arith.constant 0 : index
    %get3A_0 = arith.constant 0 : index
    %get3A_1 = vector.load %arg1[%get3A, %get3A_0] : memref<1000x128xf32, #tpu.memory_space<vmem>>, vector<1000x128xf32>
    %get3A_2 = arith.constant 0 : index
    %get3A_3 = arith.constant 0 : index
    %get3A_4 = vector.load %arg4[%get3A_2, %get3A_3] : memref<1000x1xf32, #tpu.memory_space<vmem>>, vector<1000x1xf32>
    %mul3A = vector.broadcast %get3A_4 : vector<1000x1xf32> to vector<1000x128xf32>
    %mul3A_5 = arith.mulf %get3A_1, %mul3A : vector<1000x128xf32>
    %get3A_6 = arith.constant 0 : index
    %get3A_7 = arith.constant 0 : index
    %get3A_8 = vector.load %arg3[%get3A_6, %get3A_7] : memref<1000x1xf32, #tpu.memory_space<vmem>>, vector<1000x1xf32>
    %mul3A_9 = vector.broadcast %get3A_8 : vector<1000x1xf32> to vector<1000x128xf32>
    %mul3A_10 = arith.mulf %get3A_1, %mul3A_9 : vector<1000x128xf32>
    %get3A_11 = arith.constant 0 : index
    %get3A_12 = arith.constant 0 : index
    %get3A_13 = vector.load %arg2[%get3A_11, %get3A_12] : memref<1000x128xf32, #tpu.memory_space<vmem>>, vector<1000x128xf32>
    %mul3A_14 = arith.mulf %mul3A_5, %get3A_13 : vector<1000x128xf32>
    %get3A_15 = arith.constant 0 : index
    %get3A_16 = arith.constant 0 : index
    %get3A_17 = vector.load %arg5[%get3A_15, %get3A_16] : memref<128x128xf32, #tpu.memory_space<vmem>>, vector<128x128xf32>
    %dot_general3A = arith.constant dense<0.000000e+00> : vector<1000x128xf32>
    %dot_general3A_18 = tpu.matmul %mul3A_10, %get3A_17, %dot_general3A {dimension_numbers = #tpu.dot_dimension_numbers<[1], [1], [0], [0], [0, 0, 1, 0], [], []>, transpose_lhs_hint = false} : vector<1000x128xf32>, vector<128x128xf32>, vector<1000x128xf32> -> vector<1000x128xf32>
    %get3A_19 = arith.constant 0 : index
    %get3A_20 = arith.constant 0 : index
    %get3A_21 = vector.load %arg6[%get3A_19, %get3A_20] : memref<128x128xf32, #tpu.memory_space<vmem>>, vector<128x128xf32>
    %dot_general3A_22 = arith.constant dense<0.000000e+00> : vector<1000x128xf32>
    %dot_general3A_23 = tpu.matmul %mul3A_14, %get3A_21, %dot_general3A_22 {dimension_numbers = #tpu.dot_dimension_numbers<[1], [1], [0], [0], [0, 0, 1, 0], [], []>, transpose_lhs_hint = false} : vector<1000x128xf32>, vector<128x128xf32>, vector<1000x128xf32> -> vector<1000x128xf32>
    %add3A = arith.addf %dot_general3A_18, %dot_general3A_23 : vector<1000x128xf32>
    %ge3A = arith.constant 0.000000e+00 : f32
    %ge3A_24 = vector.broadcast %ge3A : f32 to vector<1000x128xf32>
    %ge3A_25 = arith.cmpf oge, %add3A, %ge3A_24 : vector<1000x128xf32>
    %mul3A_26 = arith.constant 2.000000e-01 : f32
    %mul3A_27 = vector.broadcast %mul3A_26 : f32 to vector<1000x128xf32>
    %mul3A_28 = arith.mulf %mul3A_27, %add3A : vector<1000x128xf32>
    %select_n3A = arith.select %ge3A_25, %add3A, %mul3A_28 : vector<1000x128xi1>, vector<1000x128xf32>
    %mul3A_29 = arith.mulf %select_n3A, %select_n3A : vector<1000x128xf32>
    %reduce_sum3A = arith.constant dense<0.000000e+00> : vector<1000xf32>
    %reduce_sum3A_30 = vector.multi_reduction <add>, %mul3A_29, %reduce_sum3A [1] : vector<1000x128xf32> to vector<1000xf32>
    %broadcast_in_dim3A = vector.shape_cast %reduce_sum3A_30 : vector<1000xf32> to vector<1000x1xf32>
    %sqrt3A = math.sqrt %broadcast_in_dim3A : vector<1000x1xf32>
    %max3A = arith.constant 9.99999996E-13 : f32
    %max3A_31 = vector.broadcast %max3A : f32 to vector<1000x1xf32>
    %max3A_32 = arith.maximumf %sqrt3A, %max3A_31 : vector<1000x1xf32>
    %div3A = vector.broadcast %max3A_32 : vector<1000x1xf32> to vector<1000x128xf32>
    %div3A_33 = arith.divf %select_n3A, %div3A : vector<1000x128xf32>
    %swap3A = arith.constant 0 : index
    %swap3A_34 = arith.constant 0 : index
    %swap3A_35 = vector.load %arg7[%swap3A, %swap3A_34] : memref<1000x128xf32, #tpu.memory_space<vmem>>, vector<1000x128xf32>
    tpu.vector_store %arg7[%swap3A, %swap3A_34], %div3A_33 {strides = array<i32>} : memref<1000x128xf32, #tpu.memory_space<vmem>>, vector<1000x128xf32>,
    %mul3A_36 = vector.broadcast %get3A_4 : vector<1000x1xf32> to vector<1000x128xf32>
    %mul3A_37 = arith.mulf %div3A_33, %mul3A_36 : vector<1000x128xf32>
    %swap3A_38 = arith.constant 0 : index
    %swap3A_39 = arith.constant 0 : index
    %swap3A_40 = vector.load %arg8[%swap3A_38, %swap3A_39] : memref<1000x128xf32, #tpu.memory_space<vmem>>, vector<1000x128xf32>
    tpu.vector_store %arg8[%swap3A_38, %swap3A_39], %mul3A_37 {strides = array<i32>} : memref<1000x128xf32, #tpu.memory_space<vmem>>, vector<1000x128xf32>,
    return
  }
  func.func @transform_0(%arg0: i32) -> (i32, i32) {
    %c0_i32 = arith.constant 0 : i32
    %c0_i32_0 = arith.constant 0 : i32
    return %arg0, %c0_i32 : i32, i32
  }
  func.func @transform_1(%arg0: i32) -> (i32, i32) {
    %c0_i32 = arith.constant 0 : i32
    %c0_i32_0 = arith.constant 0 : i32
    return %arg0, %c0_i32 : i32, i32
  }
  func.func @transform_2(%arg0: i32) -> (i32, i32) {
    %c0_i32 = arith.constant 0 : i32
    %c0_i32_0 = arith.constant 0 : i32
    return %arg0, %c0_i32 : i32, i32
  }
  func.func @transform_3(%arg0: i32) -> (i32, i32) {
    %c0_i32 = arith.constant 0 : i32
    %c0_i32_0 = arith.constant 0 : i32
    return %arg0, %c0_i32 : i32, i32
  }
  func.func @transform_4(%arg0: i32) -> (i32, i32) {
    %c0_i32 = arith.constant 0 : i32
    %c0_i32_0 = arith.constant 0 : i32
    %c0_i32_1 = arith.constant 0 : i32
    return %c0_i32, %c0_i32_0 : i32, i32
  }
  func.func @transform_5(%arg0: i32) -> (i32, i32) {
    %c0_i32 = arith.constant 0 : i32
    %c0_i32_0 = arith.constant 0 : i32
    %c0_i32_1 = arith.constant 0 : i32
    return %c0_i32, %c0_i32_0 : i32, i32
  }
  func.func @transform_6(%arg0: i32) -> (i32, i32) {
    %c0_i32 = arith.constant 0 : i32
    %c0_i32_0 = arith.constant 0 : i32
    return %arg0, %c0_i32 : i32, i32
  }
  func.func @transform_7(%arg0: i32) -> (i32, i32) {
    %c0_i32 = arith.constant 0 : i32
    %c0_i32_0 = arith.constant 0 : i32
    return %arg0, %c0_i32 : i32, i32
  }
}

module attributes {stable_mosaic.version = 14 : i64} {
  func.func @_dense_body(%arg0: i32, %arg1: memref<1000x128xf32, #tpu.memory_space<vmem>>, %arg2: memref<1000x128xf32, #tpu.memory_space<vmem>>, %arg3: memref<1000x1xf32, #tpu.memory_space<vmem>>, %arg4: memref<1000x1xf32, #tpu.memory_space<vmem>>, %arg5: memref<128x128xf32, #tpu.memory_space<vmem>>, %arg6: memref<128x128xf32, #tpu.memory_space<vmem>>, %arg7: memref<1000x128xf32, #tpu.memory_space<vmem>>, %arg8: memref<1000x128xf32, #tpu.memory_space<vmem>>) attributes {dimension_semantics = [#tpu.dimension_semantics<arbitrary>], iteration_bounds = array<i64: 10>, scalar_prefetch = 0 : i64, scratch_operands = 0 : i64, tpu.core_type = #tpu.core_type<tc>, window_params = [{transform_indices = @transform_0, window_bounds = array<i64: 1000, 128>}, {transform_indices = @transform_1, window_bounds = array<i64: 1000, 128>}, {transform_indices = @transform_2, window_bounds = array<i64: 1000, 1>}, {transform_indices = @transform_3, window_bounds = array<i64: 1000, 1>}, {pipeline_mode = #tpu.pipeline_mode<synchronous>, transform_indices = @transform_4, window_bounds = array<i64: 128, 128>}, {pipeline_mode = #tpu.pipeline_mode<synchronous>, transform_indices = @transform_5, window_bounds = array<i64: 128, 128>}, {transform_indices = @transform_6, window_bounds = array<i64: 1000, 128>}, {transform_indices = @transform_7, window_bounds = array<i64: 1000, 128>}]} {
    %get3A = arith.constant 0 : index
    %get3A_0 = arith.constant 0 : index
    %get3A_1 = vector.load %arg1[%get3A, %get3A_0] : memref<1000x128xf32, #tpu.memory_space<vmem>>, vector<1000x128xf32>
    %get3A_2 = arith.constant 0 : index
    %get3A_3 = arith.constant 0 : index
    %get3A_4 = vector.load %arg4[%get3A_2, %get3A_3] : memref<1000x1xf32, #tpu.memory_space<vmem>>, vector<1000x1xf32>
    %mul3A = vector.broadcast %get3A_4 : vector<1000x1xf32> to vector<1000x128xf32>
    %mul3A_5 = arith.mulf %get3A_1, %mul3A : vector<1000x128xf32>
    %get3A_6 = arith.constant 0 : index
    %get3A_7 = arith.constant 0 : index
    %get3A_8 = vector.load %arg3[%get3A_6, %get3A_7] : memref<1000x1xf32, #tpu.memory_space<vmem>>, vector<1000x1xf32>
    %mul3A_9 = vector.broadcast %get3A_8 : vector<1000x1xf32> to vector<1000x128xf32>
    %mul3A_10 = arith.mulf %get3A_1, %mul3A_9 : vector<1000x128xf32>
    %get3A_11 = arith.constant 0 : index
    %get3A_12 = arith.constant 0 : index
    %get3A_13 = vector.load %arg2[%get3A_11, %get3A_12] : memref<1000x128xf32, #tpu.memory_space<vmem>>, vector<1000x128xf32>
    %mul3A_14 = arith.mulf %mul3A_5, %get3A_13 : vector<1000x128xf32>
    %get3A_15 = arith.constant 0 : index
    %get3A_16 = arith.constant 0 : index
    %get3A_17 = vector.load %arg5[%get3A_15, %get3A_16] : memref<128x128xf32, #tpu.memory_space<vmem>>, vector<128x128xf32>
    %dot_general3A = arith.constant dense<0.000000e+00> : vector<1000x128xf32>
    %dot_general3A_18 = tpu.matmul %mul3A_10, %get3A_17, %dot_general3A {dimension_numbers = #tpu.dot_dimension_numbers<[1], [1], [0], [0], [0, 0, 1, 0], [], []>, transpose_lhs_hint = false} : vector<1000x128xf32>, vector<128x128xf32>, vector<1000x128xf32> -> vector<1000x128xf32>
    %get3A_19 = arith.constant 0 : index
    %get3A_20 = arith.constant 0 : index
    %get3A_21 = vector.load %arg6[%get3A_19, %get3A_20] : memref<128x128xf32, #tpu.memory_space<vmem>>, vector<128x128xf32>
    %dot_general3A_22 = arith.constant dense<0.000000e+00> : vector<1000x128xf32>
    %dot_general3A_23 = tpu.matmul %mul3A_14, %get3A_21, %dot_general3A_22 {dimension_numbers = #tpu.dot_dimension_numbers<[1], [1], [0], [0], [0, 0, 1, 0], [], []>, transpose_lhs_hint = false} : vector<1000x128xf32>, vector<128x128xf32>, vector<1000x128xf32> -> vector<1000x128xf32>
    %add3A = arith.addf %dot_general3A_18, %dot_general3A_23 : vector<1000x128xf32>
    %ge3A = arith.constant 0.000000e+00 : f32
    %ge3A_24 = vector.broadcast %ge3A : f32 to vector<1000x128xf32>
    %ge3A_25 = arith.cmpf oge, %add3A, %ge3A_24 : vector<1000x128xf32>
    %mul3A_26 = arith.constant 2.000000e-01 : f32
    %mul3A_27 = vector.broadcast %mul3A_26 : f32 to vector<1000x128xf32>
    %mul3A_28 = arith.mulf %mul3A_27, %add3A : vector<1000x128xf32>
    %select_n3A = arith.select %ge3A_25, %add3A, %mul3A_28 : vector<1000x128xi1>, vector<1000x128xf32>
    %mul3A_29 = arith.mulf %select_n3A, %select_n3A : vector<1000x128xf32>
    %reduce_sum3A = arith.constant dense<0.000000e+00> : vector<1000xf32>
    %reduce_sum3A_30 = vector.multi_reduction <add>, %mul3A_29, %reduce_sum3A [1] : vector<1000x128xf32> to vector<1000xf32>
    %broadcast_in_dim3A = vector.shape_cast %reduce_sum3A_30 : vector<1000xf32> to vector<1000x1xf32>
    %sqrt3A = math.sqrt %broadcast_in_dim3A : vector<1000x1xf32>
    %max3A = arith.constant 9.99999996E-13 : f32
    %max3A_31 = vector.broadcast %max3A : f32 to vector<1000x1xf32>
    %max3A_32 = arith.maximumf %sqrt3A, %max3A_31 : vector<1000x1xf32>
    %div3A = vector.broadcast %max3A_32 : vector<1000x1xf32> to vector<1000x128xf32>
    %div3A_33 = arith.divf %select_n3A, %div3A : vector<1000x128xf32>
    %swap3A = arith.constant 0 : index
    %swap3A_34 = arith.constant 0 : index
    %swap3A_35 = vector.load %arg7[%swap3A, %swap3A_34] : memref<1000x128xf32, #tpu.memory_space<vmem>>, vector<1000x128xf32>
    tpu.vector_store %arg7[%swap3A, %swap3A_34], %div3A_33 {strides = array<i32>} : memref<1000x128xf32, #tpu.memory_space<vmem>>, vector<1000x128xf32>,
    %mul3A_36 = vector.broadcast %get3A_4 : vector<1000x1xf32> to vector<1000x128xf32>
    %mul3A_37 = arith.mulf %div3A_33, %mul3A_36 : vector<1000x128xf32>
    %swap3A_38 = arith.constant 0 : index
    %swap3A_39 = arith.constant 0 : index
    %swap3A_40 = vector.load %arg8[%swap3A_38, %swap3A_39] : memref<1000x128xf32, #tpu.memory_space<vmem>>, vector<1000x128xf32>
    tpu.vector_store %arg8[%swap3A_38, %swap3A_39], %mul3A_37 {strides = array<i32>} : memref<1000x128xf32, #tpu.memory_space<vmem>>, vector<1000x128xf32>,
    return
  }
  func.func @transform_0(%arg0: i32) -> (i32, i32) {
    %c0_i32 = arith.constant 0 : i32
    %c0_i32_0 = arith.constant 0 : i32
    return %arg0, %c0_i32 : i32, i32
  }
  func.func @transform_1(%arg0: i32) -> (i32, i32) {
    %c0_i32 = arith.constant 0 : i32
    %c0_i32_0 = arith.constant 0 : i32
    return %arg0, %c0_i32 : i32, i32
  }
  func.func @transform_2(%arg0: i32) -> (i32, i32) {
    %c0_i32 = arith.constant 0 : i32
    %c0_i32_0 = arith.constant 0 : i32
    return %arg0, %c0_i32 : i32, i32
  }
  func.func @transform_3(%arg0: i32) -> (i32, i32) {
    %c0_i32 = arith.constant 0 : i32
    %c0_i32_0 = arith.constant 0 : i32
    return %arg0, %c0_i32 : i32, i32
  }
  func.func @transform_4(%arg0: i32) -> (i32, i32) {
    %c0_i32 = arith.constant 0 : i32
    %c0_i32_0 = arith.constant 0 : i32
    %c0_i32_1 = arith.constant 0 : i32
    return %c0_i32, %c0_i32_0 : i32, i32
  }
  func.func @transform_5(%arg0: i32) -> (i32, i32) {
    %c0_i32 = arith.constant 0 : i32
    %c0_i32_0 = arith.constant 0 : i32
    %c0_i32_1 = arith.constant 0 : i32
    return %c0_i32, %c0_i32_0 : i32, i32
  }
  func.func @transform_6(%arg0: i32) -> (i32, i32) {
    %c0_i32 = arith.constant 0 : i32
    %c0_i32_0 = arith.constant 0 : i32
    return %arg0, %c0_i32 : i32, i32
  }
  func.func @transform_7(%arg0: i32) -> (i32, i32) {
    %c0_i32 = arith.constant 0 : i32
    %c0_i32_0 = arith.constant 0 : i32
    return %arg0, %c0_i32 : i32, i32
  }
}

</mosaic_0001>

<sc_bundles>
// kernel: kernel.10.cloned.1.call-start
scs
__scs_entry_jumppad:
0x0: {  	(pc) =	sbr.rel $0x88, $3  }
0x1: {  	(tag) =	ssettag $0x0;
	lr =	simm.s32 $0x1  }
0x2: {  	[smem:$0x3F96] =	sst lr;
	_ =	strace $0xD0000000  }
0x3: {  	_ = 	snop  }
0x4: {  	_ = 	snop  }
0x5: {  	_ = 	snop  }
0x6: {  	_ = 	snop  }
0x7: {  	_ = 	snop  }
__scs_overlays_trampoline_lowered:
0x8: {  	[smem:$0x3FA5] =	sst s0  }
0x9: {  	[smem:$0x3FA6] =	sst s1  }
0xa: {  	[smem:$0x3FA7] =	sst s2  }
0xb: {  	[smem:$0x3FA8] =	sst s3  }
0xc: {  	[smem:$0x3FA9] =	sst s4  }
0xd: {  	[smem:$0x3FAA] =	sst s5  }
0xe: {  	[smem:$0x3FAB] =	sst s6  }
0xf: {  	[smem:$0x3FAC] =	sst s7  }
0x10: {  	[smem:$0x3FAD] =	sst s8  }
0x11: {  	[smem:$0x3FAE] =	sst s9;
	s0 =	simm.s32 @!p0 $0x0  }
0x12: {  	s1 =	sld [smem:$0x3F94];
	s0 =	simm.s32 @p0 $0x1  }
0x13: {  	[smem:$0x3FAF] =	sst s0;
	s0 =	simm.s32 @!p1 $0x0  }
0x14: {  	s2 =	sld [smem:$0x3F93];
	s0 =	simm.s32 @p1 $0x1  }
0x15: {  	[smem:$0x3FB0] =	sst s0;
	s0 =	simm.s32 @!p2 $0x0  }
0x16: {  	s3 =	sld [smem:$0x3FDB];
	s0 =	simm.s32 @p2 $0x1  }
0x17: {  	s4 =	simm.s32 $0x1BF5;
	[smem:$0x3FB2] =	sst s0  }
0x18: {  	s0 =	sld [smem:$0x3F95];
	_ =	swait.ge [sflag:s4], $0x0  }
0x19: {  	s7 =	sld [smem:$0x3F96]  }
0x1a: {  	s8 =	sadd.s32 $0xFFFFE003, lr  }
0x1b: {  	s9 =	sadd.s32 $0xFFFFFEF7, lr;
	s5 =	simm.s32 $0xFFFFFFFF;
	p2 =	slt.u32 s8, $0xFFFFF086  }
0x1c: {  	p1 =	slt.u32 s9, $0xF7A;
	s5 =	simm.s32 @!p2 $0x0  }
0x1d: {  	s5 =	simm.s32 @p1 $0x1;
	p0 =	seq.s32 s7, s2  }
0x1e: {  	s7 =	smul.u32 @!p0 $0xF7A, s2;
	p2 =	seq.s32 @!p0 s5, $0x0  }
0x1f: {  	s9 =	smul.u32 $0xF7A, s1;
	s8 =	simm.s32 @!p0 $0x1BF5;
	p2 =	por !p2, p0  }
0x20: {  	[sflag:s8] =	ssyncset.s32 @!p0 $0xFFFFF086;
	s6 =	sadd.s32 @!p0 s3, s7;
	s7 =	simm.s32 @!p0 $0x108  }
0x21: {  	s3 =	sadd.s32 s3, s9;
	s6 =	sadd.s32 @!p0 $0x88, s6;
	s7 =	simm.s32 @p2 $0x1082  }
0x22: {  	[simem:s7], [sflag:s8] =	dma.local @!p0 [hbm:s6], $0xF7A  }
0x23: {  	s9 =	sor.u32 $0xD0000000, s2;
	s6 =	simm.s32 $0x108;
	_ =	swait.ge @!p0 [sflag:s8], $0x0  }
0x24: {  	s3 =	sadd.s32 $0x88, s3;
	s6 =	simm.s32 @!p1 $0x1082;
	[sflag:s4] =	ssyncset.s32 $0xFFFFF086  }
0x25: {  	[simem:s6], [sflag:s4] =	dma.local [hbm:s3], $0xF7A  }
0x26: {  	[smem:$0x3F96] =	sst s1;
	(tag) =	ssettag s2;
	_ =	strace s9  }
0x27: {  	s1 =	sld [smem:$0x3FA6]  }
0x28: {  	s2 =	sld [smem:$0x3FA7]  }
0x29: {  	s4 =	sld [smem:$0x3FA9]  }
0x2a: {  	p0 =	seq.s32 s5, $0x0;
	s5 =	sld [smem:$0x3FAA]  }
0x2b: {  	s6 =	sld [smem:$0x3FAB]  }
0x2c: {  	s7 =	sld [smem:$0x3FAC]  }
0x2d: {  	s3 =	simm.s32 $0x108;
	s8 =	sld [smem:$0x3FAD]  }
0x2e: {  	s3 =	simm.s32 @!p0 $0x1082;
	s9 =	sld [smem:$0x3FAE]  }
0x2f: {  	lr =	sadd.s32 s0, s3;
	s0 =	sld [smem:$0x3FA5]  }
0x30: {  	s3 =	sld [smem:$0x3FA8]  }
0x31: {  	[smem:$0x3FB1] =	sst s10  }
0x32: {  	s10 =	sld [smem:$0x3FAF];
	_ =	sdelay $0x3  }
0x33: {  	p0 =	seq.s32 s10, $0x1;
	s10 =	sld [smem:$0x3FB1];
	_ =	sdelay $0x3  }
0x34: {  	[smem:$0x3FB1] =	sst s10  }
0x35: {  	s10 =	sld [smem:$0x3FB0];
	_ =	sdelay $0x3  }
0x36: {  	p1 =	seq.s32 s10, $0x1;
	s10 =	sld [smem:$0x3FB1];
	_ =	sdelay $0x3  }
0x37: {  	[smem:$0x3FB1] =	sst s10  }
0x38: {  	s10 =	sld [smem:$0x3FB2]  }
0x39: {  	_ = 	snop;
	(pc) =	sbr.ind lr, $3  }
0x3a: {  	_ = 	snop  }
0x3b: {  	_ = 	snop  }
0x3c: {  	p2 =	seq.s32 s10, $0x1;
	s10 =	sld [smem:$0x3FB1]  }
0x3d: {  	_ =	shalt  }
0x3e: {  	_ =	shalt  }
0x3f: {  	_ =	shalt  }
0x40: {  	_ =	shalt  }
0x41: {  	_ =	shalt  }
0x42: {  	_ =	shalt  }
0x43: {  	_ =	shalt  }
0x44: {  	_ =	shalt  }
0x45: {  	_ =	shalt  }
0x46: {  	_ =	shalt  }
0x47: {  	_ =	shalt  }
0x48: {  	_ =	shalt  }
0x49: {  	_ =	shalt  }
0x4a: {  	_ =	shalt  }
0x4b: {  	_ =	shalt  }
0x4c: {  	_ =	shalt  }
0x4d: {  	_ =	shalt  }
0x4e: {  	_ =	shalt  }
0x4f: {  	_ =	shalt  }
0x50: {  	_ =	shalt  }
0x51: {  	_ =	shalt  }
0x52: {  	_ =	shalt  }
0x53: {  	_ =	shalt  }
0x54: {  	_ =	shalt  }
0x55: {  	_ =	shalt  }
0x56: {  	_ =	shalt  }
0x57: {  	_ =	shalt  }
0x58: {  	_ =	shalt  }
0x59: {  	_ =	shalt  }
0x5a: {  	_ =	shalt  }
0x5b: {  	_ =	shalt  }
0x5c: {  	_ =	shalt  }
0x5d: {  	_ =	shalt  }
0x5e: {  	_ =	shalt  }
0x5f: {  	_ =	shalt  }
0x60: {  	_ =	shalt  }
0x61: {  	_ =	shalt  }
0x62: {  	_ =	shalt  }
0x63: {  	_ =	shalt  }
0x64: {  	_ =	shalt  }
0x65: {  	_ =	shalt  }
0x66: {  	_ =	shalt  }
0x67: {  	_ =	shalt  }
0x68: {  	_ =	shalt  }
0x69: {  	_ =	shalt  }
0x6a: {  	_ =	shalt  }
0x6b: {  	_ =	shalt  }
0x6c: {  	_ =	shalt  }
0x6d: {  	_ =	shalt  }
0x6e: {  	_ =	shalt  }
0x6f: {  	_ =	shalt  }
0x70: {  	_ =	shalt  }
0x71: {  	_ =	shalt  }
0x72: {  	_ =	shalt  }
0x73: {  	_ =	shalt  }
0x74: {  	_ =	shalt  }
0x75: {  	_ =	shalt  }
0x76: {  	_ =	shalt  }
0x77: {  	_ =	shalt  }
0x78: {  	_ =	shalt  }
0x79: {  	_ =	shalt  }
0x7a: {  	_ =	shalt  }
0x7b: {  	_ =	shalt  }
0x7c: {  	_ =	shalt  }
0x7d: {  	_ =	shalt  }
0x7e: {  	_ =	shalt  }
0x7f: {  	_ =	shalt  }
0x80: {  	_ =	shalt  }
0x81: {  	_ =	shalt  }
0x82: {  	_ =	shalt  }
0x83: {  	_ =	shalt  }
0x84: {  	_ =	shalt  }
0x85: {  	_ =	shalt  }
0x86: {  	_ =	shalt  }
0x87: {  	_ =	shalt  }
.Lfunc_end0:
.L_simem_size_0:
called_computation_lowered:
.L_overlay_start_0:
0x88: {  	s2 =	sld [smem:$0x3FD9]  }
0x89: {  	s3 =	sld [smem:$0x3FFE];
	_ =	sdelay $0x1  }
0x8a: {  	s1 =	srdreg.scid  }
0x8b: {  	s0 =	sand.u32 $0x1, s1  }
0x8c: {  	s14 =	sshll.u32 s0, $0xA;
	s2 =	sadd.s32 s3, s2  }
0x8d: {  	s2 =	sadd.s32 s2, s14  }
0x8e: {  	[smem:$0x3FBD] =	sst s2  }
0x8f: {  	_ = 	snop  }
0x90: {  	s2 =	sld [smem:$0x3FD0];
	_ =	sdelay $0x2  }
0x91: {  	s15 =	simm.s32 $0xA;
	s4 =	simm.s32 $0x10  }
0x92: {  	[smem:s4], [sflag:s15] =	dma.local [hbm:s2], $0x1  }
0x93: {  	_ =	swait.eq [sflag:s15], $0x1  }
0x94: {  	[sflag:s15] =	ssyncset.done $0x0  }
0x95: {  	s16 =	sld [smem:$0x10];
	[sflag:s15] =	ssyncadd.s32 $0xFFFFFFFF  }
0x96: {  	s17 =	sld [smem:$0x12];
	(tm) =	ssettm $0x1  }
0x97: {  	s18 =	sld [smem:$0x3FFB];
	_ =	sdelay $0x3  }
0x98: {  	_ =	strace s18  }
0x99: {  	s4 =	sld [smem:$0x3FFC];
	_ =	sdelay $0x3  }
0x9a: {  	_ =	strace s4  }
0x9b: {  	s4 =	sld [smem:$0x3FFD];
	_ =	sdelay $0x3  }
0x9c: {  	_ =	strace s4  }
0x9d: {  	_ =	strace $0x8FFFFFFF  }
0x9e: {  	s19 =	sld [smem:$0x3FDB];
	_ =	sdelay $0x1  }
0x9f: {  	s5 =	simm.s32 $_scs_section_size  }
0xa0: {  	s6 =	simm.s32 $_size__tile_overlayer_lowered;
	s7 =	simm.s32 $_tile_overlayer_lowered  }
0xa1: {  	s22 =	simm.s32 $0x1BFF;
	s21 =	sshll.u32 s7, $0x1;
	s4 =	sadd.s32 s5, s19  }
0xa2: {  	s8 =	simm.s32 $0x0;
	s20 =	sshll.u32 s6, $0x1;
	s6 =	sadd.s32 s21, s4  }
0xa3: {  	[timem:s8], [sflag:s22] =	dma.local [hbm:s6], s20  }
0xa4: {  	_ =	swait.ge [sflag:s22], s20  }
0xa5: {  	s5 =	ssub.s32 $0x0, s20;
	[sflag:s22] =	ssyncset.done $0x0  }
0xa6: {  	[sflag:s22] =	ssyncadd.s32 s5;
	_ =	sdelay $0x1  }
0xa7: {  	s23 =	simm.s32 $0x1B8B  }
0xa8: {  	_ =	swait.ge [sflag:s23], $0x1  }
0xa9: {  	[sflag:s23] =	ssyncset.done $0x0  }
0xaa: {  	s25 =	simm.s32 $0x1B8E;
	s24 =	sld [smem:$0x3FFE];
	[sflag:s23] =	ssyncadd.s32 $0xFFFFFFFF  }
0xab: {  	s26 =	simm.s32 $execute0_lowered;
	[smem:$0x3FD2] =	sst s25  }
0xac: {  	s6 =	sshll.u32 s26, $0x1;
	_ =	strace $0x80000046;
	[dreg:$0x1] =	wrdreg $0xFFFFFFFF  }
0xad: {  	s28 =	simm.s32 $_size_execute0_lowered;
	s4 =	sadd.s32 s4, s6;
	[dreg:$0x0] =	wrdreg $0x0  }
0xae: {  	s6 =	sshll.u32 s28, $0x1;
	[dreg:$0x2] =	wrdreg s4  }
0xaf: {  	[dreg:$0x3] =	wrdreg s6  }
0xb0: {  	[dreg:$0x4] =	wrdreg $0xC0  }
0xb1: {  	_ =	task [dreg:s8], $0x5FFFF  }
0xb2: {  	[dreg:$0x1] =	wrdreg $0xFFFFFFFF  }
0xb3: {  	[dreg:$0x0] =	wrdreg $0x60  }
0xb4: {  	[dreg:$0x2] =	wrdreg s17  }
0xb5: {  	[dreg:$0x3] =	wrdreg s24  }
0xb6: {  	[dreg:$0x4] =	wrdreg s16  }
0xb7: {  	[dreg:$0x5] =	wrdreg $0x0  }
0xb8: {  	[dreg:$0x6] =	wrdreg $0x9  }
0xb9: {  	_ =	task.clear_ibuf [dreg:s8], $0x7FFFF;
	_ =	strace $0x90000046  }
0xba: {  	s29 =	simm.s32 $0x9;
	_ =	strace $0x80000048  }
0xbb: {  	_ =	swait.ge [sflag:s29], $0x1  }
0xbc: {  	[sflag:s29] =	ssyncadd.s32 $0xFFFFFFFF  }
0xbd: {  	_ =	strace $0x90000048  }
0xbe: {  	_ =	sfence  }
0xbf: {  	s30 =	sld [smem:$0x0];
	_ =	sdelay $0x2  }
0xc0: {  	s31 =	sshll.u32 s1, $0xD;
	s1 =	sshrl.u32 s1, $0x2  }
0xc1: {  	s3 =	sand.u32 $0x4000, s31;
	s1 =	sadd.s32 s1, s30  }
0xc2: {  	s0 =	sor.u32 s3, s0;
	s1 =	sshll.u32 s1, $0x11  }
0xc3: {  	s0 =	sor.u32 s1, s0  }
0xc4: {  	s0 =	sadd.s32 $0x8F2B, s0  }
0xc5: {  	[sflag:s0] =	ssyncadd.remote.s32 $0x1  }
0xc6: {  	_ =	sfence.sel $0xFFFF  }
0xc7: {  	[dreg:$0x0] =	wrdreg $0xFFFFFFFF;
	(pc) =	sbr.abs _section_cstart, $3  }
0xc8: {  	[dreg:$0x1] =	wrdreg $0xFFFFFFFF  }
0xc9: {  	_ =	task.clear_ibuf [dreg:s8], $0x2FFFF;
	_ =	strace $0x9FFFFFFF  }
0xca: {  	(tm) =	ssettm $0x7FFFFFFF  }
0xcb: {  	_ =	shalt  }
tec
execute0_lowered:
.L_overlay_start_1:
0x0: {  	(tag) =	ssettag $0x1  }
0x1: {  	s6 =	rddreg [dreg:$0x0]  }
0x2: {  	s4 =	rddreg [dreg:$0x1]  }
0x3: {  	s7 =	rddreg [dreg:$0x2]  }
0x4: {  	s0 =	srdreg.scid;
	s2 =	rddreg [dreg:$0x3]  }
0x5: {  	s1 =	stileid.u32;
	s3 =	simm.s32 $0x0;
	s15 =	simm.s32 $0x1480  }
0x6: {  	s16 =	simm.s32 $0x1500;
	s17 =	simm.s32 $0x1580;
	s18 =	simm.s32 $0x1  }
0x7: {  	s19 =	simm.s32 $0x2;
	s20 =	simm.s32 $0x3;
	s21 =	simm.s32 $0x4  }
0x8: {  	s5 =	sand.u32 $0x1, s0;
	s0 =	rddreg [dreg:$0x4];
	s9 =	smul.u32 $0x5000, s1  }
0x9: {  	s24 =	simm.s32 $0x0;
	[smem:$0x7FF] =	sst s3;
	s13 =	smul.u32 $0x270, s1  }
0xa: {  	s4 =	sadd.s32 $0x2C00, s4;
	s29 =	sshll.u32 s1, $0x6;
	s30 =	smul.u32 $0x4E00, s1  }
0xb: {  	s23 =	sadd.s32 $0x13800, s2;
	p0 =	sne.s32 s1, $0xF;
	s8 =	sshll.u32 s5, $0x4  }
0xc: {  	_ =	strace $0x80000047;
	s10 =	ssub.s32 $0x2, s5;
	s11 =	smul.u32 $0x2710, s5  }
0xd: {  	s28 =	smul.u32 $0x13880, s5;
	s5 =	sor.u32 $0x1C05, s29;
	s23 =	sshrl.u32 @!p0 s23, $0x3  }
0xe: {  	s8 =	sor.u32 s1, s8;
	s12 =	sshrl.u32 s10, $0x1;
	s9 =	sshrl.u32 s9, $0x2  }
0xf: {  	s8 =	smul.u32 $0x500, s8;
	s10 =	ssub.s32 s10, s12;
	s14 =	sadd.s32 s9, s2  }
0x10: {  	s31 =	sshrl.u32 s28, $0x3;
	s11 =	sadd.s32 s13, s11;
	s9 =	sshrl.u32 s30, $0x2  }
0x11: {  	s12 =	simm.s32 $0x1400;
	s13 =	simm.s32 $0x80;
	s22 =	sadd.s32 s9, s2  }
0x12: {  	s9 =	smax.u32 s10, $0x1;
	s10 =	sshrl.u32 s14, $0x3;
	s14 =	simm.s32 $0x3C00  }
0x13: {  	s6 =	sadd.s32 s6, s8;
	s8 =	sadd.s32 s7, s31;
	s7 =	sadd.s32 s7, s11  }
0x14: {  	v0 =	vimm.f32 $1.000000000e+00;
	s11 =	simm.s32 $0x5;
	s22 =	sshrl.u32 s22, $0x3;
	s8 =	sadd.s32 $0x2700, s8  }
.LBB2_1:
0x15: {  	[spmem:s10], [sflag:s5] =	dma.local [hbm:s4], $0x280  }
0x16: {  	_ =	swait.ge [sflag:s11], $0x280  }
0x17: {  	[sflag:s11] =	ssyncset.done $0x0  }
0x18: {  	[sflag:s11] =	ssyncadd.s32 $0xFFFFFD80  }
0x19: {  	[tilespmem:s12], [sflag:$0x5] =	stream.linear.gather [hbm4b:s6+s3], $0x2800, $0x38;
	[tilespmem:$0x4400] =	vst v63  }
0x1a: {  	_ =	swait.ge [sflag:s11], $0x2800  }
0x1b: {  	[sflag:s11] =	ssyncset.done $0x0  }
0x1c: {  	[sflag:s11] =	ssyncadd.s32 $0xFFFFD800  }
0x1d: {  	[tilespmem:$0x3C00] =	vst v0  }
0x1e: {  	[tilespmem:$0x3C10] =	vst v0  }
0x1f: {  	[tilespmem:$0x3C20] =	vst v0  }
0x20: {  	[tilespmem:$0x3C30] =	vst v0  }
0x21: {  	[tilespmem:$0x3C40] =	vst v0  }
0x22: {  	[tilespmem:$0x3C50] =	vst v0  }
0x23: {  	[tilespmem:$0x3C60] =	vst v0  }
0x24: {  	[tilespmem:$0x3C70] =	vst v0  }
0x25: {  	[tilespmem:$0x3C80] =	vst v0  }
0x26: {  	[tilespmem:$0x3C90] =	vst v0  }
0x27: {  	[tilespmem:$0x3CA0] =	vst v0  }
0x28: {  	[tilespmem:$0x3CB0] =	vst v0  }
0x29: {  	[tilespmem:$0x3CC0] =	vst v0  }
0x2a: {  	[tilespmem:$0x3CD0] =	vst v0  }
0x2b: {  	[tilespmem:$0x3CE0] =	vst v0  }
0x2c: {  	[tilespmem:$0x3CF0] =	vst v0  }
0x2d: {  	[tilespmem:$0x3D00] =	vst v0  }
0x2e: {  	[tilespmem:$0x3D10] =	vst v0  }
0x2f: {  	[tilespmem:$0x3D20] =	vst v0  }
0x30: {  	[tilespmem:$0x3D30] =	vst v0  }
0x31: {  	[tilespmem:$0x3D40] =	vst v0  }
0x32: {  	[tilespmem:$0x3D50] =	vst v0  }
0x33: {  	[tilespmem:$0x3D60] =	vst v0  }
0x34: {  	[tilespmem:$0x3D70] =	vst v0  }
0x35: {  	[tilespmem:$0x3D80] =	vst v0  }
0x36: {  	[tilespmem:$0x3D90] =	vst v0  }
0x37: {  	[tilespmem:$0x3DA0] =	vst v0  }
0x38: {  	[tilespmem:$0x3DB0] =	vst v0  }
0x39: {  	[tilespmem:$0x3DC0] =	vst v0  }
0x3a: {  	[tilespmem:$0x3DD0] =	vst v0  }
0x3b: {  	[tilespmem:$0x3DE0] =	vst v0  }
0x3c: {  	[tilespmem:$0x3DF0] =	vst v0  }
0x3d: {  	[tilespmem:$0x3E00] =	vst v0  }
0x3e: {  	[tilespmem:$0x3E10] =	vst v0  }
0x3f: {  	[tilespmem:$0x3E20] =	vst v0  }
0x40: {  	[tilespmem:$0x3E30] =	vst v0  }
0x41: {  	[tilespmem:$0x3E40] =	vst v0  }
0x42: {  	[tilespmem:$0x3E50] =	vst v0  }
0x43: {  	[tilespmem:$0x3E60] =	vst v0  }
0x44: {  	[tilespmem:$0x3E70] =	vst v0  }
0x45: {  	[tilespmem:$0x3E80] =	vst v0  }
0x46: {  	[tilespmem:$0x3E90] =	vst v0  }
0x47: {  	[tilespmem:$0x3EA0] =	vst v0  }
0x48: {  	[tilespmem:$0x3EB0] =	vst v0  }
0x49: {  	[tilespmem:$0x3EC0] =	vst v0  }
0x4a: {  	[tilespmem:$0x3ED0] =	vst v0  }
0x4b: {  	[tilespmem:$0x3EE0] =	vst v0  }
0x4c: {  	[tilespmem:$0x3EF0] =	vst v0  }
0x4d: {  	[tilespmem:$0x3F00] =	vst v0  }
0x4e: {  	[tilespmem:$0x3F10] =	vst v0  }
0x4f: {  	[tilespmem:$0x3F20] =	vst v0  }
0x50: {  	[tilespmem:$0x3F30] =	vst v0  }
0x51: {  	[tilespmem:$0x3F40] =	vst v0  }
0x52: {  	[tilespmem:$0x3F50] =	vst v0  }
0x53: {  	[tilespmem:$0x3F60] =	vst v0  }
0x54: {  	[tilespmem:$0x3F70] =	vst v0  }
0x55: {  	[tilespmem:$0x3F80] =	vst v0  }
0x56: {  	[tilespmem:$0x3F90] =	vst v0  }
0x57: {  	[tilespmem:$0x3FA0] =	vst v0  }
0x58: {  	[tilespmem:$0x3FB0] =	vst v0  }
0x59: {  	[tilespmem:$0x3FC0] =	vst v0  }
0x5a: {  	[tilespmem:$0x3FD0] =	vst v0  }
0x5b: {  	[tilespmem:$0x3FE0] =	vst v0  }
0x5c: {  	[tilespmem:$0x3FF0] =	vst v0  }
0x5d: {  	[tilespmem:$0x4000] =	vst v0  }
0x5e: {  	[tilespmem:$0x4010] =	vst v0  }
0x5f: {  	[tilespmem:$0x4020] =	vst v0  }
0x60: {  	[tilespmem:$0x4030] =	vst v0  }
0x61: {  	[tilespmem:$0x4040] =	vst v0  }
0x62: {  	[tilespmem:$0x4050] =	vst v0  }
0x63: {  	[tilespmem:$0x4060] =	vst v0  }
0x64: {  	[tilespmem:$0x4070] =	vst v0  }
0x65: {  	[tilespmem:$0x4080] =	vst v0  }
0x66: {  	[tilespmem:$0x4090] =	vst v0  }
0x67: {  	[tilespmem:$0x40A0] =	vst v0  }
0x68: {  	[tilespmem:$0x40B0] =	vst v0  }
0x69: {  	[tilespmem:$0x40C0] =	vst v0  }
0x6a: {  	[tilespmem:$0x40D0] =	vst v0  }
0x6b: {  	[tilespmem:$0x40E0] =	vst v0  }
0x6c: {  	[tilespmem:$0x40F0] =	vst v0  }
0x6d: {  	[tilespmem:$0x4100] =	vst v0  }
0x6e: {  	[tilespmem:$0x4110] =	vst v0  }
0x6f: {  	[tilespmem:$0x4120] =	vst v0  }
0x70: {  	[tilespmem:$0x4130] =	vst v0  }
0x71: {  	[tilespmem:$0x4140] =	vst v0  }
0x72: {  	[tilespmem:$0x4150] =	vst v0  }
0x73: {  	[tilespmem:$0x4160] =	vst v0  }
0x74: {  	[tilespmem:$0x4170] =	vst v0  }
0x75: {  	[tilespmem:$0x4180] =	vst v0  }
0x76: {  	[tilespmem:$0x4190] =	vst v0  }
0x77: {  	[tilespmem:$0x41A0] =	vst v0  }
0x78: {  	[tilespmem:$0x41B0] =	vst v0  }
0x79: {  	[tilespmem:$0x41C0] =	vst v0  }
0x7a: {  	[tilespmem:$0x41D0] =	vst v0  }
0x7b: {  	[tilespmem:$0x41E0] =	vst v0  }
0x7c: {  	[tilespmem:$0x41F0] =	vst v0  }
0x7d: {  	[tilespmem:$0x4200] =	vst v0  }
0x7e: {  	[tilespmem:$0x4210] =	vst v0  }
0x7f: {  	[tilespmem:$0x4220] =	vst v0  }
0x80: {  	[tilespmem:$0x4230] =	vst v0  }
0x81: {  	[tilespmem:$0x4240] =	vst v0  }
0x82: {  	[tilespmem:$0x4250] =	vst v0  }
0x83: {  	[tilespmem:$0x4260] =	vst v0  }
0x84: {  	[tilespmem:$0x4270] =	vst v0  }
0x85: {  	[tilespmem:$0x4280] =	vst v0  }
0x86: {  	[tilespmem:$0x4290] =	vst v0  }
0x87: {  	[tilespmem:$0x42A0] =	vst v0  }
0x88: {  	[tilespmem:$0x42B0] =	vst v0  }
0x89: {  	[tilespmem:$0x42C0] =	vst v0  }
0x8a: {  	[tilespmem:$0x42D0] =	vst v0  }
0x8b: {  	[tilespmem:$0x42E0] =	vst v0  }
0x8c: {  	[tilespmem:$0x42F0] =	vst v0  }
0x8d: {  	[tilespmem:$0x4300] =	vst v0  }
0x8e: {  	[tilespmem:$0x4310] =	vst v0  }
0x8f: {  	[tilespmem:$0x4320] =	vst v0  }
0x90: {  	[tilespmem:$0x4330] =	vst v0  }
0x91: {  	[tilespmem:$0x4340] =	vst v0  }
0x92: {  	[tilespmem:$0x4350] =	vst v0  }
0x93: {  	[tilespmem:$0x4360] =	vst v0  }
0x94: {  	[tilespmem:$0x4370] =	vst v0  }
0x95: {  	[tilespmem:$0x4380] =	vst v0  }
0x96: {  	[tilespmem:$0x4390] =	vst v0  }
0x97: {  	[tilespmem:$0x43A0] =	vst v0  }
0x98: {  	[tilespmem:$0x43B0] =	vst v0  }
0x99: {  	[tilespmem:$0x43C0] =	vst v0  }
0x9a: {  	[tilespmem:$0x43D0] =	vst v0  }
0x9b: {  	[tilespmem:$0x43E0] =	vst v0  }
0x9c: {  	[tilespmem:$0x43F0] =	vst v0  }
0x9d: {  	[bflag:$0x0] =	sbarrier.arrive $0xFFFF  }
0x9e: {  	[spmem:s2] =	stream.indirect.scatter.add.f32 [tilespmem:s14], [sflag:$0x1], $0x10, s12, s13, $0xb8;
	[tilespmem:$0x4400] =	vst v63  }
0x9f: {  	_ = 	snop  }
0xa0: {  	[spmem:s2] =	stream.indirect.scatter.add.f32 [tilespmem:s14], [sflag:$0x2], $0x10, s15, s13, $0xb8;
	[tilespmem:$0x4400] =	vst v63  }
0xa1: {  	_ = 	snop  }
0xa2: {  	[spmem:s2] =	stream.indirect.scatter.add.f32 [tilespmem:s14], [sflag:$0x3], $0x10, s16, s13, $0xb8;
	[tilespmem:$0x4400] =	vst v63  }
0xa3: {  	_ = 	snop  }
0xa4: {  	[spmem:s2] =	stream.indirect.scatter.add.f32 [tilespmem:s14], [sflag:$0x4], $0x10, s17, s13, $0xb8;
	[tilespmem:$0x4400] =	vst v63  }
0xa5: {  	_ =	swait.ge [sflag:s18], $0x800  }
0xa6: {  	[sflag:s18] =	ssyncset.done $0x0  }
0xa7: {  	s25 =	simm.s32 $0x1600;
	[sflag:s18] =	ssyncadd.s32 $0xFFFFF800  }
0xa8: {  	[spmem:s2] =	stream.indirect.scatter.add.f32 [tilespmem:s14], [sflag:$0x1], $0x10, s25, s13, $0xb8;
	[tilespmem:$0x4400] =	vst v63  }
0xa9: {  	_ =	swait.ge [sflag:s19], $0x800  }
0xaa: {  	[sflag:s19] =	ssyncset.done $0x0  }
0xab: {  	s30 =	simm.s32 $0x1680;
	[sflag:s19] =	ssyncadd.s32 $0xFFFFF800  }
0xac: {  	[spmem:s2] =	stream.indirect.scatter.add.f32 [tilespmem:s14], [sflag:$0x2], $0x10, s30, s13, $0xb8;
	[tilespmem:$0x4400] =	vst v63  }
0xad: {  	_ =	swait.ge [sflag:s20], $0x800  }
0xae: {  	[sflag:s20] =	ssyncset.done $0x0  }
0xaf: {  	s31 =	simm.s32 $0x1700;
	[sflag:s20] =	ssyncadd.s32 $0xFFFFF800  }
0xb0: {  	[spmem:s2] =	stream.indirect.scatter.add.f32 [tilespmem:s14], [sflag:$0x3], $0x10, s31, s13, $0xb8;
	[tilespmem:$0x4400] =	vst v63  }
0xb1: {  	_ =	swait.ge [sflag:s21], $0x800  }
0xb2: {  	[sflag:s21] =	ssyncset.done $0x0  }
0xb3: {  	s26 =	simm.s32 $0x1780;
	s25 =	simm.s32 $0xFFFF7000;
	[sflag:s21] =	ssyncadd.s32 $0xFFFFF800  }
.LBB2_2:
0xb4: {  	[spmem:s2] =	stream.indirect.scatter.add.f32 [tilespmem:s14], [sflag:$0x4], $0x10, s26, s13, $0xb8;
	[tilespmem:$0x4400] =	vst v63  }
0xb5: {  	s26 =	smov.u32 s25  }
0xb6: {  	p1 =	sne.s32 s25, $0xFFFFF800;
	s25 =	sadd.s32 $0x800, s25;
	_ =	swait.ge [sflag:s18], $0x800  }
0xb7: {  	s26 =	sshra.s32 s26, $0x2;
	[sflag:s18] =	ssyncset.done $0x0  }
0xb8: {  	s28 =	sadd.s32 $0x3C00, s26;
	[sflag:s18] =	ssyncadd.s32 $0xFFFFF800  }
0xb9: {  	[spmem:s2] =	stream.indirect.scatter.add.f32 [tilespmem:s14], [sflag:$0x1], $0x10, s28, s13, $0xb8;
	[tilespmem:$0x4400] =	vst v63  }
0xba: {  	_ =	swait.ge [sflag:s19], $0x800  }
0xbb: {  	[sflag:s19] =	ssyncset.done $0x0  }
0xbc: {  	s28 =	sadd.s32 $0x3C80, s26;
	[sflag:s19] =	ssyncadd.s32 $0xFFFFF800  }
0xbd: {  	[spmem:s2] =	stream.indirect.scatter.add.f32 [tilespmem:s14], [sflag:$0x2], $0x10, s28, s13, $0xb8;
	[tilespmem:$0x4400] =	vst v63  }
0xbe: {  	_ =	swait.ge [sflag:s20], $0x800  }
0xbf: {  	[sflag:s20] =	ssyncset.done $0x0  }
.Ltmp0:
0xc0: {  	s28 =	sadd.s32 $0x3D00, s26;
	[sflag:s20] =	ssyncadd.s32 $0xFFFFF800;
	(pc) =	sbr.rel @p1 .LBB2_2-.Ltmp0, $4  }
0xc1: {  	[spmem:s2] =	stream.indirect.scatter.add.f32 [tilespmem:s14], [sflag:$0x3], $0x10, s28, s13, $0xb8;
	[tilespmem:$0x4400] =	vst v63  }
0xc2: {  	_ =	swait.ge [sflag:s21], $0x800  }
0xc3: {  	[sflag:s21] =	ssyncset.done $0x0  }
0xc4: {  	s26 =	sadd.s32 $0x3D80, s26;
	[sflag:s21] =	ssyncadd.s32 $0xFFFFF800  }
0xc5: {  	[spmem:s2] =	stream.indirect.scatter.add.f32 [tilespmem:s14], [sflag:$0x4], $0x10, s26, s13, $0xb8;
	[tilespmem:$0x4400] =	vst v63  }
0xc6: {  	_ =	swait.ge [sflag:s18], $0x800  }
0xc7: {  	[sflag:s18] =	ssyncset.done $0x0  }
0xc8: {  	[sflag:s18] =	ssyncadd.s32 $0xFFFFF800  }
0xc9: {  	_ =	swait.ge [sflag:s19], $0x800  }
0xca: {  	[sflag:s19] =	ssyncset.done $0x0  }
0xcb: {  	[sflag:s19] =	ssyncadd.s32 $0xFFFFF800  }
0xcc: {  	_ =	swait.ge [sflag:s20], $0x800  }
0xcd: {  	[sflag:s20] =	ssyncset.done $0x0  }
0xce: {  	[sflag:s20] =	ssyncadd.s32 $0xFFFFF800  }
0xcf: {  	_ =	swait.ge [sflag:s21], $0x800  }
0xd0: {  	[sflag:s21] =	ssyncset.done $0x0  }
0xd1: {  	[sflag:s21] =	ssyncadd.s32 $0xFFFFF800  }
0xd2: {  	[bflag:$0x0] =	sbarrier.arrive $0xFFFF  }
0xd3: {  	[hbm:s7], [sflag:s5] =	dma.local [spmem:s22], $0x270  }
0xd4: {  	s24 =	sadd.s32 $0x1, s24;
	_ =	swait.ge [sflag:s11], $0x270  }
0xd5: {  	p1 =	sne.s32 s24, s9;
	[sflag:s11] =	ssyncset.done $0x0  }
.Ltmp1:
0xd6: {  	s25 =	simm.s32 @!p0 $0x5;
	[sflag:s11] =	ssyncadd.s32 $0xFFFFFD90;
	(pc) =	sbr.rel @p1 .LBB2_1-.Ltmp1, $4  }
0xd7: {  	[hbm:s8], [sflag:s5] =	dma.local @!p0 [spmem:s23], $0x10  }
0xd8: {  	_ =	swait.ge @!p0 [sflag:s25], $0x10  }
0xd9: {  	[sflag:s25] =	ssyncset.done @!p0 $0x0  }
0xda: {  	[sflag:s25] =	ssyncadd.s32 @!p0 $0xFFFFFFF0  }
0xdb: {  	_ =	sfence.sel $0x180000  }
0xdc: {  	[bflag:$0x0] =	sbarrier.arrive $0xFFFF  }
0xdd: {  	p0 =	sne.s32 s1, $0x0;
	_ =	strace $0x90000047  }
0xde: {  	s0 =	sadd.s32 @!p0 $0x100000, s0;
	[bflag:$0x2] =	sbarrier.arrive $0xFFFF  }
0xdf: {  	[sflag:s0] =	ssyncadd.tile.s32 @!p0 $0x1;
	_ =	shalt  }
.Lfunc_end2:
_tile_overlayer_lowered:
.L_overlay_start_2:
0xe0: {  	(tag) =	ssettag $0x2  }
0xe1: {  	s0 =	rddreg [dreg:$0x0];
	s2 =	stileid.u32  }
0xe2: {  	s1 =	rddreg [dreg:$0x1];
	p0 =	sne.s32 s2, $0x0  }
0xe3: {  	s3 =	rddreg [dreg:$0x2];
	[bflag:$0x3] =	sbarrier.arrive $0xFFFF;
	s2 =	simm.s32 @!p0 $0x1C05  }
0xe4: {  	[timem:s3], [sflag:s2] =	dma.local @!p0 [hbm:s0], s1  }
0xe5: {  	s0 =	simm.s32 @!p0 $0x5  }
0xe6: {  	_ =	swait.ge @!p0 [sflag:s0], s1  }
0xe7: {  	s1 =	ssub.s32 @!p0 $0x0, s1;
	[sflag:s0] =	ssyncset.done @!p0 $0x0  }
0xe8: {  	[sflag:s0] =	ssyncadd.s32 @!p0 s1  }
0xe9: {  	[bflag:$0x3] =	sbarrier.arrive $0xFFFF  }
0xea: {  	_ =	shalt  }

// kernel: kernel.13.cloned.1.call-start
scs
__scs_entry_jumppad:
0x0: {  	(pc) =	sbr.rel $0x88, $3  }
0x1: {  	(tag) =	ssettag $0x0;
	lr =	simm.s32 $0x1  }
0x2: {  	[smem:$0x3F96] =	sst lr;
	_ =	strace $0xD0000000  }
0x3: {  	_ = 	snop  }
0x4: {  	_ = 	snop  }
0x5: {  	_ = 	snop  }
0x6: {  	_ = 	snop  }
0x7: {  	_ = 	snop  }
__scs_overlays_trampoline_lowered:
0x8: {  	[smem:$0x3FA5] =	sst s0  }
0x9: {  	[smem:$0x3FA6] =	sst s1  }
0xa: {  	[smem:$0x3FA7] =	sst s2  }
0xb: {  	[smem:$0x3FA8] =	sst s3  }
0xc: {  	[smem:$0x3FA9] =	sst s4  }
0xd: {  	[smem:$0x3FAA] =	sst s5  }
0xe: {  	[smem:$0x3FAB] =	sst s6  }
0xf: {  	[smem:$0x3FAC] =	sst s7  }
0x10: {  	[smem:$0x3FAD] =	sst s8  }
0x11: {  	[smem:$0x3FAE] =	sst s9;
	s0 =	simm.s32 @!p0 $0x0  }
0x12: {  	s1 =	sld [smem:$0x3F94];
	s0 =	simm.s32 @p0 $0x1  }
0x13: {  	[smem:$0x3FAF] =	sst s0;
	s0 =	simm.s32 @!p1 $0x0  }
0x14: {  	s2 =	sld [smem:$0x3F93];
	s0 =	simm.s32 @p1 $0x1  }
0x15: {  	[smem:$0x3FB0] =	sst s0;
	s0 =	simm.s32 @!p2 $0x0  }
0x16: {  	s3 =	sld [smem:$0x3FDB];
	s0 =	simm.s32 @p2 $0x1  }
0x17: {  	s4 =	simm.s32 $0x1BF5;
	[smem:$0x3FB2] =	sst s0  }
0x18: {  	s0 =	sld [smem:$0x3F95];
	_ =	swait.ge [sflag:s4], $0x0  }
0x19: {  	s7 =	sld [smem:$0x3F96]  }
0x1a: {  	s8 =	sadd.s32 $0xFFFFE003, lr  }
0x1b: {  	s9 =	sadd.s32 $0xFFFFFEF7, lr;
	s5 =	simm.s32 $0xFFFFFFFF;
	p2 =	slt.u32 s8, $0xFFFFF086  }
0x1c: {  	p1 =	slt.u32 s9, $0xF7A;
	s5 =	simm.s32 @!p2 $0x0  }
0x1d: {  	s5 =	simm.s32 @p1 $0x1;
	p0 =	seq.s32 s7, s2  }
0x1e: {  	s7 =	smul.u32 @!p0 $0xF7A, s2;
	p2 =	seq.s32 @!p0 s5, $0x0  }
0x1f: {  	s9 =	smul.u32 $0xF7A, s1;
	s8 =	simm.s32 @!p0 $0x1BF5;
	p2 =	por !p2, p0  }
0x20: {  	[sflag:s8] =	ssyncset.s32 @!p0 $0xFFFFF086;
	s6 =	sadd.s32 @!p0 s3, s7;
	s7 =	simm.s32 @!p0 $0x108  }
0x21: {  	s3 =	sadd.s32 s3, s9;
	s6 =	sadd.s32 @!p0 $0x88, s6;
	s7 =	simm.s32 @p2 $0x1082  }
0x22: {  	[simem:s7], [sflag:s8] =	dma.local @!p0 [hbm:s6], $0xF7A  }
0x23: {  	s9 =	sor.u32 $0xD0000000, s2;
	s6 =	simm.s32 $0x108;
	_ =	swait.ge @!p0 [sflag:s8], $0x0  }
0x24: {  	s3 =	sadd.s32 $0x88, s3;
	s6 =	simm.s32 @!p1 $0x1082;
	[sflag:s4] =	ssyncset.s32 $0xFFFFF086  }
0x25: {  	[simem:s6], [sflag:s4] =	dma.local [hbm:s3], $0xF7A  }
0x26: {  	[smem:$0x3F96] =	sst s1;
	(tag) =	ssettag s2;
	_ =	strace s9  }
0x27: {  	s1 =	sld [smem:$0x3FA6]  }
0x28: {  	s2 =	sld [smem:$0x3FA7]  }
0x29: {  	s4 =	sld [smem:$0x3FA9]  }
0x2a: {  	p0 =	seq.s32 s5, $0x0;
	s5 =	sld [smem:$0x3FAA]  }
0x2b: {  	s6 =	sld [smem:$0x3FAB]  }
0x2c: {  	s7 =	sld [smem:$0x3FAC]  }
0x2d: {  	s3 =	simm.s32 $0x108;
	s8 =	sld [smem:$0x3FAD]  }
0x2e: {  	s3 =	simm.s32 @!p0 $0x1082;
	s9 =	sld [smem:$0x3FAE]  }
0x2f: {  	lr =	sadd.s32 s0, s3;
	s0 =	sld [smem:$0x3FA5]  }
0x30: {  	s3 =	sld [smem:$0x3FA8]  }
0x31: {  	[smem:$0x3FB1] =	sst s10  }
0x32: {  	s10 =	sld [smem:$0x3FAF];
	_ =	sdelay $0x3  }
0x33: {  	p0 =	seq.s32 s10, $0x1;
	s10 =	sld [smem:$0x3FB1];
	_ =	sdelay $0x3  }
0x34: {  	[smem:$0x3FB1] =	sst s10  }
0x35: {  	s10 =	sld [smem:$0x3FB0];
	_ =	sdelay $0x3  }
0x36: {  	p1 =	seq.s32 s10, $0x1;
	s10 =	sld [smem:$0x3FB1];
	_ =	sdelay $0x3  }
0x37: {  	[smem:$0x3FB1] =	sst s10  }
0x38: {  	s10 =	sld [smem:$0x3FB2]  }
0x39: {  	_ = 	snop;
	(pc) =	sbr.ind lr, $3  }
0x3a: {  	_ = 	snop  }
0x3b: {  	_ = 	snop  }
0x3c: {  	p2 =	seq.s32 s10, $0x1;
	s10 =	sld [smem:$0x3FB1]  }
0x3d: {  	_ =	shalt  }
0x3e: {  	_ =	shalt  }
0x3f: {  	_ =	shalt  }
0x40: {  	_ =	shalt  }
0x41: {  	_ =	shalt  }
0x42: {  	_ =	shalt  }
0x43: {  	_ =	shalt  }
0x44: {  	_ =	shalt  }
0x45: {  	_ =	shalt  }
0x46: {  	_ =	shalt  }
0x47: {  	_ =	shalt  }
0x48: {  	_ =	shalt  }
0x49: {  	_ =	shalt  }
0x4a: {  	_ =	shalt  }
0x4b: {  	_ =	shalt  }
0x4c: {  	_ =	shalt  }
0x4d: {  	_ =	shalt  }
0x4e: {  	_ =	shalt  }
0x4f: {  	_ =	shalt  }
0x50: {  	_ =	shalt  }
0x51: {  	_ =	shalt  }
0x52: {  	_ =	shalt  }
0x53: {  	_ =	shalt  }
0x54: {  	_ =	shalt  }
0x55: {  	_ =	shalt  }
0x56: {  	_ =	shalt  }
0x57: {  	_ =	shalt  }
0x58: {  	_ =	shalt  }
0x59: {  	_ =	shalt  }
0x5a: {  	_ =	shalt  }
0x5b: {  	_ =	shalt  }
0x5c: {  	_ =	shalt  }
0x5d: {  	_ =	shalt  }
0x5e: {  	_ =	shalt  }
0x5f: {  	_ =	shalt  }
0x60: {  	_ =	shalt  }
0x61: {  	_ =	shalt  }
0x62: {  	_ =	shalt  }
0x63: {  	_ =	shalt  }
0x64: {  	_ =	shalt  }
0x65: {  	_ =	shalt  }
0x66: {  	_ =	shalt  }
0x67: {  	_ =	shalt  }
0x68: {  	_ =	shalt  }
0x69: {  	_ =	shalt  }
0x6a: {  	_ =	shalt  }
0x6b: {  	_ =	shalt  }
0x6c: {  	_ =	shalt  }
0x6d: {  	_ =	shalt  }
0x6e: {  	_ =	shalt  }
0x6f: {  	_ =	shalt  }
0x70: {  	_ =	shalt  }
0x71: {  	_ =	shalt  }
0x72: {  	_ =	shalt  }
0x73: {  	_ =	shalt  }
0x74: {  	_ =	shalt  }
0x75: {  	_ =	shalt  }
0x76: {  	_ =	shalt  }
0x77: {  	_ =	shalt  }
0x78: {  	_ =	shalt  }
0x79: {  	_ =	shalt  }
0x7a: {  	_ =	shalt  }
0x7b: {  	_ =	shalt  }
0x7c: {  	_ =	shalt  }
0x7d: {  	_ =	shalt  }
0x7e: {  	_ =	shalt  }
0x7f: {  	_ =	shalt  }
0x80: {  	_ =	shalt  }
0x81: {  	_ =	shalt  }
0x82: {  	_ =	shalt  }
0x83: {  	_ =	shalt  }
0x84: {  	_ =	shalt  }
0x85: {  	_ =	shalt  }
0x86: {  	_ =	shalt  }
0x87: {  	_ =	shalt  }
.Lfunc_end0:
.L_simem_size_0:
called_computation.1_lowered:
.L_overlay_start_0:
0x88: {  	s2 =	sld [smem:$0x3FD9]  }
0x89: {  	s3 =	sld [smem:$0x3FFE];
	_ =	sdelay $0x1  }
0x8a: {  	s1 =	srdreg.scid  }
0x8b: {  	s0 =	sand.u32 $0x1, s1  }
0x8c: {  	s14 =	sshll.u32 s0, $0xA;
	s2 =	sadd.s32 s3, s2  }
0x8d: {  	s2 =	sadd.s32 s2, s14  }
0x8e: {  	[smem:$0x3FBD] =	sst s2  }
0x8f: {  	_ = 	snop  }
0x90: {  	s2 =	sld [smem:$0x3FD0];
	_ =	sdelay $0x2  }
0x91: {  	s15 =	simm.s32 $0xA;
	s4 =	simm.s32 $0x10  }
0x92: {  	[smem:s4], [sflag:s15] =	dma.local [hbm:s2], $0x1  }
0x93: {  	_ =	swait.eq [sflag:s15], $0x1  }
0x94: {  	s16 =	sld [smem:$0x10];
	[sflag:s15] =	ssyncset.done $0x0  }
0x95: {  	s17 =	sld [smem:$0x11];
	[sflag:s15] =	ssyncadd.s32 $0xFFFFFFFF  }
0x96: {  	s18 =	sld [smem:$0x12];
	(tm) =	ssettm $0x1  }
0x97: {  	s5 =	sld [smem:$0x3FFB];
	_ =	sdelay $0x3  }
0x98: {  	_ =	strace s5  }
0x99: {  	s5 =	sld [smem:$0x3FFC];
	_ =	sdelay $0x3  }
0x9a: {  	_ =	strace s5  }
0x9b: {  	s5 =	sld [smem:$0x3FFD];
	_ =	sdelay $0x3  }
0x9c: {  	_ =	strace s5  }
0x9d: {  	_ =	strace $0x8FFFFFFF  }
0x9e: {  	s19 =	sld [smem:$0x3FDB];
	_ =	sdelay $0x1  }
0x9f: {  	s6 =	simm.s32 $_scs_section_size  }
0xa0: {  	s7 =	simm.s32 $_size__tile_overlayer_lowered;
	s8 =	simm.s32 $_tile_overlayer_lowered  }
0xa1: {  	s22 =	simm.s32 $0x1BFF;
	s21 =	sshll.u32 s8, $0x1;
	s5 =	sadd.s32 s6, s19  }
0xa2: {  	s9 =	simm.s32 $0x0;
	s20 =	sshll.u32 s7, $0x1;
	s7 =	sadd.s32 s21, s5  }
0xa3: {  	[timem:s9], [sflag:s22] =	dma.local [hbm:s7], s20  }
0xa4: {  	_ =	swait.ge [sflag:s22], s20  }
0xa5: {  	s6 =	ssub.s32 $0x0, s20;
	[sflag:s22] =	ssyncset.done $0x0  }
0xa6: {  	[sflag:s22] =	ssyncadd.s32 s6;
	_ =	sdelay $0x1  }
0xa7: {  	s23 =	simm.s32 $0x1B8B  }
0xa8: {  	_ =	swait.ge [sflag:s23], $0x1  }
0xa9: {  	[sflag:s23] =	ssyncset.done $0x0  }
0xaa: {  	s25 =	simm.s32 $0x1B8E;
	s24 =	sld [smem:$0x3FFE];
	[sflag:s23] =	ssyncadd.s32 $0xFFFFFFFF  }
0xab: {  	s26 =	simm.s32 $execute0_lowered;
	[smem:$0x3FD2] =	sst s25  }
0xac: {  	s7 =	sshll.u32 s26, $0x1;
	_ =	strace $0x80000049;
	[dreg:$0x1] =	wrdreg $0xFFFFFFFF  }
0xad: {  	s28 =	simm.s32 $_size_execute0_lowered;
	s5 =	sadd.s32 s5, s7;
	[dreg:$0x0] =	wrdreg $0x0  }
0xae: {  	s7 =	sshll.u32 s28, $0x1;
	[dreg:$0x2] =	wrdreg s5  }
0xaf: {  	[dreg:$0x3] =	wrdreg s7  }
0xb0: {  	[dreg:$0x4] =	wrdreg $0xC0  }
0xb1: {  	_ =	task [dreg:s9], $0x5FFFF  }
0xb2: {  	[dreg:$0x1] =	wrdreg $0xFFFFFFFF  }
0xb3: {  	[dreg:$0x0] =	wrdreg $0x60  }
0xb4: {  	[dreg:$0x2] =	wrdreg s24  }
0xb5: {  	[dreg:$0x3] =	wrdreg s17  }
0xb6: {  	[dreg:$0x4] =	wrdreg s18  }
0xb7: {  	[dreg:$0x5] =	wrdreg s16  }
0xb8: {  	[dreg:$0x6] =	wrdreg $0x0  }
0xb9: {  	[dreg:$0x7] =	wrdreg $0x9  }
0xba: {  	_ =	task.clear_ibuf [dreg:s9], $0x8FFFF;
	_ =	strace $0x90000049  }
0xbb: {  	s29 =	simm.s32 $0x9;
	_ =	strace $0x8000004B  }
0xbc: {  	_ =	swait.ge [sflag:s29], $0x1  }
0xbd: {  	[sflag:s29] =	ssyncadd.s32 $0xFFFFFFFF  }
0xbe: {  	_ =	strace $0x9000004B  }
0xbf: {  	_ =	sfence  }
0xc0: {  	s30 =	sld [smem:$0x0];
	_ =	sdelay $0x2  }
0xc1: {  	s31 =	sshll.u32 s1, $0xD;
	s1 =	sshrl.u32 s1, $0x2  }
0xc2: {  	s3 =	sand.u32 $0x4000, s31;
	s1 =	sadd.s32 s1, s30  }
0xc3: {  	s0 =	sor.u32 s3, s0;
	s1 =	sshll.u32 s1, $0x11  }
0xc4: {  	s0 =	sor.u32 s1, s0  }
0xc5: {  	s0 =	sadd.s32 $0x8F2B, s0  }
0xc6: {  	[sflag:s0] =	ssyncadd.remote.s32 $0x1  }
0xc7: {  	_ =	sfence.sel $0xFFFF  }
0xc8: {  	[dreg:$0x0] =	wrdreg $0xFFFFFFFF;
	(pc) =	sbr.abs _section_cstart, $3  }
0xc9: {  	[dreg:$0x1] =	wrdreg $0xFFFFFFFF  }
0xca: {  	_ =	task.clear_ibuf [dreg:s9], $0x2FFFF;
	_ =	strace $0x9FFFFFFF  }
0xcb: {  	(tm) =	ssettm $0x7FFFFFFF  }
tec
execute0_lowered:
.L_overlay_start_1:
0x0: {  	(tag) =	ssettag $0x1  }
0x1: {  	s6 =	rddreg [dreg:$0x0]  }
0x2: {  	s7 =	rddreg [dreg:$0x1]  }
0x3: {  	s8 =	rddreg [dreg:$0x2]  }
0x4: {  	s1 =	rddreg [dreg:$0x3]  }
0x5: {  	s2 =	rddreg [dreg:$0x4];
	s3 =	srdreg.scid  }
0x6: {  	s4 =	simm.s32 $0x0;
	s17 =	simm.s32 $0x10400;
	s18 =	simm.s32 $0xB480  }
0x7: {  	s19 =	simm.s32 $0x14C00;
	s9 =	sand.u32 $0x1, s3;
	s3 =	stileid.u32  }
0x8: {  	s20 =	simm.s32 $0x1;
	s21 =	simm.s32 $0x3;
	s10 =	smul.u32 $0x2D000, s3  }
0x9: {  	s28 =	simm.s32 $0x10380;
	s29 =	simm.s32 $0x0;
	s13 =	smul.u32 $0x15F90, s9  }
0xa: {  	[smem:$0x7FF] =	sst s4;
	s14 =	sadd.s32 $0x55E00, s6;
	s15 =	smul.u32 $0x15F0, s3  }
0xb: {  	s5 =	sshll.u32 s9, $0x4;
	_ =	strace $0x8000004A;
	s24 =	smul.u32 $0x2BE00, s3  }
0xc: {  	s12 =	ssub.s32 $0x2, s9;
	s25 =	sshll.u32 s3, $0x6;
	s9 =	smul.u32 $0xAFC80, s9  }
0xd: {  	p0 =	sne.s32 s3, $0xF;
	s5 =	sor.u32 s3, s5;
	s22 =	sshrl.u32 s12, $0x1  }
0xe: {  	s11 =	smul.u32 $0x500, s5;
	s5 =	sadd.s32 $0x29E00, s6;
	s12 =	ssub.s32 s12, s22  }
0xf: {  	s23 =	sshrl.u32 s10, $0x2;
	s6 =	sor.u32 $0x1C05, s25;
	s26 =	sadd.s32 s15, s13  }
0x10: {  	s10 =	sshrl.u32 s24, $0x2;
	s30 =	sshrl.u32 s9, $0x3;
	s25 =	sadd.s32 $0xAF800, s2  }
0x11: {  	s13 =	simm.s32 $0x5;
	s15 =	simm.s32 $0xDC00;
	s22 =	simm.s32 $0x2  }
0x12: {  	s16 =	sadd.s32 s23, s2;
	s9 =	sadd.s32 s14, s26;
	s24 =	sadd.s32 s10, s2  }
0x13: {  	s31 =	sadd.s32 s14, s30;
	s14 =	simm.s32 $0xB400;
	s23 =	simm.s32 $0x4  }
0x14: {  	s25 =	sshrl.u32 @!p0 s25, $0x3;
	s26 =	simm.s32 $0x10300;
	s7 =	sadd.s32 s7, s11  }
0x15: {  	s8 =	sadd.s32 s8, s11;
	s10 =	sadd.s32 $0x15F00, s31;
	s11 =	smax.u32 s12, $0x1  }
0x16: {  	s12 =	sshrl.u32 s16, $0x3;
	s16 =	simm.s32 $0x80;
	s24 =	sshrl.u32 s24, $0x3  }
.LBB2_1:
0x17: {  	[spmem:s12], [sflag:s6] =	dma.local [hbm:s1], $0x1680  }
0x18: {  	_ =	swait.ge [sflag:s13], $0x1680  }
0x19: {  	[sflag:s13] =	ssyncset.done $0x0  }
0x1a: {  	[sflag:s13] =	ssyncadd.s32 $0xFFFFE980  }
0x1b: {  	[tilespmem:s14], [sflag:$0x5] =	stream.linear.gather [hbm4b:s7+s4], $0x2800, $0x38;
	[tilespmem:$0x19400] =	vst v63  }
0x1c: {  	_ =	swait.ge [sflag:s13], $0x2800  }
0x1d: {  	[sflag:s13] =	ssyncset.done $0x0  }
0x1e: {  	[sflag:s13] =	ssyncadd.s32 $0xFFFFD800  }
0x1f: {  	[tilespmem:s15], [sflag:$0x5] =	stream.linear.gather [hbm4b:s8+s4], $0x2800, $0x38;
	[tilespmem:$0x19400] =	vst v63  }
0x20: {  	_ =	swait.ge [sflag:s13], $0x2800  }
0x21: {  	[sflag:s13] =	ssyncset.done $0x0  }
0x22: {  	[sflag:s13] =	ssyncadd.s32 $0xFFFFD800  }
0x23: {  	[bflag:$0x0] =	sbarrier.arrive $0xFFFF  }
0x24: {  	[tilespmem:s17], [sflag:$0x1] =	stream.indirect.gather [hbm4b:s5+s16], $0x90, s14, s16, $0xb8;
	[tilespmem:$0x19400] =	vst v63  }
0x25: {  	_ = 	snop  }
0x26: {  	[tilespmem:s19], [sflag:$0x2] =	stream.indirect.gather [hbm4b:s5+s16], $0x90, s18, s16, $0xb8;
	[tilespmem:$0x19400] =	vst v63  }
0x27: {  	_ =	swait.ge [sflag:s20], $0x4800  }
0x28: {  	[sflag:s20] =	ssyncset.done $0x0  }
0x29: {  	s30 =	simm.s32 $0xDC00;
	[sflag:s20] =	ssyncadd.s32 $0xFFFFB800  }
0x2a: {  	[spmem:s2] =	stream.indirect.scatter.add.f32 [tilespmem:s17], [sflag:$0x3], $0x90, s30, s16, $0xb8;
	[tilespmem:$0x19400] =	vst v63  }
0x2b: {  	_ =	swait.ge [sflag:s21], $0x4800  }
0x2c: {  	[sflag:s21] =	ssyncset.done $0x0  }
0x2d: {  	s30 =	simm.s32 $0xB500;
	[sflag:s21] =	ssyncadd.s32 $0xFFFFB800  }
0x2e: {  	[tilespmem:s17], [sflag:$0x1] =	stream.indirect.gather [hbm4b:s5+s16], $0x90, s30, s16, $0xb8;
	[tilespmem:$0x19400] =	vst v63  }
0x2f: {  	_ =	swait.ge [sflag:s22], $0x4800  }
0x30: {  	[sflag:s22] =	ssyncset.done $0x0  }
0x31: {  	s30 =	simm.s32 $0xDC80;
	[sflag:s22] =	ssyncadd.s32 $0xFFFFB800  }
0x32: {  	[spmem:s2] =	stream.indirect.scatter.add.f32 [tilespmem:s19], [sflag:$0x4], $0x90, s30, s16, $0xb8;
	[tilespmem:$0x19400] =	vst v63  }
0x33: {  	_ =	swait.ge [sflag:s23], $0x4800  }
0x34: {  	[sflag:s23] =	ssyncset.done $0x0  }
0x35: {  	s31 =	simm.s32 $0xB580;
	s30 =	simm.s32 $0x400;
	[sflag:s23] =	ssyncadd.s32 $0xFFFFB800  }
.LBB2_2:
0x36: {  	[tilespmem:s19], [sflag:$0x2] =	stream.indirect.gather [hbm4b:s5+s16], $0x90, s31, s16, $0xb8;
	[tilespmem:$0x19400] =	vst v63  }
0x37: {  	s31 =	smov.u32 s30  }
0x38: {  	p1 =	sne.s32 s30, $0x9800;
	s30 =	sadd.s32 $0x400, s30;
	_ =	swait.ge [sflag:s20], $0x4800  }
0x39: {  	s31 =	sshra.s32 s31, $0x2;
	[sflag:s20] =	ssyncset.done $0x0  }
0x3a: {  	s0 =	sadd.s32 $0xDC00, s31;
	[sflag:s20] =	ssyncadd.s32 $0xFFFFB800  }
0x3b: {  	[spmem:s2] =	stream.indirect.scatter.add.f32 [tilespmem:s17], [sflag:$0x3], $0x90, s0, s16, $0xb8;
	[tilespmem:$0x19400] =	vst v63  }
0x3c: {  	_ =	swait.ge [sflag:s21], $0x4800  }
0x3d: {  	[sflag:s21] =	ssyncset.done $0x0  }
0x3e: {  	s0 =	sadd.s32 $0xB500, s31;
	[sflag:s21] =	ssyncadd.s32 $0xFFFFB800  }
0x3f: {  	[tilespmem:s17], [sflag:$0x1] =	stream.indirect.gather [hbm4b:s5+s16], $0x90, s0, s16, $0xb8;
	[tilespmem:$0x19400] =	vst v63  }
0x40: {  	_ =	swait.ge [sflag:s22], $0x4800  }
0x41: {  	[sflag:s22] =	ssyncset.done $0x0  }
.Ltmp0:
0x42: {  	s0 =	sadd.s32 $0xDC80, s31;
	[sflag:s22] =	ssyncadd.s32 $0xFFFFB800;
	(pc) =	sbr.rel @p1 .LBB2_2-.Ltmp0, $4  }
0x43: {  	[spmem:s2] =	stream.indirect.scatter.add.f32 [tilespmem:s19], [sflag:$0x4], $0x90, s0, s16, $0xb8;
	[tilespmem:$0x19400] =	vst v63  }
0x44: {  	_ =	swait.ge [sflag:s23], $0x4800  }
0x45: {  	[sflag:s23] =	ssyncset.done $0x0  }
0x46: {  	s31 =	sadd.s32 $0xB580, s31;
	[sflag:s23] =	ssyncadd.s32 $0xFFFFB800  }
0x47: {  	[tilespmem:s19], [sflag:$0x2] =	stream.indirect.gather [hbm4b:s5+s16], $0x90, s31, s16, $0xb8;
	[tilespmem:$0x19400] =	vst v63  }
0x48: {  	_ =	swait.ge [sflag:s20], $0x4800  }
0x49: {  	[sflag:s20] =	ssyncset.done $0x0  }
0x4a: {  	[sflag:s20] =	ssyncadd.s32 $0xFFFFB800  }
0x4b: {  	[spmem:s2] =	stream.indirect.scatter.add.f32 [tilespmem:s17], [sflag:$0x3], $0x90, s26, s16, $0xb8;
	[tilespmem:$0x19400] =	vst v63  }
0x4c: {  	_ =	swait.ge [sflag:s22], $0x4800  }
0x4d: {  	[sflag:s22] =	ssyncset.done $0x0  }
0x4e: {  	[sflag:s22] =	ssyncadd.s32 $0xFFFFB800  }
0x4f: {  	[spmem:s2] =	stream.indirect.scatter.add.f32 [tilespmem:s19], [sflag:$0x4], $0x90, s28, s16, $0xb8;
	[tilespmem:$0x19400] =	vst v63  }
0x50: {  	_ =	swait.ge [sflag:s21], $0x4800  }
0x51: {  	[sflag:s21] =	ssyncset.done $0x0  }
0x52: {  	[sflag:s21] =	ssyncadd.s32 $0xFFFFB800  }
0x53: {  	_ =	swait.ge [sflag:s23], $0x4800  }
0x54: {  	[sflag:s23] =	ssyncset.done $0x0  }
0x55: {  	[sflag:s23] =	ssyncadd.s32 $0xFFFFB800  }
0x56: {  	[bflag:$0x0] =	sbarrier.arrive $0xFFFF  }
0x57: {  	[hbm:s9], [sflag:s6] =	dma.local [spmem:s24], $0x15F0  }
0x58: {  	s29 =	sadd.s32 $0x1, s29;
	_ =	swait.ge [sflag:s13], $0x15F0  }
0x59: {  	p1 =	sne.s32 s29, s11;
	[sflag:s13] =	ssyncset.done $0x0  }
.Ltmp1:
0x5a: {  	s0 =	simm.s32 @!p0 $0x5;
	[sflag:s13] =	ssyncadd.s32 $0xFFFFEA10;
	(pc) =	sbr.rel @p1 .LBB2_1-.Ltmp1, $4  }
0x5b: {  	[hbm:s10], [sflag:s6] =	dma.local @!p0 [spmem:s25], $0x90  }
0x5c: {  	_ =	swait.ge @!p0 [sflag:s0], $0x90  }
0x5d: {  	[sflag:s0] =	ssyncset.done @!p0 $0x0  }
0x5e: {  	[sflag:s0] =	ssyncadd.s32 @!p0 $0xFFFFFF70  }
0x5f: {  	_ =	sfence.sel $0x180000  }
0x60: {  	[bflag:$0x0] =	sbarrier.arrive $0xFFFF  }
0x61: {  	_ =	strace $0x9000004A  }
0x62: {  	[bflag:$0x2] =	sbarrier.arrive $0xFFFF  }
0x63: {  	p0 =	sne.s32 s3, $0x0;
	s0 =	rddreg [dreg:$0x5]  }
0x64: {  	s0 =	sadd.s32 @!p0 $0x100000, s0  }
0x65: {  	[sflag:s0] =	ssyncadd.tile.s32 @!p0 $0x1;
	_ =	shalt  }
.Lfunc_end2:
_tile_overlayer_lowered:
.L_overlay_start_2:
0x66: {  	(tag) =	ssettag $0x2  }
0x67: {  	s0 =	rddreg [dreg:$0x0];
	s2 =	stileid.u32  }
0x68: {  	s1 =	rddreg [dreg:$0x1];
	p0 =	sne.s32 s2, $0x0  }
0x69: {  	s3 =	rddreg [dreg:$0x2];
	[bflag:$0x3] =	sbarrier.arrive $0xFFFF;
	s2 =	simm.s32 @!p0 $0x1C05  }
0x6a: {  	[timem:s3], [sflag:s2] =	dma.local @!p0 [hbm:s0], s1  }
0x6b: {  	s0 =	simm.s32 @!p0 $0x5  }
0x6c: {  	_ =	swait.ge @!p0 [sflag:s0], s1  }
0x6d: {  	s1 =	ssub.s32 @!p0 $0x0, s1;
	[sflag:s0] =	ssyncset.done @!p0 $0x0  }
0x6e: {  	[sflag:s0] =	ssyncadd.s32 @!p0 s1  }
0x6f: {  	[bflag:$0x3] =	sbarrier.arrive $0xFFFF  }
0x70: {  	_ =	shalt  }

// kernel: kernel.16.cloned.1.call-start
scs
__scs_entry_jumppad:
0x0: {  	(pc) =	sbr.rel $0x88, $3  }
0x1: {  	(tag) =	ssettag $0x0;
	lr =	simm.s32 $0x1  }
0x2: {  	[smem:$0x3F96] =	sst lr;
	_ =	strace $0xD0000000  }
0x3: {  	_ = 	snop  }
0x4: {  	_ = 	snop  }
0x5: {  	_ = 	snop  }
0x6: {  	_ = 	snop  }
0x7: {  	_ = 	snop  }
__scs_overlays_trampoline_lowered:
0x8: {  	[smem:$0x3FA5] =	sst s0  }
0x9: {  	[smem:$0x3FA6] =	sst s1  }
0xa: {  	[smem:$0x3FA7] =	sst s2  }
0xb: {  	[smem:$0x3FA8] =	sst s3  }
0xc: {  	[smem:$0x3FA9] =	sst s4  }
0xd: {  	[smem:$0x3FAA] =	sst s5  }
0xe: {  	[smem:$0x3FAB] =	sst s6  }
0xf: {  	[smem:$0x3FAC] =	sst s7  }
0x10: {  	[smem:$0x3FAD] =	sst s8  }
0x11: {  	[smem:$0x3FAE] =	sst s9;
	s0 =	simm.s32 @!p0 $0x0  }
0x12: {  	s1 =	sld [smem:$0x3F94];
	s0 =	simm.s32 @p0 $0x1  }
0x13: {  	[smem:$0x3FAF] =	sst s0;
	s0 =	simm.s32 @!p1 $0x0  }
0x14: {  	s2 =	sld [smem:$0x3F93];
	s0 =	simm.s32 @p1 $0x1  }
0x15: {  	[smem:$0x3FB0] =	sst s0;
	s0 =	simm.s32 @!p2 $0x0  }
0x16: {  	s3 =	sld [smem:$0x3FDB];
	s0 =	simm.s32 @p2 $0x1  }
0x17: {  	s4 =	simm.s32 $0x1BF5;
	[smem:$0x3FB2] =	sst s0  }
0x18: {  	s0 =	sld [smem:$0x3F95];
	_ =	swait.ge [sflag:s4], $0x0  }
0x19: {  	s7 =	sld [smem:$0x3F96]  }
0x1a: {  	s8 =	sadd.s32 $0xFFFFE003, lr  }
0x1b: {  	s9 =	sadd.s32 $0xFFFFFEF7, lr;
	s5 =	simm.s32 $0xFFFFFFFF;
	p2 =	slt.u32 s8, $0xFFFFF086  }
0x1c: {  	p1 =	slt.u32 s9, $0xF7A;
	s5 =	simm.s32 @!p2 $0x0  }
0x1d: {  	s5 =	simm.s32 @p1 $0x1;
	p0 =	seq.s32 s7, s2  }
0x1e: {  	s7 =	smul.u32 @!p0 $0xF7A, s2;
	p2 =	seq.s32 @!p0 s5, $0x0  }
0x1f: {  	s9 =	smul.u32 $0xF7A, s1;
	s8 =	simm.s32 @!p0 $0x1BF5;
	p2 =	por !p2, p0  }
0x20: {  	[sflag:s8] =	ssyncset.s32 @!p0 $0xFFFFF086;
	s6 =	sadd.s32 @!p0 s3, s7;
	s7 =	simm.s32 @!p0 $0x108  }
0x21: {  	s3 =	sadd.s32 s3, s9;
	s6 =	sadd.s32 @!p0 $0x88, s6;
	s7 =	simm.s32 @p2 $0x1082  }
0x22: {  	[simem:s7], [sflag:s8] =	dma.local @!p0 [hbm:s6], $0xF7A  }
0x23: {  	s9 =	sor.u32 $0xD0000000, s2;
	s6 =	simm.s32 $0x108;
	_ =	swait.ge @!p0 [sflag:s8], $0x0  }
0x24: {  	s3 =	sadd.s32 $0x88, s3;
	s6 =	simm.s32 @!p1 $0x1082;
	[sflag:s4] =	ssyncset.s32 $0xFFFFF086  }
0x25: {  	[simem:s6], [sflag:s4] =	dma.local [hbm:s3], $0xF7A  }
0x26: {  	[smem:$0x3F96] =	sst s1;
	(tag) =	ssettag s2;
	_ =	strace s9  }
0x27: {  	s1 =	sld [smem:$0x3FA6]  }
0x28: {  	s2 =	sld [smem:$0x3FA7]  }
0x29: {  	s4 =	sld [smem:$0x3FA9]  }
0x2a: {  	p0 =	seq.s32 s5, $0x0;
	s5 =	sld [smem:$0x3FAA]  }
0x2b: {  	s6 =	sld [smem:$0x3FAB]  }
0x2c: {  	s7 =	sld [smem:$0x3FAC]  }
0x2d: {  	s3 =	simm.s32 $0x108;
	s8 =	sld [smem:$0x3FAD]  }
0x2e: {  	s3 =	simm.s32 @!p0 $0x1082;
	s9 =	sld [smem:$0x3FAE]  }
0x2f: {  	lr =	sadd.s32 s0, s3;
	s0 =	sld [smem:$0x3FA5]  }
0x30: {  	s3 =	sld [smem:$0x3FA8]  }
0x31: {  	[smem:$0x3FB1] =	sst s10  }
0x32: {  	s10 =	sld [smem:$0x3FAF];
	_ =	sdelay $0x3  }
0x33: {  	p0 =	seq.s32 s10, $0x1;
	s10 =	sld [smem:$0x3FB1];
	_ =	sdelay $0x3  }
0x34: {  	[smem:$0x3FB1] =	sst s10  }
0x35: {  	s10 =	sld [smem:$0x3FB0];
	_ =	sdelay $0x3  }
0x36: {  	p1 =	seq.s32 s10, $0x1;
	s10 =	sld [smem:$0x3FB1];
	_ =	sdelay $0x3  }
0x37: {  	[smem:$0x3FB1] =	sst s10  }
0x38: {  	s10 =	sld [smem:$0x3FB2]  }
0x39: {  	_ = 	snop;
	(pc) =	sbr.ind lr, $3  }
0x3a: {  	_ = 	snop  }
0x3b: {  	_ = 	snop  }
0x3c: {  	p2 =	seq.s32 s10, $0x1;
	s10 =	sld [smem:$0x3FB1]  }
0x3d: {  	_ =	shalt  }
0x3e: {  	_ =	shalt  }
0x3f: {  	_ =	shalt  }
0x40: {  	_ =	shalt  }
0x41: {  	_ =	shalt  }
0x42: {  	_ =	shalt  }
0x43: {  	_ =	shalt  }
0x44: {  	_ =	shalt  }
0x45: {  	_ =	shalt  }
0x46: {  	_ =	shalt  }
0x47: {  	_ =	shalt  }
0x48: {  	_ =	shalt  }
0x49: {  	_ =	shalt  }
0x4a: {  	_ =	shalt  }
0x4b: {  	_ =	shalt  }
0x4c: {  	_ =	shalt  }
0x4d: {  	_ =	shalt  }
0x4e: {  	_ =	shalt  }
0x4f: {  	_ =	shalt  }
0x50: {  	_ =	shalt  }
0x51: {  	_ =	shalt  }
0x52: {  	_ =	shalt  }
0x53: {  	_ =	shalt  }
0x54: {  	_ =	shalt  }
0x55: {  	_ =	shalt  }
0x56: {  	_ =	shalt  }
0x57: {  	_ =	shalt  }
0x58: {  	_ =	shalt  }
0x59: {  	_ =	shalt  }
0x5a: {  	_ =	shalt  }
0x5b: {  	_ =	shalt  }
0x5c: {  	_ =	shalt  }
0x5d: {  	_ =	shalt  }
0x5e: {  	_ =	shalt  }
0x5f: {  	_ =	shalt  }
0x60: {  	_ =	shalt  }
0x61: {  	_ =	shalt  }
0x62: {  	_ =	shalt  }
0x63: {  	_ =	shalt  }
0x64: {  	_ =	shalt  }
0x65: {  	_ =	shalt  }
0x66: {  	_ =	shalt  }
0x67: {  	_ =	shalt  }
0x68: {  	_ =	shalt  }
0x69: {  	_ =	shalt  }
0x6a: {  	_ =	shalt  }
0x6b: {  	_ =	shalt  }
0x6c: {  	_ =	shalt  }
0x6d: {  	_ =	shalt  }
0x6e: {  	_ =	shalt  }
0x6f: {  	_ =	shalt  }
0x70: {  	_ =	shalt  }
0x71: {  	_ =	shalt  }
0x72: {  	_ =	shalt  }
0x73: {  	_ =	shalt  }
0x74: {  	_ =	shalt  }
0x75: {  	_ =	shalt  }
0x76: {  	_ =	shalt  }
0x77: {  	_ =	shalt  }
0x78: {  	_ =	shalt  }
0x79: {  	_ =	shalt  }
0x7a: {  	_ =	shalt  }
0x7b: {  	_ =	shalt  }
0x7c: {  	_ =	shalt  }
0x7d: {  	_ =	shalt  }
0x7e: {  	_ =	shalt  }
0x7f: {  	_ =	shalt  }
0x80: {  	_ =	shalt  }
0x81: {  	_ =	shalt  }
0x82: {  	_ =	shalt  }
0x83: {  	_ =	shalt  }
0x84: {  	_ =	shalt  }
0x85: {  	_ =	shalt  }
0x86: {  	_ =	shalt  }
0x87: {  	_ =	shalt  }
.Lfunc_end0:
.L_simem_size_0:
called_computation.2_lowered:
.L_overlay_start_0:
0x88: {  	s2 =	sld [smem:$0x3FD9]  }
0x89: {  	s3 =	sld [smem:$0x3FFE];
	_ =	sdelay $0x1  }
0x8a: {  	s1 =	srdreg.scid  }
0x8b: {  	s0 =	sand.u32 $0x1, s1  }
0x8c: {  	s14 =	sshll.u32 s0, $0xA;
	s2 =	sadd.s32 s3, s2  }
0x8d: {  	s2 =	sadd.s32 s2, s14  }
0x8e: {  	[smem:$0x3FBD] =	sst s2  }
0x8f: {  	_ = 	snop  }
0x90: {  	s2 =	sld [smem:$0x3FD0];
	_ =	sdelay $0x2  }
0x91: {  	s15 =	simm.s32 $0xA;
	s4 =	simm.s32 $0x10  }
0x92: {  	[smem:s4], [sflag:s15] =	dma.local [hbm:s2], $0x1  }
0x93: {  	_ =	swait.eq [sflag:s15], $0x1  }
0x94: {  	s16 =	sld [smem:$0x10];
	[sflag:s15] =	ssyncset.done $0x0  }
0x95: {  	s17 =	sld [smem:$0x11];
	[sflag:s15] =	ssyncadd.s32 $0xFFFFFFFF  }
0x96: {  	s18 =	sld [smem:$0x12];
	(tm) =	ssettm $0x1  }
0x97: {  	s5 =	sld [smem:$0x3FFB];
	_ =	sdelay $0x3  }
0x98: {  	_ =	strace s5  }
0x99: {  	s5 =	sld [smem:$0x3FFC];
	_ =	sdelay $0x3  }
0x9a: {  	_ =	strace s5  }
0x9b: {  	s5 =	sld [smem:$0x3FFD];
	_ =	sdelay $0x3  }
0x9c: {  	_ =	strace s5  }
0x9d: {  	_ =	strace $0x8FFFFFFF  }
0x9e: {  	s19 =	sld [smem:$0x3FDB];
	_ =	sdelay $0x1  }
0x9f: {  	s6 =	simm.s32 $_scs_section_size  }
0xa0: {  	s7 =	simm.s32 $_size__tile_overlayer_lowered;
	s8 =	simm.s32 $_tile_overlayer_lowered  }
0xa1: {  	s22 =	simm.s32 $0x1BFF;
	s21 =	sshll.u32 s8, $0x1;
	s5 =	sadd.s32 s6, s19  }
0xa2: {  	s9 =	simm.s32 $0x0;
	s20 =	sshll.u32 s7, $0x1;
	s7 =	sadd.s32 s21, s5  }
0xa3: {  	[timem:s9], [sflag:s22] =	dma.local [hbm:s7], s20  }
0xa4: {  	_ =	swait.ge [sflag:s22], s20  }
0xa5: {  	s6 =	ssub.s32 $0x0, s20;
	[sflag:s22] =	ssyncset.done $0x0  }
0xa6: {  	[sflag:s22] =	ssyncadd.s32 s6;
	_ =	sdelay $0x1  }
0xa7: {  	s23 =	simm.s32 $0x1B8B  }
0xa8: {  	_ =	swait.ge [sflag:s23], $0x1  }
0xa9: {  	[sflag:s23] =	ssyncset.done $0x0  }
0xaa: {  	s25 =	simm.s32 $0x1B8E;
	s24 =	sld [smem:$0x3FFE];
	[sflag:s23] =	ssyncadd.s32 $0xFFFFFFFF  }
0xab: {  	s26 =	simm.s32 $execute0_lowered;
	[smem:$0x3FD2] =	sst s25  }
0xac: {  	s7 =	sshll.u32 s26, $0x1;
	_ =	strace $0x8000004C;
	[dreg:$0x1] =	wrdreg $0xFFFFFFFF  }
0xad: {  	s28 =	simm.s32 $_size_execute0_lowered;
	s5 =	sadd.s32 s5, s7;
	[dreg:$0x0] =	wrdreg $0x0  }
0xae: {  	s7 =	sshll.u32 s28, $0x1;
	[dreg:$0x2] =	wrdreg s5  }
0xaf: {  	[dreg:$0x3] =	wrdreg s7  }
0xb0: {  	[dreg:$0x4] =	wrdreg $0xC0  }
0xb1: {  	_ =	task [dreg:s9], $0x5FFFF  }
0xb2: {  	[dreg:$0x1] =	wrdreg $0xFFFFFFFF  }
0xb3: {  	[dreg:$0x0] =	wrdreg $0x60  }
0xb4: {  	[dreg:$0x2] =	wrdreg s24  }
0xb5: {  	[dreg:$0x3] =	wrdreg s17  }
0xb6: {  	[dreg:$0x4] =	wrdreg s18  }
0xb7: {  	[dreg:$0x5] =	wrdreg s16  }
0xb8: {  	[dreg:$0x6] =	wrdreg $0x0  }
0xb9: {  	[dreg:$0x7] =	wrdreg $0x9  }
0xba: {  	_ =	task.clear_ibuf [dreg:s9], $0x8FFFF;
	_ =	strace $0x9000004C  }
0xbb: {  	s29 =	simm.s32 $0x9;
	_ =	strace $0x8000004E  }
0xbc: {  	_ =	swait.ge [sflag:s29], $0x1  }
0xbd: {  	[sflag:s29] =	ssyncadd.s32 $0xFFFFFFFF  }
0xbe: {  	_ =	strace $0x9000004E  }
0xbf: {  	_ =	sfence  }
0xc0: {  	s30 =	sld [smem:$0x0];
	_ =	sdelay $0x2  }
0xc1: {  	s31 =	sshll.u32 s1, $0xD;
	s1 =	sshrl.u32 s1, $0x2  }
0xc2: {  	s3 =	sand.u32 $0x4000, s31;
	s1 =	sadd.s32 s1, s30  }
0xc3: {  	s0 =	sor.u32 s3, s0;
	s1 =	sshll.u32 s1, $0x11  }
0xc4: {  	s0 =	sor.u32 s1, s0  }
0xc5: {  	s0 =	sadd.s32 $0x8F2B, s0  }
0xc6: {  	[sflag:s0] =	ssyncadd.remote.s32 $0x1  }
0xc7: {  	_ =	sfence.sel $0xFFFF  }
0xc8: {  	[dreg:$0x0] =	wrdreg $0xFFFFFFFF;
	(pc) =	sbr.abs _section_cstart, $3  }
0xc9: {  	[dreg:$0x1] =	wrdreg $0xFFFFFFFF  }
0xca: {  	_ =	task.clear_ibuf [dreg:s9], $0x2FFFF;
	_ =	strace $0x9FFFFFFF  }
0xcb: {  	(tm) =	ssettm $0x7FFFFFFF  }
tec
execute0_lowered:
.L_overlay_start_1:
0x0: {  	(tag) =	ssettag $0x1  }
0x1: {  	s0 =	rddreg [dreg:$0x0]  }
0x2: {  	s1 =	rddreg [dreg:$0x1]  }
0x3: {  	s3 =	rddreg [dreg:$0x2]  }
0x4: {  	s2 =	rddreg [dreg:$0x4]  }
0x5: {  	s4 =	srdreg.scid;
	s18 =	stileid.u32;
	s16 =	simm.s32 $0x80  }
0x6: {  	s17 =	simm.s32 $0xF000;
	s19 =	simm.s32 $0x13000;
	s28 =	simm.s32 $0x5  }
0x7: {  	s29 =	simm.s32 $0x2;
	s30 =	simm.s32 $0x6;
	s7 =	smul.u32 $0x28000, s18  }
0x8: {  	s31 =	simm.s32 $0x3;
	s6 =	sand.u32 $0x1, s4;
	s21 =	smul.u32 $0x1380, s18  }
0x9: {  	s4 =	simm.s32 $0x0;
	s22 =	sshll.u32 s18, $0x6;
	s15 =	smul.u32 $0x27000, s18  }
0xa: {  	p0 =	sne.s32 s18, $0xF;
	s5 =	sshll.u32 s6, $0x4;
	s11 =	smul.u32 $0x13880, s6  }
0xb: {  	[smem:$0x7FF] =	sst s4;
	s8 =	ssub.s32 $0x2, s6;
	s13 =	smul.u32 $0x9C400, s6  }
0xc: {  	s6 =	sor.u32 $0x1C09, s22;
	s5 =	sor.u32 s18, s5;
	_ =	strace $0x8000004D  }
0xd: {  	s10 =	sshrl.u32 s8, $0x1;
	s7 =	sshrl.u32 s7, $0x2;
	s25 =	sshrl.u32 s15, $0x2  }
0xe: {  	s15 =	simm.s32 $0x0;
	s9 =	smul.u32 $0x500, s5;
	s5 =	sadd.s32 $0x51000, s0  }
0xf: {  	s0 =	sadd.s32 $0x9F400, s0;
	s12 =	ssub.s32 s8, s10;
	s14 =	sadd.s32 s7, s2  }
0x10: {  	s23 =	sshrl.u32 s13, $0x3;
	s24 =	sadd.s32 s21, s11;
	s26 =	sadd.s32 s25, s2  }
0x11: {  	s13 =	simm.s32 $0x9;
	s21 =	simm.s32 $0x17000;
	s11 =	smax.u32 s12, $0x1  }
0x12: {  	s12 =	sshrl.u32 s14, $0x3;
	s14 =	simm.s32 $0xA000;
	s7 =	sadd.s32 s1, s9  }
0x13: {  	s8 =	sadd.s32 s3, s9;
	s1 =	sadd.s32 s0, s23;
	s9 =	sadd.s32 s0, s24  }
0x14: {  	s23 =	simm.s32 $0x1B000;
	s24 =	sshrl.u32 s26, $0x3;
	s26 =	simm.s32 $0x1  }
0x15: {  	s0 =	simm.s32 $0x7;
	s10 =	sadd.s32 $0x13800, s1;
	s1 =	sadd.s32 $0x9C000, s2  }
0x16: {  	s3 =	simm.s32 $0x4;
	s25 =	sshrl.u32 @!p0 s1, $0x3;
	s1 =	simm.s32 $0x8  }
.LBB2_1:
0x17: {  	s18 =	rddreg [dreg:$0x3]  }
0x18: {  	[spmem:s12], [sflag:s6] =	dma.local [hbm:s18], $0x1400  }
0x19: {  	_ =	swait.ge [sflag:s13], $0x1400  }
0x1a: {  	[sflag:s13] =	ssyncset.done $0x0  }
0x1b: {  	[sflag:s13] =	ssyncadd.s32 $0xFFFFEC00  }
0x1c: {  	[tilespmem:s14], [sflag:$0x9] =	stream.linear.gather [hbm4b:s7+s4], $0x2800, $0x38;
	[tilespmem:$0x1F000] =	vst v63  }
0x1d: {  	_ =	swait.ge [sflag:s13], $0x2800  }
0x1e: {  	[sflag:s13] =	ssyncset.done $0x0  }
0x1f: {  	s22 =	simm.s32 $0xC800;
	[sflag:s13] =	ssyncadd.s32 $0xFFFFD800  }
0x20: {  	[tilespmem:s22], [sflag:$0x9] =	stream.linear.gather [hbm4b:s8+s4], $0x2800, $0x38;
	[tilespmem:$0x1F000] =	vst v63  }
0x21: {  	_ =	swait.ge [sflag:s13], $0x2800  }
0x22: {  	[sflag:s13] =	ssyncset.done $0x0  }
0x23: {  	[sflag:s13] =	ssyncadd.s32 $0xFFFFD800  }
0x24: {  	[bflag:$0x0] =	sbarrier.arrive $0xFFFF  }
0x25: {  	[tilespmem:s17], [sflag:$0x1] =	stream.indirect.gather [hbm4b:s5+s16], $0x80, s14, s16, $0xb8;
	[tilespmem:$0x1F000] =	vst v63  }
0x26: {  	s20 =	simm.s32 $0xA080  }
0x27: {  	[tilespmem:s19], [sflag:$0x2] =	stream.indirect.gather [hbm4b:s5+s16], $0x80, s20, s16, $0xb8;
	[tilespmem:$0x1F000] =	vst v63  }
0x28: {  	s22 =	simm.s32 $0xA100  }
0x29: {  	[tilespmem:s21], [sflag:$0x3] =	stream.indirect.gather [hbm4b:s5+s16], $0x80, s22, s16, $0xb8;
	[tilespmem:$0x1F000] =	vst v63  }
0x2a: {  	s20 =	simm.s32 $0xA180  }
0x2b: {  	[tilespmem:s23], [sflag:$0x4] =	stream.indirect.gather [hbm4b:s5+s16], $0x80, s20, s16, $0xb8;
	[tilespmem:$0x1F000] =	vst v63  }
0x2c: {  	_ =	swait.ge [sflag:s26], $0x4000  }
0x2d: {  	[sflag:s26] =	ssyncset.done $0x0  }
0x2e: {  	s22 =	simm.s32 $0xC800;
	[sflag:s26] =	ssyncadd.s32 $0xFFFFC000  }
0x2f: {  	[spmem:s2] =	stream.indirect.scatter.add.f32 [tilespmem:s17], [sflag:$0x5], $0x80, s22, s16, $0xb8;
	[tilespmem:$0x1F000] =	vst v63  }
0x30: {  	_ =	swait.ge [sflag:s28], $0x4000  }
0x31: {  	[sflag:s28] =	ssyncset.done $0x0  }
0x32: {  	s20 =	simm.s32 $0xA200;
	[sflag:s28] =	ssyncadd.s32 $0xFFFFC000  }
0x33: {  	[tilespmem:s17], [sflag:$0x1] =	stream.indirect.gather [hbm4b:s5+s16], $0x80, s20, s16, $0xb8;
	[tilespmem:$0x1F000] =	vst v63  }
0x34: {  	_ =	swait.ge [sflag:s29], $0x4000  }
0x35: {  	[sflag:s29] =	ssyncset.done $0x0  }
0x36: {  	s22 =	simm.s32 $0xC880;
	[sflag:s29] =	ssyncadd.s32 $0xFFFFC000  }
0x37: {  	[spmem:s2] =	stream.indirect.scatter.add.f32 [tilespmem:s19], [sflag:$0x6], $0x80, s22, s16, $0xb8;
	[tilespmem:$0x1F000] =	vst v63  }
0x38: {  	_ =	swait.ge [sflag:s30], $0x4000  }
0x39: {  	[sflag:s30] =	ssyncset.done $0x0  }
0x3a: {  	s20 =	simm.s32 $0xA280;
	[sflag:s30] =	ssyncadd.s32 $0xFFFFC000  }
0x3b: {  	[tilespmem:s19], [sflag:$0x2] =	stream.indirect.gather [hbm4b:s5+s16], $0x80, s20, s16, $0xb8;
	[tilespmem:$0x1F000] =	vst v63  }
0x3c: {  	_ =	swait.ge [sflag:s31], $0x4000  }
0x3d: {  	[sflag:s31] =	ssyncset.done $0x0  }
0x3e: {  	s22 =	simm.s32 $0xC900;
	[sflag:s31] =	ssyncadd.s32 $0xFFFFC000  }
0x3f: {  	[spmem:s2] =	stream.indirect.scatter.add.f32 [tilespmem:s21], [sflag:$0x7], $0x80, s22, s16, $0xb8;
	[tilespmem:$0x1F000] =	vst v63  }
0x40: {  	_ =	swait.ge [sflag:s0], $0x4000  }
0x41: {  	[sflag:s0] =	ssyncset.done $0x0  }
0x42: {  	s20 =	simm.s32 $0xA300;
	[sflag:s0] =	ssyncadd.s32 $0xFFFFC000  }
0x43: {  	[tilespmem:s21], [sflag:$0x3] =	stream.indirect.gather [hbm4b:s5+s16], $0x80, s20, s16, $0xb8;
	[tilespmem:$0x1F000] =	vst v63  }
0x44: {  	_ =	swait.ge [sflag:s3], $0x4000  }
0x45: {  	[sflag:s3] =	ssyncset.done $0x0  }
0x46: {  	s22 =	simm.s32 $0xC980;
	[sflag:s3] =	ssyncadd.s32 $0xFFFFC000  }
0x47: {  	[spmem:s2] =	stream.indirect.scatter.add.f32 [tilespmem:s23], [sflag:$0x8], $0x80, s22, s16, $0xb8;
	[tilespmem:$0x1F000] =	vst v63  }
0x48: {  	_ =	swait.ge [sflag:s1], $0x4000  }
0x49: {  	[sflag:s1] =	ssyncset.done $0x0  }
0x4a: {  	s18 =	simm.s32 $0x800;
	s20 =	simm.s32 $0xA380;
	[sflag:s1] =	ssyncadd.s32 $0xFFFFC000  }
.LBB2_2:
0x4b: {  	[tilespmem:s23], [sflag:$0x4] =	stream.indirect.gather [hbm4b:s5+s16], $0x80, s20, s16, $0xb8;
	[tilespmem:$0x1F000] =	vst v63  }
0x4c: {  	s20 =	smov.u32 s18  }
0x4d: {  	p1 =	sne.s32 s18, $0x9000;
	s18 =	sadd.s32 $0x800, s18;
	_ =	swait.ge [sflag:s26], $0x4000  }
0x4e: {  	s20 =	sshra.s32 s20, $0x2;
	[sflag:s26] =	ssyncset.done $0x0  }
0x4f: {  	s22 =	sadd.s32 $0xC800, s20;
	[sflag:s26] =	ssyncadd.s32 $0xFFFFC000  }
0x50: {  	[spmem:s2] =	stream.indirect.scatter.add.f32 [tilespmem:s17], [sflag:$0x5], $0x80, s22, s16, $0xb8;
	[tilespmem:$0x1F000] =	vst v63  }
0x51: {  	_ =	swait.ge [sflag:s28], $0x4000  }
0x52: {  	[sflag:s28] =	ssyncset.done $0x0  }
0x53: {  	s22 =	sadd.s32 $0xA200, s20;
	[sflag:s28] =	ssyncadd.s32 $0xFFFFC000  }
0x54: {  	[tilespmem:s17], [sflag:$0x1] =	stream.indirect.gather [hbm4b:s5+s16], $0x80, s22, s16, $0xb8;
	[tilespmem:$0x1F000] =	vst v63  }
0x55: {  	_ =	swait.ge [sflag:s29], $0x4000  }
0x56: {  	[sflag:s29] =	ssyncset.done $0x0  }
0x57: {  	s22 =	sadd.s32 $0xC880, s20;
	[sflag:s29] =	ssyncadd.s32 $0xFFFFC000  }
0x58: {  	[spmem:s2] =	stream.indirect.scatter.add.f32 [tilespmem:s19], [sflag:$0x6], $0x80, s22, s16, $0xb8;
	[tilespmem:$0x1F000] =	vst v63  }
0x59: {  	_ =	swait.ge [sflag:s30], $0x4000  }
0x5a: {  	[sflag:s30] =	ssyncset.done $0x0  }
0x5b: {  	s22 =	sadd.s32 $0xA280, s20;
	[sflag:s30] =	ssyncadd.s32 $0xFFFFC000  }
0x5c: {  	[tilespmem:s19], [sflag:$0x2] =	stream.indirect.gather [hbm4b:s5+s16], $0x80, s22, s16, $0xb8;
	[tilespmem:$0x1F000] =	vst v63  }
0x5d: {  	_ =	swait.ge [sflag:s31], $0x4000  }
0x5e: {  	[sflag:s31] =	ssyncset.done $0x0  }
0x5f: {  	s22 =	sadd.s32 $0xC900, s20;
	[sflag:s31] =	ssyncadd.s32 $0xFFFFC000  }
0x60: {  	[spmem:s2] =	stream.indirect.scatter.add.f32 [tilespmem:s21], [sflag:$0x7], $0x80, s22, s16, $0xb8;
	[tilespmem:$0x1F000] =	vst v63  }
0x61: {  	_ =	swait.ge [sflag:s0], $0x4000  }
0x62: {  	[sflag:s0] =	ssyncset.done $0x0  }
0x63: {  	s22 =	sadd.s32 $0xA300, s20;
	[sflag:s0] =	ssyncadd.s32 $0xFFFFC000  }
0x64: {  	[tilespmem:s21], [sflag:$0x3] =	stream.indirect.gather [hbm4b:s5+s16], $0x80, s22, s16, $0xb8;
	[tilespmem:$0x1F000] =	vst v63  }
0x65: {  	_ =	swait.ge [sflag:s3], $0x4000  }
0x66: {  	[sflag:s3] =	ssyncset.done $0x0  }
.Ltmp0:
0x67: {  	s22 =	sadd.s32 $0xC980, s20;
	[sflag:s3] =	ssyncadd.s32 $0xFFFFC000;
	(pc) =	sbr.rel @p1 .LBB2_2-.Ltmp0, $4  }
0x68: {  	[spmem:s2] =	stream.indirect.scatter.add.f32 [tilespmem:s23], [sflag:$0x8], $0x80, s22, s16, $0xb8;
	[tilespmem:$0x1F000] =	vst v63  }
0x69: {  	_ =	swait.ge [sflag:s1], $0x4000  }
0x6a: {  	[sflag:s1] =	ssyncset.done $0x0  }
0x6b: {  	s20 =	sadd.s32 $0xA380, s20;
	[sflag:s1] =	ssyncadd.s32 $0xFFFFC000  }
0x6c: {  	[tilespmem:s23], [sflag:$0x4] =	stream.indirect.gather [hbm4b:s5+s16], $0x80, s20, s16, $0xb8;
	[tilespmem:$0x1F000] =	vst v63  }
0x6d: {  	_ =	swait.ge [sflag:s26], $0x4000  }
0x6e: {  	[sflag:s26] =	ssyncset.done $0x0  }
0x6f: {  	s18 =	simm.s32 $0xEE00;
	[sflag:s26] =	ssyncadd.s32 $0xFFFFC000  }
0x70: {  	[spmem:s2] =	stream.indirect.scatter.add.f32 [tilespmem:s17], [sflag:$0x5], $0x80, s18, s16, $0xb8;
	[tilespmem:$0x1F000] =	vst v63  }
0x71: {  	_ =	swait.ge [sflag:s29], $0x4000  }
0x72: {  	[sflag:s29] =	ssyncset.done $0x0  }
0x73: {  	s22 =	simm.s32 $0xEE80;
	[sflag:s29] =	ssyncadd.s32 $0xFFFFC000  }
0x74: {  	[spmem:s2] =	stream.indirect.scatter.add.f32 [tilespmem:s19], [sflag:$0x6], $0x80, s22, s16, $0xb8;
	[tilespmem:$0x1F000] =	vst v63  }
0x75: {  	_ =	swait.ge [sflag:s31], $0x4000  }
0x76: {  	[sflag:s31] =	ssyncset.done $0x0  }
0x77: {  	s20 =	simm.s32 $0xEF00;
	[sflag:s31] =	ssyncadd.s32 $0xFFFFC000  }
0x78: {  	[spmem:s2] =	stream.indirect.scatter.add.f32 [tilespmem:s21], [sflag:$0x7], $0x80, s20, s16, $0xb8;
	[tilespmem:$0x1F000] =	vst v63  }
0x79: {  	_ =	swait.ge [sflag:s3], $0x4000  }
0x7a: {  	[sflag:s3] =	ssyncset.done $0x0  }
0x7b: {  	s22 =	simm.s32 $0xEF80;
	[sflag:s3] =	ssyncadd.s32 $0xFFFFC000  }
0x7c: {  	[spmem:s2] =	stream.indirect.scatter.add.f32 [tilespmem:s23], [sflag:$0x8], $0x80, s22, s16, $0xb8;
	[tilespmem:$0x1F000] =	vst v63  }
0x7d: {  	_ =	swait.ge [sflag:s28], $0x4000  }
0x7e: {  	[sflag:s28] =	ssyncset.done $0x0  }
0x7f: {  	[sflag:s28] =	ssyncadd.s32 $0xFFFFC000  }
0x80: {  	_ =	swait.ge [sflag:s30], $0x4000  }
0x81: {  	[sflag:s30] =	ssyncset.done $0x0  }
0x82: {  	[sflag:s30] =	ssyncadd.s32 $0xFFFFC000  }
0x83: {  	_ =	swait.ge [sflag:s0], $0x4000  }
0x84: {  	[sflag:s0] =	ssyncset.done $0x0  }
0x85: {  	[sflag:s0] =	ssyncadd.s32 $0xFFFFC000  }
0x86: {  	_ =	swait.ge [sflag:s1], $0x4000  }
0x87: {  	[sflag:s1] =	ssyncset.done $0x0  }
0x88: {  	[sflag:s1] =	ssyncadd.s32 $0xFFFFC000  }
0x89: {  	[bflag:$0x0] =	sbarrier.arrive $0xFFFF  }
0x8a: {  	[hbm:s9], [sflag:s6] =	dma.local [spmem:s24], $0x1380  }
0x8b: {  	s15 =	sadd.s32 $0x1, s15;
	_ =	swait.ge [sflag:s13], $0x1380  }
0x8c: {  	p1 =	sne.s32 s15, s11;
	[sflag:s13] =	ssyncset.done $0x0  }
.Ltmp1:
0x8d: {  	s18 =	simm.s32 @!p0 $0x9;
	[sflag:s13] =	ssyncadd.s32 $0xFFFFEC80;
	(pc) =	sbr.rel @p1 .LBB2_1-.Ltmp1, $4  }
0x8e: {  	[hbm:s10], [sflag:s6] =	dma.local @!p0 [spmem:s25], $0x80  }
0x8f: {  	_ =	swait.ge @!p0 [sflag:s18], $0x80  }
0x90: {  	[sflag:s18] =	ssyncset.done @!p0 $0x0  }
0x91: {  	[sflag:s18] =	ssyncadd.s32 @!p0 $0xFFFFFF80  }
0x92: {  	_ =	sfence.sel $0x180000  }
0x93: {  	[bflag:$0x0] =	sbarrier.arrive $0xFFFF  }
0x94: {  	_ =	strace $0x9000004D  }
0x95: {  	s0 =	stileid.u32;
	[bflag:$0x2] =	sbarrier.arrive $0xFFFF  }
0x96: {  	p0 =	sne.s32 s0, $0x0;
	s0 =	rddreg [dreg:$0x5]  }
0x97: {  	s0 =	sadd.s32 @!p0 $0x100000, s0  }
0x98: {  	[sflag:s0] =	ssyncadd.tile.s32 @!p0 $0x1;
	_ =	shalt  }
.Lfunc_end2:
_tile_overlayer_lowered:
.L_overlay_start_2:
0x99: {  	(tag) =	ssettag $0x2  }
0x9a: {  	s0 =	rddreg [dreg:$0x0];
	s2 =	stileid.u32  }
0x9b: {  	s1 =	rddreg [dreg:$0x1];
	p0 =	sne.s32 s2, $0x0  }
0x9c: {  	s3 =	rddreg [dreg:$0x2];
	[bflag:$0x3] =	sbarrier.arrive $0xFFFF;
	s2 =	simm.s32 @!p0 $0x1C09  }
0x9d: {  	[timem:s3], [sflag:s2] =	dma.local @!p0 [hbm:s0], s1  }
0x9e: {  	s0 =	simm.s32 @!p0 $0x9  }
0x9f: {  	_ =	swait.ge @!p0 [sflag:s0], s1  }
0xa0: {  	s1 =	ssub.s32 @!p0 $0x0, s1;
	[sflag:s0] =	ssyncset.done @!p0 $0x0  }
0xa1: {  	[sflag:s0] =	ssyncadd.s32 @!p0 s1  }
0xa2: {  	[bflag:$0x3] =	sbarrier.arrive $0xFFFF  }
0xa3: {  	_ =	shalt  }

// kernel: kernel.19.cloned.1.call-start
scs
__scs_entry_jumppad:
0x0: {  	(pc) =	sbr.rel $0x88, $3  }
0x1: {  	(tag) =	ssettag $0x0;
	lr =	simm.s32 $0x1  }
0x2: {  	[smem:$0x3F96] =	sst lr;
	_ =	strace $0xD0000000  }
0x3: {  	_ = 	snop  }
0x4: {  	_ = 	snop  }
0x5: {  	_ = 	snop  }
0x6: {  	_ = 	snop  }
0x7: {  	_ = 	snop  }
__scs_overlays_trampoline_lowered:
0x8: {  	[smem:$0x3FA5] =	sst s0  }
0x9: {  	[smem:$0x3FA6] =	sst s1  }
0xa: {  	[smem:$0x3FA7] =	sst s2  }
0xb: {  	[smem:$0x3FA8] =	sst s3  }
0xc: {  	[smem:$0x3FA9] =	sst s4  }
0xd: {  	[smem:$0x3FAA] =	sst s5  }
0xe: {  	[smem:$0x3FAB] =	sst s6  }
0xf: {  	[smem:$0x3FAC] =	sst s7  }
0x10: {  	[smem:$0x3FAD] =	sst s8  }
0x11: {  	[smem:$0x3FAE] =	sst s9;
	s0 =	simm.s32 @!p0 $0x0  }
0x12: {  	s1 =	sld [smem:$0x3F94];
	s0 =	simm.s32 @p0 $0x1  }
0x13: {  	[smem:$0x3FAF] =	sst s0;
	s0 =	simm.s32 @!p1 $0x0  }
0x14: {  	s2 =	sld [smem:$0x3F93];
	s0 =	simm.s32 @p1 $0x1  }
0x15: {  	[smem:$0x3FB0] =	sst s0;
	s0 =	simm.s32 @!p2 $0x0  }
0x16: {  	s3 =	sld [smem:$0x3FDB];
	s0 =	simm.s32 @p2 $0x1  }
0x17: {  	s4 =	simm.s32 $0x1BF5;
	[smem:$0x3FB2] =	sst s0  }
0x18: {  	s0 =	sld [smem:$0x3F95];
	_ =	swait.ge [sflag:s4], $0x0  }
0x19: {  	s7 =	sld [smem:$0x3F96]  }
0x1a: {  	s8 =	sadd.s32 $0xFFFFE003, lr  }
0x1b: {  	s9 =	sadd.s32 $0xFFFFFEF7, lr;
	s5 =	simm.s32 $0xFFFFFFFF;
	p2 =	slt.u32 s8, $0xFFFFF086  }
0x1c: {  	p1 =	slt.u32 s9, $0xF7A;
	s5 =	simm.s32 @!p2 $0x0  }
0x1d: {  	s5 =	simm.s32 @p1 $0x1;
	p0 =	seq.s32 s7, s2  }
0x1e: {  	s7 =	smul.u32 @!p0 $0xF7A, s2;
	p2 =	seq.s32 @!p0 s5, $0x0  }
0x1f: {  	s9 =	smul.u32 $0xF7A, s1;
	s8 =	simm.s32 @!p0 $0x1BF5;
	p2 =	por !p2, p0  }
0x20: {  	[sflag:s8] =	ssyncset.s32 @!p0 $0xFFFFF086;
	s6 =	sadd.s32 @!p0 s3, s7;
	s7 =	simm.s32 @!p0 $0x108  }
0x21: {  	s3 =	sadd.s32 s3, s9;
	s6 =	sadd.s32 @!p0 $0x88, s6;
	s7 =	simm.s32 @p2 $0x1082  }
0x22: {  	[simem:s7], [sflag:s8] =	dma.local @!p0 [hbm:s6], $0xF7A  }
0x23: {  	s9 =	sor.u32 $0xD0000000, s2;
	s6 =	simm.s32 $0x108;
	_ =	swait.ge @!p0 [sflag:s8], $0x0  }
0x24: {  	s3 =	sadd.s32 $0x88, s3;
	s6 =	simm.s32 @!p1 $0x1082;
	[sflag:s4] =	ssyncset.s32 $0xFFFFF086  }
0x25: {  	[simem:s6], [sflag:s4] =	dma.local [hbm:s3], $0xF7A  }
0x26: {  	[smem:$0x3F96] =	sst s1;
	(tag) =	ssettag s2;
	_ =	strace s9  }
0x27: {  	s1 =	sld [smem:$0x3FA6]  }
0x28: {  	s2 =	sld [smem:$0x3FA7]  }
0x29: {  	s4 =	sld [smem:$0x3FA9]  }
0x2a: {  	p0 =	seq.s32 s5, $0x0;
	s5 =	sld [smem:$0x3FAA]  }
0x2b: {  	s6 =	sld [smem:$0x3FAB]  }
0x2c: {  	s7 =	sld [smem:$0x3FAC]  }
0x2d: {  	s3 =	simm.s32 $0x108;
	s8 =	sld [smem:$0x3FAD]  }
0x2e: {  	s3 =	simm.s32 @!p0 $0x1082;
	s9 =	sld [smem:$0x3FAE]  }
0x2f: {  	lr =	sadd.s32 s0, s3;
	s0 =	sld [smem:$0x3FA5]  }
0x30: {  	s3 =	sld [smem:$0x3FA8]  }
0x31: {  	[smem:$0x3FB1] =	sst s10  }
0x32: {  	s10 =	sld [smem:$0x3FAF];
	_ =	sdelay $0x3  }
0x33: {  	p0 =	seq.s32 s10, $0x1;
	s10 =	sld [smem:$0x3FB1];
	_ =	sdelay $0x3  }
0x34: {  	[smem:$0x3FB1] =	sst s10  }
0x35: {  	s10 =	sld [smem:$0x3FB0];
	_ =	sdelay $0x3  }
0x36: {  	p1 =	seq.s32 s10, $0x1;
	s10 =	sld [smem:$0x3FB1];
	_ =	sdelay $0x3  }
0x37: {  	[smem:$0x3FB1] =	sst s10  }
0x38: {  	s10 =	sld [smem:$0x3FB2]  }
0x39: {  	_ = 	snop;
	(pc) =	sbr.ind lr, $3  }
0x3a: {  	_ = 	snop  }
0x3b: {  	_ = 	snop  }
0x3c: {  	p2 =	seq.s32 s10, $0x1;
	s10 =	sld [smem:$0x3FB1]  }
0x3d: {  	_ =	shalt  }
0x3e: {  	_ =	shalt  }
0x3f: {  	_ =	shalt  }
0x40: {  	_ =	shalt  }
0x41: {  	_ =	shalt  }
0x42: {  	_ =	shalt  }
0x43: {  	_ =	shalt  }
0x44: {  	_ =	shalt  }
0x45: {  	_ =	shalt  }
0x46: {  	_ =	shalt  }
0x47: {  	_ =	shalt  }
0x48: {  	_ =	shalt  }
0x49: {  	_ =	shalt  }
0x4a: {  	_ =	shalt  }
0x4b: {  	_ =	shalt  }
0x4c: {  	_ =	shalt  }
0x4d: {  	_ =	shalt  }
0x4e: {  	_ =	shalt  }
0x4f: {  	_ =	shalt  }
0x50: {  	_ =	shalt  }
0x51: {  	_ =	shalt  }
0x52: {  	_ =	shalt  }
0x53: {  	_ =	shalt  }
0x54: {  	_ =	shalt  }
0x55: {  	_ =	shalt  }
0x56: {  	_ =	shalt  }
0x57: {  	_ =	shalt  }
0x58: {  	_ =	shalt  }
0x59: {  	_ =	shalt  }
0x5a: {  	_ =	shalt  }
0x5b: {  	_ =	shalt  }
0x5c: {  	_ =	shalt  }
0x5d: {  	_ =	shalt  }
0x5e: {  	_ =	shalt  }
0x5f: {  	_ =	shalt  }
0x60: {  	_ =	shalt  }
0x61: {  	_ =	shalt  }
0x62: {  	_ =	shalt  }
0x63: {  	_ =	shalt  }
0x64: {  	_ =	shalt  }
0x65: {  	_ =	shalt  }
0x66: {  	_ =	shalt  }
0x67: {  	_ =	shalt  }
0x68: {  	_ =	shalt  }
0x69: {  	_ =	shalt  }
0x6a: {  	_ =	shalt  }
0x6b: {  	_ =	shalt  }
0x6c: {  	_ =	shalt  }
0x6d: {  	_ =	shalt  }
0x6e: {  	_ =	shalt  }
0x6f: {  	_ =	shalt  }
0x70: {  	_ =	shalt  }
0x71: {  	_ =	shalt  }
0x72: {  	_ =	shalt  }
0x73: {  	_ =	shalt  }
0x74: {  	_ =	shalt  }
0x75: {  	_ =	shalt  }
0x76: {  	_ =	shalt  }
0x77: {  	_ =	shalt  }
0x78: {  	_ =	shalt  }
0x79: {  	_ =	shalt  }
0x7a: {  	_ =	shalt  }
0x7b: {  	_ =	shalt  }
0x7c: {  	_ =	shalt  }
0x7d: {  	_ =	shalt  }
0x7e: {  	_ =	shalt  }
0x7f: {  	_ =	shalt  }
0x80: {  	_ =	shalt  }
0x81: {  	_ =	shalt  }
0x82: {  	_ =	shalt  }
0x83: {  	_ =	shalt  }
0x84: {  	_ =	shalt  }
0x85: {  	_ =	shalt  }
0x86: {  	_ =	shalt  }
0x87: {  	_ =	shalt  }
.Lfunc_end0:
.L_simem_size_0:
called_computation.3_lowered:
.L_overlay_start_0:
0x88: {  	s2 =	sld [smem:$0x3FD9]  }
0x89: {  	s3 =	sld [smem:$0x3FFE];
	_ =	sdelay $0x1  }
0x8a: {  	s1 =	srdreg.scid  }
0x8b: {  	s0 =	sand.u32 $0x1, s1  }
0x8c: {  	s14 =	sshll.u32 s0, $0xA;
	s2 =	sadd.s32 s3, s2  }
0x8d: {  	s2 =	sadd.s32 s2, s14  }
0x8e: {  	[smem:$0x3FBD] =	sst s2  }
0x8f: {  	_ = 	snop  }
0x90: {  	s2 =	sld [smem:$0x3FD0];
	_ =	sdelay $0x2  }
0x91: {  	s15 =	simm.s32 $0xA;
	s4 =	simm.s32 $0x10  }
0x92: {  	[smem:s4], [sflag:s15] =	dma.local [hbm:s2], $0x1  }
0x93: {  	_ =	swait.eq [sflag:s15], $0x1  }
0x94: {  	s16 =	sld [smem:$0x10];
	[sflag:s15] =	ssyncset.done $0x0  }
0x95: {  	s17 =	sld [smem:$0x11];
	[sflag:s15] =	ssyncadd.s32 $0xFFFFFFFF  }
0x96: {  	s18 =	sld [smem:$0x12];
	(tm) =	ssettm $0x1  }
0x97: {  	s5 =	sld [smem:$0x3FFB];
	_ =	sdelay $0x3  }
0x98: {  	_ =	strace s5  }
0x99: {  	s5 =	sld [smem:$0x3FFC];
	_ =	sdelay $0x3  }
0x9a: {  	_ =	strace s5  }
0x9b: {  	s5 =	sld [smem:$0x3FFD];
	_ =	sdelay $0x3  }
0x9c: {  	_ =	strace s5  }
0x9d: {  	_ =	strace $0x8FFFFFFF  }
0x9e: {  	s19 =	sld [smem:$0x3FDB];
	_ =	sdelay $0x1  }
0x9f: {  	s6 =	simm.s32 $_scs_section_size  }
0xa0: {  	s7 =	simm.s32 $_size__tile_overlayer_lowered;
	s8 =	simm.s32 $_tile_overlayer_lowered  }
0xa1: {  	s22 =	simm.s32 $0x1BFF;
	s21 =	sshll.u32 s8, $0x1;
	s5 =	sadd.s32 s6, s19  }
0xa2: {  	s9 =	simm.s32 $0x0;
	s20 =	sshll.u32 s7, $0x1;
	s7 =	sadd.s32 s21, s5  }
0xa3: {  	[timem:s9], [sflag:s22] =	dma.local [hbm:s7], s20  }
0xa4: {  	_ =	swait.ge [sflag:s22], s20  }
0xa5: {  	s6 =	ssub.s32 $0x0, s20;
	[sflag:s22] =	ssyncset.done $0x0  }
0xa6: {  	[sflag:s22] =	ssyncadd.s32 s6;
	_ =	sdelay $0x1  }
0xa7: {  	s23 =	simm.s32 $0x1B8B  }
0xa8: {  	_ =	swait.ge [sflag:s23], $0x1  }
0xa9: {  	[sflag:s23] =	ssyncset.done $0x0  }
0xaa: {  	s25 =	simm.s32 $0x1B8E;
	s24 =	sld [smem:$0x3FFE];
	[sflag:s23] =	ssyncadd.s32 $0xFFFFFFFF  }
0xab: {  	s26 =	simm.s32 $execute0_lowered;
	[smem:$0x3FD2] =	sst s25  }
0xac: {  	s7 =	sshll.u32 s26, $0x1;
	_ =	strace $0x8000004F;
	[dreg:$0x1] =	wrdreg $0xFFFFFFFF  }
0xad: {  	s28 =	simm.s32 $_size_execute0_lowered;
	s5 =	sadd.s32 s5, s7;
	[dreg:$0x0] =	wrdreg $0x0  }
0xae: {  	s7 =	sshll.u32 s28, $0x1;
	[dreg:$0x2] =	wrdreg s5  }
0xaf: {  	[dreg:$0x3] =	wrdreg s7  }
0xb0: {  	[dreg:$0x4] =	wrdreg $0xC0  }
0xb1: {  	_ =	task [dreg:s9], $0x5FFFF  }
0xb2: {  	[dreg:$0x1] =	wrdreg $0xFFFFFFFF  }
0xb3: {  	[dreg:$0x0] =	wrdreg $0x60  }
0xb4: {  	[dreg:$0x2] =	wrdreg s24  }
0xb5: {  	[dreg:$0x3] =	wrdreg s17  }
0xb6: {  	[dreg:$0x4] =	wrdreg s18  }
0xb7: {  	[dreg:$0x5] =	wrdreg s16  }
0xb8: {  	[dreg:$0x6] =	wrdreg $0x0  }
0xb9: {  	[dreg:$0x7] =	wrdreg $0x9  }
0xba: {  	_ =	task.clear_ibuf [dreg:s9], $0x8FFFF;
	_ =	strace $0x9000004F  }
0xbb: {  	s29 =	simm.s32 $0x9;
	_ =	strace $0x80000051  }
0xbc: {  	_ =	swait.ge [sflag:s29], $0x1  }
0xbd: {  	[sflag:s29] =	ssyncadd.s32 $0xFFFFFFFF  }
0xbe: {  	_ =	strace $0x90000051  }
0xbf: {  	_ =	sfence  }
0xc0: {  	s30 =	sld [smem:$0x0];
	_ =	sdelay $0x2  }
0xc1: {  	s31 =	sshll.u32 s1, $0xD;
	s1 =	sshrl.u32 s1, $0x2  }
0xc2: {  	s3 =	sand.u32 $0x4000, s31;
	s1 =	sadd.s32 s1, s30  }
0xc3: {  	s0 =	sor.u32 s3, s0;
	s1 =	sshll.u32 s1, $0x11  }
0xc4: {  	s0 =	sor.u32 s1, s0  }
0xc5: {  	s0 =	sadd.s32 $0x8F2B, s0  }
0xc6: {  	[sflag:s0] =	ssyncadd.remote.s32 $0x1  }
0xc7: {  	_ =	sfence.sel $0xFFFF  }
0xc8: {  	[dreg:$0x0] =	wrdreg $0xFFFFFFFF;
	(pc) =	sbr.abs _section_cstart, $3  }
0xc9: {  	[dreg:$0x1] =	wrdreg $0xFFFFFFFF  }
0xca: {  	_ =	task.clear_ibuf [dreg:s9], $0x2FFFF;
	_ =	strace $0x9FFFFFFF  }
0xcb: {  	(tm) =	ssettm $0x7FFFFFFF  }
tec
execute0_lowered:
.L_overlay_start_1:
0x0: {  	(tag) =	ssettag $0x1  }
0x1: {  	s0 =	rddreg [dreg:$0x0]  }
0x2: {  	s1 =	rddreg [dreg:$0x1]  }
0x3: {  	s3 =	rddreg [dreg:$0x2]  }
0x4: {  	s2 =	rddreg [dreg:$0x4]  }
0x5: {  	s4 =	srdreg.scid;
	s18 =	stileid.u32;
	s16 =	simm.s32 $0x80  }
0x6: {  	s17 =	simm.s32 $0xF000;
	s19 =	simm.s32 $0x13000;
	s28 =	simm.s32 $0x5  }
0x7: {  	s29 =	simm.s32 $0x2;
	s30 =	simm.s32 $0x6;
	s7 =	smul.u32 $0x28000, s18  }
0x8: {  	s31 =	simm.s32 $0x3;
	s6 =	sand.u32 $0x1, s4;
	s21 =	smul.u32 $0x1380, s18  }
0x9: {  	s4 =	simm.s32 $0x0;
	s22 =	sshll.u32 s18, $0x6;
	s15 =	smul.u32 $0x27000, s18  }
0xa: {  	p0 =	sne.s32 s18, $0xF;
	s5 =	sshll.u32 s6, $0x4;
	s11 =	smul.u32 $0x13880, s6  }
0xb: {  	[smem:$0x7FF] =	sst s4;
	s8 =	ssub.s32 $0x2, s6;
	s13 =	smul.u32 $0x9C400, s6  }
0xc: {  	s6 =	sor.u32 $0x1C09, s22;
	s5 =	sor.u32 s18, s5;
	_ =	strace $0x80000050  }
0xd: {  	s10 =	sshrl.u32 s8, $0x1;
	s7 =	sshrl.u32 s7, $0x2;
	s25 =	sshrl.u32 s15, $0x2  }
0xe: {  	s15 =	simm.s32 $0x0;
	s9 =	smul.u32 $0x500, s5;
	s5 =	sadd.s32 $0x51000, s0  }
0xf: {  	s0 =	sadd.s32 $0xC6600, s0;
	s12 =	ssub.s32 s8, s10;
	s14 =	sadd.s32 s7, s2  }
0x10: {  	s23 =	sshrl.u32 s13, $0x3;
	s24 =	sadd.s32 s21, s11;
	s26 =	sadd.s32 s25, s2  }
0x11: {  	s13 =	simm.s32 $0x9;
	s21 =	simm.s32 $0x17000;
	s11 =	smax.u32 s12, $0x1  }
0x12: {  	s12 =	sshrl.u32 s14, $0x3;
	s14 =	simm.s32 $0xA000;
	s7 =	sadd.s32 s1, s9  }
0x13: {  	s8 =	sadd.s32 s3, s9;
	s1 =	sadd.s32 s0, s23;
	s9 =	sadd.s32 s0, s24  }
0x14: {  	s23 =	simm.s32 $0x1B000;
	s24 =	sshrl.u32 s26, $0x3;
	s26 =	simm.s32 $0x1  }
0x15: {  	s0 =	simm.s32 $0x7;
	s10 =	sadd.s32 $0x13800, s1;
	s1 =	sadd.s32 $0x9C000, s2  }
0x16: {  	s3 =	simm.s32 $0x4;
	s25 =	sshrl.u32 @!p0 s1, $0x3;
	s1 =	simm.s32 $0x8  }
.LBB2_1:
0x17: {  	s18 =	rddreg [dreg:$0x3]  }
0x18: {  	[spmem:s12], [sflag:s6] =	dma.local [hbm:s18], $0x1400  }
0x19: {  	_ =	swait.ge [sflag:s13], $0x1400  }
0x1a: {  	[sflag:s13] =	ssyncset.done $0x0  }
0x1b: {  	[sflag:s13] =	ssyncadd.s32 $0xFFFFEC00  }
0x1c: {  	[tilespmem:s14], [sflag:$0x9] =	stream.linear.gather [hbm4b:s7+s4], $0x2800, $0x38;
	[tilespmem:$0x1F000] =	vst v63  }
0x1d: {  	_ =	swait.ge [sflag:s13], $0x2800  }
0x1e: {  	[sflag:s13] =	ssyncset.done $0x0  }
0x1f: {  	s22 =	simm.s32 $0xC800;
	[sflag:s13] =	ssyncadd.s32 $0xFFFFD800  }
0x20: {  	[tilespmem:s22], [sflag:$0x9] =	stream.linear.gather [hbm4b:s8+s4], $0x2800, $0x38;
	[tilespmem:$0x1F000] =	vst v63  }
0x21: {  	_ =	swait.ge [sflag:s13], $0x2800  }
0x22: {  	[sflag:s13] =	ssyncset.done $0x0  }
0x23: {  	[sflag:s13] =	ssyncadd.s32 $0xFFFFD800  }
0x24: {  	[bflag:$0x0] =	sbarrier.arrive $0xFFFF  }
0x25: {  	[tilespmem:s17], [sflag:$0x1] =	stream.indirect.gather [hbm4b:s5+s16], $0x80, s14, s16, $0xb8;
	[tilespmem:$0x1F000] =	vst v63  }
0x26: {  	s20 =	simm.s32 $0xA080  }
0x27: {  	[tilespmem:s19], [sflag:$0x2] =	stream.indirect.gather [hbm4b:s5+s16], $0x80, s20, s16, $0xb8;
	[tilespmem:$0x1F000] =	vst v63  }
0x28: {  	s22 =	simm.s32 $0xA100  }
0x29: {  	[tilespmem:s21], [sflag:$0x3] =	stream.indirect.gather [hbm4b:s5+s16], $0x80, s22, s16, $0xb8;
	[tilespmem:$0x1F000] =	vst v63  }
0x2a: {  	s20 =	simm.s32 $0xA180  }
0x2b: {  	[tilespmem:s23], [sflag:$0x4] =	stream.indirect.gather [hbm4b:s5+s16], $0x80, s20, s16, $0xb8;
	[tilespmem:$0x1F000] =	vst v63  }
0x2c: {  	_ =	swait.ge [sflag:s26], $0x4000  }
0x2d: {  	[sflag:s26] =	ssyncset.done $0x0  }
0x2e: {  	s22 =	simm.s32 $0xC800;
	[sflag:s26] =	ssyncadd.s32 $0xFFFFC000  }
0x2f: {  	[spmem:s2] =	stream.indirect.scatter.add.f32 [tilespmem:s17], [sflag:$0x5], $0x80, s22, s16, $0xb8;
	[tilespmem:$0x1F000] =	vst v63  }
0x30: {  	_ =	swait.ge [sflag:s28], $0x4000  }
0x31: {  	[sflag:s28] =	ssyncset.done $0x0  }
0x32: {  	s20 =	simm.s32 $0xA200;
	[sflag:s28] =	ssyncadd.s32 $0xFFFFC000  }
0x33: {  	[tilespmem:s17], [sflag:$0x1] =	stream.indirect.gather [hbm4b:s5+s16], $0x80, s20, s16, $0xb8;
	[tilespmem:$0x1F000] =	vst v63  }
0x34: {  	_ =	swait.ge [sflag:s29], $0x4000  }
0x35: {  	[sflag:s29] =	ssyncset.done $0x0  }
0x36: {  	s22 =	simm.s32 $0xC880;
	[sflag:s29] =	ssyncadd.s32 $0xFFFFC000  }
0x37: {  	[spmem:s2] =	stream.indirect.scatter.add.f32 [tilespmem:s19], [sflag:$0x6], $0x80, s22, s16, $0xb8;
	[tilespmem:$0x1F000] =	vst v63  }
0x38: {  	_ =	swait.ge [sflag:s30], $0x4000  }
0x39: {  	[sflag:s30] =	ssyncset.done $0x0  }
0x3a: {  	s20 =	simm.s32 $0xA280;
	[sflag:s30] =	ssyncadd.s32 $0xFFFFC000  }
0x3b: {  	[tilespmem:s19], [sflag:$0x2] =	stream.indirect.gather [hbm4b:s5+s16], $0x80, s20, s16, $0xb8;
	[tilespmem:$0x1F000] =	vst v63  }
0x3c: {  	_ =	swait.ge [sflag:s31], $0x4000  }
0x3d: {  	[sflag:s31] =	ssyncset.done $0x0  }
0x3e: {  	s22 =	simm.s32 $0xC900;
	[sflag:s31] =	ssyncadd.s32 $0xFFFFC000  }
0x3f: {  	[spmem:s2] =	stream.indirect.scatter.add.f32 [tilespmem:s21], [sflag:$0x7], $0x80, s22, s16, $0xb8;
	[tilespmem:$0x1F000] =	vst v63  }
0x40: {  	_ =	swait.ge [sflag:s0], $0x4000  }
0x41: {  	[sflag:s0] =	ssyncset.done $0x0  }
0x42: {  	s20 =	simm.s32 $0xA300;
	[sflag:s0] =	ssyncadd.s32 $0xFFFFC000  }
0x43: {  	[tilespmem:s21], [sflag:$0x3] =	stream.indirect.gather [hbm4b:s5+s16], $0x80, s20, s16, $0xb8;
	[tilespmem:$0x1F000] =	vst v63  }
0x44: {  	_ =	swait.ge [sflag:s3], $0x4000  }
0x45: {  	[sflag:s3] =	ssyncset.done $0x0  }
0x46: {  	s22 =	simm.s32 $0xC980;
	[sflag:s3] =	ssyncadd.s32 $0xFFFFC000  }
0x47: {  	[spmem:s2] =	stream.indirect.scatter.add.f32 [tilespmem:s23], [sflag:$0x8], $0x80, s22, s16, $0xb8;
	[tilespmem:$0x1F000] =	vst v63  }
0x48: {  	_ =	swait.ge [sflag:s1], $0x4000  }
0x49: {  	[sflag:s1] =	ssyncset.done $0x0  }
0x4a: {  	s18 =	simm.s32 $0x800;
	s20 =	simm.s32 $0xA380;
	[sflag:s1] =	ssyncadd.s32 $0xFFFFC000  }
.LBB2_2:
0x4b: {  	[tilespmem:s23], [sflag:$0x4] =	stream.indirect.gather [hbm4b:s5+s16], $0x80, s20, s16, $0xb8;
	[tilespmem:$0x1F000] =	vst v63  }
0x4c: {  	s20 =	smov.u32 s18  }
0x4d: {  	p1 =	sne.s32 s18, $0x9000;
	s18 =	sadd.s32 $0x800, s18;
	_ =	swait.ge [sflag:s26], $0x4000  }
0x4e: {  	s20 =	sshra.s32 s20, $0x2;
	[sflag:s26] =	ssyncset.done $0x0  }
0x4f: {  	s22 =	sadd.s32 $0xC800, s20;
	[sflag:s26] =	ssyncadd.s32 $0xFFFFC000  }
0x50: {  	[spmem:s2] =	stream.indirect.scatter.add.f32 [tilespmem:s17], [sflag:$0x5], $0x80, s22, s16, $0xb8;
	[tilespmem:$0x1F000] =	vst v63  }
0x51: {  	_ =	swait.ge [sflag:s28], $0x4000  }
0x52: {  	[sflag:s28] =	ssyncset.done $0x0  }
0x53: {  	s22 =	sadd.s32 $0xA200, s20;
	[sflag:s28] =	ssyncadd.s32 $0xFFFFC000  }
0x54: {  	[tilespmem:s17], [sflag:$0x1] =	stream.indirect.gather [hbm4b:s5+s16], $0x80, s22, s16, $0xb8;
	[tilespmem:$0x1F000] =	vst v63  }
0x55: {  	_ =	swait.ge [sflag:s29], $0x4000  }
0x56: {  	[sflag:s29] =	ssyncset.done $0x0  }
0x57: {  	s22 =	sadd.s32 $0xC880, s20;
	[sflag:s29] =	ssyncadd.s32 $0xFFFFC000  }
0x58: {  	[spmem:s2] =	stream.indirect.scatter.add.f32 [tilespmem:s19], [sflag:$0x6], $0x80, s22, s16, $0xb8;
	[tilespmem:$0x1F000] =	vst v63  }
0x59: {  	_ =	swait.ge [sflag:s30], $0x4000  }
0x5a: {  	[sflag:s30] =	ssyncset.done $0x0  }
0x5b: {  	s22 =	sadd.s32 $0xA280, s20;
	[sflag:s30] =	ssyncadd.s32 $0xFFFFC000  }
0x5c: {  	[tilespmem:s19], [sflag:$0x2] =	stream.indirect.gather [hbm4b:s5+s16], $0x80, s22, s16, $0xb8;
	[tilespmem:$0x1F000] =	vst v63  }
0x5d: {  	_ =	swait.ge [sflag:s31], $0x4000  }
0x5e: {  	[sflag:s31] =	ssyncset.done $0x0  }
0x5f: {  	s22 =	sadd.s32 $0xC900, s20;
	[sflag:s31] =	ssyncadd.s32 $0xFFFFC000  }
0x60: {  	[spmem:s2] =	stream.indirect.scatter.add.f32 [tilespmem:s21], [sflag:$0x7], $0x80, s22, s16, $0xb8;
	[tilespmem:$0x1F000] =	vst v63  }
0x61: {  	_ =	swait.ge [sflag:s0], $0x4000  }
0x62: {  	[sflag:s0] =	ssyncset.done $0x0  }
0x63: {  	s22 =	sadd.s32 $0xA300, s20;
	[sflag:s0] =	ssyncadd.s32 $0xFFFFC000  }
0x64: {  	[tilespmem:s21], [sflag:$0x3] =	stream.indirect.gather [hbm4b:s5+s16], $0x80, s22, s16, $0xb8;
	[tilespmem:$0x1F000] =	vst v63  }
0x65: {  	_ =	swait.ge [sflag:s3], $0x4000  }
0x66: {  	[sflag:s3] =	ssyncset.done $0x0  }
.Ltmp0:
0x67: {  	s22 =	sadd.s32 $0xC980, s20;
	[sflag:s3] =	ssyncadd.s32 $0xFFFFC000;
	(pc) =	sbr.rel @p1 .LBB2_2-.Ltmp0, $4  }
0x68: {  	[spmem:s2] =	stream.indirect.scatter.add.f32 [tilespmem:s23], [sflag:$0x8], $0x80, s22, s16, $0xb8;
	[tilespmem:$0x1F000] =	vst v63  }
0x69: {  	_ =	swait.ge [sflag:s1], $0x4000  }
0x6a: {  	[sflag:s1] =	ssyncset.done $0x0  }
0x6b: {  	s20 =	sadd.s32 $0xA380, s20;
	[sflag:s1] =	ssyncadd.s32 $0xFFFFC000  }
0x6c: {  	[tilespmem:s23], [sflag:$0x4] =	stream.indirect.gather [hbm4b:s5+s16], $0x80, s20, s16, $0xb8;
	[tilespmem:$0x1F000] =	vst v63  }
0x6d: {  	_ =	swait.ge [sflag:s26], $0x4000  }
0x6e: {  	[sflag:s26] =	ssyncset.done $0x0  }
0x6f: {  	s18 =	simm.s32 $0xEE00;
	[sflag:s26] =	ssyncadd.s32 $0xFFFFC000  }
0x70: {  	[spmem:s2] =	stream.indirect.scatter.add.f32 [tilespmem:s17], [sflag:$0x5], $0x80, s18, s16, $0xb8;
	[tilespmem:$0x1F000] =	vst v63  }
0x71: {  	_ =	swait.ge [sflag:s29], $0x4000  }
0x72: {  	[sflag:s29] =	ssyncset.done $0x0  }
0x73: {  	s22 =	simm.s32 $0xEE80;
	[sflag:s29] =	ssyncadd.s32 $0xFFFFC000  }
0x74: {  	[spmem:s2] =	stream.indirect.scatter.add.f32 [tilespmem:s19], [sflag:$0x6], $0x80, s22, s16, $0xb8;
	[tilespmem:$0x1F000] =	vst v63  }
0x75: {  	_ =	swait.ge [sflag:s31], $0x4000  }
0x76: {  	[sflag:s31] =	ssyncset.done $0x0  }
0x77: {  	s20 =	simm.s32 $0xEF00;
	[sflag:s31] =	ssyncadd.s32 $0xFFFFC000  }
0x78: {  	[spmem:s2] =	stream.indirect.scatter.add.f32 [tilespmem:s21], [sflag:$0x7], $0x80, s20, s16, $0xb8;
	[tilespmem:$0x1F000] =	vst v63  }
0x79: {  	_ =	swait.ge [sflag:s3], $0x4000  }
0x7a: {  	[sflag:s3] =	ssyncset.done $0x0  }
0x7b: {  	s22 =	simm.s32 $0xEF80;
	[sflag:s3] =	ssyncadd.s32 $0xFFFFC000  }
0x7c: {  	[spmem:s2] =	stream.indirect.scatter.add.f32 [tilespmem:s23], [sflag:$0x8], $0x80, s22, s16, $0xb8;
	[tilespmem:$0x1F000] =	vst v63  }
0x7d: {  	_ =	swait.ge [sflag:s28], $0x4000  }
0x7e: {  	[sflag:s28] =	ssyncset.done $0x0  }
0x7f: {  	[sflag:s28] =	ssyncadd.s32 $0xFFFFC000  }
0x80: {  	_ =	swait.ge [sflag:s30], $0x4000  }
0x81: {  	[sflag:s30] =	ssyncset.done $0x0  }
0x82: {  	[sflag:s30] =	ssyncadd.s32 $0xFFFFC000  }
0x83: {  	_ =	swait.ge [sflag:s0], $0x4000  }
0x84: {  	[sflag:s0] =	ssyncset.done $0x0  }
0x85: {  	[sflag:s0] =	ssyncadd.s32 $0xFFFFC000  }
0x86: {  	_ =	swait.ge [sflag:s1], $0x4000  }
0x87: {  	[sflag:s1] =	ssyncset.done $0x0  }
0x88: {  	[sflag:s1] =	ssyncadd.s32 $0xFFFFC000  }
0x89: {  	[bflag:$0x0] =	sbarrier.arrive $0xFFFF  }
0x8a: {  	[hbm:s9], [sflag:s6] =	dma.local [spmem:s24], $0x1380  }
0x8b: {  	s15 =	sadd.s32 $0x1, s15;
	_ =	swait.ge [sflag:s13], $0x1380  }
0x8c: {  	p1 =	sne.s32 s15, s11;
	[sflag:s13] =	ssyncset.done $0x0  }
.Ltmp1:
0x8d: {  	s18 =	simm.s32 @!p0 $0x9;
	[sflag:s13] =	ssyncadd.s32 $0xFFFFEC80;
	(pc) =	sbr.rel @p1 .LBB2_1-.Ltmp1, $4  }
0x8e: {  	[hbm:s10], [sflag:s6] =	dma.local @!p0 [spmem:s25], $0x80  }
0x8f: {  	_ =	swait.ge @!p0 [sflag:s18], $0x80  }
0x90: {  	[sflag:s18] =	ssyncset.done @!p0 $0x0  }
0x91: {  	[sflag:s18] =	ssyncadd.s32 @!p0 $0xFFFFFF80  }
0x92: {  	_ =	sfence.sel $0x180000  }
0x93: {  	[bflag:$0x0] =	sbarrier.arrive $0xFFFF  }
0x94: {  	_ =	strace $0x90000050  }
0x95: {  	s0 =	stileid.u32;
	[bflag:$0x2] =	sbarrier.arrive $0xFFFF  }
0x96: {  	p0 =	sne.s32 s0, $0x0;
	s0 =	rddreg [dreg:$0x5]  }
0x97: {  	s0 =	sadd.s32 @!p0 $0x100000, s0  }
0x98: {  	[sflag:s0] =	ssyncadd.tile.s32 @!p0 $0x1;
	_ =	shalt  }
.Lfunc_end2:
_tile_overlayer_lowered:
.L_overlay_start_2:
0x99: {  	(tag) =	ssettag $0x2  }
0x9a: {  	s0 =	rddreg [dreg:$0x0];
	s2 =	stileid.u32  }
0x9b: {  	s1 =	rddreg [dreg:$0x1];
	p0 =	sne.s32 s2, $0x0  }
0x9c: {  	s3 =	rddreg [dreg:$0x2];
	[bflag:$0x3] =	sbarrier.arrive $0xFFFF;
	s2 =	simm.s32 @!p0 $0x1C09  }
0x9d: {  	[timem:s3], [sflag:s2] =	dma.local @!p0 [hbm:s0], s1  }
0x9e: {  	s0 =	simm.s32 @!p0 $0x9  }
0x9f: {  	_ =	swait.ge @!p0 [sflag:s0], s1  }
0xa0: {  	s1 =	ssub.s32 @!p0 $0x0, s1;
	[sflag:s0] =	ssyncset.done @!p0 $0x0  }
0xa1: {  	[sflag:s0] =	ssyncadd.s32 @!p0 s1  }
0xa2: {  	[bflag:$0x3] =	sbarrier.arrive $0xFFFF  }
0xa3: {  	_ =	shalt  }

// kernel: kernel.22.cloned.1.call-start
scs
__scs_entry_jumppad:
0x0: {  	(pc) =	sbr.rel $0x88, $3  }
0x1: {  	(tag) =	ssettag $0x0;
	lr =	simm.s32 $0x1  }
0x2: {  	[smem:$0x3F96] =	sst lr;
	_ =	strace $0xD0000000  }
0x3: {  	_ = 	snop  }
0x4: {  	_ = 	snop  }
0x5: {  	_ = 	snop  }
0x6: {  	_ = 	snop  }
0x7: {  	_ = 	snop  }
__scs_overlays_trampoline_lowered:
0x8: {  	[smem:$0x3FA5] =	sst s0  }
0x9: {  	[smem:$0x3FA6] =	sst s1  }
0xa: {  	[smem:$0x3FA7] =	sst s2  }
0xb: {  	[smem:$0x3FA8] =	sst s3  }
0xc: {  	[smem:$0x3FA9] =	sst s4  }
0xd: {  	[smem:$0x3FAA] =	sst s5  }
0xe: {  	[smem:$0x3FAB] =	sst s6  }
0xf: {  	[smem:$0x3FAC] =	sst s7  }
0x10: {  	[smem:$0x3FAD] =	sst s8  }
0x11: {  	[smem:$0x3FAE] =	sst s9;
	s0 =	simm.s32 @!p0 $0x0  }
0x12: {  	s1 =	sld [smem:$0x3F94];
	s0 =	simm.s32 @p0 $0x1  }
0x13: {  	[smem:$0x3FAF] =	sst s0;
	s0 =	simm.s32 @!p1 $0x0  }
0x14: {  	s2 =	sld [smem:$0x3F93];
	s0 =	simm.s32 @p1 $0x1  }
0x15: {  	[smem:$0x3FB0] =	sst s0;
	s0 =	simm.s32 @!p2 $0x0  }
0x16: {  	s3 =	sld [smem:$0x3FDB];
	s0 =	simm.s32 @p2 $0x1  }
0x17: {  	s4 =	simm.s32 $0x1BF5;
	[smem:$0x3FB2] =	sst s0  }
0x18: {  	s0 =	sld [smem:$0x3F95];
	_ =	swait.ge [sflag:s4], $0x0  }
0x19: {  	s7 =	sld [smem:$0x3F96]  }
0x1a: {  	s8 =	sadd.s32 $0xFFFFE003, lr  }
0x1b: {  	s9 =	sadd.s32 $0xFFFFFEF7, lr;
	s5 =	simm.s32 $0xFFFFFFFF;
	p2 =	slt.u32 s8, $0xFFFFF086  }
0x1c: {  	p1 =	slt.u32 s9, $0xF7A;
	s5 =	simm.s32 @!p2 $0x0  }
0x1d: {  	s5 =	simm.s32 @p1 $0x1;
	p0 =	seq.s32 s7, s2  }
0x1e: {  	s7 =	smul.u32 @!p0 $0xF7A, s2;
	p2 =	seq.s32 @!p0 s5, $0x0  }
0x1f: {  	s9 =	smul.u32 $0xF7A, s1;
	s8 =	simm.s32 @!p0 $0x1BF5;
	p2 =	por !p2, p0  }
0x20: {  	[sflag:s8] =	ssyncset.s32 @!p0 $0xFFFFF086;
	s6 =	sadd.s32 @!p0 s3, s7;
	s7 =	simm.s32 @!p0 $0x108  }
0x21: {  	s3 =	sadd.s32 s3, s9;
	s6 =	sadd.s32 @!p0 $0x88, s6;
	s7 =	simm.s32 @p2 $0x1082  }
0x22: {  	[simem:s7], [sflag:s8] =	dma.local @!p0 [hbm:s6], $0xF7A  }
0x23: {  	s9 =	sor.u32 $0xD0000000, s2;
	s6 =	simm.s32 $0x108;
	_ =	swait.ge @!p0 [sflag:s8], $0x0  }
0x24: {  	s3 =	sadd.s32 $0x88, s3;
	s6 =	simm.s32 @!p1 $0x1082;
	[sflag:s4] =	ssyncset.s32 $0xFFFFF086  }
0x25: {  	[simem:s6], [sflag:s4] =	dma.local [hbm:s3], $0xF7A  }
0x26: {  	[smem:$0x3F96] =	sst s1;
	(tag) =	ssettag s2;
	_ =	strace s9  }
0x27: {  	s1 =	sld [smem:$0x3FA6]  }
0x28: {  	s2 =	sld [smem:$0x3FA7]  }
0x29: {  	s4 =	sld [smem:$0x3FA9]  }
0x2a: {  	p0 =	seq.s32 s5, $0x0;
	s5 =	sld [smem:$0x3FAA]  }
0x2b: {  	s6 =	sld [smem:$0x3FAB]  }
0x2c: {  	s7 =	sld [smem:$0x3FAC]  }
0x2d: {  	s3 =	simm.s32 $0x108;
	s8 =	sld [smem:$0x3FAD]  }
0x2e: {  	s3 =	simm.s32 @!p0 $0x1082;
	s9 =	sld [smem:$0x3FAE]  }
0x2f: {  	lr =	sadd.s32 s0, s3;
	s0 =	sld [smem:$0x3FA5]  }
0x30: {  	s3 =	sld [smem:$0x3FA8]  }
0x31: {  	[smem:$0x3FB1] =	sst s10  }
0x32: {  	s10 =	sld [smem:$0x3FAF];
	_ =	sdelay $0x3  }
0x33: {  	p0 =	seq.s32 s10, $0x1;
	s10 =	sld [smem:$0x3FB1];
	_ =	sdelay $0x3  }
0x34: {  	[smem:$0x3FB1] =	sst s10  }
0x35: {  	s10 =	sld [smem:$0x3FB0];
	_ =	sdelay $0x3  }
0x36: {  	p1 =	seq.s32 s10, $0x1;
	s10 =	sld [smem:$0x3FB1];
	_ =	sdelay $0x3  }
0x37: {  	[smem:$0x3FB1] =	sst s10  }
0x38: {  	s10 =	sld [smem:$0x3FB2]  }
0x39: {  	_ = 	snop;
	(pc) =	sbr.ind lr, $3  }
0x3a: {  	_ = 	snop  }
0x3b: {  	_ = 	snop  }
0x3c: {  	p2 =	seq.s32 s10, $0x1;
	s10 =	sld [smem:$0x3FB1]  }
0x3d: {  	_ =	shalt  }
0x3e: {  	_ =	shalt  }
0x3f: {  	_ =	shalt  }
0x40: {  	_ =	shalt  }
0x41: {  	_ =	shalt  }
0x42: {  	_ =	shalt  }
0x43: {  	_ =	shalt  }
0x44: {  	_ =	shalt  }
0x45: {  	_ =	shalt  }
0x46: {  	_ =	shalt  }
0x47: {  	_ =	shalt  }
0x48: {  	_ =	shalt  }
0x49: {  	_ =	shalt  }
0x4a: {  	_ =	shalt  }
0x4b: {  	_ =	shalt  }
0x4c: {  	_ =	shalt  }
0x4d: {  	_ =	shalt  }
0x4e: {  	_ =	shalt  }
0x4f: {  	_ =	shalt  }
0x50: {  	_ =	shalt  }
0x51: {  	_ =	shalt  }
0x52: {  	_ =	shalt  }
0x53: {  	_ =	shalt  }
0x54: {  	_ =	shalt  }
0x55: {  	_ =	shalt  }
0x56: {  	_ =	shalt  }
0x57: {  	_ =	shalt  }
0x58: {  	_ =	shalt  }
0x59: {  	_ =	shalt  }
0x5a: {  	_ =	shalt  }
0x5b: {  	_ =	shalt  }
0x5c: {  	_ =	shalt  }
0x5d: {  	_ =	shalt  }
0x5e: {  	_ =	shalt  }
0x5f: {  	_ =	shalt  }
0x60: {  	_ =	shalt  }
0x61: {  	_ =	shalt  }
0x62: {  	_ =	shalt  }
0x63: {  	_ =	shalt  }
0x64: {  	_ =	shalt  }
0x65: {  	_ =	shalt  }
0x66: {  	_ =	shalt  }
0x67: {  	_ =	shalt  }
0x68: {  	_ =	shalt  }
0x69: {  	_ =	shalt  }
0x6a: {  	_ =	shalt  }
0x6b: {  	_ =	shalt  }
0x6c: {  	_ =	shalt  }
0x6d: {  	_ =	shalt  }
0x6e: {  	_ =	shalt  }
0x6f: {  	_ =	shalt  }
0x70: {  	_ =	shalt  }
0x71: {  	_ =	shalt  }
0x72: {  	_ =	shalt  }
0x73: {  	_ =	shalt  }
0x74: {  	_ =	shalt  }
0x75: {  	_ =	shalt  }
0x76: {  	_ =	shalt  }
0x77: {  	_ =	shalt  }
0x78: {  	_ =	shalt  }
0x79: {  	_ =	shalt  }
0x7a: {  	_ =	shalt  }
0x7b: {  	_ =	shalt  }
0x7c: {  	_ =	shalt  }
0x7d: {  	_ =	shalt  }
0x7e: {  	_ =	shalt  }
0x7f: {  	_ =	shalt  }
0x80: {  	_ =	shalt  }
0x81: {  	_ =	shalt  }
0x82: {  	_ =	shalt  }
0x83: {  	_ =	shalt  }
0x84: {  	_ =	shalt  }
0x85: {  	_ =	shalt  }
0x86: {  	_ =	shalt  }
0x87: {  	_ =	shalt  }
.Lfunc_end0:
.L_simem_size_0:
called_computation.4_lowered:
.L_overlay_start_0:
0x88: {  	s2 =	sld [smem:$0x3FD9]  }
0x89: {  	s3 =	sld [smem:$0x3FFE];
	_ =	sdelay $0x1  }
0x8a: {  	s1 =	srdreg.scid  }
0x8b: {  	s0 =	sand.u32 $0x1, s1  }
0x8c: {  	s14 =	sshll.u32 s0, $0xA;
	s2 =	sadd.s32 s3, s2  }
0x8d: {  	s2 =	sadd.s32 s2, s14  }
0x8e: {  	[smem:$0x3FBD] =	sst s2  }
0x8f: {  	_ = 	snop  }
0x90: {  	s2 =	sld [smem:$0x3FD0];
	_ =	sdelay $0x1  }
0x91: {  	s15 =	sld [smem:$0x3FC9]  }
0x92: {  	s5 =	simm.s32 $0xA;
	s6 =	simm.s32 $0x10;
	s4 =	sld [smem:$0x3FC5]  }
0x93: {  	[smem:s6], [sflag:s5] =	dma.local [hbm:s2], $0x1  }
0x94: {  	_ =	swait.eq [sflag:s5], $0x1  }
0x95: {  	s16 =	sld [smem:$0x10];
	[sflag:s5] =	ssyncset.done $0x0  }
0x96: {  	s17 =	sld [smem:$0x11];
	[sflag:s5] =	ssyncadd.s32 $0xFFFFFFFF  }
0x97: {  	s18 =	sld [smem:$0x12];
	(tm) =	ssettm $0x1  }
0x98: {  	s7 =	sld [smem:$0x3FFB];
	_ =	sdelay $0x3  }
0x99: {  	_ =	strace s7  }
0x9a: {  	s7 =	sld [smem:$0x3FFC];
	_ =	sdelay $0x3  }
0x9b: {  	_ =	strace s7  }
0x9c: {  	s7 =	sld [smem:$0x3FFD];
	_ =	sdelay $0x3  }
0x9d: {  	_ =	strace s7  }
0x9e: {  	_ =	strace $0x8FFFFFFF  }
0x9f: {  	s19 =	sld [smem:$0x3FDB];
	_ =	sdelay $0x1  }
0xa0: {  	s8 =	simm.s32 $_scs_section_size  }
0xa1: {  	s9 =	simm.s32 $_size__tile_overlayer_lowered;
	s10 =	simm.s32 $_tile_overlayer_lowered  }
0xa2: {  	s22 =	simm.s32 $0x1BFF;
	s21 =	sshll.u32 s10, $0x1;
	s7 =	sadd.s32 s8, s19  }
0xa3: {  	s11 =	simm.s32 $0x0;
	s20 =	sshll.u32 s9, $0x1;
	s9 =	sadd.s32 s21, s7  }
0xa4: {  	[timem:s11], [sflag:s22] =	dma.local [hbm:s9], s20  }
0xa5: {  	_ =	swait.ge [sflag:s22], s20  }
0xa6: {  	s8 =	ssub.s32 $0x0, s20;
	[sflag:s22] =	ssyncset.done $0x0  }
0xa7: {  	[sflag:s22] =	ssyncadd.s32 s8;
	_ =	sdelay $0x1  }
0xa8: {  	s23 =	simm.s32 $0x1B8B  }
0xa9: {  	_ =	swait.ge [sflag:s23], $0x1  }
0xaa: {  	[sflag:s23] =	ssyncset.done $0x0  }
0xab: {  	s25 =	simm.s32 $0x1B8E;
	s24 =	sld [smem:$0x3FFE];
	[sflag:s23] =	ssyncadd.s32 $0xFFFFFFFF  }
0xac: {  	s26 =	simm.s32 $execute0_lowered;
	[smem:$0x3FD2] =	sst s25  }
0xad: {  	s9 =	sshll.u32 s26, $0x1;
	_ =	strace $0x80000052;
	[dreg:$0x1] =	wrdreg $0xFFFFFFFF  }
0xae: {  	s28 =	simm.s32 $_size_execute0_lowered;
	s7 =	sadd.s32 s7, s9;
	[dreg:$0x0] =	wrdreg $0x0  }
0xaf: {  	s9 =	sshll.u32 s28, $0x1;
	[dreg:$0x2] =	wrdreg s7  }
0xb0: {  	[dreg:$0x3] =	wrdreg s9  }
0xb1: {  	[dreg:$0x4] =	wrdreg $0xC0  }
0xb2: {  	_ =	task [dreg:s11], $0x5FFFF  }
0xb3: {  	[dreg:$0x1] =	wrdreg $0xFFFFFFFF  }
0xb4: {  	[dreg:$0x0] =	wrdreg $0x60  }
0xb5: {  	[dreg:$0x2] =	wrdreg s4  }
0xb6: {  	[dreg:$0x3] =	wrdreg s24  }
0xb7: {  	[dreg:$0x4] =	wrdreg s15  }
0xb8: {  	[dreg:$0x5] =	wrdreg s16  }
0xb9: {  	[dreg:$0x6] =	wrdreg s17  }
0xba: {  	[dreg:$0x7] =	wrdreg s18  }
0xbb: {  	[dreg:$0x8] =	wrdreg $0x9  }
0xbc: {  	_ =	task.clear_ibuf [dreg:s11], $0x9FFFF;
	_ =	strace $0x90000052  }
0xbd: {  	s29 =	simm.s32 $0x9;
	_ =	strace $0x80000054  }
0xbe: {  	_ =	swait.ge [sflag:s29], $0x1  }
0xbf: {  	[sflag:s29] =	ssyncadd.s32 $0xFFFFFFFF  }
0xc0: {  	_ =	strace $0x90000054  }
0xc1: {  	_ =	sfence  }
0xc2: {  	s30 =	sld [smem:$0x0];
	_ =	sdelay $0x2  }
0xc3: {  	s31 =	sshll.u32 s1, $0xD;
	s1 =	sshrl.u32 s1, $0x2  }
0xc4: {  	s3 =	sand.u32 $0x4000, s31;
	s1 =	sadd.s32 s1, s30  }
0xc5: {  	s0 =	sor.u32 s3, s0;
	s1 =	sshll.u32 s1, $0x11  }
0xc6: {  	s0 =	sor.u32 s1, s0  }
0xc7: {  	s0 =	sadd.s32 $0x8F2B, s0  }
0xc8: {  	[sflag:s0] =	ssyncadd.remote.s32 $0x1  }
0xc9: {  	_ =	sfence.sel $0xFFFF  }
0xca: {  	[dreg:$0x0] =	wrdreg $0xFFFFFFFF;
	(pc) =	sbr.abs _section_cstart, $3  }
0xcb: {  	[dreg:$0x1] =	wrdreg $0xFFFFFFFF  }
0xcc: {  	_ =	task.clear_ibuf [dreg:s11], $0x2FFFF;
	_ =	strace $0x9FFFFFFF  }
0xcd: {  	(tm) =	ssettm $0x7FFFFFFF  }
tec
execute0_lowered:
.L_overlay_start_1:
0x0: {  	(tag) =	ssettag $0x1  }
0x1: {  	s0 =	rddreg [dreg:$0x0]  }
0x2: {  	s18 =	rddreg [dreg:$0x1]  }
0x3: {  	s4 =	rddreg [dreg:$0x2]  }
0x4: {  	s17 =	rddreg [dreg:$0x3];
	s2 =	srdreg.scid  }
0x5: {  	s22 =	rddreg [dreg:$0x4];
	s1 =	stileid.u32;
	s29 =	sand.u32 $0x1, s2  }
0x6: {  	s28 =	rddreg [dreg:$0x5];
	s5 =	sshll.u32 s1, $0x6;
	s6 =	sshll.u32 s29, $0x5  }
0x7: {  	s3 =	simm.s32 $0x0;
	s2 =	rddreg [dreg:$0x6];
	s9 =	sor.u32 s6, s5  }
0x8: {  	[smem:$0x7FF] =	sst s3;
	s19 =	sshrl.u32 s9, $0x3  }
0x9: {  	_ =	strace $0x80000053;
	s5 =	sadd.s32 s4, s19;
	s4 =	simm.s32 $0x2  }
0xa: {  	[tilespmem:s3], [sflag:$0x2] =	stream.linear.gather [hbm4b:s5+s3], $0x20, $0x38;
	[tilespmem:$0x1080] =	vst v63  }
0xb: {  	_ =	swait.ge [sflag:s4], $0x20  }
0xc: {  	s7 =	simm.s32 $0x80;
	[sflag:s4] =	ssyncset.done $0x0  }
0xd: {  	s8 =	simm.s32 $0x1;
	s6 =	simm.s32 $0x20;
	[sflag:s4] =	ssyncadd.s32 $0xFFFFFFE0  }
0xe: {  	[tilespmem:s7], [sflag:$0x1] =	stream.indirect.gather [hbm4b:s0+s6], $0x80, s3, s6, $0xb8;
	[tilespmem:$0x1080] =	vst v63  }
0xf: {  	_ =	swait.ge [sflag:s8], $0x1000  }
0x10: {  	s10 =	simm.s32 $0x400;
	s24 =	sshll.u32 s9, $0x6;
	[sflag:s8] =	ssyncset.done $0x0  }
0x11: {  	s11 =	simm.s32 $0x1000;
	s9 =	sadd.s32 s17, s24;
	[sflag:s8] =	ssyncadd.s32 $0xFFFFF000  }
0x12: {  	[hbm4b:s9+s10] =	stream.strided.scatter [tilespmem:s7], [sflag:$0x2], $0x1000, s11, s10, $0x38;
	[tilespmem:$0x1080] =	vst v63  }
0x13: {  	_ =	swait.ge [sflag:s4], $0x1000  }
0x14: {  	[sflag:s4] =	ssyncset.done $0x0  }
0x15: {  	s12 =	sadd.s32 $0x78200, s18;
	[sflag:s4] =	ssyncadd.s32 $0xFFFFF000  }
0x16: {  	[tilespmem:s7], [sflag:$0x1] =	stream.indirect.gather [hbm4b:s12+s6], $0x80, s3, s6, $0xb8;
	[tilespmem:$0x1080] =	vst v63  }
0x17: {  	_ =	swait.ge [sflag:s8], $0x1000  }
0x18: {  	s25 =	sor.u32 $0x80, s24;
	[sflag:s8] =	ssyncset.done $0x0  }
0x19: {  	s13 =	sadd.s32 s17, s25;
	[sflag:s8] =	ssyncadd.s32 $0xFFFFF000  }
0x1a: {  	[hbm4b:s13+s10] =	stream.strided.scatter [tilespmem:s7], [sflag:$0x2], $0x1000, s11, s10, $0x38;
	[tilespmem:$0x1080] =	vst v63  }
0x1b: {  	_ =	swait.ge [sflag:s4], $0x1000  }
0x1c: {  	[sflag:s4] =	ssyncset.done $0x0  }
0x1d: {  	s14 =	sadd.s32 $0x9F400, s18;
	[sflag:s4] =	ssyncadd.s32 $0xFFFFF000  }
0x1e: {  	[tilespmem:s7], [sflag:$0x1] =	stream.indirect.gather [hbm4b:s14+s6], $0x80, s3, s6, $0xb8;
	[tilespmem:$0x1080] =	vst v63  }
0x1f: {  	_ =	swait.ge [sflag:s8], $0x1000  }
0x20: {  	s26 =	sor.u32 $0x100, s24;
	[sflag:s8] =	ssyncset.done $0x0  }
0x21: {  	s15 =	sadd.s32 s17, s26;
	[sflag:s8] =	ssyncadd.s32 $0xFFFFF000  }
0x22: {  	[hbm4b:s15+s10] =	stream.strided.scatter [tilespmem:s7], [sflag:$0x2], $0x1000, s11, s10, $0x38;
	[tilespmem:$0x1080] =	vst v63  }
0x23: {  	_ =	swait.ge [sflag:s4], $0x1000  }
0x24: {  	[sflag:s4] =	ssyncset.done $0x0  }
0x25: {  	s16 =	sadd.s32 $0xC6600, s18;
	[sflag:s4] =	ssyncadd.s32 $0xFFFFF000  }
0x26: {  	[tilespmem:s7], [sflag:$0x1] =	stream.indirect.gather [hbm4b:s16+s6], $0x80, s3, s6, $0xb8;
	[tilespmem:$0x1080] =	vst v63  }
0x27: {  	_ =	swait.ge [sflag:s8], $0x1000  }
0x28: {  	s30 =	sor.u32 $0x180, s24;
	[sflag:s8] =	ssyncset.done $0x0  }
0x29: {  	s17 =	sadd.s32 s17, s30;
	[sflag:s8] =	ssyncadd.s32 $0xFFFFF000  }
0x2a: {  	[hbm4b:s17+s10] =	stream.strided.scatter [tilespmem:s7], [sflag:$0x2], $0x1000, s11, s10, $0x38;
	[tilespmem:$0x1080] =	vst v63  }
0x2b: {  	_ =	swait.ge [sflag:s4], $0x1000  }
0x2c: {  	s23 =	sadd.s32 s19, s18;
	[sflag:s4] =	ssyncset.done $0x0  }
0x2d: {  	s18 =	sadd.s32 $0xEDA00, s23;
	[sflag:s4] =	ssyncadd.s32 $0xFFFFF000  }
0x2e: {  	[tilespmem:s3], [sflag:$0x2] =	stream.linear.gather [hbm4b:s18+s3], $0x20, $0x38;
	[tilespmem:$0x1080] =	vst v63  }
0x2f: {  	_ =	swait.ge [sflag:s4], $0x20  }
0x30: {  	[sflag:s4] =	ssyncset.done $0x0  }
0x31: {  	[sflag:s4] =	ssyncadd.s32 $0xFFFFFFE0  }
0x32: {  	[tilespmem:s7], [sflag:$0x1] =	stream.indirect.gather [hbm4b:s0+s6], $0x80, s3, s6, $0xb8;
	[tilespmem:$0x1080] =	vst v63  }
0x33: {  	_ =	swait.ge [sflag:s8], $0x1000  }
0x34: {  	[sflag:s8] =	ssyncset.done $0x0  }
0x35: {  	s19 =	sadd.s32 s22, s24;
	[sflag:s8] =	ssyncadd.s32 $0xFFFFF000  }
0x36: {  	[hbm4b:s19+s10] =	stream.strided.scatter [tilespmem:s7], [sflag:$0x2], $0x1000, s11, s10, $0x38;
	[tilespmem:$0x1080] =	vst v63  }
0x37: {  	_ =	swait.ge [sflag:s4], $0x1000  }
0x38: {  	[sflag:s4] =	ssyncset.done $0x0  }
0x39: {  	[sflag:s4] =	ssyncadd.s32 $0xFFFFF000  }
0x3a: {  	[tilespmem:s7], [sflag:$0x1] =	stream.indirect.gather [hbm4b:s12+s6], $0x80, s3, s6, $0xb8;
	[tilespmem:$0x1080] =	vst v63  }
0x3b: {  	_ =	swait.ge [sflag:s8], $0x1000  }
0x3c: {  	[sflag:s8] =	ssyncset.done $0x0  }
0x3d: {  	s20 =	sadd.s32 s22, s25;
	[sflag:s8] =	ssyncadd.s32 $0xFFFFF000  }
0x3e: {  	[hbm4b:s20+s10] =	stream.strided.scatter [tilespmem:s7], [sflag:$0x2], $0x1000, s11, s10, $0x38;
	[tilespmem:$0x1080] =	vst v63  }
0x3f: {  	_ =	swait.ge [sflag:s4], $0x1000  }
0x40: {  	[sflag:s4] =	ssyncset.done $0x0  }
0x41: {  	[sflag:s4] =	ssyncadd.s32 $0xFFFFF000  }
0x42: {  	[tilespmem:s7], [sflag:$0x1] =	stream.indirect.gather [hbm4b:s14+s6], $0x80, s3, s6, $0xb8;
	[tilespmem:$0x1080] =	vst v63  }
0x43: {  	_ =	swait.ge [sflag:s8], $0x1000  }
0x44: {  	[sflag:s8] =	ssyncset.done $0x0  }
0x45: {  	s21 =	sadd.s32 s22, s26;
	[sflag:s8] =	ssyncadd.s32 $0xFFFFF000  }
0x46: {  	[hbm4b:s21+s10] =	stream.strided.scatter [tilespmem:s7], [sflag:$0x2], $0x1000, s11, s10, $0x38;
	[tilespmem:$0x1080] =	vst v63  }
0x47: {  	_ =	swait.ge [sflag:s4], $0x1000  }
0x48: {  	[sflag:s4] =	ssyncset.done $0x0  }
0x49: {  	[sflag:s4] =	ssyncadd.s32 $0xFFFFF000  }
0x4a: {  	[tilespmem:s7], [sflag:$0x1] =	stream.indirect.gather [hbm4b:s16+s6], $0x80, s3, s6, $0xb8;
	[tilespmem:$0x1080] =	vst v63  }
0x4b: {  	_ =	swait.ge [sflag:s8], $0x1000  }
0x4c: {  	[sflag:s8] =	ssyncset.done $0x0  }
0x4d: {  	s22 =	sadd.s32 s22, s30;
	[sflag:s8] =	ssyncadd.s32 $0xFFFFF000  }
0x4e: {  	[hbm4b:s22+s10] =	stream.strided.scatter [tilespmem:s7], [sflag:$0x2], $0x1000, s11, s10, $0x38;
	[tilespmem:$0x1080] =	vst v63  }
0x4f: {  	_ =	swait.ge [sflag:s4], $0x1000  }
0x50: {  	[sflag:s4] =	ssyncset.done $0x0  }
0x51: {  	s23 =	sadd.s32 $0xED800, s23;
	[sflag:s4] =	ssyncadd.s32 $0xFFFFF000  }
0x52: {  	[tilespmem:s3], [sflag:$0x2] =	stream.linear.gather [hbm4b:s23+s3], $0x20, $0x38;
	[tilespmem:$0x1080] =	vst v63  }
0x53: {  	_ =	swait.ge [sflag:s4], $0x20  }
0x54: {  	[sflag:s4] =	ssyncset.done $0x0  }
0x55: {  	[sflag:s4] =	ssyncadd.s32 $0xFFFFFFE0  }
0x56: {  	[tilespmem:s7], [sflag:$0x1] =	stream.indirect.gather [hbm4b:s0+s6], $0x80, s3, s6, $0xb8;
	[tilespmem:$0x1080] =	vst v63  }
0x57: {  	_ =	swait.ge [sflag:s8], $0x1000  }
0x58: {  	[sflag:s8] =	ssyncset.done $0x0  }
0x59: {  	s24 =	sadd.s32 s28, s24;
	[sflag:s8] =	ssyncadd.s32 $0xFFFFF000  }
0x5a: {  	[hbm4b:s24+s10] =	stream.strided.scatter [tilespmem:s7], [sflag:$0x2], $0x1000, s11, s10, $0x38;
	[tilespmem:$0x1080] =	vst v63  }
0x5b: {  	_ =	swait.ge [sflag:s4], $0x1000  }
0x5c: {  	[sflag:s4] =	ssyncset.done $0x0  }
0x5d: {  	[sflag:s4] =	ssyncadd.s32 $0xFFFFF000  }
0x5e: {  	[tilespmem:s7], [sflag:$0x1] =	stream.indirect.gather [hbm4b:s12+s6], $0x80, s3, s6, $0xb8;
	[tilespmem:$0x1080] =	vst v63  }
0x5f: {  	_ =	swait.ge [sflag:s8], $0x1000  }
0x60: {  	[sflag:s8] =	ssyncset.done $0x0  }
0x61: {  	s25 =	sadd.s32 s28, s25;
	[sflag:s8] =	ssyncadd.s32 $0xFFFFF000  }
0x62: {  	[hbm4b:s25+s10] =	stream.strided.scatter [tilespmem:s7], [sflag:$0x2], $0x1000, s11, s10, $0x38;
	[tilespmem:$0x1080] =	vst v63  }
0x63: {  	_ =	swait.ge [sflag:s4], $0x1000  }
0x64: {  	[sflag:s4] =	ssyncset.done $0x0  }
0x65: {  	[sflag:s4] =	ssyncadd.s32 $0xFFFFF000  }
0x66: {  	[tilespmem:s7], [sflag:$0x1] =	stream.indirect.gather [hbm4b:s14+s6], $0x80, s3, s6, $0xb8;
	[tilespmem:$0x1080] =	vst v63  }
0x67: {  	_ =	swait.ge [sflag:s8], $0x1000  }
0x68: {  	[sflag:s8] =	ssyncset.done $0x0  }
0x69: {  	s29 =	ssub.s32 $0x2, s29;
	s26 =	sadd.s32 s28, s26;
	[sflag:s8] =	ssyncadd.s32 $0xFFFFF000  }
0x6a: {  	[hbm4b:s26+s10] =	stream.strided.scatter [tilespmem:s7], [sflag:$0x2], $0x1000, s11, s10, $0x38;
	[tilespmem:$0x1080] =	vst v63  }
0x6b: {  	s31 =	sshrl.u32 s29, $0x1;
	_ =	swait.ge [sflag:s4], $0x1000  }
0x6c: {  	s29 =	ssub.s32 s29, s31;
	[sflag:s4] =	ssyncset.done $0x0  }
0x6d: {  	s29 =	smax.u32 s29, $0x1;
	[sflag:s4] =	ssyncadd.s32 $0xFFFFF000  }
0x6e: {  	[tilespmem:s7], [sflag:$0x1] =	stream.indirect.gather [hbm4b:s16+s6], $0x80, s3, s6, $0xb8;
	[tilespmem:$0x1080] =	vst v63  }
0x6f: {  	p0 =	sne.s32 s29, $0x1;
	_ =	swait.ge [sflag:s8], $0x1000  }
.Ltmp0:
0x70: {  	[sflag:s8] =	ssyncset.done $0x0;
	(pc) =	sbr.rel @!p0 .LBB2_2-.Ltmp0, $4  }
0x71: {  	s28 =	sadd.s32 s28, s30;
	[sflag:s8] =	ssyncadd.s32 $0xFFFFF000  }
0x72: {  	[hbm4b:s28+s10] =	stream.strided.scatter [tilespmem:s7], [sflag:$0x2], $0x1000, s11, s10, $0x38;
	[tilespmem:$0x1080] =	vst v63  }
0x73: {  	_ =	swait.ge [sflag:s4], $0x1000  }
0x74: {  	s29 =	sadd.s32 $0xFFFFFFFF, s29;
	[sflag:s4] =	ssyncset.done $0x0  }
.LBB2_1:
0x75: {  	p0 =	sne.s32 s29, $0x1;
	s29 =	sadd.s32 $0xFFFFFFFF, s29;
	[sflag:s4] =	ssyncadd.s32 $0xFFFFF000  }
0x76: {  	[tilespmem:s3], [sflag:$0x2] =	stream.linear.gather [hbm4b:s5+s3], $0x20, $0x38;
	[tilespmem:$0x1080] =	vst v63  }
0x77: {  	_ =	swait.ge [sflag:s4], $0x20  }
0x78: {  	[sflag:s4] =	ssyncset.done $0x0  }
0x79: {  	[sflag:s4] =	ssyncadd.s32 $0xFFFFFFE0  }
0x7a: {  	[tilespmem:s7], [sflag:$0x1] =	stream.indirect.gather [hbm4b:s0+s6], $0x80, s3, s6, $0xb8;
	[tilespmem:$0x1080] =	vst v63  }
0x7b: {  	_ =	swait.ge [sflag:s8], $0x1000  }
0x7c: {  	[sflag:s8] =	ssyncset.done $0x0  }
0x7d: {  	[sflag:s8] =	ssyncadd.s32 $0xFFFFF000  }
0x7e: {  	[hbm4b:s9+s10] =	stream.strided.scatter [tilespmem:s7], [sflag:$0x2], $0x1000, s11, s10, $0x38;
	[tilespmem:$0x1080] =	vst v63  }
0x7f: {  	_ =	swait.ge [sflag:s4], $0x1000  }
0x80: {  	[sflag:s4] =	ssyncset.done $0x0  }
0x81: {  	[sflag:s4] =	ssyncadd.s32 $0xFFFFF000  }
0x82: {  	[tilespmem:s7], [sflag:$0x1] =	stream.indirect.gather [hbm4b:s12+s6], $0x80, s3, s6, $0xb8;
	[tilespmem:$0x1080] =	vst v63  }
0x83: {  	_ =	swait.ge [sflag:s8], $0x1000  }
0x84: {  	[sflag:s8] =	ssyncset.done $0x0  }
0x85: {  	[sflag:s8] =	ssyncadd.s32 $0xFFFFF000  }
0x86: {  	[hbm4b:s13+s10] =	stream.strided.scatter [tilespmem:s7], [sflag:$0x2], $0x1000, s11, s10, $0x38;
	[tilespmem:$0x1080] =	vst v63  }
0x87: {  	_ =	swait.ge [sflag:s4], $0x1000  }
0x88: {  	[sflag:s4] =	ssyncset.done $0x0  }
0x89: {  	[sflag:s4] =	ssyncadd.s32 $0xFFFFF000  }
0x8a: {  	[tilespmem:s7], [sflag:$0x1] =	stream.indirect.gather [hbm4b:s14+s6], $0x80, s3, s6, $0xb8;
	[tilespmem:$0x1080] =	vst v63  }
0x8b: {  	_ =	swait.ge [sflag:s8], $0x1000  }
0x8c: {  	[sflag:s8] =	ssyncset.done $0x0  }
0x8d: {  	[sflag:s8] =	ssyncadd.s32 $0xFFFFF000  }
0x8e: {  	[hbm4b:s15+s10] =	stream.strided.scatter [tilespmem:s7], [sflag:$0x2], $0x1000, s11, s10, $0x38;
	[tilespmem:$0x1080] =	vst v63  }
0x8f: {  	_ =	swait.ge [sflag:s4], $0x1000  }
0x90: {  	[sflag:s4] =	ssyncset.done $0x0  }
0x91: {  	[sflag:s4] =	ssyncadd.s32 $0xFFFFF000  }
0x92: {  	[tilespmem:s7], [sflag:$0x1] =	stream.indirect.gather [hbm4b:s16+s6], $0x80, s3, s6, $0xb8;
	[tilespmem:$0x1080] =	vst v63  }
0x93: {  	_ =	swait.ge [sflag:s8], $0x1000  }
0x94: {  	[sflag:s8] =	ssyncset.done $0x0  }
0x95: {  	[sflag:s8] =	ssyncadd.s32 $0xFFFFF000  }
0x96: {  	[hbm4b:s17+s10] =	stream.strided.scatter [tilespmem:s7], [sflag:$0x2], $0x1000, s11, s10, $0x38;
	[tilespmem:$0x1080] =	vst v63  }
0x97: {  	_ =	swait.ge [sflag:s4], $0x1000  }
0x98: {  	[sflag:s4] =	ssyncset.done $0x0  }
0x99: {  	[sflag:s4] =	ssyncadd.s32 $0xFFFFF000  }
0x9a: {  	[tilespmem:s3], [sflag:$0x2] =	stream.linear.gather [hbm4b:s18+s3], $0x20, $0x38;
	[tilespmem:$0x1080] =	vst v63  }
0x9b: {  	_ =	swait.ge [sflag:s4], $0x20  }
0x9c: {  	[sflag:s4] =	ssyncset.done $0x0  }
0x9d: {  	[sflag:s4] =	ssyncadd.s32 $0xFFFFFFE0  }
0x9e: {  	[tilespmem:s7], [sflag:$0x1] =	stream.indirect.gather [hbm4b:s0+s6], $0x80, s3, s6, $0xb8;
	[tilespmem:$0x1080] =	vst v63  }
0x9f: {  	_ =	swait.ge [sflag:s8], $0x1000  }
0xa0: {  	[sflag:s8] =	ssyncset.done $0x0  }
0xa1: {  	[sflag:s8] =	ssyncadd.s32 $0xFFFFF000  }
0xa2: {  	[hbm4b:s19+s10] =	stream.strided.scatter [tilespmem:s7], [sflag:$0x2], $0x1000, s11, s10, $0x38;
	[tilespmem:$0x1080] =	vst v63  }
0xa3: {  	_ =	swait.ge [sflag:s4], $0x1000  }
0xa4: {  	[sflag:s4] =	ssyncset.done $0x0  }
0xa5: {  	[sflag:s4] =	ssyncadd.s32 $0xFFFFF000  }
0xa6: {  	[tilespmem:s7], [sflag:$0x1] =	stream.indirect.gather [hbm4b:s12+s6], $0x80, s3, s6, $0xb8;
	[tilespmem:$0x1080] =	vst v63  }
0xa7: {  	_ =	swait.ge [sflag:s8], $0x1000  }
0xa8: {  	[sflag:s8] =	ssyncset.done $0x0  }
0xa9: {  	[sflag:s8] =	ssyncadd.s32 $0xFFFFF000  }
0xaa: {  	[hbm4b:s20+s10] =	stream.strided.scatter [tilespmem:s7], [sflag:$0x2], $0x1000, s11, s10, $0x38;
	[tilespmem:$0x1080] =	vst v63  }
0xab: {  	_ =	swait.ge [sflag:s4], $0x1000  }
0xac: {  	[sflag:s4] =	ssyncset.done $0x0  }
0xad: {  	[sflag:s4] =	ssyncadd.s32 $0xFFFFF000  }
0xae: {  	[tilespmem:s7], [sflag:$0x1] =	stream.indirect.gather [hbm4b:s14+s6], $0x80, s3, s6, $0xb8;
	[tilespmem:$0x1080] =	vst v63  }
0xaf: {  	_ =	swait.ge [sflag:s8], $0x1000  }
0xb0: {  	[sflag:s8] =	ssyncset.done $0x0  }
0xb1: {  	[sflag:s8] =	ssyncadd.s32 $0xFFFFF000  }
0xb2: {  	[hbm4b:s21+s10] =	stream.strided.scatter [tilespmem:s7], [sflag:$0x2], $0x1000, s11, s10, $0x38;
	[tilespmem:$0x1080] =	vst v63  }
0xb3: {  	_ =	swait.ge [sflag:s4], $0x1000  }
0xb4: {  	[sflag:s4] =	ssyncset.done $0x0  }
0xb5: {  	[sflag:s4] =	ssyncadd.s32 $0xFFFFF000  }
0xb6: {  	[tilespmem:s7], [sflag:$0x1] =	stream.indirect.gather [hbm4b:s16+s6], $0x80, s3, s6, $0xb8;
	[tilespmem:$0x1080] =	vst v63  }
0xb7: {  	_ =	swait.ge [sflag:s8], $0x1000  }
0xb8: {  	[sflag:s8] =	ssyncset.done $0x0  }
0xb9: {  	[sflag:s8] =	ssyncadd.s32 $0xFFFFF000  }
0xba: {  	[hbm4b:s22+s10] =	stream.strided.scatter [tilespmem:s7], [sflag:$0x2], $0x1000, s11, s10, $0x38;
	[tilespmem:$0x1080] =	vst v63  }
0xbb: {  	_ =	swait.ge [sflag:s4], $0x1000  }
0xbc: {  	[sflag:s4] =	ssyncset.done $0x0  }
0xbd: {  	[sflag:s4] =	ssyncadd.s32 $0xFFFFF000  }
0xbe: {  	[tilespmem:s3], [sflag:$0x2] =	stream.linear.gather [hbm4b:s23+s3], $0x20, $0x38;
	[tilespmem:$0x1080] =	vst v63  }
0xbf: {  	_ =	swait.ge [sflag:s4], $0x20  }
0xc0: {  	[sflag:s4] =	ssyncset.done $0x0  }
0xc1: {  	[sflag:s4] =	ssyncadd.s32 $0xFFFFFFE0  }
0xc2: {  	[tilespmem:s7], [sflag:$0x1] =	stream.indirect.gather [hbm4b:s0+s6], $0x80, s3, s6, $0xb8;
	[tilespmem:$0x1080] =	vst v63  }
0xc3: {  	_ =	swait.ge [sflag:s8], $0x1000  }
0xc4: {  	[sflag:s8] =	ssyncset.done $0x0  }
0xc5: {  	[sflag:s8] =	ssyncadd.s32 $0xFFFFF000  }
0xc6: {  	[hbm4b:s24+s10] =	stream.strided.scatter [tilespmem:s7], [sflag:$0x2], $0x1000, s11, s10, $0x38;
	[tilespmem:$0x1080] =	vst v63  }
0xc7: {  	_ =	swait.ge [sflag:s4], $0x1000  }
0xc8: {  	[sflag:s4] =	ssyncset.done $0x0  }
0xc9: {  	[sflag:s4] =	ssyncadd.s32 $0xFFFFF000  }
0xca: {  	[tilespmem:s7], [sflag:$0x1] =	stream.indirect.gather [hbm4b:s12+s6], $0x80, s3, s6, $0xb8;
	[tilespmem:$0x1080] =	vst v63  }
0xcb: {  	_ =	swait.ge [sflag:s8], $0x1000  }
0xcc: {  	[sflag:s8] =	ssyncset.done $0x0  }
0xcd: {  	[sflag:s8] =	ssyncadd.s32 $0xFFFFF000  }
0xce: {  	[hbm4b:s25+s10] =	stream.strided.scatter [tilespmem:s7], [sflag:$0x2], $0x1000, s11, s10, $0x38;
	[tilespmem:$0x1080] =	vst v63  }
0xcf: {  	_ =	swait.ge [sflag:s4], $0x1000  }
0xd0: {  	[sflag:s4] =	ssyncset.done $0x0  }
0xd1: {  	[sflag:s4] =	ssyncadd.s32 $0xFFFFF000  }
0xd2: {  	[tilespmem:s7], [sflag:$0x1] =	stream.indirect.gather [hbm4b:s14+s6], $0x80, s3, s6, $0xb8;
	[tilespmem:$0x1080] =	vst v63  }
0xd3: {  	_ =	swait.ge [sflag:s8], $0x1000  }
0xd4: {  	[sflag:s8] =	ssyncset.done $0x0  }
0xd5: {  	[sflag:s8] =	ssyncadd.s32 $0xFFFFF000  }
0xd6: {  	[hbm4b:s26+s10] =	stream.strided.scatter [tilespmem:s7], [sflag:$0x2], $0x1000, s11, s10, $0x38;
	[tilespmem:$0x1080] =	vst v63  }
0xd7: {  	_ =	swait.ge [sflag:s4], $0x1000  }
0xd8: {  	[sflag:s4] =	ssyncset.done $0x0  }
0xd9: {  	[sflag:s4] =	ssyncadd.s32 $0xFFFFF000  }
0xda: {  	[tilespmem:s7], [sflag:$0x1] =	stream.indirect.gather [hbm4b:s16+s6], $0x80, s3, s6, $0xb8;
	[tilespmem:$0x1080] =	vst v63  }
0xdb: {  	_ =	swait.ge [sflag:s8], $0x1000  }
.Ltmp1:
0xdc: {  	[sflag:s8] =	ssyncset.done $0x0;
	(pc) =	sbr.rel @p0 .LBB2_1-.Ltmp1, $4  }
0xdd: {  	[sflag:s8] =	ssyncadd.s32 $0xFFFFF000  }
0xde: {  	[hbm4b:s28+s10] =	stream.strided.scatter [tilespmem:s7], [sflag:$0x2], $0x1000, s11, s10, $0x38;
	[tilespmem:$0x1080] =	vst v63  }
0xdf: {  	_ =	swait.ge [sflag:s4], $0x1000  }
0xe0: {  	[sflag:s4] =	ssyncset.done $0x0  }
.LBB2_2:
0xe1: {  	[sflag:s4] =	ssyncadd.s32 $0xFFFFF000  }
0xe2: {  	_ =	sfence.sel $0x180000  }
0xe3: {  	[bflag:$0x0] =	sbarrier.arrive $0xFFFF  }
0xe4: {  	p0 =	sne.s32 s1, $0x0;
	_ =	strace $0x90000053  }
0xe5: {  	s0 =	sadd.s32 @!p0 $0x100000, s2;
	[bflag:$0x2] =	sbarrier.arrive $0xFFFF  }
0xe6: {  	[sflag:s0] =	ssyncadd.tile.s32 @!p0 $0x1;
	_ =	shalt  }
.Lfunc_end2:
_tile_overlayer_lowered:
.L_overlay_start_2:
0xe7: {  	(tag) =	ssettag $0x2  }
0xe8: {  	s0 =	rddreg [dreg:$0x0];
	s2 =	stileid.u32  }
0xe9: {  	s1 =	rddreg [dreg:$0x1];
	p0 =	sne.s32 s2, $0x0  }
0xea: {  	s3 =	rddreg [dreg:$0x2];
	[bflag:$0x3] =	sbarrier.arrive $0xFFFF;
	s2 =	simm.s32 @!p0 $0x1C02  }
0xeb: {  	[timem:s3], [sflag:s2] =	dma.local @!p0 [hbm:s0], s1  }
0xec: {  	s0 =	simm.s32 @!p0 $0x2  }
0xed: {  	_ =	swait.ge @!p0 [sflag:s0], s1  }
0xee: {  	s1 =	ssub.s32 @!p0 $0x0, s1;
	[sflag:s0] =	ssyncset.done @!p0 $0x0  }
0xef: {  	[sflag:s0] =	ssyncadd.s32 @!p0 s1  }
0xf0: {  	[bflag:$0x3] =	sbarrier.arrive $0xFFFF  }
0xf1: {  	_ =	shalt  }

</sc_bundles>
